<compile_context>
chip_gen: v7x
topology: tpu7x:2x2x1
jax: 0.10.2.dev20260603
libtpu: 0.0.44.dev20260713+nightly
codegen_flags: <defaults>
</compile_context>

<pallas_src>
import functools

import jax
import jax.numpy as jnp
from jax import lax
from jax.experimental import pallas as pl
from jax.experimental.pallas import tpu as pltpu
from jax.experimental.pallas import tpu_sc as plsc

_N = 10000
_E = 320000
_D = 128

_NC = 2
_NS = 16
_NW = _NC * _NS
_CH = 80
_NCHUNK = 125
_EPT = _CH * _NCHUNK
_ROWS = 10240
_RPS = _ROWS // _NS

def _zero_fill(buf, nrow):
    def row(i, _):
        for j in range(_D // 16):
            buf[i, pl.ds(j * 16, 16)] = jnp.zeros((16,), jnp.float32)
        return _
    lax.fori_loop(0, nrow, row, None)


def _deg_body(dst2d_hbm, out_hbm, dstv, ones_v, zb_v, acc, sem):
    c = lax.axis_index("c")
    s = lax.axis_index("s")
    wid = c * _NS + s
    last = wid == _NW - 1
    nrow = jnp.where(last, 20, 80)

    def fill_ones(i, _):
        ones_v[pl.ds(i * 16, 16)] = jnp.ones((16,), jnp.float32)
        return _
    lax.fori_loop(0, 128 // 16, fill_ones, None)

    def fill_zero(i, _):
        zb_v[pl.ds(i * 16, 16)] = jnp.zeros((16,), jnp.float32)
        return _
    lax.fori_loop(0, _RPS // 16, fill_zero, None)

    @pl.when(jnp.logical_not(last))
    def _load_full():
        pltpu.sync_copy(dst2d_hbm.at[pl.ds(wid * 80, 80)], dstv)

    @pl.when(last)
    def _load_tail():
        pltpu.sync_copy(dst2d_hbm.at[pl.ds(31 * 80, 20)], dstv.at[pl.ds(0, 20)])

    pltpu.sync_copy(zb_v, acc.at[pl.ds(s * _RPS, _RPS)])
    plsc.subcore_barrier()

    def issue(j, _):
        pltpu.async_copy(ones_v, acc.at[dstv.at[j]], sem, add=True)
        return _
    lax.fori_loop(0, nrow, issue, None)

    def drain(j, _):
        pltpu.make_async_copy(ones_v, acc.at[dstv.at[0]], sem).wait()
        return _
    lax.fori_loop(0, nrow, drain, None)

    plsc.subcore_barrier()
    pltpu.sync_copy(acc.at[pl.ds(s * _RPS, _RPS)],
                    out_hbm.at[c, pl.ds(s * _RPS, _RPS)])


def _agg_body(y_hbm, edges_hbm, out_hbm, *sc):
    rows = sc[0:4]
    srcb = sc[4:12]
    dstb = sc[12:20]
    acc = sc[20]
    gsem = sc[21:25]
    ssem = sc[25:29]
    lsem = sc[29:37]
    zsem = sc[37]

    c = lax.axis_index("c")
    s = lax.axis_index("s")
    wid = c * _NS + s
    base = wid * _EPT

    def load_start(j, w):
        pltpu.async_copy(edges_hbm.at[pl.ds(base + j * _CH, _CH)],
                         srcb[w], lsem[w])
        pltpu.async_copy(edges_hbm.at[pl.ds(_E + base + j * _CH, _CH)],
                         dstb[w], lsem[w])

    def load_wait(w):
        pltpu.make_async_copy(edges_hbm.at[pl.ds(base, _CH)],
                              srcb[w], lsem[w]).wait()
        pltpu.make_async_copy(edges_hbm.at[pl.ds(base, _CH)],
                              dstb[w], lsem[w]).wait()

    def gather_start(x, w):
        pltpu.async_copy(y_hbm.at[srcb[w]], rows[x], gsem[x])

    def gather_wait(x):
        pltpu.make_async_copy(y_hbm.at[srcb[0]], rows[x], gsem[x]).wait()

    def scat_start(x, w):
        pltpu.async_copy(rows[x], acc.at[dstb[w]], ssem[x], add=True)

    def scat_wait(x):
        pltpu.make_async_copy(rows[0], acc.at[dstb[0]], ssem[x]).wait()

    _zero_fill(rows[3], _CH)
    zd = [pltpu.async_copy(rows[3], acc.at[pl.ds(s * _RPS + i * _CH, _CH)], zsem)
          for i in range(_RPS // _CH)]
    for w in range(5):
        load_start(w, w)
    load_wait(0)
    gather_start(0, 0)
    load_wait(1)
    gather_start(1, 1)
    load_wait(2)
    gather_start(2, 2)
    for d in zd:
        d.wait()
    plsc.subcore_barrier()

    def step(j, t, s_wait=True, g_issue=True, l_issue=True):
        x = t % 4
        gather_wait(x)
        scat_start(x, t % 8)
        if g_issue:
            if s_wait:
                scat_wait((t + 3) % 4)
            load_wait((t + 3) % 8)
            gather_start((t + 3) % 4, (t + 3) % 8)
        if l_issue:
            load_start(j + 5, (t + 5) % 8)

    step(0, 0, s_wait=False)
    step(1, 1)
    step(2, 2)

    def group(g, _):
        for t8 in range(8):
            step(8 * g + 3 + t8, 3 + t8)
        return _
    lax.fori_loop(0, 14, group, None)

    for j in range(115, 120):
        step(j, j % 8)
    step(120, 120 % 8, l_issue=False)
    step(121, 121 % 8, l_issue=False)
    step(122, 122 % 8, g_issue=False, l_issue=False)
    step(123, 123 % 8, g_issue=False, l_issue=False)
    step(124, 124 % 8, g_issue=False, l_issue=False)
    for x in range(4):
        scat_wait((121 + x) % 4)

    plsc.subcore_barrier()
    pltpu.sync_copy(acc.at[pl.ds(s * _RPS, _RPS)],
                    out_hbm.at[c, pl.ds(s * _RPS, _RPS)])


@functools.lru_cache(maxsize=None)
def _sc_kernels():
    mesh = plsc.VectorSubcoreMesh(core_axis_name="c", subcore_axis_name="s",
                                  num_cores=_NC, num_subcores=_NS)
    deg = pl.kernel(
        _deg_body,
        out_type=jax.ShapeDtypeStruct((_NC, _ROWS), jnp.float32),
        mesh=mesh,
        scratch_types=[
            pltpu.VMEM((80, 128), jnp.int32),
            pltpu.VMEM((128,), jnp.float32),
            pltpu.VMEM((_RPS,), jnp.float32),
            pltpu.VMEM_SHARED((_ROWS,), jnp.float32),
            pltpu.SemaphoreType.DMA,
        ],
    )
    agg = pl.kernel(
        _agg_body,
        out_type=jax.ShapeDtypeStruct((_NC, _ROWS, _D), jnp.float32),
        mesh=mesh,
        scratch_types=(
            [pltpu.VMEM((_CH, _D), jnp.float32) for _ in range(4)]
            + [pltpu.VMEM((_CH,), jnp.int32) for _ in range(8)]
            + [pltpu.VMEM((_CH,), jnp.int32) for _ in range(8)]
            + [pltpu.VMEM_SHARED((_ROWS, _D), jnp.float32)]
            + [pltpu.SemaphoreType.DMA for _ in range(17)]
        ),
    )
    return deg, agg


def _dis_from(dp_ref):
    deg = dp_ref[0, :] + dp_ref[1, :] + 1.0
    return lax.rsqrt(deg)[:_N]


def _prep_body(x_ref, w_ref, dp_ref, y_ref):
    dis = _dis_from(dp_ref)
    xw = jnp.dot(x_ref[...], w_ref[...], preferred_element_type=jnp.float32)
    y_ref[...] = xw * dis[:, None]


def _mid_body(p_ref, y_ref, dp_ref, b_ref, w_ref, o_ref):
    dis = _dis_from(dp_ref)
    agg = p_ref[0, :_N, :] + p_ref[1, :_N, :]
    h = jnp.maximum(dis[:, None] * (agg + y_ref[...]) + b_ref[...][None, :], 0.0)
    hw = jnp.dot(h, w_ref[...], preferred_element_type=jnp.float32)
    o_ref[...] = hw * dis[:, None]


def _fin_body(p_ref, y_ref, dp_ref, b_ref, o_ref):
    dis = _dis_from(dp_ref)
    agg = p_ref[0, :_N, :] + p_ref[1, :_N, :]
    o_ref[...] = jnp.maximum(
        dis[:, None] * (agg + y_ref[...]) + b_ref[...][None, :], 0.0)


_f32 = jnp.float32
_prep_call = pl.pallas_call(
    _prep_body, out_shape=jax.ShapeDtypeStruct((_N, _D), _f32))
_mid_call = pl.pallas_call(
    _mid_body, out_shape=jax.ShapeDtypeStruct((_N, _D), _f32))
_fin_call = pl.pallas_call(
    _fin_body, out_shape=jax.ShapeDtypeStruct((_N, _D), _f32))


def kernel(x, edge_index, W1, b1, W2, b2):
    edges = edge_index.astype(jnp.int32).reshape(2 * _E)

    deg_kernel, agg_kernel = _sc_kernels()
    dst2d = edges[_E:].reshape(_E // 128, 128)
    dp = deg_kernel(dst2d)
    y1 = _prep_call(x, W1, dp)
    p1 = agg_kernel(y1, edges)
    y2 = _mid_call(p1, y1, dp, b1, W2)
    p2 = agg_kernel(y2, edges)
    return _fin_call(p2, y2, dp, b2)

# --- scband reference (transcript-rebuilt; emitter-appended) ---
"""Pipeline reference for scband-gcn-43430709297957 (READ-ONLY COPY).

The authoritative reference and input builder live on the scoring server;
editing this copy changes nothing except your own understanding.
"""

import jax, jax.numpy as jnp
import numpy as np

N = 10000
E = 320000
D_IN = 128
H = 128


def gcn_conv(x, edge_index, W, b, num_nodes):
    # Faithful PyG GCNConv (default args): add self-loops, symmetric normalization,
    # linear transform, scatter-add aggregation, then bias.
    src = edge_index[0]
    dst = edge_index[1]
    loop = jnp.arange(num_nodes, dtype=edge_index.dtype)
    src = jnp.concatenate([src, loop])
    dst = jnp.concatenate([dst, loop])
    # linear transform first (lin has no bias in GCNConv)
    xw = x @ W
    # degree computed on dst (col) with unit edge weights
    deg = jnp.zeros((num_nodes,), dtype=xw.dtype).at[dst].add(1.0)
    deg_inv_sqrt = jnp.where(deg > 0, deg ** -0.5, 0.0)
    norm = deg_inv_sqrt[src] * deg_inv_sqrt[dst]
    msgs = xw[src] * norm[:, None]
    out = jnp.zeros((num_nodes, xw.shape[1]), dtype=xw.dtype).at[dst].add(msgs)
    return out + b


def setup_inputs(seed: int = 0) -> dict:
    key = jax.random.key(seed)
    k_x, k_e, k_w1, k_w2 = jax.random.split(key, 4)
    x = jax.random.normal(k_x, (N, D_IN), dtype=jnp.float32)
    edge_index = jax.random.randint(k_e, (2, E), 0, N, dtype=jnp.int64)
    # glorot-style init for GCNConv linear weights
    W1 = jax.random.normal(k_w1, (D_IN, H), dtype=jnp.float32) * (1.0 / np.sqrt(D_IN))
    b1 = jnp.zeros((H,), dtype=jnp.float32)
    W2 = jax.random.normal(k_w2, (H, H), dtype=jnp.float32) * (1.0 / np.sqrt(H))
    b2 = jnp.zeros((H,), dtype=jnp.float32)
    return {"x": x, "edge_index": edge_index, "W1": W1, "b1": b1, "W2": W2, "b2": b2}


def reference(x, edge_index, W1, b1, W2, b2):
    # GCN.forward (eval mode: dropout is identity)
    h = gcn_conv(x, edge_index, W1, b1, N)
    h = jax.nn.relu(h)
    h = gcn_conv(h, edge_index, W2, b2, N)
    h = jax.nn.relu(h)
    return h

if __name__ == "__main__":
    import jax
    _d = setup_inputs()
    print(jax.jit(kernel)(*tuple(_d.values())))

</pallas_src>

<mosaic_0001>
#map = affine_map<(d0, d1) -> (0, 0)>
module attributes {stable_mosaic.version = 14 : i64} {
  func.func @_deg_body(%arg0: i32, %arg1: i32, %arg2: memref<2500x128xi32, #tpu.memory_space<hbm>>, %arg3: memref<2x10240xf32, #tpu.memory_space<hbm>>, %arg4: memref<80x128xi32, #tpu.memory_space<vmem>>, %arg5: memref<128xf32, #tpu.memory_space<vmem>>, %arg6: memref<640xf32, #tpu.memory_space<vmem>>, %arg7: memref<10240xf32, #tpu.memory_space<vmem_shared>>, %arg8: memref<!tpu.dma_semaphore, #tpu.memory_space<semaphore_mem>>) attributes {dimension_semantics = [#tpu.dimension_semantics<core_parallel>, #tpu.dimension_semantics<subcore_parallel>], iteration_bounds = array<i64: 2, 16>, scalar_prefetch = 0 : i64, scratch_operands = 5 : i64, tpu.core_type = #tpu.core_type<sc_vector_subcore>, window_params = [{transform_indices = #map}, {transform_indices = #map}]} {
    %mul3A = arith.constant 16 : i32
    %mul3A_0 = arith.muli %arg0, %mul3A : i32
    %add3A = arith.addi %mul3A_0, %arg1 : i32
    %eq3A = arith.constant 31 : i32
    %eq3A_1 = arith.cmpi eq, %add3A, %eq3A : i32
    %jit3A = arith.constant 20 : i32
    %jit3A_2 = arith.constant 80 : i32
    %select_n3A = arith.select %eq3A_1, %jit3A, %jit3A_2 : i32
    %scan3A = arith.constant 0 : i32
    %scan3A_3 = arith.constant 8 : i32
    %scan3A_4 = arith.addi %scan3A, %scan3A_3 : i32
    %scan3A_5 = arith.constant 1 : i32
    scf.for %scan3A_41 = %scan3A to %scan3A_4 step %scan3A_5  : i32 {
      %broadcast_in_dim3A = arith.constant 1.000000e+00 : f32
      %broadcast_in_dim3A_42 = vector.broadcast %broadcast_in_dim3A : f32 to vector<16xf32>
      %mul3A_43 = arith.constant 16 : i32
      %mul3A_44 = arith.muli %scan3A_41, %mul3A_43 : i32
      %swap3A = arith.index_cast %mul3A_44 : i32 to index
      %swap3A_45 = tpu.vector_load %arg5[%swap3A] {strides = array<i32>} : memref<128xf32, #tpu.memory_space<vmem>>, vector<16xf32>,
      %swap3A_46 = vector.shape_cast %swap3A_45 : vector<16xf32> to vector<16xf32>
      %swap3A_47 = vector.shape_cast %broadcast_in_dim3A_42 : vector<16xf32> to vector<16xf32>
      tpu.vector_store %arg5[%swap3A], %swap3A_47 {strides = array<i32>} : memref<128xf32, #tpu.memory_space<vmem>>, vector<16xf32>,
    }
    %scan3A_6 = arith.constant 8 : i32
    %scan3A_7 = arith.constant 0 : i32
    %scan3A_8 = arith.constant 40 : i32
    %scan3A_9 = arith.addi %scan3A_7, %scan3A_8 : i32
    %scan3A_10 = arith.constant 1 : i32
    scf.for %scan3A_41 = %scan3A_7 to %scan3A_9 step %scan3A_10  : i32 {
      %broadcast_in_dim3A = arith.constant 0.000000e+00 : f32
      %broadcast_in_dim3A_42 = vector.broadcast %broadcast_in_dim3A : f32 to vector<16xf32>
      %mul3A_43 = arith.constant 16 : i32
      %mul3A_44 = arith.muli %scan3A_41, %mul3A_43 : i32
      %swap3A = arith.index_cast %mul3A_44 : i32 to index
      %swap3A_45 = tpu.vector_load %arg6[%swap3A] {strides = array<i32>} : memref<640xf32, #tpu.memory_space<vmem>>, vector<16xf32>,
      %swap3A_46 = vector.shape_cast %swap3A_45 : vector<16xf32> to vector<16xf32>
      %swap3A_47 = vector.shape_cast %broadcast_in_dim3A_42 : vector<16xf32> to vector<16xf32>
      tpu.vector_store %arg6[%swap3A], %swap3A_47 {strides = array<i32>} : memref<640xf32, #tpu.memory_space<vmem>>, vector<16xf32>,
    }
    %scan3A_11 = arith.constant 40 : i32
    %not3A = arith.constant true
    %not3A_12 = arith.xori %eq3A_1, %not3A : i1
    %convert_element_type3A = arith.extui %not3A_12 : i1 to i32
    %cond3A = arith.constant 0 : i32
    %cond3A_13 = arith.cmpi ne, %convert_element_type3A, %cond3A : i32
    scf.if %cond3A_13 {
      %mul3A_41 = arith.constant 80 : i32
      %mul3A_42 = arith.muli %add3A, %mul3A_41 : i32
      "tpu.region"() ({
        %run_scoped3A = tpu.sem_alloc : memref<!tpu.dma_semaphore, #tpu.memory_space<semaphore_mem>>
        %dma_start3A = arith.constant 0 : i32
        %dma_start3A_43 = tpu.memref_slice %arg2[%mul3A_42, %dma_start3A] : memref<2500x128xi32, #tpu.memory_space<hbm>> -> memref<80x128xi32, #tpu.memory_space<hbm>>
        %dma_start3A_44 = arith.constant 0 : i32
        %dma_start3A_45 = tpu.memref_slice %arg2[%mul3A_42, %dma_start3A_44] : memref<2500x128xi32, #tpu.memory_space<hbm>> -> memref<80x128xi32, #tpu.memory_space<hbm>>
        tpu.enqueue_dma source(%dma_start3A_45 : memref<80x128xi32, #tpu.memory_space<hbm>>) target(%arg4 : memref<80x128xi32, #tpu.memory_space<vmem>>) target_semaphore(%run_scoped3A : memref<!tpu.dma_semaphore, #tpu.memory_space<semaphore_mem>>)
        %dma_wait3A = arith.constant 0 : i32
        %dma_wait3A_46 = tpu.memref_slice %arg2[%mul3A_42, %dma_wait3A] : memref<2500x128xi32, #tpu.memory_space<hbm>> -> memref<80x128xi32, #tpu.memory_space<hbm>>
        %dma_wait3A_47 = arith.constant 0 : i32
        %dma_wait3A_48 = tpu.memref_slice %arg2[%mul3A_42, %dma_wait3A_47] : memref<2500x128xi32, #tpu.memory_space<hbm>> -> memref<80x128xi32, #tpu.memory_space<hbm>>
        tpu.wait_dma2 semaphore(%run_scoped3A : memref<!tpu.dma_semaphore, #tpu.memory_space<semaphore_mem>>) src(%dma_wait3A_48 : memref<80x128xi32, #tpu.memory_space<hbm>>) dst(%arg4 : memref<80x128xi32, #tpu.memory_space<vmem>>)
        tpu.yield
      }) : () -> ()
    } else {
    }
    %convert_element_type3A_14 = arith.extui %eq3A_1 : i1 to i32
    %cond3A_15 = arith.constant 0 : i32
    %cond3A_16 = arith.cmpi ne, %convert_element_type3A_14, %cond3A_15 : i32
    scf.if %cond3A_16 {
      "tpu.region"() ({
        %run_scoped3A = tpu.sem_alloc : memref<!tpu.dma_semaphore, #tpu.memory_space<semaphore_mem>>
        %dma_start3A = arith.constant 0 : i32
        %dma_start3A_41 = arith.constant 0 : i32
        %dma_start3A_42 = tpu.memref_slice %arg4[%dma_start3A, %dma_start3A_41] : memref<80x128xi32, #tpu.memory_space<vmem>> -> memref<20x128xi32, #tpu.memory_space<vmem>>
        %dma_start3A_43 = arith.constant 2480 : i32
        %dma_start3A_44 = arith.constant 0 : i32
        %dma_start3A_45 = tpu.memref_slice %arg2[%dma_start3A_43, %dma_start3A_44] : memref<2500x128xi32, #tpu.memory_space<hbm>> -> memref<20x128xi32, #tpu.memory_space<hbm>>
        %dma_start3A_46 = arith.constant 0 : i32
        %dma_start3A_47 = arith.constant 0 : i32
        %dma_start3A_48 = tpu.memref_slice %arg4[%dma_start3A_46, %dma_start3A_47] : memref<80x128xi32, #tpu.memory_space<vmem>> -> memref<20x128xi32, #tpu.memory_space<vmem>>
        %dma_start3A_49 = arith.constant 2480 : i32
        %dma_start3A_50 = arith.constant 0 : i32
        %dma_start3A_51 = tpu.memref_slice %arg2[%dma_start3A_49, %dma_start3A_50] : memref<2500x128xi32, #tpu.memory_space<hbm>> -> memref<20x128xi32, #tpu.memory_space<hbm>>
        tpu.enqueue_dma source(%dma_start3A_51 : memref<20x128xi32, #tpu.memory_space<hbm>>) target(%dma_start3A_48 : memref<20x128xi32, #tpu.memory_space<vmem>>) target_semaphore(%run_scoped3A : memref<!tpu.dma_semaphore, #tpu.memory_space<semaphore_mem>>)
        %dma_wait3A = arith.constant 0 : i32
        %dma_wait3A_52 = arith.constant 0 : i32
        %dma_wait3A_53 = tpu.memref_slice %arg4[%dma_wait3A, %dma_wait3A_52] : memref<80x128xi32, #tpu.memory_space<vmem>> -> memref<20x128xi32, #tpu.memory_space<vmem>>
        %dma_wait3A_54 = arith.constant 2480 : i32
        %dma_wait3A_55 = arith.constant 0 : i32
        %dma_wait3A_56 = tpu.memref_slice %arg2[%dma_wait3A_54, %dma_wait3A_55] : memref<2500x128xi32, #tpu.memory_space<hbm>> -> memref<20x128xi32, #tpu.memory_space<hbm>>
        %dma_wait3A_57 = arith.constant 0 : i32
        %dma_wait3A_58 = arith.constant 0 : i32
        %dma_wait3A_59 = tpu.memref_slice %arg4[%dma_wait3A_57, %dma_wait3A_58] : memref<80x128xi32, #tpu.memory_space<vmem>> -> memref<20x128xi32, #tpu.memory_space<vmem>>
        %dma_wait3A_60 = arith.constant 2480 : i32
        %dma_wait3A_61 = arith.constant 0 : i32
        %dma_wait3A_62 = tpu.memref_slice %arg2[%dma_wait3A_60, %dma_wait3A_61] : memref<2500x128xi32, #tpu.memory_space<hbm>> -> memref<20x128xi32, #tpu.memory_space<hbm>>
        tpu.wait_dma2 semaphore(%run_scoped3A : memref<!tpu.dma_semaphore, #tpu.memory_space<semaphore_mem>>) src(%dma_wait3A_62 : memref<20x128xi32, #tpu.memory_space<hbm>>) dst(%dma_wait3A_59 : memref<20x128xi32, #tpu.memory_space<vmem>>)
        tpu.yield
      }) : () -> ()
    } else {
    }
    %mul3A_17 = arith.constant 640 : i32
    %mul3A_18 = arith.muli %arg1, %mul3A_17 : i32
    "tpu.region"() ({
      %run_scoped3A = tpu.sem_alloc : memref<!tpu.dma_semaphore, #tpu.memory_space<semaphore_mem>>
      %dma_start3A = tpu.memref_slice %arg7[%mul3A_18] : memref<10240xf32, #tpu.memory_space<vmem_shared>> -> memref<640xf32, #tpu.memory_space<vmem_shared>>
      %dma_start3A_41 = tpu.memref_slice %arg7[%mul3A_18] : memref<10240xf32, #tpu.memory_space<vmem_shared>> -> memref<640xf32, #tpu.memory_space<vmem_shared>>
      tpu.enqueue_dma source(%arg6 : memref<640xf32, #tpu.memory_space<vmem>>) target(%dma_start3A_41 : memref<640xf32, #tpu.memory_space<vmem_shared>>) target_semaphore(%run_scoped3A : memref<!tpu.dma_semaphore, #tpu.memory_space<semaphore_mem>>)
      %dma_wait3A = tpu.memref_slice %arg7[%mul3A_18] : memref<10240xf32, #tpu.memory_space<vmem_shared>> -> memref<640xf32, #tpu.memory_space<vmem_shared>>
      %dma_wait3A_42 = tpu.memref_slice %arg7[%mul3A_18] : memref<10240xf32, #tpu.memory_space<vmem_shared>> -> memref<640xf32, #tpu.memory_space<vmem_shared>>
      tpu.wait_dma2 semaphore(%run_scoped3A : memref<!tpu.dma_semaphore, #tpu.memory_space<semaphore_mem>>) src(%arg6 : memref<640xf32, #tpu.memory_space<vmem>>) dst(%dma_wait3A_42 : memref<640xf32, #tpu.memory_space<vmem_shared>>)
      tpu.yield
    }) : () -> ()
    %barrier3A = arith.constant 0 : index
    tpu.barrier barrier_id(%barrier3A)
    %while3A = arith.constant 0 : i32
    %while3A_19 = arith.subi %select_n3A, %while3A : i32
    %while3A_20 = arith.addi %while3A, %while3A_19 : i32
    %while3A_21 = arith.constant 1 : i32
    %while3A_22 = arith.divsi %while3A_19, %while3A_21 : i32
    %while3A_23 = arith.muli %while3A_22, %while3A_21 : i32
    %while3A_24 = arith.addi %while3A, %while3A_23 : i32
    %while3A_25 = arith.constant 1 : i32
    scf.for %while3A_41 = %while3A to %while3A_24 step %while3A_25  : i32 {
      %dma_start3A = arith.constant 0 : i32
      %dma_start3A_42 = tpu.memref_slice %arg4[%while3A_41, %dma_start3A] : memref<80x128xi32, #tpu.memory_space<vmem>> -> memref<1x128xi32, #tpu.memory_space<vmem>>
      %dma_start3A_43 = tpu.memref_squeeze %dma_start3A_42 : memref<1x128xi32, #tpu.memory_space<vmem>> -> memref<128xi32, #tpu.memory_space<vmem>>
      %dma_start3A_44 = arith.constant 0 : i32
      %dma_start3A_45 = tpu.memref_slice %arg7[%dma_start3A_44] : memref<10240xf32, #tpu.memory_space<vmem_shared>> -> memref<10240xf32, #tpu.memory_space<vmem_shared>>
      tpu.enqueue_indirect_dma source(%arg5 : memref<128xf32, #tpu.memory_space<vmem>>) target(%dma_start3A_45 : memref<10240xf32, #tpu.memory_space<vmem_shared>>) offsets(%dma_start3A_43 : memref<128xi32, #tpu.memory_space<vmem>>) semaphore(%arg8 : memref<!tpu.dma_semaphore, #tpu.memory_space<semaphore_mem>>) {add = true}
    }
    %while3A_26 = arith.constant 1 : i32
    scf.for %while3A_41 = %while3A_24 to %while3A_20 step %while3A_26  : i32 {
      %dma_start3A = arith.constant 0 : i32
      %dma_start3A_42 = tpu.memref_slice %arg4[%while3A_41, %dma_start3A] : memref<80x128xi32, #tpu.memory_space<vmem>> -> memref<1x128xi32, #tpu.memory_space<vmem>>
      %dma_start3A_43 = tpu.memref_squeeze %dma_start3A_42 : memref<1x128xi32, #tpu.memory_space<vmem>> -> memref<128xi32, #tpu.memory_space<vmem>>
      %dma_start3A_44 = arith.constant 0 : i32
      %dma_start3A_45 = tpu.memref_slice %arg7[%dma_start3A_44] : memref<10240xf32, #tpu.memory_space<vmem_shared>> -> memref<10240xf32, #tpu.memory_space<vmem_shared>>
      tpu.enqueue_indirect_dma source(%arg5 : memref<128xf32, #tpu.memory_space<vmem>>) target(%dma_start3A_45 : memref<10240xf32, #tpu.memory_space<vmem_shared>>) offsets(%dma_start3A_43 : memref<128xi32, #tpu.memory_space<vmem>>) semaphore(%arg8 : memref<!tpu.dma_semaphore, #tpu.memory_space<semaphore_mem>>) {add = true}
    }
    %while3A_27 = arith.constant 0 : i32
    %while3A_28 = arith.subi %select_n3A, %while3A_27 : i32
    %while3A_29 = arith.addi %while3A_27, %while3A_28 : i32
    %while3A_30 = arith.constant 1 : i32
    %while3A_31 = arith.divsi %while3A_28, %while3A_30 : i32
    %while3A_32 = arith.muli %while3A_31, %while3A_30 : i32
    %while3A_33 = arith.addi %while3A_27, %while3A_32 : i32
    %while3A_34 = arith.constant 1 : i32
    scf.for %while3A_41 = %while3A_27 to %while3A_33 step %while3A_34  : i32 {
      %dma_wait3A = arith.constant 0 : i32
      %dma_wait3A_42 = arith.constant 0 : i32
      %dma_wait3A_43 = tpu.memref_slice %arg4[%dma_wait3A, %dma_wait3A_42] : memref<80x128xi32, #tpu.memory_space<vmem>> -> memref<1x128xi32, #tpu.memory_space<vmem>>
      %dma_wait3A_44 = tpu.memref_squeeze %dma_wait3A_43 : memref<1x128xi32, #tpu.memory_space<vmem>> -> memref<128xi32, #tpu.memory_space<vmem>>
      %dma_wait3A_45 = arith.constant 0 : i32
      %dma_wait3A_46 = tpu.memref_slice %arg7[%dma_wait3A_45] : memref<10240xf32, #tpu.memory_space<vmem_shared>> -> memref<10240xf32, #tpu.memory_space<vmem_shared>>
      tpu.wait_indirect_dma semaphore(%arg8 : memref<!tpu.dma_semaphore, #tpu.memory_space<semaphore_mem>>) src(%arg5 : memref<128xf32, #tpu.memory_space<vmem>>) dst(%dma_wait3A_46 : memref<10240xf32, #tpu.memory_space<vmem_shared>>)
    }
    %while3A_35 = arith.constant 1 : i32
    scf.for %while3A_41 = %while3A_33 to %while3A_29 step %while3A_35  : i32 {
      %dma_wait3A = arith.constant 0 : i32
      %dma_wait3A_42 = arith.constant 0 : i32
      %dma_wait3A_43 = tpu.memref_slice %arg4[%dma_wait3A, %dma_wait3A_42] : memref<80x128xi32, #tpu.memory_space<vmem>> -> memref<1x128xi32, #tpu.memory_space<vmem>>
      %dma_wait3A_44 = tpu.memref_squeeze %dma_wait3A_43 : memref<1x128xi32, #tpu.memory_space<vmem>> -> memref<128xi32, #tpu.memory_space<vmem>>
      %dma_wait3A_45 = arith.constant 0 : i32
      %dma_wait3A_46 = tpu.memref_slice %arg7[%dma_wait3A_45] : memref<10240xf32, #tpu.memory_space<vmem_shared>> -> memref<10240xf32, #tpu.memory_space<vmem_shared>>
      tpu.wait_indirect_dma semaphore(%arg8 : memref<!tpu.dma_semaphore, #tpu.memory_space<semaphore_mem>>) src(%arg5 : memref<128xf32, #tpu.memory_space<vmem>>) dst(%dma_wait3A_46 : memref<10240xf32, #tpu.memory_space<vmem_shared>>)
    }
    %barrier3A_36 = arith.constant 0 : index
    tpu.barrier barrier_id(%barrier3A_36)
    %mul3A_37 = arith.constant 640 : i32
    %mul3A_38 = arith.muli %arg1, %mul3A_37 : i32
    %mul3A_39 = arith.constant 640 : i32
    %mul3A_40 = arith.muli %arg1, %mul3A_39 : i32
    "tpu.region"() ({
      %run_scoped3A = tpu.sem_alloc : memref<!tpu.dma_semaphore, #tpu.memory_space<semaphore_mem>>
      %dma_start3A = tpu.memref_slice %arg3[%arg0, %mul3A_40] : memref<2x10240xf32, #tpu.memory_space<hbm>> -> memref<1x640xf32, #tpu.memory_space<hbm>>
      %dma_start3A_41 = tpu.memref_squeeze %dma_start3A : memref<1x640xf32, #tpu.memory_space<hbm>> -> memref<640xf32, #tpu.memory_space<hbm>>
      %dma_start3A_42 = tpu.memref_slice %arg7[%mul3A_38] : memref<10240xf32, #tpu.memory_space<vmem_shared>> -> memref<640xf32, #tpu.memory_space<vmem_shared>>
      tpu.enqueue_dma source(%dma_start3A_42 : memref<640xf32, #tpu.memory_space<vmem_shared>>) target(%dma_start3A_41 : memref<640xf32, #tpu.memory_space<hbm>>) target_semaphore(%run_scoped3A : memref<!tpu.dma_semaphore, #tpu.memory_space<semaphore_mem>>)
      %dma_wait3A = tpu.memref_slice %arg3[%arg0, %mul3A_40] : memref<2x10240xf32, #tpu.memory_space<hbm>> -> memref<1x640xf32, #tpu.memory_space<hbm>>
      %dma_wait3A_43 = tpu.memref_squeeze %dma_wait3A : memref<1x640xf32, #tpu.memory_space<hbm>> -> memref<640xf32, #tpu.memory_space<hbm>>
      %dma_wait3A_44 = tpu.memref_slice %arg7[%mul3A_38] : memref<10240xf32, #tpu.memory_space<vmem_shared>> -> memref<640xf32, #tpu.memory_space<vmem_shared>>
      tpu.wait_dma2 semaphore(%run_scoped3A : memref<!tpu.dma_semaphore, #tpu.memory_space<semaphore_mem>>) src(%dma_wait3A_44 : memref<640xf32, #tpu.memory_space<vmem_shared>>) dst(%dma_wait3A_43 : memref<640xf32, #tpu.memory_space<hbm>>)
      tpu.yield
    }) : () -> ()
    return
  }
}

#map = affine_map<(d0, d1) -> (0, 0)>
#map1 = affine_map<(d0, d1) -> (0)>
#map2 = affine_map<(d0, d1) -> (0, 0, 0)>
module attributes {stable_mosaic.version = 14 : i64} {
  func.func @_agg_body(%arg0: i32, %arg1: i32, %arg2: memref<10000x128xf32, #tpu.memory_space<hbm>>, %arg3: memref<640000xi32, #tpu.memory_space<hbm>>, %arg4: memref<2x10240x128xf32, #tpu.memory_space<hbm>>, %arg5: memref<80x128xf32, #tpu.memory_space<vmem>>, %arg6: memref<80x128xf32, #tpu.memory_space<vmem>>, %arg7: memref<80x128xf32, #tpu.memory_space<vmem>>, %arg8: memref<80x128xf32, #tpu.memory_space<vmem>>, %arg9: memref<80xi32, #tpu.memory_space<vmem>>, %arg10: memref<80xi32, #tpu.memory_space<vmem>>, %arg11: memref<80xi32, #tpu.memory_space<vmem>>, %arg12: memref<80xi32, #tpu.memory_space<vmem>>, %arg13: memref<80xi32, #tpu.memory_space<vmem>>, %arg14: memref<80xi32, #tpu.memory_space<vmem>>, %arg15: memref<80xi32, #tpu.memory_space<vmem>>, %arg16: memref<80xi32, #tpu.memory_space<vmem>>, %arg17: memref<80xi32, #tpu.memory_space<vmem>>, %arg18: memref<80xi32, #tpu.memory_space<vmem>>, %arg19: memref<80xi32, #tpu.memory_space<vmem>>, %arg20: memref<80xi32, #tpu.memory_space<vmem>>, %arg21: memref<80xi32, #tpu.memory_space<vmem>>, %arg22: memref<80xi32, #tpu.memory_space<vmem>>, %arg23: memref<80xi32, #tpu.memory_space<vmem>>, %arg24: memref<80xi32, #tpu.memory_space<vmem>>, %arg25: memref<10240x128xf32, #tpu.memory_space<vmem_shared>>, %arg26: memref<!tpu.dma_semaphore, #tpu.memory_space<semaphore_mem>>, %arg27: memref<!tpu.dma_semaphore, #tpu.memory_space<semaphore_mem>>, %arg28: memref<!tpu.dma_semaphore, #tpu.memory_space<semaphore_mem>>, %arg29: memref<!tpu.dma_semaphore, #tpu.memory_space<semaphore_mem>>, %arg30: memref<!tpu.dma_semaphore, #tpu.memory_space<semaphore_mem>>, %arg31: memref<!tpu.dma_semaphore, #tpu.memory_space<semaphore_mem>>, %arg32: memref<!tpu.dma_semaphore, #tpu.memory_space<semaphore_mem>>, %arg33: memref<!tpu.dma_semaphore, #tpu.memory_space<semaphore_mem>>, %arg34: memref<!tpu.dma_semaphore, #tpu.memory_space<semaphore_mem>>, %arg35: memref<!tpu.dma_semaphore, #tpu.memory_space<semaphore_mem>>, %arg36: memref<!tpu.dma_semaphore, #tpu.memory_space<semaphore_mem>>, %arg37: memref<!tpu.dma_semaphore, #tpu.memory_space<semaphore_mem>>, %arg38: memref<!tpu.dma_semaphore, #tpu.memory_space<semaphore_mem>>, %arg39: memref<!tpu.dma_semaphore, #tpu.memory_space<semaphore_mem>>, %arg40: memref<!tpu.dma_semaphore, #tpu.memory_space<semaphore_mem>>, %arg41: memref<!tpu.dma_semaphore, #tpu.memory_space<semaphore_mem>>, %arg42: memref<!tpu.dma_semaphore, #tpu.memory_space<semaphore_mem>>) attributes {dimension_semantics = [#tpu.dimension_semantics<core_parallel>, #tpu.dimension_semantics<subcore_parallel>], iteration_bounds = array<i64: 2, 16>, scalar_prefetch = 0 : i64, scratch_operands = 38 : i64, tpu.core_type = #tpu.core_type<sc_vector_subcore>, window_params = [{transform_indices = #map}, {transform_indices = #map1}, {transform_indices = #map2}]} {
    %mul3A = arith.constant 16 : i32
    %mul3A_0 = arith.muli %arg0, %mul3A : i32
    %add3A = arith.addi %mul3A_0, %arg1 : i32
    %mul3A_1 = arith.constant 10000 : i32
    %mul3A_2 = arith.muli %add3A, %mul3A_1 : i32
    %scan3A = arith.constant 0 : i32
    %scan3A_3 = arith.constant 80 : i32
    %scan3A_4 = arith.addi %scan3A, %scan3A_3 : i32
    %scan3A_5 = arith.constant 1 : i32
    scf.for %scan3A_449 = %scan3A to %scan3A_4 step %scan3A_5  : i32 {
      %broadcast_in_dim3A = arith.constant 0.000000e+00 : f32
      %broadcast_in_dim3A_450 = vector.broadcast %broadcast_in_dim3A : f32 to vector<16xf32>
      %swap3A = arith.index_cast %scan3A_449 : i32 to index
      %swap3A_451 = arith.constant 0 : index
      %swap3A_452 = tpu.vector_load %arg8[%swap3A, %swap3A_451] {strides = array<i32>} : memref<80x128xf32, #tpu.memory_space<vmem>>, vector<1x16xf32>,
      %swap3A_453 = vector.shape_cast %swap3A_452 : vector<1x16xf32> to vector<16xf32>
      %swap3A_454 = vector.shape_cast %broadcast_in_dim3A_450 : vector<16xf32> to vector<1x16xf32>
      tpu.vector_store %arg8[%swap3A, %swap3A_451], %swap3A_454 {strides = array<i32>} : memref<80x128xf32, #tpu.memory_space<vmem>>, vector<1x16xf32>,
      %broadcast_in_dim3A_455 = arith.constant 0.000000e+00 : f32
      %broadcast_in_dim3A_456 = vector.broadcast %broadcast_in_dim3A_455 : f32 to vector<16xf32>
      %swap3A_457 = arith.index_cast %scan3A_449 : i32 to index
      %swap3A_458 = arith.constant 16 : index
      %swap3A_459 = tpu.vector_load %arg8[%swap3A_457, %swap3A_458] {strides = array<i32>} : memref<80x128xf32, #tpu.memory_space<vmem>>, vector<1x16xf32>,
      %swap3A_460 = vector.shape_cast %swap3A_459 : vector<1x16xf32> to vector<16xf32>
      %swap3A_461 = vector.shape_cast %broadcast_in_dim3A_456 : vector<16xf32> to vector<1x16xf32>
      tpu.vector_store %arg8[%swap3A_457, %swap3A_458], %swap3A_461 {strides = array<i32>} : memref<80x128xf32, #tpu.memory_space<vmem>>, vector<1x16xf32>,
      %broadcast_in_dim3A_462 = arith.constant 0.000000e+00 : f32
      %broadcast_in_dim3A_463 = vector.broadcast %broadcast_in_dim3A_462 : f32 to vector<16xf32>
      %swap3A_464 = arith.index_cast %scan3A_449 : i32 to index
      %swap3A_465 = arith.constant 32 : index
      %swap3A_466 = tpu.vector_load %arg8[%swap3A_464, %swap3A_465] {strides = array<i32>} : memref<80x128xf32, #tpu.memory_space<vmem>>, vector<1x16xf32>,
      %swap3A_467 = vector.shape_cast %swap3A_466 : vector<1x16xf32> to vector<16xf32>
      %swap3A_468 = vector.shape_cast %broadcast_in_dim3A_463 : vector<16xf32> to vector<1x16xf32>
      tpu.vector_store %arg8[%swap3A_464, %swap3A_465], %swap3A_468 {strides = array<i32>} : memref<80x128xf32, #tpu.memory_space<vmem>>, vector<1x16xf32>,
      %broadcast_in_dim3A_469 = arith.constant 0.000000e+00 : f32
      %broadcast_in_dim3A_470 = vector.broadcast %broadcast_in_dim3A_469 : f32 to vector<16xf32>
      %swap3A_471 = arith.index_cast %scan3A_449 : i32 to index
      %swap3A_472 = arith.constant 48 : index
      %swap3A_473 = tpu.vector_load %arg8[%swap3A_471, %swap3A_472] {strides = array<i32>} : memref<80x128xf32, #tpu.memory_space<vmem>>, vector<1x16xf32>,
      %swap3A_474 = vector.shape_cast %swap3A_473 : vector<1x16xf32> to vector<16xf32>
      %swap3A_475 = vector.shape_cast %broadcast_in_dim3A_470 : vector<16xf32> to vector<1x16xf32>
      tpu.vector_store %arg8[%swap3A_471, %swap3A_472], %swap3A_475 {strides = array<i32>} : memref<80x128xf32, #tpu.memory_space<vmem>>, vector<1x16xf32>,
      %broadcast_in_dim3A_476 = arith.constant 0.000000e+00 : f32
      %broadcast_in_dim3A_477 = vector.broadcast %broadcast_in_dim3A_476 : f32 to vector<16xf32>
      %swap3A_478 = arith.index_cast %scan3A_449 : i32 to index
      %swap3A_479 = arith.constant 64 : index
      %swap3A_480 = tpu.vector_load %arg8[%swap3A_478, %swap3A_479] {strides = array<i32>} : memref<80x128xf32, #tpu.memory_space<vmem>>, vector<1x16xf32>,
      %swap3A_481 = vector.shape_cast %swap3A_480 : vector<1x16xf32> to vector<16xf32>
      %swap3A_482 = vector.shape_cast %broadcast_in_dim3A_477 : vector<16xf32> to vector<1x16xf32>
      tpu.vector_store %arg8[%swap3A_478, %swap3A_479], %swap3A_482 {strides = array<i32>} : memref<80x128xf32, #tpu.memory_space<vmem>>, vector<1x16xf32>,
      %broadcast_in_dim3A_483 = arith.constant 0.000000e+00 : f32
      %broadcast_in_dim3A_484 = vector.broadcast %broadcast_in_dim3A_483 : f32 to vector<16xf32>
      %swap3A_485 = arith.index_cast %scan3A_449 : i32 to index
      %swap3A_486 = arith.constant 80 : index
      %swap3A_487 = tpu.vector_load %arg8[%swap3A_485, %swap3A_486] {strides = array<i32>} : memref<80x128xf32, #tpu.memory_space<vmem>>, vector<1x16xf32>,
      %swap3A_488 = vector.shape_cast %swap3A_487 : vector<1x16xf32> to vector<16xf32>
      %swap3A_489 = vector.shape_cast %broadcast_in_dim3A_484 : vector<16xf32> to vector<1x16xf32>
      tpu.vector_store %arg8[%swap3A_485, %swap3A_486], %swap3A_489 {strides = array<i32>} : memref<80x128xf32, #tpu.memory_space<vmem>>, vector<1x16xf32>,
      %broadcast_in_dim3A_490 = arith.constant 0.000000e+00 : f32
      %broadcast_in_dim3A_491 = vector.broadcast %broadcast_in_dim3A_490 : f32 to vector<16xf32>
      %swap3A_492 = arith.index_cast %scan3A_449 : i32 to index
      %swap3A_493 = arith.constant 96 : index
      %swap3A_494 = tpu.vector_load %arg8[%swap3A_492, %swap3A_493] {strides = array<i32>} : memref<80x128xf32, #tpu.memory_space<vmem>>, vector<1x16xf32>,
      %swap3A_495 = vector.shape_cast %swap3A_494 : vector<1x16xf32> to vector<16xf32>
      %swap3A_496 = vector.shape_cast %broadcast_in_dim3A_491 : vector<16xf32> to vector<1x16xf32>
      tpu.vector_store %arg8[%swap3A_492, %swap3A_493], %swap3A_496 {strides = array<i32>} : memref<80x128xf32, #tpu.memory_space<vmem>>, vector<1x16xf32>,
      %broadcast_in_dim3A_497 = arith.constant 0.000000e+00 : f32
      %broadcast_in_dim3A_498 = vector.broadcast %broadcast_in_dim3A_497 : f32 to vector<16xf32>
      %swap3A_499 = arith.index_cast %scan3A_449 : i32 to index
      %swap3A_500 = arith.constant 112 : index
      %swap3A_501 = tpu.vector_load %arg8[%swap3A_499, %swap3A_500] {strides = array<i32>} : memref<80x128xf32, #tpu.memory_space<vmem>>, vector<1x16xf32>,
      %swap3A_502 = vector.shape_cast %swap3A_501 : vector<1x16xf32> to vector<16xf32>
      %swap3A_503 = vector.shape_cast %broadcast_in_dim3A_498 : vector<16xf32> to vector<1x16xf32>
      tpu.vector_store %arg8[%swap3A_499, %swap3A_500], %swap3A_503 {strides = array<i32>} : memref<80x128xf32, #tpu.memory_space<vmem>>, vector<1x16xf32>,
    }
    %scan3A_6 = arith.constant 80 : i32
    %mul3A_7 = arith.constant 640 : i32
    %mul3A_8 = arith.muli %arg1, %mul3A_7 : i32
    %add3A_9 = arith.constant 0 : i32
    %add3A_10 = arith.addi %mul3A_8, %add3A_9 : i32
    %dma_start3A = arith.constant 0 : i32
    %dma_start3A_11 = tpu.memref_slice %arg25[%add3A_10, %dma_start3A] : memref<10240x128xf32, #tpu.memory_space<vmem_shared>> -> memref<80x128xf32, #tpu.memory_space<vmem_shared>>
    %dma_start3A_12 = arith.constant 0 : i32
    %dma_start3A_13 = tpu.memref_slice %arg25[%add3A_10, %dma_start3A_12] : memref<10240x128xf32, #tpu.memory_space<vmem_shared>> -> memref<80x128xf32, #tpu.memory_space<vmem_shared>>
    tpu.enqueue_dma source(%arg8 : memref<80x128xf32, #tpu.memory_space<vmem>>) target(%dma_start3A_13 : memref<80x128xf32, #tpu.memory_space<vmem_shared>>) target_semaphore(%arg42 : memref<!tpu.dma_semaphore, #tpu.memory_space<semaphore_mem>>)
    %mul3A_14 = arith.constant 640 : i32
    %mul3A_15 = arith.muli %arg1, %mul3A_14 : i32
    %add3A_16 = arith.constant 80 : i32
    %add3A_17 = arith.addi %mul3A_15, %add3A_16 : i32
    %dma_start3A_18 = arith.constant 0 : i32
    %dma_start3A_19 = tpu.memref_slice %arg25[%add3A_17, %dma_start3A_18] : memref<10240x128xf32, #tpu.memory_space<vmem_shared>> -> memref<80x128xf32, #tpu.memory_space<vmem_shared>>
    %dma_start3A_20 = arith.constant 0 : i32
    %dma_start3A_21 = tpu.memref_slice %arg25[%add3A_17, %dma_start3A_20] : memref<10240x128xf32, #tpu.memory_space<vmem_shared>> -> memref<80x128xf32, #tpu.memory_space<vmem_shared>>
    tpu.enqueue_dma source(%arg8 : memref<80x128xf32, #tpu.memory_space<vmem>>) target(%dma_start3A_21 : memref<80x128xf32, #tpu.memory_space<vmem_shared>>) target_semaphore(%arg42 : memref<!tpu.dma_semaphore, #tpu.memory_space<semaphore_mem>>)
    %mul3A_22 = arith.constant 640 : i32
    %mul3A_23 = arith.muli %arg1, %mul3A_22 : i32
    %add3A_24 = arith.constant 160 : i32
    %add3A_25 = arith.addi %mul3A_23, %add3A_24 : i32
    %dma_start3A_26 = arith.constant 0 : i32
    %dma_start3A_27 = tpu.memref_slice %arg25[%add3A_25, %dma_start3A_26] : memref<10240x128xf32, #tpu.memory_space<vmem_shared>> -> memref<80x128xf32, #tpu.memory_space<vmem_shared>>
    %dma_start3A_28 = arith.constant 0 : i32
    %dma_start3A_29 = tpu.memref_slice %arg25[%add3A_25, %dma_start3A_28] : memref<10240x128xf32, #tpu.memory_space<vmem_shared>> -> memref<80x128xf32, #tpu.memory_space<vmem_shared>>
    tpu.enqueue_dma source(%arg8 : memref<80x128xf32, #tpu.memory_space<vmem>>) target(%dma_start3A_29 : memref<80x128xf32, #tpu.memory_space<vmem_shared>>) target_semaphore(%arg42 : memref<!tpu.dma_semaphore, #tpu.memory_space<semaphore_mem>>)
    %mul3A_30 = arith.constant 640 : i32
    %mul3A_31 = arith.muli %arg1, %mul3A_30 : i32
    %add3A_32 = arith.constant 240 : i32
    %add3A_33 = arith.addi %mul3A_31, %add3A_32 : i32
    %dma_start3A_34 = arith.constant 0 : i32
    %dma_start3A_35 = tpu.memref_slice %arg25[%add3A_33, %dma_start3A_34] : memref<10240x128xf32, #tpu.memory_space<vmem_shared>> -> memref<80x128xf32, #tpu.memory_space<vmem_shared>>
    %dma_start3A_36 = arith.constant 0 : i32
    %dma_start3A_37 = tpu.memref_slice %arg25[%add3A_33, %dma_start3A_36] : memref<10240x128xf32, #tpu.memory_space<vmem_shared>> -> memref<80x128xf32, #tpu.memory_space<vmem_shared>>
    tpu.enqueue_dma source(%arg8 : memref<80x128xf32, #tpu.memory_space<vmem>>) target(%dma_start3A_37 : memref<80x128xf32, #tpu.memory_space<vmem_shared>>) target_semaphore(%arg42 : memref<!tpu.dma_semaphore, #tpu.memory_space<semaphore_mem>>)
    %mul3A_38 = arith.constant 640 : i32
    %mul3A_39 = arith.muli %arg1, %mul3A_38 : i32
    %add3A_40 = arith.constant 320 : i32
    %add3A_41 = arith.addi %mul3A_39, %add3A_40 : i32
    %dma_start3A_42 = arith.constant 0 : i32
    %dma_start3A_43 = tpu.memref_slice %arg25[%add3A_41, %dma_start3A_42] : memref<10240x128xf32, #tpu.memory_space<vmem_shared>> -> memref<80x128xf32, #tpu.memory_space<vmem_shared>>
    %dma_start3A_44 = arith.constant 0 : i32
    %dma_start3A_45 = tpu.memref_slice %arg25[%add3A_41, %dma_start3A_44] : memref<10240x128xf32, #tpu.memory_space<vmem_shared>> -> memref<80x128xf32, #tpu.memory_space<vmem_shared>>
    tpu.enqueue_dma source(%arg8 : memref<80x128xf32, #tpu.memory_space<vmem>>) target(%dma_start3A_45 : memref<80x128xf32, #tpu.memory_space<vmem_shared>>) target_semaphore(%arg42 : memref<!tpu.dma_semaphore, #tpu.memory_space<semaphore_mem>>)
    %mul3A_46 = arith.constant 640 : i32
    %mul3A_47 = arith.muli %arg1, %mul3A_46 : i32
    %add3A_48 = arith.constant 400 : i32
    %add3A_49 = arith.addi %mul3A_47, %add3A_48 : i32
    %dma_start3A_50 = arith.constant 0 : i32
    %dma_start3A_51 = tpu.memref_slice %arg25[%add3A_49, %dma_start3A_50] : memref<10240x128xf32, #tpu.memory_space<vmem_shared>> -> memref<80x128xf32, #tpu.memory_space<vmem_shared>>
    %dma_start3A_52 = arith.constant 0 : i32
    %dma_start3A_53 = tpu.memref_slice %arg25[%add3A_49, %dma_start3A_52] : memref<10240x128xf32, #tpu.memory_space<vmem_shared>> -> memref<80x128xf32, #tpu.memory_space<vmem_shared>>
    tpu.enqueue_dma source(%arg8 : memref<80x128xf32, #tpu.memory_space<vmem>>) target(%dma_start3A_53 : memref<80x128xf32, #tpu.memory_space<vmem_shared>>) target_semaphore(%arg42 : memref<!tpu.dma_semaphore, #tpu.memory_space<semaphore_mem>>)
    %mul3A_54 = arith.constant 640 : i32
    %mul3A_55 = arith.muli %arg1, %mul3A_54 : i32
    %add3A_56 = arith.constant 480 : i32
    %add3A_57 = arith.addi %mul3A_55, %add3A_56 : i32
    %dma_start3A_58 = arith.constant 0 : i32
    %dma_start3A_59 = tpu.memref_slice %arg25[%add3A_57, %dma_start3A_58] : memref<10240x128xf32, #tpu.memory_space<vmem_shared>> -> memref<80x128xf32, #tpu.memory_space<vmem_shared>>
    %dma_start3A_60 = arith.constant 0 : i32
    %dma_start3A_61 = tpu.memref_slice %arg25[%add3A_57, %dma_start3A_60] : memref<10240x128xf32, #tpu.memory_space<vmem_shared>> -> memref<80x128xf32, #tpu.memory_space<vmem_shared>>
    tpu.enqueue_dma source(%arg8 : memref<80x128xf32, #tpu.memory_space<vmem>>) target(%dma_start3A_61 : memref<80x128xf32, #tpu.memory_space<vmem_shared>>) target_semaphore(%arg42 : memref<!tpu.dma_semaphore, #tpu.memory_space<semaphore_mem>>)
    %mul3A_62 = arith.constant 640 : i32
    %mul3A_63 = arith.muli %arg1, %mul3A_62 : i32
    %add3A_64 = arith.constant 560 : i32
    %add3A_65 = arith.addi %mul3A_63, %add3A_64 : i32
    %dma_start3A_66 = arith.constant 0 : i32
    %dma_start3A_67 = tpu.memref_slice %arg25[%add3A_65, %dma_start3A_66] : memref<10240x128xf32, #tpu.memory_space<vmem_shared>> -> memref<80x128xf32, #tpu.memory_space<vmem_shared>>
    %dma_start3A_68 = arith.constant 0 : i32
    %dma_start3A_69 = tpu.memref_slice %arg25[%add3A_65, %dma_start3A_68] : memref<10240x128xf32, #tpu.memory_space<vmem_shared>> -> memref<80x128xf32, #tpu.memory_space<vmem_shared>>
    tpu.enqueue_dma source(%arg8 : memref<80x128xf32, #tpu.memory_space<vmem>>) target(%dma_start3A_69 : memref<80x128xf32, #tpu.memory_space<vmem_shared>>) target_semaphore(%arg42 : memref<!tpu.dma_semaphore, #tpu.memory_space<semaphore_mem>>)
    %add3A_70 = arith.constant 0 : i32
    %add3A_71 = arith.addi %mul3A_2, %add3A_70 : i32
    %dma_start3A_72 = tpu.memref_slice %arg3[%add3A_71] : memref<640000xi32, #tpu.memory_space<hbm>> -> memref<80xi32, #tpu.memory_space<hbm>>
    %dma_start3A_73 = tpu.memref_slice %arg3[%add3A_71] : memref<640000xi32, #tpu.memory_space<hbm>> -> memref<80xi32, #tpu.memory_space<hbm>>
    tpu.enqueue_dma source(%dma_start3A_73 : memref<80xi32, #tpu.memory_space<hbm>>) target(%arg9 : memref<80xi32, #tpu.memory_space<vmem>>) target_semaphore(%arg34 : memref<!tpu.dma_semaphore, #tpu.memory_space<semaphore_mem>>)
    %add3A_74 = arith.constant 320000 : i32
    %add3A_75 = arith.addi %add3A_74, %mul3A_2 : i32
    %add3A_76 = arith.constant 0 : i32
    %add3A_77 = arith.addi %add3A_75, %add3A_76 : i32
    %dma_start3A_78 = tpu.memref_slice %arg3[%add3A_77] : memref<640000xi32, #tpu.memory_space<hbm>> -> memref<80xi32, #tpu.memory_space<hbm>>
    %dma_start3A_79 = tpu.memref_slice %arg3[%add3A_77] : memref<640000xi32, #tpu.memory_space<hbm>> -> memref<80xi32, #tpu.memory_space<hbm>>
    tpu.enqueue_dma source(%dma_start3A_79 : memref<80xi32, #tpu.memory_space<hbm>>) target(%arg17 : memref<80xi32, #tpu.memory_space<vmem>>) target_semaphore(%arg34 : memref<!tpu.dma_semaphore, #tpu.memory_space<semaphore_mem>>)
    %add3A_80 = arith.constant 80 : i32
    %add3A_81 = arith.addi %mul3A_2, %add3A_80 : i32
    %dma_start3A_82 = tpu.memref_slice %arg3[%add3A_81] : memref<640000xi32, #tpu.memory_space<hbm>> -> memref<80xi32, #tpu.memory_space<hbm>>
    %dma_start3A_83 = tpu.memref_slice %arg3[%add3A_81] : memref<640000xi32, #tpu.memory_space<hbm>> -> memref<80xi32, #tpu.memory_space<hbm>>
    tpu.enqueue_dma source(%dma_start3A_83 : memref<80xi32, #tpu.memory_space<hbm>>) target(%arg10 : memref<80xi32, #tpu.memory_space<vmem>>) target_semaphore(%arg35 : memref<!tpu.dma_semaphore, #tpu.memory_space<semaphore_mem>>)
    %add3A_84 = arith.constant 320000 : i32
    %add3A_85 = arith.addi %add3A_84, %mul3A_2 : i32
    %add3A_86 = arith.constant 80 : i32
    %add3A_87 = arith.addi %add3A_85, %add3A_86 : i32
    %dma_start3A_88 = tpu.memref_slice %arg3[%add3A_87] : memref<640000xi32, #tpu.memory_space<hbm>> -> memref<80xi32, #tpu.memory_space<hbm>>
    %dma_start3A_89 = tpu.memref_slice %arg3[%add3A_87] : memref<640000xi32, #tpu.memory_space<hbm>> -> memref<80xi32, #tpu.memory_space<hbm>>
    tpu.enqueue_dma source(%dma_start3A_89 : memref<80xi32, #tpu.memory_space<hbm>>) target(%arg18 : memref<80xi32, #tpu.memory_space<vmem>>) target_semaphore(%arg35 : memref<!tpu.dma_semaphore, #tpu.memory_space<semaphore_mem>>)
    %add3A_90 = arith.constant 160 : i32
    %add3A_91 = arith.addi %mul3A_2, %add3A_90 : i32
    %dma_start3A_92 = tpu.memref_slice %arg3[%add3A_91] : memref<640000xi32, #tpu.memory_space<hbm>> -> memref<80xi32, #tpu.memory_space<hbm>>
    %dma_start3A_93 = tpu.memref_slice %arg3[%add3A_91] : memref<640000xi32, #tpu.memory_space<hbm>> -> memref<80xi32, #tpu.memory_space<hbm>>
    tpu.enqueue_dma source(%dma_start3A_93 : memref<80xi32, #tpu.memory_space<hbm>>) target(%arg11 : memref<80xi32, #tpu.memory_space<vmem>>) target_semaphore(%arg36 : memref<!tpu.dma_semaphore, #tpu.memory_space<semaphore_mem>>)
    %add3A_94 = arith.constant 320000 : i32
    %add3A_95 = arith.addi %add3A_94, %mul3A_2 : i32
    %add3A_96 = arith.constant 160 : i32
    %add3A_97 = arith.addi %add3A_95, %add3A_96 : i32
    %dma_start3A_98 = tpu.memref_slice %arg3[%add3A_97] : memref<640000xi32, #tpu.memory_space<hbm>> -> memref<80xi32, #tpu.memory_space<hbm>>
    %dma_start3A_99 = tpu.memref_slice %arg3[%add3A_97] : memref<640000xi32, #tpu.memory_space<hbm>> -> memref<80xi32, #tpu.memory_space<hbm>>
    tpu.enqueue_dma source(%dma_start3A_99 : memref<80xi32, #tpu.memory_space<hbm>>) target(%arg19 : memref<80xi32, #tpu.memory_space<vmem>>) target_semaphore(%arg36 : memref<!tpu.dma_semaphore, #tpu.memory_space<semaphore_mem>>)
    %add3A_100 = arith.constant 240 : i32
    %add3A_101 = arith.addi %mul3A_2, %add3A_100 : i32
    %dma_start3A_102 = tpu.memref_slice %arg3[%add3A_101] : memref<640000xi32, #tpu.memory_space<hbm>> -> memref<80xi32, #tpu.memory_space<hbm>>
    %dma_start3A_103 = tpu.memref_slice %arg3[%add3A_101] : memref<640000xi32, #tpu.memory_space<hbm>> -> memref<80xi32, #tpu.memory_space<hbm>>
    tpu.enqueue_dma source(%dma_start3A_103 : memref<80xi32, #tpu.memory_space<hbm>>) target(%arg12 : memref<80xi32, #tpu.memory_space<vmem>>) target_semaphore(%arg37 : memref<!tpu.dma_semaphore, #tpu.memory_space<semaphore_mem>>)
    %add3A_104 = arith.constant 320000 : i32
    %add3A_105 = arith.addi %add3A_104, %mul3A_2 : i32
    %add3A_106 = arith.constant 240 : i32
    %add3A_107 = arith.addi %add3A_105, %add3A_106 : i32
    %dma_start3A_108 = tpu.memref_slice %arg3[%add3A_107] : memref<640000xi32, #tpu.memory_space<hbm>> -> memref<80xi32, #tpu.memory_space<hbm>>
    %dma_start3A_109 = tpu.memref_slice %arg3[%add3A_107] : memref<640000xi32, #tpu.memory_space<hbm>> -> memref<80xi32, #tpu.memory_space<hbm>>
    tpu.enqueue_dma source(%dma_start3A_109 : memref<80xi32, #tpu.memory_space<hbm>>) target(%arg20 : memref<80xi32, #tpu.memory_space<vmem>>) target_semaphore(%arg37 : memref<!tpu.dma_semaphore, #tpu.memory_space<semaphore_mem>>)
    %add3A_110 = arith.constant 320 : i32
    %add3A_111 = arith.addi %mul3A_2, %add3A_110 : i32
    %dma_start3A_112 = tpu.memref_slice %arg3[%add3A_111] : memref<640000xi32, #tpu.memory_space<hbm>> -> memref<80xi32, #tpu.memory_space<hbm>>
    %dma_start3A_113 = tpu.memref_slice %arg3[%add3A_111] : memref<640000xi32, #tpu.memory_space<hbm>> -> memref<80xi32, #tpu.memory_space<hbm>>
    tpu.enqueue_dma source(%dma_start3A_113 : memref<80xi32, #tpu.memory_space<hbm>>) target(%arg13 : memref<80xi32, #tpu.memory_space<vmem>>) target_semaphore(%arg38 : memref<!tpu.dma_semaphore, #tpu.memory_space<semaphore_mem>>)
    %add3A_114 = arith.constant 320000 : i32
    %add3A_115 = arith.addi %add3A_114, %mul3A_2 : i32
    %add3A_116 = arith.constant 320 : i32
    %add3A_117 = arith.addi %add3A_115, %add3A_116 : i32
    %dma_start3A_118 = tpu.memref_slice %arg3[%add3A_117] : memref<640000xi32, #tpu.memory_space<hbm>> -> memref<80xi32, #tpu.memory_space<hbm>>
    %dma_start3A_119 = tpu.memref_slice %arg3[%add3A_117] : memref<640000xi32, #tpu.memory_space<hbm>> -> memref<80xi32, #tpu.memory_space<hbm>>
    tpu.enqueue_dma source(%dma_start3A_119 : memref<80xi32, #tpu.memory_space<hbm>>) target(%arg21 : memref<80xi32, #tpu.memory_space<vmem>>) target_semaphore(%arg38 : memref<!tpu.dma_semaphore, #tpu.memory_space<semaphore_mem>>)
    %dma_wait3A = tpu.memref_slice %arg3[%mul3A_2] : memref<640000xi32, #tpu.memory_space<hbm>> -> memref<80xi32, #tpu.memory_space<hbm>>
    %dma_wait3A_120 = tpu.memref_slice %arg3[%mul3A_2] : memref<640000xi32, #tpu.memory_space<hbm>> -> memref<80xi32, #tpu.memory_space<hbm>>
    tpu.wait_dma2 semaphore(%arg34 : memref<!tpu.dma_semaphore, #tpu.memory_space<semaphore_mem>>) src(%dma_wait3A_120 : memref<80xi32, #tpu.memory_space<hbm>>) dst(%arg9 : memref<80xi32, #tpu.memory_space<vmem>>)
    %dma_wait3A_121 = tpu.memref_slice %arg3[%mul3A_2] : memref<640000xi32, #tpu.memory_space<hbm>> -> memref<80xi32, #tpu.memory_space<hbm>>
    %dma_wait3A_122 = tpu.memref_slice %arg3[%mul3A_2] : memref<640000xi32, #tpu.memory_space<hbm>> -> memref<80xi32, #tpu.memory_space<hbm>>
    tpu.wait_dma2 semaphore(%arg34 : memref<!tpu.dma_semaphore, #tpu.memory_space<semaphore_mem>>) src(%dma_wait3A_122 : memref<80xi32, #tpu.memory_space<hbm>>) dst(%arg17 : memref<80xi32, #tpu.memory_space<vmem>>)
    %dma_start3A_123 = arith.constant 0 : i32
    %dma_start3A_124 = arith.constant 0 : i32
    %dma_start3A_125 = tpu.memref_slice %arg2[%dma_start3A_123, %dma_start3A_124] : memref<10000x128xf32, #tpu.memory_space<hbm>> -> memref<10000x128xf32, #tpu.memory_space<hbm>>
    tpu.enqueue_indirect_dma source(%dma_start3A_125 : memref<10000x128xf32, #tpu.memory_space<hbm>>) target(%arg5 : memref<80x128xf32, #tpu.memory_space<vmem>>) offsets(%arg9 : memref<80xi32, #tpu.memory_space<vmem>>) semaphore(%arg26 : memref<!tpu.dma_semaphore, #tpu.memory_space<semaphore_mem>>)
    %dma_wait3A_126 = tpu.memref_slice %arg3[%mul3A_2] : memref<640000xi32, #tpu.memory_space<hbm>> -> memref<80xi32, #tpu.memory_space<hbm>>
    %dma_wait3A_127 = tpu.memref_slice %arg3[%mul3A_2] : memref<640000xi32, #tpu.memory_space<hbm>> -> memref<80xi32, #tpu.memory_space<hbm>>
    tpu.wait_dma2 semaphore(%arg35 : memref<!tpu.dma_semaphore, #tpu.memory_space<semaphore_mem>>) src(%dma_wait3A_127 : memref<80xi32, #tpu.memory_space<hbm>>) dst(%arg10 : memref<80xi32, #tpu.memory_space<vmem>>)
    %dma_wait3A_128 = tpu.memref_slice %arg3[%mul3A_2] : memref<640000xi32, #tpu.memory_space<hbm>> -> memref<80xi32, #tpu.memory_space<hbm>>
    %dma_wait3A_129 = tpu.memref_slice %arg3[%mul3A_2] : memref<640000xi32, #tpu.memory_space<hbm>> -> memref<80xi32, #tpu.memory_space<hbm>>
    tpu.wait_dma2 semaphore(%arg35 : memref<!tpu.dma_semaphore, #tpu.memory_space<semaphore_mem>>) src(%dma_wait3A_129 : memref<80xi32, #tpu.memory_space<hbm>>) dst(%arg18 : memref<80xi32, #tpu.memory_space<vmem>>)
    %dma_start3A_130 = arith.constant 0 : i32
    %dma_start3A_131 = arith.constant 0 : i32
    %dma_start3A_132 = tpu.memref_slice %arg2[%dma_start3A_130, %dma_start3A_131] : memref<10000x128xf32, #tpu.memory_space<hbm>> -> memref<10000x128xf32, #tpu.memory_space<hbm>>
    tpu.enqueue_indirect_dma source(%dma_start3A_132 : memref<10000x128xf32, #tpu.memory_space<hbm>>) target(%arg6 : memref<80x128xf32, #tpu.memory_space<vmem>>) offsets(%arg10 : memref<80xi32, #tpu.memory_space<vmem>>) semaphore(%arg27 : memref<!tpu.dma_semaphore, #tpu.memory_space<semaphore_mem>>)
    %dma_wait3A_133 = tpu.memref_slice %arg3[%mul3A_2] : memref<640000xi32, #tpu.memory_space<hbm>> -> memref<80xi32, #tpu.memory_space<hbm>>
    %dma_wait3A_134 = tpu.memref_slice %arg3[%mul3A_2] : memref<640000xi32, #tpu.memory_space<hbm>> -> memref<80xi32, #tpu.memory_space<hbm>>
    tpu.wait_dma2 semaphore(%arg36 : memref<!tpu.dma_semaphore, #tpu.memory_space<semaphore_mem>>) src(%dma_wait3A_134 : memref<80xi32, #tpu.memory_space<hbm>>) dst(%arg11 : memref<80xi32, #tpu.memory_space<vmem>>)
    %dma_wait3A_135 = tpu.memref_slice %arg3[%mul3A_2] : memref<640000xi32, #tpu.memory_space<hbm>> -> memref<80xi32, #tpu.memory_space<hbm>>
    %dma_wait3A_136 = tpu.memref_slice %arg3[%mul3A_2] : memref<640000xi32, #tpu.memory_space<hbm>> -> memref<80xi32, #tpu.memory_space<hbm>>
    tpu.wait_dma2 semaphore(%arg36 : memref<!tpu.dma_semaphore, #tpu.memory_space<semaphore_mem>>) src(%dma_wait3A_136 : memref<80xi32, #tpu.memory_space<hbm>>) dst(%arg19 : memref<80xi32, #tpu.memory_space<vmem>>)
    %dma_start3A_137 = arith.constant 0 : i32
    %dma_start3A_138 = arith.constant 0 : i32
    %dma_start3A_139 = tpu.memref_slice %arg2[%dma_start3A_137, %dma_start3A_138] : memref<10000x128xf32, #tpu.memory_space<hbm>> -> memref<10000x128xf32, #tpu.memory_space<hbm>>
    tpu.enqueue_indirect_dma source(%dma_start3A_139 : memref<10000x128xf32, #tpu.memory_space<hbm>>) target(%arg7 : memref<80x128xf32, #tpu.memory_space<vmem>>) offsets(%arg11 : memref<80xi32, #tpu.memory_space<vmem>>) semaphore(%arg28 : memref<!tpu.dma_semaphore, #tpu.memory_space<semaphore_mem>>)
    %dma_wait3A_140 = arith.constant 0 : i32
    %dma_wait3A_141 = tpu.memref_slice %arg25[%add3A_10, %dma_wait3A_140] : memref<10240x128xf32, #tpu.memory_space<vmem_shared>> -> memref<80x128xf32, #tpu.memory_space<vmem_shared>>
    %dma_wait3A_142 = arith.constant 0 : i32
    %dma_wait3A_143 = tpu.memref_slice %arg25[%add3A_10, %dma_wait3A_142] : memref<10240x128xf32, #tpu.memory_space<vmem_shared>> -> memref<80x128xf32, #tpu.memory_space<vmem_shared>>
    tpu.wait_dma2 semaphore(%arg42 : memref<!tpu.dma_semaphore, #tpu.memory_space<semaphore_mem>>) src(%arg8 : memref<80x128xf32, #tpu.memory_space<vmem>>) dst(%dma_wait3A_143 : memref<80x128xf32, #tpu.memory_space<vmem_shared>>)
    %dma_wait3A_144 = arith.constant 0 : i32
    %dma_wait3A_145 = tpu.memref_slice %arg25[%add3A_17, %dma_wait3A_144] : memref<10240x128xf32, #tpu.memory_space<vmem_shared>> -> memref<80x128xf32, #tpu.memory_space<vmem_shared>>
    %dma_wait3A_146 = arith.constant 0 : i32
    %dma_wait3A_147 = tpu.memref_slice %arg25[%add3A_17, %dma_wait3A_146] : memref<10240x128xf32, #tpu.memory_space<vmem_shared>> -> memref<80x128xf32, #tpu.memory_space<vmem_shared>>
    tpu.wait_dma2 semaphore(%arg42 : memref<!tpu.dma_semaphore, #tpu.memory_space<semaphore_mem>>) src(%arg8 : memref<80x128xf32, #tpu.memory_space<vmem>>) dst(%dma_wait3A_147 : memref<80x128xf32, #tpu.memory_space<vmem_shared>>)
    %dma_wait3A_148 = arith.constant 0 : i32
    %dma_wait3A_149 = tpu.memref_slice %arg25[%add3A_25, %dma_wait3A_148] : memref<10240x128xf32, #tpu.memory_space<vmem_shared>> -> memref<80x128xf32, #tpu.memory_space<vmem_shared>>
    %dma_wait3A_150 = arith.constant 0 : i32
    %dma_wait3A_151 = tpu.memref_slice %arg25[%add3A_25, %dma_wait3A_150] : memref<10240x128xf32, #tpu.memory_space<vmem_shared>> -> memref<80x128xf32, #tpu.memory_space<vmem_shared>>
    tpu.wait_dma2 semaphore(%arg42 : memref<!tpu.dma_semaphore, #tpu.memory_space<semaphore_mem>>) src(%arg8 : memref<80x128xf32, #tpu.memory_space<vmem>>) dst(%dma_wait3A_151 : memref<80x128xf32, #tpu.memory_space<vmem_shared>>)
    %dma_wait3A_152 = arith.constant 0 : i32
    %dma_wait3A_153 = tpu.memref_slice %arg25[%add3A_33, %dma_wait3A_152] : memref<10240x128xf32, #tpu.memory_space<vmem_shared>> -> memref<80x128xf32, #tpu.memory_space<vmem_shared>>
    %dma_wait3A_154 = arith.constant 0 : i32
    %dma_wait3A_155 = tpu.memref_slice %arg25[%add3A_33, %dma_wait3A_154] : memref<10240x128xf32, #tpu.memory_space<vmem_shared>> -> memref<80x128xf32, #tpu.memory_space<vmem_shared>>
    tpu.wait_dma2 semaphore(%arg42 : memref<!tpu.dma_semaphore, #tpu.memory_space<semaphore_mem>>) src(%arg8 : memref<80x128xf32, #tpu.memory_space<vmem>>) dst(%dma_wait3A_155 : memref<80x128xf32, #tpu.memory_space<vmem_shared>>)
    %dma_wait3A_156 = arith.constant 0 : i32
    %dma_wait3A_157 = tpu.memref_slice %arg25[%add3A_41, %dma_wait3A_156] : memref<10240x128xf32, #tpu.memory_space<vmem_shared>> -> memref<80x128xf32, #tpu.memory_space<vmem_shared>>
    %dma_wait3A_158 = arith.constant 0 : i32
    %dma_wait3A_159 = tpu.memref_slice %arg25[%add3A_41, %dma_wait3A_158] : memref<10240x128xf32, #tpu.memory_space<vmem_shared>> -> memref<80x128xf32, #tpu.memory_space<vmem_shared>>
    tpu.wait_dma2 semaphore(%arg42 : memref<!tpu.dma_semaphore, #tpu.memory_space<semaphore_mem>>) src(%arg8 : memref<80x128xf32, #tpu.memory_space<vmem>>) dst(%dma_wait3A_159 : memref<80x128xf32, #tpu.memory_space<vmem_shared>>)
    %dma_wait3A_160 = arith.constant 0 : i32
    %dma_wait3A_161 = tpu.memref_slice %arg25[%add3A_49, %dma_wait3A_160] : memref<10240x128xf32, #tpu.memory_space<vmem_shared>> -> memref<80x128xf32, #tpu.memory_space<vmem_shared>>
    %dma_wait3A_162 = arith.constant 0 : i32
    %dma_wait3A_163 = tpu.memref_slice %arg25[%add3A_49, %dma_wait3A_162] : memref<10240x128xf32, #tpu.memory_space<vmem_shared>> -> memref<80x128xf32, #tpu.memory_space<vmem_shared>>
    tpu.wait_dma2 semaphore(%arg42 : memref<!tpu.dma_semaphore, #tpu.memory_space<semaphore_mem>>) src(%arg8 : memref<80x128xf32, #tpu.memory_space<vmem>>) dst(%dma_wait3A_163 : memref<80x128xf32, #tpu.memory_space<vmem_shared>>)
    %dma_wait3A_164 = arith.constant 0 : i32
    %dma_wait3A_165 = tpu.memref_slice %arg25[%add3A_57, %dma_wait3A_164] : memref<10240x128xf32, #tpu.memory_space<vmem_shared>> -> memref<80x128xf32, #tpu.memory_space<vmem_shared>>
    %dma_wait3A_166 = arith.constant 0 : i32
    %dma_wait3A_167 = tpu.memref_slice %arg25[%add3A_57, %dma_wait3A_166] : memref<10240x128xf32, #tpu.memory_space<vmem_shared>> -> memref<80x128xf32, #tpu.memory_space<vmem_shared>>
    tpu.wait_dma2 semaphore(%arg42 : memref<!tpu.dma_semaphore, #tpu.memory_space<semaphore_mem>>) src(%arg8 : memref<80x128xf32, #tpu.memory_space<vmem>>) dst(%dma_wait3A_167 : memref<80x128xf32, #tpu.memory_space<vmem_shared>>)
    %dma_wait3A_168 = arith.constant 0 : i32
    %dma_wait3A_169 = tpu.memref_slice %arg25[%add3A_65, %dma_wait3A_168] : memref<10240x128xf32, #tpu.memory_space<vmem_shared>> -> memref<80x128xf32, #tpu.memory_space<vmem_shared>>
    %dma_wait3A_170 = arith.constant 0 : i32
    %dma_wait3A_171 = tpu.memref_slice %arg25[%add3A_65, %dma_wait3A_170] : memref<10240x128xf32, #tpu.memory_space<vmem_shared>> -> memref<80x128xf32, #tpu.memory_space<vmem_shared>>
    tpu.wait_dma2 semaphore(%arg42 : memref<!tpu.dma_semaphore, #tpu.memory_space<semaphore_mem>>) src(%arg8 : memref<80x128xf32, #tpu.memory_space<vmem>>) dst(%dma_wait3A_171 : memref<80x128xf32, #tpu.memory_space<vmem_shared>>)
    %barrier3A = arith.constant 0 : index
    tpu.barrier barrier_id(%barrier3A)
    %dma_wait3A_172 = arith.constant 0 : i32
    %dma_wait3A_173 = arith.constant 0 : i32
    %dma_wait3A_174 = tpu.memref_slice %arg2[%dma_wait3A_172, %dma_wait3A_173] : memref<10000x128xf32, #tpu.memory_space<hbm>> -> memref<10000x128xf32, #tpu.memory_space<hbm>>
    tpu.wait_indirect_dma semaphore(%arg26 : memref<!tpu.dma_semaphore, #tpu.memory_space<semaphore_mem>>) src(%dma_wait3A_174 : memref<10000x128xf32, #tpu.memory_space<hbm>>) dst(%arg5 : memref<80x128xf32, #tpu.memory_space<vmem>>)
    %dma_start3A_175 = arith.constant 0 : i32
    %dma_start3A_176 = arith.constant 0 : i32
    %dma_start3A_177 = tpu.memref_slice %arg25[%dma_start3A_175, %dma_start3A_176] : memref<10240x128xf32, #tpu.memory_space<vmem_shared>> -> memref<10240x128xf32, #tpu.memory_space<vmem_shared>>
    tpu.enqueue_indirect_dma source(%arg5 : memref<80x128xf32, #tpu.memory_space<vmem>>) target(%dma_start3A_177 : memref<10240x128xf32, #tpu.memory_space<vmem_shared>>) offsets(%arg17 : memref<80xi32, #tpu.memory_space<vmem>>) semaphore(%arg30 : memref<!tpu.dma_semaphore, #tpu.memory_space<semaphore_mem>>) {add = true}
    %dma_wait3A_178 = tpu.memref_slice %arg3[%mul3A_2] : memref<640000xi32, #tpu.memory_space<hbm>> -> memref<80xi32, #tpu.memory_space<hbm>>
    %dma_wait3A_179 = tpu.memref_slice %arg3[%mul3A_2] : memref<640000xi32, #tpu.memory_space<hbm>> -> memref<80xi32, #tpu.memory_space<hbm>>
    tpu.wait_dma2 semaphore(%arg37 : memref<!tpu.dma_semaphore, #tpu.memory_space<semaphore_mem>>) src(%dma_wait3A_179 : memref<80xi32, #tpu.memory_space<hbm>>) dst(%arg12 : memref<80xi32, #tpu.memory_space<vmem>>)
    %dma_wait3A_180 = tpu.memref_slice %arg3[%mul3A_2] : memref<640000xi32, #tpu.memory_space<hbm>> -> memref<80xi32, #tpu.memory_space<hbm>>
    %dma_wait3A_181 = tpu.memref_slice %arg3[%mul3A_2] : memref<640000xi32, #tpu.memory_space<hbm>> -> memref<80xi32, #tpu.memory_space<hbm>>
    tpu.wait_dma2 semaphore(%arg37 : memref<!tpu.dma_semaphore, #tpu.memory_space<semaphore_mem>>) src(%dma_wait3A_181 : memref<80xi32, #tpu.memory_space<hbm>>) dst(%arg20 : memref<80xi32, #tpu.memory_space<vmem>>)
    %dma_start3A_182 = arith.constant 0 : i32
    %dma_start3A_183 = arith.constant 0 : i32
    %dma_start3A_184 = tpu.memref_slice %arg2[%dma_start3A_182, %dma_start3A_183] : memref<10000x128xf32, #tpu.memory_space<hbm>> -> memref<10000x128xf32, #tpu.memory_space<hbm>>
    tpu.enqueue_indirect_dma source(%dma_start3A_184 : memref<10000x128xf32, #tpu.memory_space<hbm>>) target(%arg8 : memref<80x128xf32, #tpu.memory_space<vmem>>) offsets(%arg12 : memref<80xi32, #tpu.memory_space<vmem>>) semaphore(%arg29 : memref<!tpu.dma_semaphore, #tpu.memory_space<semaphore_mem>>)
    %add3A_185 = arith.constant 400 : i32
    %add3A_186 = arith.addi %mul3A_2, %add3A_185 : i32
    %dma_start3A_187 = tpu.memref_slice %arg3[%add3A_186] : memref<640000xi32, #tpu.memory_space<hbm>> -> memref<80xi32, #tpu.memory_space<hbm>>
    %dma_start3A_188 = tpu.memref_slice %arg3[%add3A_186] : memref<640000xi32, #tpu.memory_space<hbm>> -> memref<80xi32, #tpu.memory_space<hbm>>
    tpu.enqueue_dma source(%dma_start3A_188 : memref<80xi32, #tpu.memory_space<hbm>>) target(%arg14 : memref<80xi32, #tpu.memory_space<vmem>>) target_semaphore(%arg39 : memref<!tpu.dma_semaphore, #tpu.memory_space<semaphore_mem>>)
    %add3A_189 = arith.constant 320000 : i32
    %add3A_190 = arith.addi %add3A_189, %mul3A_2 : i32
    %add3A_191 = arith.constant 400 : i32
    %add3A_192 = arith.addi %add3A_190, %add3A_191 : i32
    %dma_start3A_193 = tpu.memref_slice %arg3[%add3A_192] : memref<640000xi32, #tpu.memory_space<hbm>> -> memref<80xi32, #tpu.memory_space<hbm>>
    %dma_start3A_194 = tpu.memref_slice %arg3[%add3A_192] : memref<640000xi32, #tpu.memory_space<hbm>> -> memref<80xi32, #tpu.memory_space<hbm>>
    tpu.enqueue_dma source(%dma_start3A_194 : memref<80xi32, #tpu.memory_space<hbm>>) target(%arg22 : memref<80xi32, #tpu.memory_space<vmem>>) target_semaphore(%arg39 : memref<!tpu.dma_semaphore, #tpu.memory_space<semaphore_mem>>)
    %dma_wait3A_195 = arith.constant 0 : i32
    %dma_wait3A_196 = arith.constant 0 : i32
    %dma_wait3A_197 = tpu.memref_slice %arg2[%dma_wait3A_195, %dma_wait3A_196] : memref<10000x128xf32, #tpu.memory_space<hbm>> -> memref<10000x128xf32, #tpu.memory_space<hbm>>
    tpu.wait_indirect_dma semaphore(%arg27 : memref<!tpu.dma_semaphore, #tpu.memory_space<semaphore_mem>>) src(%dma_wait3A_197 : memref<10000x128xf32, #tpu.memory_space<hbm>>) dst(%arg6 : memref<80x128xf32, #tpu.memory_space<vmem>>)
    %dma_start3A_198 = arith.constant 0 : i32
    %dma_start3A_199 = arith.constant 0 : i32
    %dma_start3A_200 = tpu.memref_slice %arg25[%dma_start3A_198, %dma_start3A_199] : memref<10240x128xf32, #tpu.memory_space<vmem_shared>> -> memref<10240x128xf32, #tpu.memory_space<vmem_shared>>
    tpu.enqueue_indirect_dma source(%arg6 : memref<80x128xf32, #tpu.memory_space<vmem>>) target(%dma_start3A_200 : memref<10240x128xf32, #tpu.memory_space<vmem_shared>>) offsets(%arg18 : memref<80xi32, #tpu.memory_space<vmem>>) semaphore(%arg31 : memref<!tpu.dma_semaphore, #tpu.memory_space<semaphore_mem>>) {add = true}
    %dma_wait3A_201 = arith.constant 0 : i32
    %dma_wait3A_202 = arith.constant 0 : i32
    %dma_wait3A_203 = tpu.memref_slice %arg25[%dma_wait3A_201, %dma_wait3A_202] : memref<10240x128xf32, #tpu.memory_space<vmem_shared>> -> memref<10240x128xf32, #tpu.memory_space<vmem_shared>>
    tpu.wait_indirect_dma semaphore(%arg30 : memref<!tpu.dma_semaphore, #tpu.memory_space<semaphore_mem>>) src(%arg5 : memref<80x128xf32, #tpu.memory_space<vmem>>) dst(%dma_wait3A_203 : memref<10240x128xf32, #tpu.memory_space<vmem_shared>>)
    %dma_wait3A_204 = tpu.memref_slice %arg3[%mul3A_2] : memref<640000xi32, #tpu.memory_space<hbm>> -> memref<80xi32, #tpu.memory_space<hbm>>
    %dma_wait3A_205 = tpu.memref_slice %arg3[%mul3A_2] : memref<640000xi32, #tpu.memory_space<hbm>> -> memref<80xi32, #tpu.memory_space<hbm>>
    tpu.wait_dma2 semaphore(%arg38 : memref<!tpu.dma_semaphore, #tpu.memory_space<semaphore_mem>>) src(%dma_wait3A_205 : memref<80xi32, #tpu.memory_space<hbm>>) dst(%arg13 : memref<80xi32, #tpu.memory_space<vmem>>)
    %dma_wait3A_206 = tpu.memref_slice %arg3[%mul3A_2] : memref<640000xi32, #tpu.memory_space<hbm>> -> memref<80xi32, #tpu.memory_space<hbm>>
    %dma_wait3A_207 = tpu.memref_slice %arg3[%mul3A_2] : memref<640000xi32, #tpu.memory_space<hbm>> -> memref<80xi32, #tpu.memory_space<hbm>>
    tpu.wait_dma2 semaphore(%arg38 : memref<!tpu.dma_semaphore, #tpu.memory_space<semaphore_mem>>) src(%dma_wait3A_207 : memref<80xi32, #tpu.memory_space<hbm>>) dst(%arg21 : memref<80xi32, #tpu.memory_space<vmem>>)
    %dma_start3A_208 = arith.constant 0 : i32
    %dma_start3A_209 = arith.constant 0 : i32
    %dma_start3A_210 = tpu.memref_slice %arg2[%dma_start3A_208, %dma_start3A_209] : memref<10000x128xf32, #tpu.memory_space<hbm>> -> memref<10000x128xf32, #tpu.memory_space<hbm>>
    tpu.enqueue_indirect_dma source(%dma_start3A_210 : memref<10000x128xf32, #tpu.memory_space<hbm>>) target(%arg5 : memref<80x128xf32, #tpu.memory_space<vmem>>) offsets(%arg13 : memref<80xi32, #tpu.memory_space<vmem>>) semaphore(%arg26 : memref<!tpu.dma_semaphore, #tpu.memory_space<semaphore_mem>>)
    %add3A_211 = arith.constant 480 : i32
    %add3A_212 = arith.addi %mul3A_2, %add3A_211 : i32
    %dma_start3A_213 = tpu.memref_slice %arg3[%add3A_212] : memref<640000xi32, #tpu.memory_space<hbm>> -> memref<80xi32, #tpu.memory_space<hbm>>
    %dma_start3A_214 = tpu.memref_slice %arg3[%add3A_212] : memref<640000xi32, #tpu.memory_space<hbm>> -> memref<80xi32, #tpu.memory_space<hbm>>
    tpu.enqueue_dma source(%dma_start3A_214 : memref<80xi32, #tpu.memory_space<hbm>>) target(%arg15 : memref<80xi32, #tpu.memory_space<vmem>>) target_semaphore(%arg40 : memref<!tpu.dma_semaphore, #tpu.memory_space<semaphore_mem>>)
    %add3A_215 = arith.constant 320000 : i32
    %add3A_216 = arith.addi %add3A_215, %mul3A_2 : i32
    %add3A_217 = arith.constant 480 : i32
    %add3A_218 = arith.addi %add3A_216, %add3A_217 : i32
    %dma_start3A_219 = tpu.memref_slice %arg3[%add3A_218] : memref<640000xi32, #tpu.memory_space<hbm>> -> memref<80xi32, #tpu.memory_space<hbm>>
    %dma_start3A_220 = tpu.memref_slice %arg3[%add3A_218] : memref<640000xi32, #tpu.memory_space<hbm>> -> memref<80xi32, #tpu.memory_space<hbm>>
    tpu.enqueue_dma source(%dma_start3A_220 : memref<80xi32, #tpu.memory_space<hbm>>) target(%arg23 : memref<80xi32, #tpu.memory_space<vmem>>) target_semaphore(%arg40 : memref<!tpu.dma_semaphore, #tpu.memory_space<semaphore_mem>>)
    %dma_wait3A_221 = arith.constant 0 : i32
    %dma_wait3A_222 = arith.constant 0 : i32
    %dma_wait3A_223 = tpu.memref_slice %arg2[%dma_wait3A_221, %dma_wait3A_222] : memref<10000x128xf32, #tpu.memory_space<hbm>> -> memref<10000x128xf32, #tpu.memory_space<hbm>>
    tpu.wait_indirect_dma semaphore(%arg28 : memref<!tpu.dma_semaphore, #tpu.memory_space<semaphore_mem>>) src(%dma_wait3A_223 : memref<10000x128xf32, #tpu.memory_space<hbm>>) dst(%arg7 : memref<80x128xf32, #tpu.memory_space<vmem>>)
    %dma_start3A_224 = arith.constant 0 : i32
    %dma_start3A_225 = arith.constant 0 : i32
    %dma_start3A_226 = tpu.memref_slice %arg25[%dma_start3A_224, %dma_start3A_225] : memref<10240x128xf32, #tpu.memory_space<vmem_shared>> -> memref<10240x128xf32, #tpu.memory_space<vmem_shared>>
    tpu.enqueue_indirect_dma source(%arg7 : memref<80x128xf32, #tpu.memory_space<vmem>>) target(%dma_start3A_226 : memref<10240x128xf32, #tpu.memory_space<vmem_shared>>) offsets(%arg19 : memref<80xi32, #tpu.memory_space<vmem>>) semaphore(%arg32 : memref<!tpu.dma_semaphore, #tpu.memory_space<semaphore_mem>>) {add = true}
    %dma_wait3A_227 = arith.constant 0 : i32
    %dma_wait3A_228 = arith.constant 0 : i32
    %dma_wait3A_229 = tpu.memref_slice %arg25[%dma_wait3A_227, %dma_wait3A_228] : memref<10240x128xf32, #tpu.memory_space<vmem_shared>> -> memref<10240x128xf32, #tpu.memory_space<vmem_shared>>
    tpu.wait_indirect_dma semaphore(%arg31 : memref<!tpu.dma_semaphore, #tpu.memory_space<semaphore_mem>>) src(%arg5 : memref<80x128xf32, #tpu.memory_space<vmem>>) dst(%dma_wait3A_229 : memref<10240x128xf32, #tpu.memory_space<vmem_shared>>)
    %dma_wait3A_230 = tpu.memref_slice %arg3[%mul3A_2] : memref<640000xi32, #tpu.memory_space<hbm>> -> memref<80xi32, #tpu.memory_space<hbm>>
    %dma_wait3A_231 = tpu.memref_slice %arg3[%mul3A_2] : memref<640000xi32, #tpu.memory_space<hbm>> -> memref<80xi32, #tpu.memory_space<hbm>>
    tpu.wait_dma2 semaphore(%arg39 : memref<!tpu.dma_semaphore, #tpu.memory_space<semaphore_mem>>) src(%dma_wait3A_231 : memref<80xi32, #tpu.memory_space<hbm>>) dst(%arg14 : memref<80xi32, #tpu.memory_space<vmem>>)
    %dma_wait3A_232 = tpu.memref_slice %arg3[%mul3A_2] : memref<640000xi32, #tpu.memory_space<hbm>> -> memref<80xi32, #tpu.memory_space<hbm>>
    %dma_wait3A_233 = tpu.memref_slice %arg3[%mul3A_2] : memref<640000xi32, #tpu.memory_space<hbm>> -> memref<80xi32, #tpu.memory_space<hbm>>
    tpu.wait_dma2 semaphore(%arg39 : memref<!tpu.dma_semaphore, #tpu.memory_space<semaphore_mem>>) src(%dma_wait3A_233 : memref<80xi32, #tpu.memory_space<hbm>>) dst(%arg22 : memref<80xi32, #tpu.memory_space<vmem>>)
    %dma_start3A_234 = arith.constant 0 : i32
    %dma_start3A_235 = arith.constant 0 : i32
    %dma_start3A_236 = tpu.memref_slice %arg2[%dma_start3A_234, %dma_start3A_235] : memref<10000x128xf32, #tpu.memory_space<hbm>> -> memref<10000x128xf32, #tpu.memory_space<hbm>>
    tpu.enqueue_indirect_dma source(%dma_start3A_236 : memref<10000x128xf32, #tpu.memory_space<hbm>>) target(%arg6 : memref<80x128xf32, #tpu.memory_space<vmem>>) offsets(%arg14 : memref<80xi32, #tpu.memory_space<vmem>>) semaphore(%arg27 : memref<!tpu.dma_semaphore, #tpu.memory_space<semaphore_mem>>)
    %add3A_237 = arith.constant 560 : i32
    %add3A_238 = arith.addi %mul3A_2, %add3A_237 : i32
    %dma_start3A_239 = tpu.memref_slice %arg3[%add3A_238] : memref<640000xi32, #tpu.memory_space<hbm>> -> memref<80xi32, #tpu.memory_space<hbm>>
    %dma_start3A_240 = tpu.memref_slice %arg3[%add3A_238] : memref<640000xi32, #tpu.memory_space<hbm>> -> memref<80xi32, #tpu.memory_space<hbm>>
    tpu.enqueue_dma source(%dma_start3A_240 : memref<80xi32, #tpu.memory_space<hbm>>) target(%arg16 : memref<80xi32, #tpu.memory_space<vmem>>) target_semaphore(%arg41 : memref<!tpu.dma_semaphore, #tpu.memory_space<semaphore_mem>>)
    %add3A_241 = arith.constant 320000 : i32
    %add3A_242 = arith.addi %add3A_241, %mul3A_2 : i32
    %add3A_243 = arith.constant 560 : i32
    %add3A_244 = arith.addi %add3A_242, %add3A_243 : i32
    %dma_start3A_245 = tpu.memref_slice %arg3[%add3A_244] : memref<640000xi32, #tpu.memory_space<hbm>> -> memref<80xi32, #tpu.memory_space<hbm>>
    %dma_start3A_246 = tpu.memref_slice %arg3[%add3A_244] : memref<640000xi32, #tpu.memory_space<hbm>> -> memref<80xi32, #tpu.memory_space<hbm>>
    tpu.enqueue_dma source(%dma_start3A_246 : memref<80xi32, #tpu.memory_space<hbm>>) target(%arg24 : memref<80xi32, #tpu.memory_space<vmem>>) target_semaphore(%arg41 : memref<!tpu.dma_semaphore, #tpu.memory_space<semaphore_mem>>)
    %scan3A_247 = arith.constant 0 : i32
    %scan3A_248 = arith.constant 14 : i32
    %scan3A_249 = arith.addi %scan3A_247, %scan3A_248 : i32
    %scan3A_250 = arith.constant 1 : i32
    scf.for %scan3A_449 = %scan3A_247 to %scan3A_249 step %scan3A_250  : i32 {
      %mul3A_450 = arith.constant 8 : i32
      %mul3A_451 = arith.muli %mul3A_450, %scan3A_449 : i32
      %add3A_452 = arith.constant 3 : i32
      %add3A_453 = arith.addi %mul3A_451, %add3A_452 : i32
      %add3A_454 = arith.constant 0 : i32
      %add3A_455 = arith.addi %add3A_453, %add3A_454 : i32
      %dma_wait3A_456 = arith.constant 0 : i32
      %dma_wait3A_457 = arith.constant 0 : i32
      %dma_wait3A_458 = tpu.memref_slice %arg2[%dma_wait3A_456, %dma_wait3A_457] : memref<10000x128xf32, #tpu.memory_space<hbm>> -> memref<10000x128xf32, #tpu.memory_space<hbm>>
      tpu.wait_indirect_dma semaphore(%arg29 : memref<!tpu.dma_semaphore, #tpu.memory_space<semaphore_mem>>) src(%dma_wait3A_458 : memref<10000x128xf32, #tpu.memory_space<hbm>>) dst(%arg8 : memref<80x128xf32, #tpu.memory_space<vmem>>)
      %dma_start3A_459 = arith.constant 0 : i32
      %dma_start3A_460 = arith.constant 0 : i32
      %dma_start3A_461 = tpu.memref_slice %arg25[%dma_start3A_459, %dma_start3A_460] : memref<10240x128xf32, #tpu.memory_space<vmem_shared>> -> memref<10240x128xf32, #tpu.memory_space<vmem_shared>>
      tpu.enqueue_indirect_dma source(%arg8 : memref<80x128xf32, #tpu.memory_space<vmem>>) target(%dma_start3A_461 : memref<10240x128xf32, #tpu.memory_space<vmem_shared>>) offsets(%arg20 : memref<80xi32, #tpu.memory_space<vmem>>) semaphore(%arg33 : memref<!tpu.dma_semaphore, #tpu.memory_space<semaphore_mem>>) {add = true}
      %dma_wait3A_462 = arith.constant 0 : i32
      %dma_wait3A_463 = arith.constant 0 : i32
      %dma_wait3A_464 = tpu.memref_slice %arg25[%dma_wait3A_462, %dma_wait3A_463] : memref<10240x128xf32, #tpu.memory_space<vmem_shared>> -> memref<10240x128xf32, #tpu.memory_space<vmem_shared>>
      tpu.wait_indirect_dma semaphore(%arg32 : memref<!tpu.dma_semaphore, #tpu.memory_space<semaphore_mem>>) src(%arg5 : memref<80x128xf32, #tpu.memory_space<vmem>>) dst(%dma_wait3A_464 : memref<10240x128xf32, #tpu.memory_space<vmem_shared>>)
      %dma_wait3A_465 = tpu.memref_slice %arg3[%mul3A_2] : memref<640000xi32, #tpu.memory_space<hbm>> -> memref<80xi32, #tpu.memory_space<hbm>>
      %dma_wait3A_466 = tpu.memref_slice %arg3[%mul3A_2] : memref<640000xi32, #tpu.memory_space<hbm>> -> memref<80xi32, #tpu.memory_space<hbm>>
      tpu.wait_dma2 semaphore(%arg40 : memref<!tpu.dma_semaphore, #tpu.memory_space<semaphore_mem>>) src(%dma_wait3A_466 : memref<80xi32, #tpu.memory_space<hbm>>) dst(%arg15 : memref<80xi32, #tpu.memory_space<vmem>>)
      %dma_wait3A_467 = tpu.memref_slice %arg3[%mul3A_2] : memref<640000xi32, #tpu.memory_space<hbm>> -> memref<80xi32, #tpu.memory_space<hbm>>
      %dma_wait3A_468 = tpu.memref_slice %arg3[%mul3A_2] : memref<640000xi32, #tpu.memory_space<hbm>> -> memref<80xi32, #tpu.memory_space<hbm>>
      tpu.wait_dma2 semaphore(%arg40 : memref<!tpu.dma_semaphore, #tpu.memory_space<semaphore_mem>>) src(%dma_wait3A_468 : memref<80xi32, #tpu.memory_space<hbm>>) dst(%arg23 : memref<80xi32, #tpu.memory_space<vmem>>)
      %dma_start3A_469 = arith.constant 0 : i32
      %dma_start3A_470 = arith.constant 0 : i32
      %dma_start3A_471 = tpu.memref_slice %arg2[%dma_start3A_469, %dma_start3A_470] : memref<10000x128xf32, #tpu.memory_space<hbm>> -> memref<10000x128xf32, #tpu.memory_space<hbm>>
      tpu.enqueue_indirect_dma source(%dma_start3A_471 : memref<10000x128xf32, #tpu.memory_space<hbm>>) target(%arg7 : memref<80x128xf32, #tpu.memory_space<vmem>>) offsets(%arg15 : memref<80xi32, #tpu.memory_space<vmem>>) semaphore(%arg28 : memref<!tpu.dma_semaphore, #tpu.memory_space<semaphore_mem>>)
      %add3A_472 = arith.constant 5 : i32
      %add3A_473 = arith.addi %add3A_455, %add3A_472 : i32
      %mul3A_474 = arith.constant 80 : i32
      %mul3A_475 = arith.muli %add3A_473, %mul3A_474 : i32
      %add3A_476 = arith.addi %mul3A_2, %mul3A_475 : i32
      %dma_start3A_477 = tpu.memref_slice %arg3[%add3A_476] : memref<640000xi32, #tpu.memory_space<hbm>> -> memref<80xi32, #tpu.memory_space<hbm>>
      %dma_start3A_478 = tpu.memref_slice %arg3[%add3A_476] : memref<640000xi32, #tpu.memory_space<hbm>> -> memref<80xi32, #tpu.memory_space<hbm>>
      tpu.enqueue_dma source(%dma_start3A_478 : memref<80xi32, #tpu.memory_space<hbm>>) target(%arg9 : memref<80xi32, #tpu.memory_space<vmem>>) target_semaphore(%arg34 : memref<!tpu.dma_semaphore, #tpu.memory_space<semaphore_mem>>)
      %add3A_479 = arith.constant 320000 : i32
      %add3A_480 = arith.addi %add3A_479, %mul3A_2 : i32
      %mul3A_481 = arith.constant 80 : i32
      %mul3A_482 = arith.muli %add3A_473, %mul3A_481 : i32
      %add3A_483 = arith.addi %add3A_480, %mul3A_482 : i32
      %dma_start3A_484 = tpu.memref_slice %arg3[%add3A_483] : memref<640000xi32, #tpu.memory_space<hbm>> -> memref<80xi32, #tpu.memory_space<hbm>>
      %dma_start3A_485 = tpu.memref_slice %arg3[%add3A_483] : memref<640000xi32, #tpu.memory_space<hbm>> -> memref<80xi32, #tpu.memory_space<hbm>>
      tpu.enqueue_dma source(%dma_start3A_485 : memref<80xi32, #tpu.memory_space<hbm>>) target(%arg17 : memref<80xi32, #tpu.memory_space<vmem>>) target_semaphore(%arg34 : memref<!tpu.dma_semaphore, #tpu.memory_space<semaphore_mem>>)
      %mul3A_486 = arith.constant 8 : i32
      %mul3A_487 = arith.muli %mul3A_486, %scan3A_449 : i32
      %add3A_488 = arith.constant 3 : i32
      %add3A_489 = arith.addi %mul3A_487, %add3A_488 : i32
      %add3A_490 = arith.constant 1 : i32
      %add3A_491 = arith.addi %add3A_489, %add3A_490 : i32
      %dma_wait3A_492 = arith.constant 0 : i32
      %dma_wait3A_493 = arith.constant 0 : i32
      %dma_wait3A_494 = tpu.memref_slice %arg2[%dma_wait3A_492, %dma_wait3A_493] : memref<10000x128xf32, #tpu.memory_space<hbm>> -> memref<10000x128xf32, #tpu.memory_space<hbm>>
      tpu.wait_indirect_dma semaphore(%arg26 : memref<!tpu.dma_semaphore, #tpu.memory_space<semaphore_mem>>) src(%dma_wait3A_494 : memref<10000x128xf32, #tpu.memory_space<hbm>>) dst(%arg5 : memref<80x128xf32, #tpu.memory_space<vmem>>)
      %dma_start3A_495 = arith.constant 0 : i32
      %dma_start3A_496 = arith.constant 0 : i32
      %dma_start3A_497 = tpu.memref_slice %arg25[%dma_start3A_495, %dma_start3A_496] : memref<10240x128xf32, #tpu.memory_space<vmem_shared>> -> memref<10240x128xf32, #tpu.memory_space<vmem_shared>>
      tpu.enqueue_indirect_dma source(%arg5 : memref<80x128xf32, #tpu.memory_space<vmem>>) target(%dma_start3A_497 : memref<10240x128xf32, #tpu.memory_space<vmem_shared>>) offsets(%arg21 : memref<80xi32, #tpu.memory_space<vmem>>) semaphore(%arg30 : memref<!tpu.dma_semaphore, #tpu.memory_space<semaphore_mem>>) {add = true}
      %dma_wait3A_498 = arith.constant 0 : i32
      %dma_wait3A_499 = arith.constant 0 : i32
      %dma_wait3A_500 = tpu.memref_slice %arg25[%dma_wait3A_498, %dma_wait3A_499] : memref<10240x128xf32, #tpu.memory_space<vmem_shared>> -> memref<10240x128xf32, #tpu.memory_space<vmem_shared>>
      tpu.wait_indirect_dma semaphore(%arg33 : memref<!tpu.dma_semaphore, #tpu.memory_space<semaphore_mem>>) src(%arg5 : memref<80x128xf32, #tpu.memory_space<vmem>>) dst(%dma_wait3A_500 : memref<10240x128xf32, #tpu.memory_space<vmem_shared>>)
      %dma_wait3A_501 = tpu.memref_slice %arg3[%mul3A_2] : memref<640000xi32, #tpu.memory_space<hbm>> -> memref<80xi32, #tpu.memory_space<hbm>>
      %dma_wait3A_502 = tpu.memref_slice %arg3[%mul3A_2] : memref<640000xi32, #tpu.memory_space<hbm>> -> memref<80xi32, #tpu.memory_space<hbm>>
      tpu.wait_dma2 semaphore(%arg41 : memref<!tpu.dma_semaphore, #tpu.memory_space<semaphore_mem>>) src(%dma_wait3A_502 : memref<80xi32, #tpu.memory_space<hbm>>) dst(%arg16 : memref<80xi32, #tpu.memory_space<vmem>>)
      %dma_wait3A_503 = tpu.memref_slice %arg3[%mul3A_2] : memref<640000xi32, #tpu.memory_space<hbm>> -> memref<80xi32, #tpu.memory_space<hbm>>
      %dma_wait3A_504 = tpu.memref_slice %arg3[%mul3A_2] : memref<640000xi32, #tpu.memory_space<hbm>> -> memref<80xi32, #tpu.memory_space<hbm>>
      tpu.wait_dma2 semaphore(%arg41 : memref<!tpu.dma_semaphore, #tpu.memory_space<semaphore_mem>>) src(%dma_wait3A_504 : memref<80xi32, #tpu.memory_space<hbm>>) dst(%arg24 : memref<80xi32, #tpu.memory_space<vmem>>)
      %dma_start3A_505 = arith.constant 0 : i32
      %dma_start3A_506 = arith.constant 0 : i32
      %dma_start3A_507 = tpu.memref_slice %arg2[%dma_start3A_505, %dma_start3A_506] : memref<10000x128xf32, #tpu.memory_space<hbm>> -> memref<10000x128xf32, #tpu.memory_space<hbm>>
      tpu.enqueue_indirect_dma source(%dma_start3A_507 : memref<10000x128xf32, #tpu.memory_space<hbm>>) target(%arg8 : memref<80x128xf32, #tpu.memory_space<vmem>>) offsets(%arg16 : memref<80xi32, #tpu.memory_space<vmem>>) semaphore(%arg29 : memref<!tpu.dma_semaphore, #tpu.memory_space<semaphore_mem>>)
      %add3A_508 = arith.constant 5 : i32
      %add3A_509 = arith.addi %add3A_491, %add3A_508 : i32
      %mul3A_510 = arith.constant 80 : i32
      %mul3A_511 = arith.muli %add3A_509, %mul3A_510 : i32
      %add3A_512 = arith.addi %mul3A_2, %mul3A_511 : i32
      %dma_start3A_513 = tpu.memref_slice %arg3[%add3A_512] : memref<640000xi32, #tpu.memory_space<hbm>> -> memref<80xi32, #tpu.memory_space<hbm>>
      %dma_start3A_514 = tpu.memref_slice %arg3[%add3A_512] : memref<640000xi32, #tpu.memory_space<hbm>> -> memref<80xi32, #tpu.memory_space<hbm>>
      tpu.enqueue_dma source(%dma_start3A_514 : memref<80xi32, #tpu.memory_space<hbm>>) target(%arg10 : memref<80xi32, #tpu.memory_space<vmem>>) target_semaphore(%arg35 : memref<!tpu.dma_semaphore, #tpu.memory_space<semaphore_mem>>)
      %add3A_515 = arith.constant 320000 : i32
      %add3A_516 = arith.addi %add3A_515, %mul3A_2 : i32
      %mul3A_517 = arith.constant 80 : i32
      %mul3A_518 = arith.muli %add3A_509, %mul3A_517 : i32
      %add3A_519 = arith.addi %add3A_516, %mul3A_518 : i32
      %dma_start3A_520 = tpu.memref_slice %arg3[%add3A_519] : memref<640000xi32, #tpu.memory_space<hbm>> -> memref<80xi32, #tpu.memory_space<hbm>>
      %dma_start3A_521 = tpu.memref_slice %arg3[%add3A_519] : memref<640000xi32, #tpu.memory_space<hbm>> -> memref<80xi32, #tpu.memory_space<hbm>>
      tpu.enqueue_dma source(%dma_start3A_521 : memref<80xi32, #tpu.memory_space<hbm>>) target(%arg18 : memref<80xi32, #tpu.memory_space<vmem>>) target_semaphore(%arg35 : memref<!tpu.dma_semaphore, #tpu.memory_space<semaphore_mem>>)
      %mul3A_522 = arith.constant 8 : i32
      %mul3A_523 = arith.muli %mul3A_522, %scan3A_449 : i32
      %add3A_524 = arith.constant 3 : i32
      %add3A_525 = arith.addi %mul3A_523, %add3A_524 : i32
      %add3A_526 = arith.constant 2 : i32
      %add3A_527 = arith.addi %add3A_525, %add3A_526 : i32
      %dma_wait3A_528 = arith.constant 0 : i32
      %dma_wait3A_529 = arith.constant 0 : i32
      %dma_wait3A_530 = tpu.memref_slice %arg2[%dma_wait3A_528, %dma_wait3A_529] : memref<10000x128xf32, #tpu.memory_space<hbm>> -> memref<10000x128xf32, #tpu.memory_space<hbm>>
      tpu.wait_indirect_dma semaphore(%arg27 : memref<!tpu.dma_semaphore, #tpu.memory_space<semaphore_mem>>) src(%dma_wait3A_530 : memref<10000x128xf32, #tpu.memory_space<hbm>>) dst(%arg6 : memref<80x128xf32, #tpu.memory_space<vmem>>)
      %dma_start3A_531 = arith.constant 0 : i32
      %dma_start3A_532 = arith.constant 0 : i32
      %dma_start3A_533 = tpu.memref_slice %arg25[%dma_start3A_531, %dma_start3A_532] : memref<10240x128xf32, #tpu.memory_space<vmem_shared>> -> memref<10240x128xf32, #tpu.memory_space<vmem_shared>>
      tpu.enqueue_indirect_dma source(%arg6 : memref<80x128xf32, #tpu.memory_space<vmem>>) target(%dma_start3A_533 : memref<10240x128xf32, #tpu.memory_space<vmem_shared>>) offsets(%arg22 : memref<80xi32, #tpu.memory_space<vmem>>) semaphore(%arg31 : memref<!tpu.dma_semaphore, #tpu.memory_space<semaphore_mem>>) {add = true}
      %dma_wait3A_534 = arith.constant 0 : i32
      %dma_wait3A_535 = arith.constant 0 : i32
      %dma_wait3A_536 = tpu.memref_slice %arg25[%dma_wait3A_534, %dma_wait3A_535] : memref<10240x128xf32, #tpu.memory_space<vmem_shared>> -> memref<10240x128xf32, #tpu.memory_space<vmem_shared>>
      tpu.wait_indirect_dma semaphore(%arg30 : memref<!tpu.dma_semaphore, #tpu.memory_space<semaphore_mem>>) src(%arg5 : memref<80x128xf32, #tpu.memory_space<vmem>>) dst(%dma_wait3A_536 : memref<10240x128xf32, #tpu.memory_space<vmem_shared>>)
      %dma_wait3A_537 = tpu.memref_slice %arg3[%mul3A_2] : memref<640000xi32, #tpu.memory_space<hbm>> -> memref<80xi32, #tpu.memory_space<hbm>>
      %dma_wait3A_538 = tpu.memref_slice %arg3[%mul3A_2] : memref<640000xi32, #tpu.memory_space<hbm>> -> memref<80xi32, #tpu.memory_space<hbm>>
      tpu.wait_dma2 semaphore(%arg34 : memref<!tpu.dma_semaphore, #tpu.memory_space<semaphore_mem>>) src(%dma_wait3A_538 : memref<80xi32, #tpu.memory_space<hbm>>) dst(%arg9 : memref<80xi32, #tpu.memory_space<vmem>>)
      %dma_wait3A_539 = tpu.memref_slice %arg3[%mul3A_2] : memref<640000xi32, #tpu.memory_space<hbm>> -> memref<80xi32, #tpu.memory_space<hbm>>
      %dma_wait3A_540 = tpu.memref_slice %arg3[%mul3A_2] : memref<640000xi32, #tpu.memory_space<hbm>> -> memref<80xi32, #tpu.memory_space<hbm>>
      tpu.wait_dma2 semaphore(%arg34 : memref<!tpu.dma_semaphore, #tpu.memory_space<semaphore_mem>>) src(%dma_wait3A_540 : memref<80xi32, #tpu.memory_space<hbm>>) dst(%arg17 : memref<80xi32, #tpu.memory_space<vmem>>)
      %dma_start3A_541 = arith.constant 0 : i32
      %dma_start3A_542 = arith.constant 0 : i32
      %dma_start3A_543 = tpu.memref_slice %arg2[%dma_start3A_541, %dma_start3A_542] : memref<10000x128xf32, #tpu.memory_space<hbm>> -> memref<10000x128xf32, #tpu.memory_space<hbm>>
      tpu.enqueue_indirect_dma source(%dma_start3A_543 : memref<10000x128xf32, #tpu.memory_space<hbm>>) target(%arg5 : memref<80x128xf32, #tpu.memory_space<vmem>>) offsets(%arg9 : memref<80xi32, #tpu.memory_space<vmem>>) semaphore(%arg26 : memref<!tpu.dma_semaphore, #tpu.memory_space<semaphore_mem>>)
      %add3A_544 = arith.constant 5 : i32
      %add3A_545 = arith.addi %add3A_527, %add3A_544 : i32
      %mul3A_546 = arith.constant 80 : i32
      %mul3A_547 = arith.muli %add3A_545, %mul3A_546 : i32
      %add3A_548 = arith.addi %mul3A_2, %mul3A_547 : i32
      %dma_start3A_549 = tpu.memref_slice %arg3[%add3A_548] : memref<640000xi32, #tpu.memory_space<hbm>> -> memref<80xi32, #tpu.memory_space<hbm>>
      %dma_start3A_550 = tpu.memref_slice %arg3[%add3A_548] : memref<640000xi32, #tpu.memory_space<hbm>> -> memref<80xi32, #tpu.memory_space<hbm>>
      tpu.enqueue_dma source(%dma_start3A_550 : memref<80xi32, #tpu.memory_space<hbm>>) target(%arg11 : memref<80xi32, #tpu.memory_space<vmem>>) target_semaphore(%arg36 : memref<!tpu.dma_semaphore, #tpu.memory_space<semaphore_mem>>)
      %add3A_551 = arith.constant 320000 : i32
      %add3A_552 = arith.addi %add3A_551, %mul3A_2 : i32
      %mul3A_553 = arith.constant 80 : i32
      %mul3A_554 = arith.muli %add3A_545, %mul3A_553 : i32
      %add3A_555 = arith.addi %add3A_552, %mul3A_554 : i32
      %dma_start3A_556 = tpu.memref_slice %arg3[%add3A_555] : memref<640000xi32, #tpu.memory_space<hbm>> -> memref<80xi32, #tpu.memory_space<hbm>>
      %dma_start3A_557 = tpu.memref_slice %arg3[%add3A_555] : memref<640000xi32, #tpu.memory_space<hbm>> -> memref<80xi32, #tpu.memory_space<hbm>>
      tpu.enqueue_dma source(%dma_start3A_557 : memref<80xi32, #tpu.memory_space<hbm>>) target(%arg19 : memref<80xi32, #tpu.memory_space<vmem>>) target_semaphore(%arg36 : memref<!tpu.dma_semaphore, #tpu.memory_space<semaphore_mem>>)
      %mul3A_558 = arith.constant 8 : i32
      %mul3A_559 = arith.muli %mul3A_558, %scan3A_449 : i32
      %add3A_560 = arith.constant 3 : i32
      %add3A_561 = arith.addi %mul3A_559, %add3A_560 : i32
      %add3A_562 = arith.constant 3 : i32
      %add3A_563 = arith.addi %add3A_561, %add3A_562 : i32
      %dma_wait3A_564 = arith.constant 0 : i32
      %dma_wait3A_565 = arith.constant 0 : i32
      %dma_wait3A_566 = tpu.memref_slice %arg2[%dma_wait3A_564, %dma_wait3A_565] : memref<10000x128xf32, #tpu.memory_space<hbm>> -> memref<10000x128xf32, #tpu.memory_space<hbm>>
      tpu.wait_indirect_dma semaphore(%arg28 : memref<!tpu.dma_semaphore, #tpu.memory_space<semaphore_mem>>) src(%dma_wait3A_566 : memref<10000x128xf32, #tpu.memory_space<hbm>>) dst(%arg7 : memref<80x128xf32, #tpu.memory_space<vmem>>)
      %dma_start3A_567 = arith.constant 0 : i32
      %dma_start3A_568 = arith.constant 0 : i32
      %dma_start3A_569 = tpu.memref_slice %arg25[%dma_start3A_567, %dma_start3A_568] : memref<10240x128xf32, #tpu.memory_space<vmem_shared>> -> memref<10240x128xf32, #tpu.memory_space<vmem_shared>>
      tpu.enqueue_indirect_dma source(%arg7 : memref<80x128xf32, #tpu.memory_space<vmem>>) target(%dma_start3A_569 : memref<10240x128xf32, #tpu.memory_space<vmem_shared>>) offsets(%arg23 : memref<80xi32, #tpu.memory_space<vmem>>) semaphore(%arg32 : memref<!tpu.dma_semaphore, #tpu.memory_space<semaphore_mem>>) {add = true}
      %dma_wait3A_570 = arith.constant 0 : i32
      %dma_wait3A_571 = arith.constant 0 : i32
      %dma_wait3A_572 = tpu.memref_slice %arg25[%dma_wait3A_570, %dma_wait3A_571] : memref<10240x128xf32, #tpu.memory_space<vmem_shared>> -> memref<10240x128xf32, #tpu.memory_space<vmem_shared>>
      tpu.wait_indirect_dma semaphore(%arg31 : memref<!tpu.dma_semaphore, #tpu.memory_space<semaphore_mem>>) src(%arg5 : memref<80x128xf32, #tpu.memory_space<vmem>>) dst(%dma_wait3A_572 : memref<10240x128xf32, #tpu.memory_space<vmem_shared>>)
      %dma_wait3A_573 = tpu.memref_slice %arg3[%mul3A_2] : memref<640000xi32, #tpu.memory_space<hbm>> -> memref<80xi32, #tpu.memory_space<hbm>>
      %dma_wait3A_574 = tpu.memref_slice %arg3[%mul3A_2] : memref<640000xi32, #tpu.memory_space<hbm>> -> memref<80xi32, #tpu.memory_space<hbm>>
      tpu.wait_dma2 semaphore(%arg35 : memref<!tpu.dma_semaphore, #tpu.memory_space<semaphore_mem>>) src(%dma_wait3A_574 : memref<80xi32, #tpu.memory_space<hbm>>) dst(%arg10 : memref<80xi32, #tpu.memory_space<vmem>>)
      %dma_wait3A_575 = tpu.memref_slice %arg3[%mul3A_2] : memref<640000xi32, #tpu.memory_space<hbm>> -> memref<80xi32, #tpu.memory_space<hbm>>
      %dma_wait3A_576 = tpu.memref_slice %arg3[%mul3A_2] : memref<640000xi32, #tpu.memory_space<hbm>> -> memref<80xi32, #tpu.memory_space<hbm>>
      tpu.wait_dma2 semaphore(%arg35 : memref<!tpu.dma_semaphore, #tpu.memory_space<semaphore_mem>>) src(%dma_wait3A_576 : memref<80xi32, #tpu.memory_space<hbm>>) dst(%arg18 : memref<80xi32, #tpu.memory_space<vmem>>)
      %dma_start3A_577 = arith.constant 0 : i32
      %dma_start3A_578 = arith.constant 0 : i32
      %dma_start3A_579 = tpu.memref_slice %arg2[%dma_start3A_577, %dma_start3A_578] : memref<10000x128xf32, #tpu.memory_space<hbm>> -> memref<10000x128xf32, #tpu.memory_space<hbm>>
      tpu.enqueue_indirect_dma source(%dma_start3A_579 : memref<10000x128xf32, #tpu.memory_space<hbm>>) target(%arg6 : memref<80x128xf32, #tpu.memory_space<vmem>>) offsets(%arg10 : memref<80xi32, #tpu.memory_space<vmem>>) semaphore(%arg27 : memref<!tpu.dma_semaphore, #tpu.memory_space<semaphore_mem>>)
      %add3A_580 = arith.constant 5 : i32
      %add3A_581 = arith.addi %add3A_563, %add3A_580 : i32
      %mul3A_582 = arith.constant 80 : i32
      %mul3A_583 = arith.muli %add3A_581, %mul3A_582 : i32
      %add3A_584 = arith.addi %mul3A_2, %mul3A_583 : i32
      %dma_start3A_585 = tpu.memref_slice %arg3[%add3A_584] : memref<640000xi32, #tpu.memory_space<hbm>> -> memref<80xi32, #tpu.memory_space<hbm>>
      %dma_start3A_586 = tpu.memref_slice %arg3[%add3A_584] : memref<640000xi32, #tpu.memory_space<hbm>> -> memref<80xi32, #tpu.memory_space<hbm>>
      tpu.enqueue_dma source(%dma_start3A_586 : memref<80xi32, #tpu.memory_space<hbm>>) target(%arg12 : memref<80xi32, #tpu.memory_space<vmem>>) target_semaphore(%arg37 : memref<!tpu.dma_semaphore, #tpu.memory_space<semaphore_mem>>)
      %add3A_587 = arith.constant 320000 : i32
      %add3A_588 = arith.addi %add3A_587, %mul3A_2 : i32
      %mul3A_589 = arith.constant 80 : i32
      %mul3A_590 = arith.muli %add3A_581, %mul3A_589 : i32
      %add3A_591 = arith.addi %add3A_588, %mul3A_590 : i32
      %dma_start3A_592 = tpu.memref_slice %arg3[%add3A_591] : memref<640000xi32, #tpu.memory_space<hbm>> -> memref<80xi32, #tpu.memory_space<hbm>>
      %dma_start3A_593 = tpu.memref_slice %arg3[%add3A_591] : memref<640000xi32, #tpu.memory_space<hbm>> -> memref<80xi32, #tpu.memory_space<hbm>>
      tpu.enqueue_dma source(%dma_start3A_593 : memref<80xi32, #tpu.memory_space<hbm>>) target(%arg20 : memref<80xi32, #tpu.memory_space<vmem>>) target_semaphore(%arg37 : memref<!tpu.dma_semaphore, #tpu.memory_space<semaphore_mem>>)
      %mul3A_594 = arith.constant 8 : i32
      %mul3A_595 = arith.muli %mul3A_594, %scan3A_449 : i32
      %add3A_596 = arith.constant 3 : i32
      %add3A_597 = arith.addi %mul3A_595, %add3A_596 : i32
      %add3A_598 = arith.constant 4 : i32
      %add3A_599 = arith.addi %add3A_597, %add3A_598 : i32
      %dma_wait3A_600 = arith.constant 0 : i32
      %dma_wait3A_601 = arith.constant 0 : i32
      %dma_wait3A_602 = tpu.memref_slice %arg2[%dma_wait3A_600, %dma_wait3A_601] : memref<10000x128xf32, #tpu.memory_space<hbm>> -> memref<10000x128xf32, #tpu.memory_space<hbm>>
      tpu.wait_indirect_dma semaphore(%arg29 : memref<!tpu.dma_semaphore, #tpu.memory_space<semaphore_mem>>) src(%dma_wait3A_602 : memref<10000x128xf32, #tpu.memory_space<hbm>>) dst(%arg8 : memref<80x128xf32, #tpu.memory_space<vmem>>)
      %dma_start3A_603 = arith.constant 0 : i32
      %dma_start3A_604 = arith.constant 0 : i32
      %dma_start3A_605 = tpu.memref_slice %arg25[%dma_start3A_603, %dma_start3A_604] : memref<10240x128xf32, #tpu.memory_space<vmem_shared>> -> memref<10240x128xf32, #tpu.memory_space<vmem_shared>>
      tpu.enqueue_indirect_dma source(%arg8 : memref<80x128xf32, #tpu.memory_space<vmem>>) target(%dma_start3A_605 : memref<10240x128xf32, #tpu.memory_space<vmem_shared>>) offsets(%arg24 : memref<80xi32, #tpu.memory_space<vmem>>) semaphore(%arg33 : memref<!tpu.dma_semaphore, #tpu.memory_space<semaphore_mem>>) {add = true}
      %dma_wait3A_606 = arith.constant 0 : i32
      %dma_wait3A_607 = arith.constant 0 : i32
      %dma_wait3A_608 = tpu.memref_slice %arg25[%dma_wait3A_606, %dma_wait3A_607] : memref<10240x128xf32, #tpu.memory_space<vmem_shared>> -> memref<10240x128xf32, #tpu.memory_space<vmem_shared>>
      tpu.wait_indirect_dma semaphore(%arg32 : memref<!tpu.dma_semaphore, #tpu.memory_space<semaphore_mem>>) src(%arg5 : memref<80x128xf32, #tpu.memory_space<vmem>>) dst(%dma_wait3A_608 : memref<10240x128xf32, #tpu.memory_space<vmem_shared>>)
      %dma_wait3A_609 = tpu.memref_slice %arg3[%mul3A_2] : memref<640000xi32, #tpu.memory_space<hbm>> -> memref<80xi32, #tpu.memory_space<hbm>>
      %dma_wait3A_610 = tpu.memref_slice %arg3[%mul3A_2] : memref<640000xi32, #tpu.memory_space<hbm>> -> memref<80xi32, #tpu.memory_space<hbm>>
      tpu.wait_dma2 semaphore(%arg36 : memref<!tpu.dma_semaphore, #tpu.memory_space<semaphore_mem>>) src(%dma_wait3A_610 : memref<80xi32, #tpu.memory_space<hbm>>) dst(%arg11 : memref<80xi32, #tpu.memory_space<vmem>>)
      %dma_wait3A_611 = tpu.memref_slice %arg3[%mul3A_2] : memref<640000xi32, #tpu.memory_space<hbm>> -> memref<80xi32, #tpu.memory_space<hbm>>
      %dma_wait3A_612 = tpu.memref_slice %arg3[%mul3A_2] : memref<640000xi32, #tpu.memory_space<hbm>> -> memref<80xi32, #tpu.memory_space<hbm>>
      tpu.wait_dma2 semaphore(%arg36 : memref<!tpu.dma_semaphore, #tpu.memory_space<semaphore_mem>>) src(%dma_wait3A_612 : memref<80xi32, #tpu.memory_space<hbm>>) dst(%arg19 : memref<80xi32, #tpu.memory_space<vmem>>)
      %dma_start3A_613 = arith.constant 0 : i32
      %dma_start3A_614 = arith.constant 0 : i32
      %dma_start3A_615 = tpu.memref_slice %arg2[%dma_start3A_613, %dma_start3A_614] : memref<10000x128xf32, #tpu.memory_space<hbm>> -> memref<10000x128xf32, #tpu.memory_space<hbm>>
      tpu.enqueue_indirect_dma source(%dma_start3A_615 : memref<10000x128xf32, #tpu.memory_space<hbm>>) target(%arg7 : memref<80x128xf32, #tpu.memory_space<vmem>>) offsets(%arg11 : memref<80xi32, #tpu.memory_space<vmem>>) semaphore(%arg28 : memref<!tpu.dma_semaphore, #tpu.memory_space<semaphore_mem>>)
      %add3A_616 = arith.constant 5 : i32
      %add3A_617 = arith.addi %add3A_599, %add3A_616 : i32
      %mul3A_618 = arith.constant 80 : i32
      %mul3A_619 = arith.muli %add3A_617, %mul3A_618 : i32
      %add3A_620 = arith.addi %mul3A_2, %mul3A_619 : i32
      %dma_start3A_621 = tpu.memref_slice %arg3[%add3A_620] : memref<640000xi32, #tpu.memory_space<hbm>> -> memref<80xi32, #tpu.memory_space<hbm>>
      %dma_start3A_622 = tpu.memref_slice %arg3[%add3A_620] : memref<640000xi32, #tpu.memory_space<hbm>> -> memref<80xi32, #tpu.memory_space<hbm>>
      tpu.enqueue_dma source(%dma_start3A_622 : memref<80xi32, #tpu.memory_space<hbm>>) target(%arg13 : memref<80xi32, #tpu.memory_space<vmem>>) target_semaphore(%arg38 : memref<!tpu.dma_semaphore, #tpu.memory_space<semaphore_mem>>)
      %add3A_623 = arith.constant 320000 : i32
      %add3A_624 = arith.addi %add3A_623, %mul3A_2 : i32
      %mul3A_625 = arith.constant 80 : i32
      %mul3A_626 = arith.muli %add3A_617, %mul3A_625 : i32
      %add3A_627 = arith.addi %add3A_624, %mul3A_626 : i32
      %dma_start3A_628 = tpu.memref_slice %arg3[%add3A_627] : memref<640000xi32, #tpu.memory_space<hbm>> -> memref<80xi32, #tpu.memory_space<hbm>>
      %dma_start3A_629 = tpu.memref_slice %arg3[%add3A_627] : memref<640000xi32, #tpu.memory_space<hbm>> -> memref<80xi32, #tpu.memory_space<hbm>>
      tpu.enqueue_dma source(%dma_start3A_629 : memref<80xi32, #tpu.memory_space<hbm>>) target(%arg21 : memref<80xi32, #tpu.memory_space<vmem>>) target_semaphore(%arg38 : memref<!tpu.dma_semaphore, #tpu.memory_space<semaphore_mem>>)
      %mul3A_630 = arith.constant 8 : i32
      %mul3A_631 = arith.muli %mul3A_630, %scan3A_449 : i32
      %add3A_632 = arith.constant 3 : i32
      %add3A_633 = arith.addi %mul3A_631, %add3A_632 : i32
      %add3A_634 = arith.constant 5 : i32
      %add3A_635 = arith.addi %add3A_633, %add3A_634 : i32
      %dma_wait3A_636 = arith.constant 0 : i32
      %dma_wait3A_637 = arith.constant 0 : i32
      %dma_wait3A_638 = tpu.memref_slice %arg2[%dma_wait3A_636, %dma_wait3A_637] : memref<10000x128xf32, #tpu.memory_space<hbm>> -> memref<10000x128xf32, #tpu.memory_space<hbm>>
      tpu.wait_indirect_dma semaphore(%arg26 : memref<!tpu.dma_semaphore, #tpu.memory_space<semaphore_mem>>) src(%dma_wait3A_638 : memref<10000x128xf32, #tpu.memory_space<hbm>>) dst(%arg5 : memref<80x128xf32, #tpu.memory_space<vmem>>)
      %dma_start3A_639 = arith.constant 0 : i32
      %dma_start3A_640 = arith.constant 0 : i32
      %dma_start3A_641 = tpu.memref_slice %arg25[%dma_start3A_639, %dma_start3A_640] : memref<10240x128xf32, #tpu.memory_space<vmem_shared>> -> memref<10240x128xf32, #tpu.memory_space<vmem_shared>>
      tpu.enqueue_indirect_dma source(%arg5 : memref<80x128xf32, #tpu.memory_space<vmem>>) target(%dma_start3A_641 : memref<10240x128xf32, #tpu.memory_space<vmem_shared>>) offsets(%arg17 : memref<80xi32, #tpu.memory_space<vmem>>) semaphore(%arg30 : memref<!tpu.dma_semaphore, #tpu.memory_space<semaphore_mem>>) {add = true}
      %dma_wait3A_642 = arith.constant 0 : i32
      %dma_wait3A_643 = arith.constant 0 : i32
      %dma_wait3A_644 = tpu.memref_slice %arg25[%dma_wait3A_642, %dma_wait3A_643] : memref<10240x128xf32, #tpu.memory_space<vmem_shared>> -> memref<10240x128xf32, #tpu.memory_space<vmem_shared>>
      tpu.wait_indirect_dma semaphore(%arg33 : memref<!tpu.dma_semaphore, #tpu.memory_space<semaphore_mem>>) src(%arg5 : memref<80x128xf32, #tpu.memory_space<vmem>>) dst(%dma_wait3A_644 : memref<10240x128xf32, #tpu.memory_space<vmem_shared>>)
      %dma_wait3A_645 = tpu.memref_slice %arg3[%mul3A_2] : memref<640000xi32, #tpu.memory_space<hbm>> -> memref<80xi32, #tpu.memory_space<hbm>>
      %dma_wait3A_646 = tpu.memref_slice %arg3[%mul3A_2] : memref<640000xi32, #tpu.memory_space<hbm>> -> memref<80xi32, #tpu.memory_space<hbm>>
      tpu.wait_dma2 semaphore(%arg37 : memref<!tpu.dma_semaphore, #tpu.memory_space<semaphore_mem>>) src(%dma_wait3A_646 : memref<80xi32, #tpu.memory_space<hbm>>) dst(%arg12 : memref<80xi32, #tpu.memory_space<vmem>>)
      %dma_wait3A_647 = tpu.memref_slice %arg3[%mul3A_2] : memref<640000xi32, #tpu.memory_space<hbm>> -> memref<80xi32, #tpu.memory_space<hbm>>
      %dma_wait3A_648 = tpu.memref_slice %arg3[%mul3A_2] : memref<640000xi32, #tpu.memory_space<hbm>> -> memref<80xi32, #tpu.memory_space<hbm>>
      tpu.wait_dma2 semaphore(%arg37 : memref<!tpu.dma_semaphore, #tpu.memory_space<semaphore_mem>>) src(%dma_wait3A_648 : memref<80xi32, #tpu.memory_space<hbm>>) dst(%arg20 : memref<80xi32, #tpu.memory_space<vmem>>)
      %dma_start3A_649 = arith.constant 0 : i32
      %dma_start3A_650 = arith.constant 0 : i32
      %dma_start3A_651 = tpu.memref_slice %arg2[%dma_start3A_649, %dma_start3A_650] : memref<10000x128xf32, #tpu.memory_space<hbm>> -> memref<10000x128xf32, #tpu.memory_space<hbm>>
      tpu.enqueue_indirect_dma source(%dma_start3A_651 : memref<10000x128xf32, #tpu.memory_space<hbm>>) target(%arg8 : memref<80x128xf32, #tpu.memory_space<vmem>>) offsets(%arg12 : memref<80xi32, #tpu.memory_space<vmem>>) semaphore(%arg29 : memref<!tpu.dma_semaphore, #tpu.memory_space<semaphore_mem>>)
      %add3A_652 = arith.constant 5 : i32
      %add3A_653 = arith.addi %add3A_635, %add3A_652 : i32
      %mul3A_654 = arith.constant 80 : i32
      %mul3A_655 = arith.muli %add3A_653, %mul3A_654 : i32
      %add3A_656 = arith.addi %mul3A_2, %mul3A_655 : i32
      %dma_start3A_657 = tpu.memref_slice %arg3[%add3A_656] : memref<640000xi32, #tpu.memory_space<hbm>> -> memref<80xi32, #tpu.memory_space<hbm>>
      %dma_start3A_658 = tpu.memref_slice %arg3[%add3A_656] : memref<640000xi32, #tpu.memory_space<hbm>> -> memref<80xi32, #tpu.memory_space<hbm>>
      tpu.enqueue_dma source(%dma_start3A_658 : memref<80xi32, #tpu.memory_space<hbm>>) target(%arg14 : memref<80xi32, #tpu.memory_space<vmem>>) target_semaphore(%arg39 : memref<!tpu.dma_semaphore, #tpu.memory_space<semaphore_mem>>)
      %add3A_659 = arith.constant 320000 : i32
      %add3A_660 = arith.addi %add3A_659, %mul3A_2 : i32
      %mul3A_661 = arith.constant 80 : i32
      %mul3A_662 = arith.muli %add3A_653, %mul3A_661 : i32
      %add3A_663 = arith.addi %add3A_660, %mul3A_662 : i32
      %dma_start3A_664 = tpu.memref_slice %arg3[%add3A_663] : memref<640000xi32, #tpu.memory_space<hbm>> -> memref<80xi32, #tpu.memory_space<hbm>>
      %dma_start3A_665 = tpu.memref_slice %arg3[%add3A_663] : memref<640000xi32, #tpu.memory_space<hbm>> -> memref<80xi32, #tpu.memory_space<hbm>>
      tpu.enqueue_dma source(%dma_start3A_665 : memref<80xi32, #tpu.memory_space<hbm>>) target(%arg22 : memref<80xi32, #tpu.memory_space<vmem>>) target_semaphore(%arg39 : memref<!tpu.dma_semaphore, #tpu.memory_space<semaphore_mem>>)
      %mul3A_666 = arith.constant 8 : i32
      %mul3A_667 = arith.muli %mul3A_666, %scan3A_449 : i32
      %add3A_668 = arith.constant 3 : i32
      %add3A_669 = arith.addi %mul3A_667, %add3A_668 : i32
      %add3A_670 = arith.constant 6 : i32
      %add3A_671 = arith.addi %add3A_669, %add3A_670 : i32
      %dma_wait3A_672 = arith.constant 0 : i32
      %dma_wait3A_673 = arith.constant 0 : i32
      %dma_wait3A_674 = tpu.memref_slice %arg2[%dma_wait3A_672, %dma_wait3A_673] : memref<10000x128xf32, #tpu.memory_space<hbm>> -> memref<10000x128xf32, #tpu.memory_space<hbm>>
      tpu.wait_indirect_dma semaphore(%arg27 : memref<!tpu.dma_semaphore, #tpu.memory_space<semaphore_mem>>) src(%dma_wait3A_674 : memref<10000x128xf32, #tpu.memory_space<hbm>>) dst(%arg6 : memref<80x128xf32, #tpu.memory_space<vmem>>)
      %dma_start3A_675 = arith.constant 0 : i32
      %dma_start3A_676 = arith.constant 0 : i32
      %dma_start3A_677 = tpu.memref_slice %arg25[%dma_start3A_675, %dma_start3A_676] : memref<10240x128xf32, #tpu.memory_space<vmem_shared>> -> memref<10240x128xf32, #tpu.memory_space<vmem_shared>>
      tpu.enqueue_indirect_dma source(%arg6 : memref<80x128xf32, #tpu.memory_space<vmem>>) target(%dma_start3A_677 : memref<10240x128xf32, #tpu.memory_space<vmem_shared>>) offsets(%arg18 : memref<80xi32, #tpu.memory_space<vmem>>) semaphore(%arg31 : memref<!tpu.dma_semaphore, #tpu.memory_space<semaphore_mem>>) {add = true}
      %dma_wait3A_678 = arith.constant 0 : i32
      %dma_wait3A_679 = arith.constant 0 : i32
      %dma_wait3A_680 = tpu.memref_slice %arg25[%dma_wait3A_678, %dma_wait3A_679] : memref<10240x128xf32, #tpu.memory_space<vmem_shared>> -> memref<10240x128xf32, #tpu.memory_space<vmem_shared>>
      tpu.wait_indirect_dma semaphore(%arg30 : memref<!tpu.dma_semaphore, #tpu.memory_space<semaphore_mem>>) src(%arg5 : memref<80x128xf32, #tpu.memory_space<vmem>>) dst(%dma_wait3A_680 : memref<10240x128xf32, #tpu.memory_space<vmem_shared>>)
      %dma_wait3A_681 = tpu.memref_slice %arg3[%mul3A_2] : memref<640000xi32, #tpu.memory_space<hbm>> -> memref<80xi32, #tpu.memory_space<hbm>>
      %dma_wait3A_682 = tpu.memref_slice %arg3[%mul3A_2] : memref<640000xi32, #tpu.memory_space<hbm>> -> memref<80xi32, #tpu.memory_space<hbm>>
      tpu.wait_dma2 semaphore(%arg38 : memref<!tpu.dma_semaphore, #tpu.memory_space<semaphore_mem>>) src(%dma_wait3A_682 : memref<80xi32, #tpu.memory_space<hbm>>) dst(%arg13 : memref<80xi32, #tpu.memory_space<vmem>>)
      %dma_wait3A_683 = tpu.memref_slice %arg3[%mul3A_2] : memref<640000xi32, #tpu.memory_space<hbm>> -> memref<80xi32, #tpu.memory_space<hbm>>
      %dma_wait3A_684 = tpu.memref_slice %arg3[%mul3A_2] : memref<640000xi32, #tpu.memory_space<hbm>> -> memref<80xi32, #tpu.memory_space<hbm>>
      tpu.wait_dma2 semaphore(%arg38 : memref<!tpu.dma_semaphore, #tpu.memory_space<semaphore_mem>>) src(%dma_wait3A_684 : memref<80xi32, #tpu.memory_space<hbm>>) dst(%arg21 : memref<80xi32, #tpu.memory_space<vmem>>)
      %dma_start3A_685 = arith.constant 0 : i32
      %dma_start3A_686 = arith.constant 0 : i32
      %dma_start3A_687 = tpu.memref_slice %arg2[%dma_start3A_685, %dma_start3A_686] : memref<10000x128xf32, #tpu.memory_space<hbm>> -> memref<10000x128xf32, #tpu.memory_space<hbm>>
      tpu.enqueue_indirect_dma source(%dma_start3A_687 : memref<10000x128xf32, #tpu.memory_space<hbm>>) target(%arg5 : memref<80x128xf32, #tpu.memory_space<vmem>>) offsets(%arg13 : memref<80xi32, #tpu.memory_space<vmem>>) semaphore(%arg26 : memref<!tpu.dma_semaphore, #tpu.memory_space<semaphore_mem>>)
      %add3A_688 = arith.constant 5 : i32
      %add3A_689 = arith.addi %add3A_671, %add3A_688 : i32
      %mul3A_690 = arith.constant 80 : i32
      %mul3A_691 = arith.muli %add3A_689, %mul3A_690 : i32
      %add3A_692 = arith.addi %mul3A_2, %mul3A_691 : i32
      %dma_start3A_693 = tpu.memref_slice %arg3[%add3A_692] : memref<640000xi32, #tpu.memory_space<hbm>> -> memref<80xi32, #tpu.memory_space<hbm>>
      %dma_start3A_694 = tpu.memref_slice %arg3[%add3A_692] : memref<640000xi32, #tpu.memory_space<hbm>> -> memref<80xi32, #tpu.memory_space<hbm>>
      tpu.enqueue_dma source(%dma_start3A_694 : memref<80xi32, #tpu.memory_space<hbm>>) target(%arg15 : memref<80xi32, #tpu.memory_space<vmem>>) target_semaphore(%arg40 : memref<!tpu.dma_semaphore, #tpu.memory_space<semaphore_mem>>)
      %add3A_695 = arith.constant 320000 : i32
      %add3A_696 = arith.addi %add3A_695, %mul3A_2 : i32
      %mul3A_697 = arith.constant 80 : i32
      %mul3A_698 = arith.muli %add3A_689, %mul3A_697 : i32
      %add3A_699 = arith.addi %add3A_696, %mul3A_698 : i32
      %dma_start3A_700 = tpu.memref_slice %arg3[%add3A_699] : memref<640000xi32, #tpu.memory_space<hbm>> -> memref<80xi32, #tpu.memory_space<hbm>>
      %dma_start3A_701 = tpu.memref_slice %arg3[%add3A_699] : memref<640000xi32, #tpu.memory_space<hbm>> -> memref<80xi32, #tpu.memory_space<hbm>>
      tpu.enqueue_dma source(%dma_start3A_701 : memref<80xi32, #tpu.memory_space<hbm>>) target(%arg23 : memref<80xi32, #tpu.memory_space<vmem>>) target_semaphore(%arg40 : memref<!tpu.dma_semaphore, #tpu.memory_space<semaphore_mem>>)
      %mul3A_702 = arith.constant 8 : i32
      %mul3A_703 = arith.muli %mul3A_702, %scan3A_449 : i32
      %add3A_704 = arith.constant 3 : i32
      %add3A_705 = arith.addi %mul3A_703, %add3A_704 : i32
      %add3A_706 = arith.constant 7 : i32
      %add3A_707 = arith.addi %add3A_705, %add3A_706 : i32
      %dma_wait3A_708 = arith.constant 0 : i32
      %dma_wait3A_709 = arith.constant 0 : i32
      %dma_wait3A_710 = tpu.memref_slice %arg2[%dma_wait3A_708, %dma_wait3A_709] : memref<10000x128xf32, #tpu.memory_space<hbm>> -> memref<10000x128xf32, #tpu.memory_space<hbm>>
      tpu.wait_indirect_dma semaphore(%arg28 : memref<!tpu.dma_semaphore, #tpu.memory_space<semaphore_mem>>) src(%dma_wait3A_710 : memref<10000x128xf32, #tpu.memory_space<hbm>>) dst(%arg7 : memref<80x128xf32, #tpu.memory_space<vmem>>)
      %dma_start3A_711 = arith.constant 0 : i32
      %dma_start3A_712 = arith.constant 0 : i32
      %dma_start3A_713 = tpu.memref_slice %arg25[%dma_start3A_711, %dma_start3A_712] : memref<10240x128xf32, #tpu.memory_space<vmem_shared>> -> memref<10240x128xf32, #tpu.memory_space<vmem_shared>>
      tpu.enqueue_indirect_dma source(%arg7 : memref<80x128xf32, #tpu.memory_space<vmem>>) target(%dma_start3A_713 : memref<10240x128xf32, #tpu.memory_space<vmem_shared>>) offsets(%arg19 : memref<80xi32, #tpu.memory_space<vmem>>) semaphore(%arg32 : memref<!tpu.dma_semaphore, #tpu.memory_space<semaphore_mem>>) {add = true}
      %dma_wait3A_714 = arith.constant 0 : i32
      %dma_wait3A_715 = arith.constant 0 : i32
      %dma_wait3A_716 = tpu.memref_slice %arg25[%dma_wait3A_714, %dma_wait3A_715] : memref<10240x128xf32, #tpu.memory_space<vmem_shared>> -> memref<10240x128xf32, #tpu.memory_space<vmem_shared>>
      tpu.wait_indirect_dma semaphore(%arg31 : memref<!tpu.dma_semaphore, #tpu.memory_space<semaphore_mem>>) src(%arg5 : memref<80x128xf32, #tpu.memory_space<vmem>>) dst(%dma_wait3A_716 : memref<10240x128xf32, #tpu.memory_space<vmem_shared>>)
      %dma_wait3A_717 = tpu.memref_slice %arg3[%mul3A_2] : memref<640000xi32, #tpu.memory_space<hbm>> -> memref<80xi32, #tpu.memory_space<hbm>>
      %dma_wait3A_718 = tpu.memref_slice %arg3[%mul3A_2] : memref<640000xi32, #tpu.memory_space<hbm>> -> memref<80xi32, #tpu.memory_space<hbm>>
      tpu.wait_dma2 semaphore(%arg39 : memref<!tpu.dma_semaphore, #tpu.memory_space<semaphore_mem>>) src(%dma_wait3A_718 : memref<80xi32, #tpu.memory_space<hbm>>) dst(%arg14 : memref<80xi32, #tpu.memory_space<vmem>>)
      %dma_wait3A_719 = tpu.memref_slice %arg3[%mul3A_2] : memref<640000xi32, #tpu.memory_space<hbm>> -> memref<80xi32, #tpu.memory_space<hbm>>
      %dma_wait3A_720 = tpu.memref_slice %arg3[%mul3A_2] : memref<640000xi32, #tpu.memory_space<hbm>> -> memref<80xi32, #tpu.memory_space<hbm>>
      tpu.wait_dma2 semaphore(%arg39 : memref<!tpu.dma_semaphore, #tpu.memory_space<semaphore_mem>>) src(%dma_wait3A_720 : memref<80xi32, #tpu.memory_space<hbm>>) dst(%arg22 : memref<80xi32, #tpu.memory_space<vmem>>)
      %dma_start3A_721 = arith.constant 0 : i32
      %dma_start3A_722 = arith.constant 0 : i32
      %dma_start3A_723 = tpu.memref_slice %arg2[%dma_start3A_721, %dma_start3A_722] : memref<10000x128xf32, #tpu.memory_space<hbm>> -> memref<10000x128xf32, #tpu.memory_space<hbm>>
      tpu.enqueue_indirect_dma source(%dma_start3A_723 : memref<10000x128xf32, #tpu.memory_space<hbm>>) target(%arg6 : memref<80x128xf32, #tpu.memory_space<vmem>>) offsets(%arg14 : memref<80xi32, #tpu.memory_space<vmem>>) semaphore(%arg27 : memref<!tpu.dma_semaphore, #tpu.memory_space<semaphore_mem>>)
      %add3A_724 = arith.constant 5 : i32
      %add3A_725 = arith.addi %add3A_707, %add3A_724 : i32
      %mul3A_726 = arith.constant 80 : i32
      %mul3A_727 = arith.muli %add3A_725, %mul3A_726 : i32
      %add3A_728 = arith.addi %mul3A_2, %mul3A_727 : i32
      %dma_start3A_729 = tpu.memref_slice %arg3[%add3A_728] : memref<640000xi32, #tpu.memory_space<hbm>> -> memref<80xi32, #tpu.memory_space<hbm>>
      %dma_start3A_730 = tpu.memref_slice %arg3[%add3A_728] : memref<640000xi32, #tpu.memory_space<hbm>> -> memref<80xi32, #tpu.memory_space<hbm>>
      tpu.enqueue_dma source(%dma_start3A_730 : memref<80xi32, #tpu.memory_space<hbm>>) target(%arg16 : memref<80xi32, #tpu.memory_space<vmem>>) target_semaphore(%arg41 : memref<!tpu.dma_semaphore, #tpu.memory_space<semaphore_mem>>)
      %add3A_731 = arith.constant 320000 : i32
      %add3A_732 = arith.addi %add3A_731, %mul3A_2 : i32
      %mul3A_733 = arith.constant 80 : i32
      %mul3A_734 = arith.muli %add3A_725, %mul3A_733 : i32
      %add3A_735 = arith.addi %add3A_732, %mul3A_734 : i32
      %dma_start3A_736 = tpu.memref_slice %arg3[%add3A_735] : memref<640000xi32, #tpu.memory_space<hbm>> -> memref<80xi32, #tpu.memory_space<hbm>>
      %dma_start3A_737 = tpu.memref_slice %arg3[%add3A_735] : memref<640000xi32, #tpu.memory_space<hbm>> -> memref<80xi32, #tpu.memory_space<hbm>>
      tpu.enqueue_dma source(%dma_start3A_737 : memref<80xi32, #tpu.memory_space<hbm>>) target(%arg24 : memref<80xi32, #tpu.memory_space<vmem>>) target_semaphore(%arg41 : memref<!tpu.dma_semaphore, #tpu.memory_space<semaphore_mem>>)
    }
    %scan3A_251 = arith.constant 14 : i32
    %dma_wait3A_252 = arith.constant 0 : i32
    %dma_wait3A_253 = arith.constant 0 : i32
    %dma_wait3A_254 = tpu.memref_slice %arg2[%dma_wait3A_252, %dma_wait3A_253] : memref<10000x128xf32, #tpu.memory_space<hbm>> -> memref<10000x128xf32, #tpu.memory_space<hbm>>
    tpu.wait_indirect_dma semaphore(%arg29 : memref<!tpu.dma_semaphore, #tpu.memory_space<semaphore_mem>>) src(%dma_wait3A_254 : memref<10000x128xf32, #tpu.memory_space<hbm>>) dst(%arg8 : memref<80x128xf32, #tpu.memory_space<vmem>>)
    %dma_start3A_255 = arith.constant 0 : i32
    %dma_start3A_256 = arith.constant 0 : i32
    %dma_start3A_257 = tpu.memref_slice %arg25[%dma_start3A_255, %dma_start3A_256] : memref<10240x128xf32, #tpu.memory_space<vmem_shared>> -> memref<10240x128xf32, #tpu.memory_space<vmem_shared>>
    tpu.enqueue_indirect_dma source(%arg8 : memref<80x128xf32, #tpu.memory_space<vmem>>) target(%dma_start3A_257 : memref<10240x128xf32, #tpu.memory_space<vmem_shared>>) offsets(%arg20 : memref<80xi32, #tpu.memory_space<vmem>>) semaphore(%arg33 : memref<!tpu.dma_semaphore, #tpu.memory_space<semaphore_mem>>) {add = true}
    %dma_wait3A_258 = arith.constant 0 : i32
    %dma_wait3A_259 = arith.constant 0 : i32
    %dma_wait3A_260 = tpu.memref_slice %arg25[%dma_wait3A_258, %dma_wait3A_259] : memref<10240x128xf32, #tpu.memory_space<vmem_shared>> -> memref<10240x128xf32, #tpu.memory_space<vmem_shared>>
    tpu.wait_indirect_dma semaphore(%arg32 : memref<!tpu.dma_semaphore, #tpu.memory_space<semaphore_mem>>) src(%arg5 : memref<80x128xf32, #tpu.memory_space<vmem>>) dst(%dma_wait3A_260 : memref<10240x128xf32, #tpu.memory_space<vmem_shared>>)
    %dma_wait3A_261 = tpu.memref_slice %arg3[%mul3A_2] : memref<640000xi32, #tpu.memory_space<hbm>> -> memref<80xi32, #tpu.memory_space<hbm>>
    %dma_wait3A_262 = tpu.memref_slice %arg3[%mul3A_2] : memref<640000xi32, #tpu.memory_space<hbm>> -> memref<80xi32, #tpu.memory_space<hbm>>
    tpu.wait_dma2 semaphore(%arg40 : memref<!tpu.dma_semaphore, #tpu.memory_space<semaphore_mem>>) src(%dma_wait3A_262 : memref<80xi32, #tpu.memory_space<hbm>>) dst(%arg15 : memref<80xi32, #tpu.memory_space<vmem>>)
    %dma_wait3A_263 = tpu.memref_slice %arg3[%mul3A_2] : memref<640000xi32, #tpu.memory_space<hbm>> -> memref<80xi32, #tpu.memory_space<hbm>>
    %dma_wait3A_264 = tpu.memref_slice %arg3[%mul3A_2] : memref<640000xi32, #tpu.memory_space<hbm>> -> memref<80xi32, #tpu.memory_space<hbm>>
    tpu.wait_dma2 semaphore(%arg40 : memref<!tpu.dma_semaphore, #tpu.memory_space<semaphore_mem>>) src(%dma_wait3A_264 : memref<80xi32, #tpu.memory_space<hbm>>) dst(%arg23 : memref<80xi32, #tpu.memory_space<vmem>>)
    %dma_start3A_265 = arith.constant 0 : i32
    %dma_start3A_266 = arith.constant 0 : i32
    %dma_start3A_267 = tpu.memref_slice %arg2[%dma_start3A_265, %dma_start3A_266] : memref<10000x128xf32, #tpu.memory_space<hbm>> -> memref<10000x128xf32, #tpu.memory_space<hbm>>
    tpu.enqueue_indirect_dma source(%dma_start3A_267 : memref<10000x128xf32, #tpu.memory_space<hbm>>) target(%arg7 : memref<80x128xf32, #tpu.memory_space<vmem>>) offsets(%arg15 : memref<80xi32, #tpu.memory_space<vmem>>) semaphore(%arg28 : memref<!tpu.dma_semaphore, #tpu.memory_space<semaphore_mem>>)
    %add3A_268 = arith.constant 9600 : i32
    %add3A_269 = arith.addi %mul3A_2, %add3A_268 : i32
    %dma_start3A_270 = tpu.memref_slice %arg3[%add3A_269] : memref<640000xi32, #tpu.memory_space<hbm>> -> memref<80xi32, #tpu.memory_space<hbm>>
    %dma_start3A_271 = tpu.memref_slice %arg3[%add3A_269] : memref<640000xi32, #tpu.memory_space<hbm>> -> memref<80xi32, #tpu.memory_space<hbm>>
    tpu.enqueue_dma source(%dma_start3A_271 : memref<80xi32, #tpu.memory_space<hbm>>) target(%arg9 : memref<80xi32, #tpu.memory_space<vmem>>) target_semaphore(%arg34 : memref<!tpu.dma_semaphore, #tpu.memory_space<semaphore_mem>>)
    %add3A_272 = arith.constant 320000 : i32
    %add3A_273 = arith.addi %add3A_272, %mul3A_2 : i32
    %add3A_274 = arith.constant 9600 : i32
    %add3A_275 = arith.addi %add3A_273, %add3A_274 : i32
    %dma_start3A_276 = tpu.memref_slice %arg3[%add3A_275] : memref<640000xi32, #tpu.memory_space<hbm>> -> memref<80xi32, #tpu.memory_space<hbm>>
    %dma_start3A_277 = tpu.memref_slice %arg3[%add3A_275] : memref<640000xi32, #tpu.memory_space<hbm>> -> memref<80xi32, #tpu.memory_space<hbm>>
    tpu.enqueue_dma source(%dma_start3A_277 : memref<80xi32, #tpu.memory_space<hbm>>) target(%arg17 : memref<80xi32, #tpu.memory_space<vmem>>) target_semaphore(%arg34 : memref<!tpu.dma_semaphore, #tpu.memory_space<semaphore_mem>>)
    %dma_wait3A_278 = arith.constant 0 : i32
    %dma_wait3A_279 = arith.constant 0 : i32
    %dma_wait3A_280 = tpu.memref_slice %arg2[%dma_wait3A_278, %dma_wait3A_279] : memref<10000x128xf32, #tpu.memory_space<hbm>> -> memref<10000x128xf32, #tpu.memory_space<hbm>>
    tpu.wait_indirect_dma semaphore(%arg26 : memref<!tpu.dma_semaphore, #tpu.memory_space<semaphore_mem>>) src(%dma_wait3A_280 : memref<10000x128xf32, #tpu.memory_space<hbm>>) dst(%arg5 : memref<80x128xf32, #tpu.memory_space<vmem>>)
    %dma_start3A_281 = arith.constant 0 : i32
    %dma_start3A_282 = arith.constant 0 : i32
    %dma_start3A_283 = tpu.memref_slice %arg25[%dma_start3A_281, %dma_start3A_282] : memref<10240x128xf32, #tpu.memory_space<vmem_shared>> -> memref<10240x128xf32, #tpu.memory_space<vmem_shared>>
    tpu.enqueue_indirect_dma source(%arg5 : memref<80x128xf32, #tpu.memory_space<vmem>>) target(%dma_start3A_283 : memref<10240x128xf32, #tpu.memory_space<vmem_shared>>) offsets(%arg21 : memref<80xi32, #tpu.memory_space<vmem>>) semaphore(%arg30 : memref<!tpu.dma_semaphore, #tpu.memory_space<semaphore_mem>>) {add = true}
    %dma_wait3A_284 = arith.constant 0 : i32
    %dma_wait3A_285 = arith.constant 0 : i32
    %dma_wait3A_286 = tpu.memref_slice %arg25[%dma_wait3A_284, %dma_wait3A_285] : memref<10240x128xf32, #tpu.memory_space<vmem_shared>> -> memref<10240x128xf32, #tpu.memory_space<vmem_shared>>
    tpu.wait_indirect_dma semaphore(%arg33 : memref<!tpu.dma_semaphore, #tpu.memory_space<semaphore_mem>>) src(%arg5 : memref<80x128xf32, #tpu.memory_space<vmem>>) dst(%dma_wait3A_286 : memref<10240x128xf32, #tpu.memory_space<vmem_shared>>)
    %dma_wait3A_287 = tpu.memref_slice %arg3[%mul3A_2] : memref<640000xi32, #tpu.memory_space<hbm>> -> memref<80xi32, #tpu.memory_space<hbm>>
    %dma_wait3A_288 = tpu.memref_slice %arg3[%mul3A_2] : memref<640000xi32, #tpu.memory_space<hbm>> -> memref<80xi32, #tpu.memory_space<hbm>>
    tpu.wait_dma2 semaphore(%arg41 : memref<!tpu.dma_semaphore, #tpu.memory_space<semaphore_mem>>) src(%dma_wait3A_288 : memref<80xi32, #tpu.memory_space<hbm>>) dst(%arg16 : memref<80xi32, #tpu.memory_space<vmem>>)
    %dma_wait3A_289 = tpu.memref_slice %arg3[%mul3A_2] : memref<640000xi32, #tpu.memory_space<hbm>> -> memref<80xi32, #tpu.memory_space<hbm>>
    %dma_wait3A_290 = tpu.memref_slice %arg3[%mul3A_2] : memref<640000xi32, #tpu.memory_space<hbm>> -> memref<80xi32, #tpu.memory_space<hbm>>
    tpu.wait_dma2 semaphore(%arg41 : memref<!tpu.dma_semaphore, #tpu.memory_space<semaphore_mem>>) src(%dma_wait3A_290 : memref<80xi32, #tpu.memory_space<hbm>>) dst(%arg24 : memref<80xi32, #tpu.memory_space<vmem>>)
    %dma_start3A_291 = arith.constant 0 : i32
    %dma_start3A_292 = arith.constant 0 : i32
    %dma_start3A_293 = tpu.memref_slice %arg2[%dma_start3A_291, %dma_start3A_292] : memref<10000x128xf32, #tpu.memory_space<hbm>> -> memref<10000x128xf32, #tpu.memory_space<hbm>>
    tpu.enqueue_indirect_dma source(%dma_start3A_293 : memref<10000x128xf32, #tpu.memory_space<hbm>>) target(%arg8 : memref<80x128xf32, #tpu.memory_space<vmem>>) offsets(%arg16 : memref<80xi32, #tpu.memory_space<vmem>>) semaphore(%arg29 : memref<!tpu.dma_semaphore, #tpu.memory_space<semaphore_mem>>)
    %add3A_294 = arith.constant 9680 : i32
    %add3A_295 = arith.addi %mul3A_2, %add3A_294 : i32
    %dma_start3A_296 = tpu.memref_slice %arg3[%add3A_295] : memref<640000xi32, #tpu.memory_space<hbm>> -> memref<80xi32, #tpu.memory_space<hbm>>
    %dma_start3A_297 = tpu.memref_slice %arg3[%add3A_295] : memref<640000xi32, #tpu.memory_space<hbm>> -> memref<80xi32, #tpu.memory_space<hbm>>
    tpu.enqueue_dma source(%dma_start3A_297 : memref<80xi32, #tpu.memory_space<hbm>>) target(%arg10 : memref<80xi32, #tpu.memory_space<vmem>>) target_semaphore(%arg35 : memref<!tpu.dma_semaphore, #tpu.memory_space<semaphore_mem>>)
    %add3A_298 = arith.constant 320000 : i32
    %add3A_299 = arith.addi %add3A_298, %mul3A_2 : i32
    %add3A_300 = arith.constant 9680 : i32
    %add3A_301 = arith.addi %add3A_299, %add3A_300 : i32
    %dma_start3A_302 = tpu.memref_slice %arg3[%add3A_301] : memref<640000xi32, #tpu.memory_space<hbm>> -> memref<80xi32, #tpu.memory_space<hbm>>
    %dma_start3A_303 = tpu.memref_slice %arg3[%add3A_301] : memref<640000xi32, #tpu.memory_space<hbm>> -> memref<80xi32, #tpu.memory_space<hbm>>
    tpu.enqueue_dma source(%dma_start3A_303 : memref<80xi32, #tpu.memory_space<hbm>>) target(%arg18 : memref<80xi32, #tpu.memory_space<vmem>>) target_semaphore(%arg35 : memref<!tpu.dma_semaphore, #tpu.memory_space<semaphore_mem>>)
    %dma_wait3A_304 = arith.constant 0 : i32
    %dma_wait3A_305 = arith.constant 0 : i32
    %dma_wait3A_306 = tpu.memref_slice %arg2[%dma_wait3A_304, %dma_wait3A_305] : memref<10000x128xf32, #tpu.memory_space<hbm>> -> memref<10000x128xf32, #tpu.memory_space<hbm>>
    tpu.wait_indirect_dma semaphore(%arg27 : memref<!tpu.dma_semaphore, #tpu.memory_space<semaphore_mem>>) src(%dma_wait3A_306 : memref<10000x128xf32, #tpu.memory_space<hbm>>) dst(%arg6 : memref<80x128xf32, #tpu.memory_space<vmem>>)
    %dma_start3A_307 = arith.constant 0 : i32
    %dma_start3A_308 = arith.constant 0 : i32
    %dma_start3A_309 = tpu.memref_slice %arg25[%dma_start3A_307, %dma_start3A_308] : memref<10240x128xf32, #tpu.memory_space<vmem_shared>> -> memref<10240x128xf32, #tpu.memory_space<vmem_shared>>
    tpu.enqueue_indirect_dma source(%arg6 : memref<80x128xf32, #tpu.memory_space<vmem>>) target(%dma_start3A_309 : memref<10240x128xf32, #tpu.memory_space<vmem_shared>>) offsets(%arg22 : memref<80xi32, #tpu.memory_space<vmem>>) semaphore(%arg31 : memref<!tpu.dma_semaphore, #tpu.memory_space<semaphore_mem>>) {add = true}
    %dma_wait3A_310 = arith.constant 0 : i32
    %dma_wait3A_311 = arith.constant 0 : i32
    %dma_wait3A_312 = tpu.memref_slice %arg25[%dma_wait3A_310, %dma_wait3A_311] : memref<10240x128xf32, #tpu.memory_space<vmem_shared>> -> memref<10240x128xf32, #tpu.memory_space<vmem_shared>>
    tpu.wait_indirect_dma semaphore(%arg30 : memref<!tpu.dma_semaphore, #tpu.memory_space<semaphore_mem>>) src(%arg5 : memref<80x128xf32, #tpu.memory_space<vmem>>) dst(%dma_wait3A_312 : memref<10240x128xf32, #tpu.memory_space<vmem_shared>>)
    %dma_wait3A_313 = tpu.memref_slice %arg3[%mul3A_2] : memref<640000xi32, #tpu.memory_space<hbm>> -> memref<80xi32, #tpu.memory_space<hbm>>
    %dma_wait3A_314 = tpu.memref_slice %arg3[%mul3A_2] : memref<640000xi32, #tpu.memory_space<hbm>> -> memref<80xi32, #tpu.memory_space<hbm>>
    tpu.wait_dma2 semaphore(%arg34 : memref<!tpu.dma_semaphore, #tpu.memory_space<semaphore_mem>>) src(%dma_wait3A_314 : memref<80xi32, #tpu.memory_space<hbm>>) dst(%arg9 : memref<80xi32, #tpu.memory_space<vmem>>)
    %dma_wait3A_315 = tpu.memref_slice %arg3[%mul3A_2] : memref<640000xi32, #tpu.memory_space<hbm>> -> memref<80xi32, #tpu.memory_space<hbm>>
    %dma_wait3A_316 = tpu.memref_slice %arg3[%mul3A_2] : memref<640000xi32, #tpu.memory_space<hbm>> -> memref<80xi32, #tpu.memory_space<hbm>>
    tpu.wait_dma2 semaphore(%arg34 : memref<!tpu.dma_semaphore, #tpu.memory_space<semaphore_mem>>) src(%dma_wait3A_316 : memref<80xi32, #tpu.memory_space<hbm>>) dst(%arg17 : memref<80xi32, #tpu.memory_space<vmem>>)
    %dma_start3A_317 = arith.constant 0 : i32
    %dma_start3A_318 = arith.constant 0 : i32
    %dma_start3A_319 = tpu.memref_slice %arg2[%dma_start3A_317, %dma_start3A_318] : memref<10000x128xf32, #tpu.memory_space<hbm>> -> memref<10000x128xf32, #tpu.memory_space<hbm>>
    tpu.enqueue_indirect_dma source(%dma_start3A_319 : memref<10000x128xf32, #tpu.memory_space<hbm>>) target(%arg5 : memref<80x128xf32, #tpu.memory_space<vmem>>) offsets(%arg9 : memref<80xi32, #tpu.memory_space<vmem>>) semaphore(%arg26 : memref<!tpu.dma_semaphore, #tpu.memory_space<semaphore_mem>>)
    %add3A_320 = arith.constant 9760 : i32
    %add3A_321 = arith.addi %mul3A_2, %add3A_320 : i32
    %dma_start3A_322 = tpu.memref_slice %arg3[%add3A_321] : memref<640000xi32, #tpu.memory_space<hbm>> -> memref<80xi32, #tpu.memory_space<hbm>>
    %dma_start3A_323 = tpu.memref_slice %arg3[%add3A_321] : memref<640000xi32, #tpu.memory_space<hbm>> -> memref<80xi32, #tpu.memory_space<hbm>>
    tpu.enqueue_dma source(%dma_start3A_323 : memref<80xi32, #tpu.memory_space<hbm>>) target(%arg11 : memref<80xi32, #tpu.memory_space<vmem>>) target_semaphore(%arg36 : memref<!tpu.dma_semaphore, #tpu.memory_space<semaphore_mem>>)
    %add3A_324 = arith.constant 320000 : i32
    %add3A_325 = arith.addi %add3A_324, %mul3A_2 : i32
    %add3A_326 = arith.constant 9760 : i32
    %add3A_327 = arith.addi %add3A_325, %add3A_326 : i32
    %dma_start3A_328 = tpu.memref_slice %arg3[%add3A_327] : memref<640000xi32, #tpu.memory_space<hbm>> -> memref<80xi32, #tpu.memory_space<hbm>>
    %dma_start3A_329 = tpu.memref_slice %arg3[%add3A_327] : memref<640000xi32, #tpu.memory_space<hbm>> -> memref<80xi32, #tpu.memory_space<hbm>>
    tpu.enqueue_dma source(%dma_start3A_329 : memref<80xi32, #tpu.memory_space<hbm>>) target(%arg19 : memref<80xi32, #tpu.memory_space<vmem>>) target_semaphore(%arg36 : memref<!tpu.dma_semaphore, #tpu.memory_space<semaphore_mem>>)
    %dma_wait3A_330 = arith.constant 0 : i32
    %dma_wait3A_331 = arith.constant 0 : i32
    %dma_wait3A_332 = tpu.memref_slice %arg2[%dma_wait3A_330, %dma_wait3A_331] : memref<10000x128xf32, #tpu.memory_space<hbm>> -> memref<10000x128xf32, #tpu.memory_space<hbm>>
    tpu.wait_indirect_dma semaphore(%arg28 : memref<!tpu.dma_semaphore, #tpu.memory_space<semaphore_mem>>) src(%dma_wait3A_332 : memref<10000x128xf32, #tpu.memory_space<hbm>>) dst(%arg7 : memref<80x128xf32, #tpu.memory_space<vmem>>)
    %dma_start3A_333 = arith.constant 0 : i32
    %dma_start3A_334 = arith.constant 0 : i32
    %dma_start3A_335 = tpu.memref_slice %arg25[%dma_start3A_333, %dma_start3A_334] : memref<10240x128xf32, #tpu.memory_space<vmem_shared>> -> memref<10240x128xf32, #tpu.memory_space<vmem_shared>>
    tpu.enqueue_indirect_dma source(%arg7 : memref<80x128xf32, #tpu.memory_space<vmem>>) target(%dma_start3A_335 : memref<10240x128xf32, #tpu.memory_space<vmem_shared>>) offsets(%arg23 : memref<80xi32, #tpu.memory_space<vmem>>) semaphore(%arg32 : memref<!tpu.dma_semaphore, #tpu.memory_space<semaphore_mem>>) {add = true}
    %dma_wait3A_336 = arith.constant 0 : i32
    %dma_wait3A_337 = arith.constant 0 : i32
    %dma_wait3A_338 = tpu.memref_slice %arg25[%dma_wait3A_336, %dma_wait3A_337] : memref<10240x128xf32, #tpu.memory_space<vmem_shared>> -> memref<10240x128xf32, #tpu.memory_space<vmem_shared>>
    tpu.wait_indirect_dma semaphore(%arg31 : memref<!tpu.dma_semaphore, #tpu.memory_space<semaphore_mem>>) src(%arg5 : memref<80x128xf32, #tpu.memory_space<vmem>>) dst(%dma_wait3A_338 : memref<10240x128xf32, #tpu.memory_space<vmem_shared>>)
    %dma_wait3A_339 = tpu.memref_slice %arg3[%mul3A_2] : memref<640000xi32, #tpu.memory_space<hbm>> -> memref<80xi32, #tpu.memory_space<hbm>>
    %dma_wait3A_340 = tpu.memref_slice %arg3[%mul3A_2] : memref<640000xi32, #tpu.memory_space<hbm>> -> memref<80xi32, #tpu.memory_space<hbm>>
    tpu.wait_dma2 semaphore(%arg35 : memref<!tpu.dma_semaphore, #tpu.memory_space<semaphore_mem>>) src(%dma_wait3A_340 : memref<80xi32, #tpu.memory_space<hbm>>) dst(%arg10 : memref<80xi32, #tpu.memory_space<vmem>>)
    %dma_wait3A_341 = tpu.memref_slice %arg3[%mul3A_2] : memref<640000xi32, #tpu.memory_space<hbm>> -> memref<80xi32, #tpu.memory_space<hbm>>
    %dma_wait3A_342 = tpu.memref_slice %arg3[%mul3A_2] : memref<640000xi32, #tpu.memory_space<hbm>> -> memref<80xi32, #tpu.memory_space<hbm>>
    tpu.wait_dma2 semaphore(%arg35 : memref<!tpu.dma_semaphore, #tpu.memory_space<semaphore_mem>>) src(%dma_wait3A_342 : memref<80xi32, #tpu.memory_space<hbm>>) dst(%arg18 : memref<80xi32, #tpu.memory_space<vmem>>)
    %dma_start3A_343 = arith.constant 0 : i32
    %dma_start3A_344 = arith.constant 0 : i32
    %dma_start3A_345 = tpu.memref_slice %arg2[%dma_start3A_343, %dma_start3A_344] : memref<10000x128xf32, #tpu.memory_space<hbm>> -> memref<10000x128xf32, #tpu.memory_space<hbm>>
    tpu.enqueue_indirect_dma source(%dma_start3A_345 : memref<10000x128xf32, #tpu.memory_space<hbm>>) target(%arg6 : memref<80x128xf32, #tpu.memory_space<vmem>>) offsets(%arg10 : memref<80xi32, #tpu.memory_space<vmem>>) semaphore(%arg27 : memref<!tpu.dma_semaphore, #tpu.memory_space<semaphore_mem>>)
    %add3A_346 = arith.constant 9840 : i32
    %add3A_347 = arith.addi %mul3A_2, %add3A_346 : i32
    %dma_start3A_348 = tpu.memref_slice %arg3[%add3A_347] : memref<640000xi32, #tpu.memory_space<hbm>> -> memref<80xi32, #tpu.memory_space<hbm>>
    %dma_start3A_349 = tpu.memref_slice %arg3[%add3A_347] : memref<640000xi32, #tpu.memory_space<hbm>> -> memref<80xi32, #tpu.memory_space<hbm>>
    tpu.enqueue_dma source(%dma_start3A_349 : memref<80xi32, #tpu.memory_space<hbm>>) target(%arg12 : memref<80xi32, #tpu.memory_space<vmem>>) target_semaphore(%arg37 : memref<!tpu.dma_semaphore, #tpu.memory_space<semaphore_mem>>)
    %add3A_350 = arith.constant 320000 : i32
    %add3A_351 = arith.addi %add3A_350, %mul3A_2 : i32
    %add3A_352 = arith.constant 9840 : i32
    %add3A_353 = arith.addi %add3A_351, %add3A_352 : i32
    %dma_start3A_354 = tpu.memref_slice %arg3[%add3A_353] : memref<640000xi32, #tpu.memory_space<hbm>> -> memref<80xi32, #tpu.memory_space<hbm>>
    %dma_start3A_355 = tpu.memref_slice %arg3[%add3A_353] : memref<640000xi32, #tpu.memory_space<hbm>> -> memref<80xi32, #tpu.memory_space<hbm>>
    tpu.enqueue_dma source(%dma_start3A_355 : memref<80xi32, #tpu.memory_space<hbm>>) target(%arg20 : memref<80xi32, #tpu.memory_space<vmem>>) target_semaphore(%arg37 : memref<!tpu.dma_semaphore, #tpu.memory_space<semaphore_mem>>)
    %dma_wait3A_356 = arith.constant 0 : i32
    %dma_wait3A_357 = arith.constant 0 : i32
    %dma_wait3A_358 = tpu.memref_slice %arg2[%dma_wait3A_356, %dma_wait3A_357] : memref<10000x128xf32, #tpu.memory_space<hbm>> -> memref<10000x128xf32, #tpu.memory_space<hbm>>
    tpu.wait_indirect_dma semaphore(%arg29 : memref<!tpu.dma_semaphore, #tpu.memory_space<semaphore_mem>>) src(%dma_wait3A_358 : memref<10000x128xf32, #tpu.memory_space<hbm>>) dst(%arg8 : memref<80x128xf32, #tpu.memory_space<vmem>>)
    %dma_start3A_359 = arith.constant 0 : i32
    %dma_start3A_360 = arith.constant 0 : i32
    %dma_start3A_361 = tpu.memref_slice %arg25[%dma_start3A_359, %dma_start3A_360] : memref<10240x128xf32, #tpu.memory_space<vmem_shared>> -> memref<10240x128xf32, #tpu.memory_space<vmem_shared>>
    tpu.enqueue_indirect_dma source(%arg8 : memref<80x128xf32, #tpu.memory_space<vmem>>) target(%dma_start3A_361 : memref<10240x128xf32, #tpu.memory_space<vmem_shared>>) offsets(%arg24 : memref<80xi32, #tpu.memory_space<vmem>>) semaphore(%arg33 : memref<!tpu.dma_semaphore, #tpu.memory_space<semaphore_mem>>) {add = true}
    %dma_wait3A_362 = arith.constant 0 : i32
    %dma_wait3A_363 = arith.constant 0 : i32
    %dma_wait3A_364 = tpu.memref_slice %arg25[%dma_wait3A_362, %dma_wait3A_363] : memref<10240x128xf32, #tpu.memory_space<vmem_shared>> -> memref<10240x128xf32, #tpu.memory_space<vmem_shared>>
    tpu.wait_indirect_dma semaphore(%arg32 : memref<!tpu.dma_semaphore, #tpu.memory_space<semaphore_mem>>) src(%arg5 : memref<80x128xf32, #tpu.memory_space<vmem>>) dst(%dma_wait3A_364 : memref<10240x128xf32, #tpu.memory_space<vmem_shared>>)
    %dma_wait3A_365 = tpu.memref_slice %arg3[%mul3A_2] : memref<640000xi32, #tpu.memory_space<hbm>> -> memref<80xi32, #tpu.memory_space<hbm>>
    %dma_wait3A_366 = tpu.memref_slice %arg3[%mul3A_2] : memref<640000xi32, #tpu.memory_space<hbm>> -> memref<80xi32, #tpu.memory_space<hbm>>
    tpu.wait_dma2 semaphore(%arg36 : memref<!tpu.dma_semaphore, #tpu.memory_space<semaphore_mem>>) src(%dma_wait3A_366 : memref<80xi32, #tpu.memory_space<hbm>>) dst(%arg11 : memref<80xi32, #tpu.memory_space<vmem>>)
    %dma_wait3A_367 = tpu.memref_slice %arg3[%mul3A_2] : memref<640000xi32, #tpu.memory_space<hbm>> -> memref<80xi32, #tpu.memory_space<hbm>>
    %dma_wait3A_368 = tpu.memref_slice %arg3[%mul3A_2] : memref<640000xi32, #tpu.memory_space<hbm>> -> memref<80xi32, #tpu.memory_space<hbm>>
    tpu.wait_dma2 semaphore(%arg36 : memref<!tpu.dma_semaphore, #tpu.memory_space<semaphore_mem>>) src(%dma_wait3A_368 : memref<80xi32, #tpu.memory_space<hbm>>) dst(%arg19 : memref<80xi32, #tpu.memory_space<vmem>>)
    %dma_start3A_369 = arith.constant 0 : i32
    %dma_start3A_370 = arith.constant 0 : i32
    %dma_start3A_371 = tpu.memref_slice %arg2[%dma_start3A_369, %dma_start3A_370] : memref<10000x128xf32, #tpu.memory_space<hbm>> -> memref<10000x128xf32, #tpu.memory_space<hbm>>
    tpu.enqueue_indirect_dma source(%dma_start3A_371 : memref<10000x128xf32, #tpu.memory_space<hbm>>) target(%arg7 : memref<80x128xf32, #tpu.memory_space<vmem>>) offsets(%arg11 : memref<80xi32, #tpu.memory_space<vmem>>) semaphore(%arg28 : memref<!tpu.dma_semaphore, #tpu.memory_space<semaphore_mem>>)
    %add3A_372 = arith.constant 9920 : i32
    %add3A_373 = arith.addi %mul3A_2, %add3A_372 : i32
    %dma_start3A_374 = tpu.memref_slice %arg3[%add3A_373] : memref<640000xi32, #tpu.memory_space<hbm>> -> memref<80xi32, #tpu.memory_space<hbm>>
    %dma_start3A_375 = tpu.memref_slice %arg3[%add3A_373] : memref<640000xi32, #tpu.memory_space<hbm>> -> memref<80xi32, #tpu.memory_space<hbm>>
    tpu.enqueue_dma source(%dma_start3A_375 : memref<80xi32, #tpu.memory_space<hbm>>) target(%arg13 : memref<80xi32, #tpu.memory_space<vmem>>) target_semaphore(%arg38 : memref<!tpu.dma_semaphore, #tpu.memory_space<semaphore_mem>>)
    %add3A_376 = arith.constant 320000 : i32
    %add3A_377 = arith.addi %add3A_376, %mul3A_2 : i32
    %add3A_378 = arith.constant 9920 : i32
    %add3A_379 = arith.addi %add3A_377, %add3A_378 : i32
    %dma_start3A_380 = tpu.memref_slice %arg3[%add3A_379] : memref<640000xi32, #tpu.memory_space<hbm>> -> memref<80xi32, #tpu.memory_space<hbm>>
    %dma_start3A_381 = tpu.memref_slice %arg3[%add3A_379] : memref<640000xi32, #tpu.memory_space<hbm>> -> memref<80xi32, #tpu.memory_space<hbm>>
    tpu.enqueue_dma source(%dma_start3A_381 : memref<80xi32, #tpu.memory_space<hbm>>) target(%arg21 : memref<80xi32, #tpu.memory_space<vmem>>) target_semaphore(%arg38 : memref<!tpu.dma_semaphore, #tpu.memory_space<semaphore_mem>>)
    %dma_wait3A_382 = arith.constant 0 : i32
    %dma_wait3A_383 = arith.constant 0 : i32
    %dma_wait3A_384 = tpu.memref_slice %arg2[%dma_wait3A_382, %dma_wait3A_383] : memref<10000x128xf32, #tpu.memory_space<hbm>> -> memref<10000x128xf32, #tpu.memory_space<hbm>>
    tpu.wait_indirect_dma semaphore(%arg26 : memref<!tpu.dma_semaphore, #tpu.memory_space<semaphore_mem>>) src(%dma_wait3A_384 : memref<10000x128xf32, #tpu.memory_space<hbm>>) dst(%arg5 : memref<80x128xf32, #tpu.memory_space<vmem>>)
    %dma_start3A_385 = arith.constant 0 : i32
    %dma_start3A_386 = arith.constant 0 : i32
    %dma_start3A_387 = tpu.memref_slice %arg25[%dma_start3A_385, %dma_start3A_386] : memref<10240x128xf32, #tpu.memory_space<vmem_shared>> -> memref<10240x128xf32, #tpu.memory_space<vmem_shared>>
    tpu.enqueue_indirect_dma source(%arg5 : memref<80x128xf32, #tpu.memory_space<vmem>>) target(%dma_start3A_387 : memref<10240x128xf32, #tpu.memory_space<vmem_shared>>) offsets(%arg17 : memref<80xi32, #tpu.memory_space<vmem>>) semaphore(%arg30 : memref<!tpu.dma_semaphore, #tpu.memory_space<semaphore_mem>>) {add = true}
    %dma_wait3A_388 = arith.constant 0 : i32
    %dma_wait3A_389 = arith.constant 0 : i32
    %dma_wait3A_390 = tpu.memref_slice %arg25[%dma_wait3A_388, %dma_wait3A_389] : memref<10240x128xf32, #tpu.memory_space<vmem_shared>> -> memref<10240x128xf32, #tpu.memory_space<vmem_shared>>
    tpu.wait_indirect_dma semaphore(%arg33 : memref<!tpu.dma_semaphore, #tpu.memory_space<semaphore_mem>>) src(%arg5 : memref<80x128xf32, #tpu.memory_space<vmem>>) dst(%dma_wait3A_390 : memref<10240x128xf32, #tpu.memory_space<vmem_shared>>)
    %dma_wait3A_391 = tpu.memref_slice %arg3[%mul3A_2] : memref<640000xi32, #tpu.memory_space<hbm>> -> memref<80xi32, #tpu.memory_space<hbm>>
    %dma_wait3A_392 = tpu.memref_slice %arg3[%mul3A_2] : memref<640000xi32, #tpu.memory_space<hbm>> -> memref<80xi32, #tpu.memory_space<hbm>>
    tpu.wait_dma2 semaphore(%arg37 : memref<!tpu.dma_semaphore, #tpu.memory_space<semaphore_mem>>) src(%dma_wait3A_392 : memref<80xi32, #tpu.memory_space<hbm>>) dst(%arg12 : memref<80xi32, #tpu.memory_space<vmem>>)
    %dma_wait3A_393 = tpu.memref_slice %arg3[%mul3A_2] : memref<640000xi32, #tpu.memory_space<hbm>> -> memref<80xi32, #tpu.memory_space<hbm>>
    %dma_wait3A_394 = tpu.memref_slice %arg3[%mul3A_2] : memref<640000xi32, #tpu.memory_space<hbm>> -> memref<80xi32, #tpu.memory_space<hbm>>
    tpu.wait_dma2 semaphore(%arg37 : memref<!tpu.dma_semaphore, #tpu.memory_space<semaphore_mem>>) src(%dma_wait3A_394 : memref<80xi32, #tpu.memory_space<hbm>>) dst(%arg20 : memref<80xi32, #tpu.memory_space<vmem>>)
    %dma_start3A_395 = arith.constant 0 : i32
    %dma_start3A_396 = arith.constant 0 : i32
    %dma_start3A_397 = tpu.memref_slice %arg2[%dma_start3A_395, %dma_start3A_396] : memref<10000x128xf32, #tpu.memory_space<hbm>> -> memref<10000x128xf32, #tpu.memory_space<hbm>>
    tpu.enqueue_indirect_dma source(%dma_start3A_397 : memref<10000x128xf32, #tpu.memory_space<hbm>>) target(%arg8 : memref<80x128xf32, #tpu.memory_space<vmem>>) offsets(%arg12 : memref<80xi32, #tpu.memory_space<vmem>>) semaphore(%arg29 : memref<!tpu.dma_semaphore, #tpu.memory_space<semaphore_mem>>)
    %dma_wait3A_398 = arith.constant 0 : i32
    %dma_wait3A_399 = arith.constant 0 : i32
    %dma_wait3A_400 = tpu.memref_slice %arg2[%dma_wait3A_398, %dma_wait3A_399] : memref<10000x128xf32, #tpu.memory_space<hbm>> -> memref<10000x128xf32, #tpu.memory_space<hbm>>
    tpu.wait_indirect_dma semaphore(%arg27 : memref<!tpu.dma_semaphore, #tpu.memory_space<semaphore_mem>>) src(%dma_wait3A_400 : memref<10000x128xf32, #tpu.memory_space<hbm>>) dst(%arg6 : memref<80x128xf32, #tpu.memory_space<vmem>>)
    %dma_start3A_401 = arith.constant 0 : i32
    %dma_start3A_402 = arith.constant 0 : i32
    %dma_start3A_403 = tpu.memref_slice %arg25[%dma_start3A_401, %dma_start3A_402] : memref<10240x128xf32, #tpu.memory_space<vmem_shared>> -> memref<10240x128xf32, #tpu.memory_space<vmem_shared>>
    tpu.enqueue_indirect_dma source(%arg6 : memref<80x128xf32, #tpu.memory_space<vmem>>) target(%dma_start3A_403 : memref<10240x128xf32, #tpu.memory_space<vmem_shared>>) offsets(%arg18 : memref<80xi32, #tpu.memory_space<vmem>>) semaphore(%arg31 : memref<!tpu.dma_semaphore, #tpu.memory_space<semaphore_mem>>) {add = true}
    %dma_wait3A_404 = arith.constant 0 : i32
    %dma_wait3A_405 = arith.constant 0 : i32
    %dma_wait3A_406 = tpu.memref_slice %arg25[%dma_wait3A_404, %dma_wait3A_405] : memref<10240x128xf32, #tpu.memory_space<vmem_shared>> -> memref<10240x128xf32, #tpu.memory_space<vmem_shared>>
    tpu.wait_indirect_dma semaphore(%arg30 : memref<!tpu.dma_semaphore, #tpu.memory_space<semaphore_mem>>) src(%arg5 : memref<80x128xf32, #tpu.memory_space<vmem>>) dst(%dma_wait3A_406 : memref<10240x128xf32, #tpu.memory_space<vmem_shared>>)
    %dma_wait3A_407 = tpu.memref_slice %arg3[%mul3A_2] : memref<640000xi32, #tpu.memory_space<hbm>> -> memref<80xi32, #tpu.memory_space<hbm>>
    %dma_wait3A_408 = tpu.memref_slice %arg3[%mul3A_2] : memref<640000xi32, #tpu.memory_space<hbm>> -> memref<80xi32, #tpu.memory_space<hbm>>
    tpu.wait_dma2 semaphore(%arg38 : memref<!tpu.dma_semaphore, #tpu.memory_space<semaphore_mem>>) src(%dma_wait3A_408 : memref<80xi32, #tpu.memory_space<hbm>>) dst(%arg13 : memref<80xi32, #tpu.memory_space<vmem>>)
    %dma_wait3A_409 = tpu.memref_slice %arg3[%mul3A_2] : memref<640000xi32, #tpu.memory_space<hbm>> -> memref<80xi32, #tpu.memory_space<hbm>>
    %dma_wait3A_410 = tpu.memref_slice %arg3[%mul3A_2] : memref<640000xi32, #tpu.memory_space<hbm>> -> memref<80xi32, #tpu.memory_space<hbm>>
    tpu.wait_dma2 semaphore(%arg38 : memref<!tpu.dma_semaphore, #tpu.memory_space<semaphore_mem>>) src(%dma_wait3A_410 : memref<80xi32, #tpu.memory_space<hbm>>) dst(%arg21 : memref<80xi32, #tpu.memory_space<vmem>>)
    %dma_start3A_411 = arith.constant 0 : i32
    %dma_start3A_412 = arith.constant 0 : i32
    %dma_start3A_413 = tpu.memref_slice %arg2[%dma_start3A_411, %dma_start3A_412] : memref<10000x128xf32, #tpu.memory_space<hbm>> -> memref<10000x128xf32, #tpu.memory_space<hbm>>
    tpu.enqueue_indirect_dma source(%dma_start3A_413 : memref<10000x128xf32, #tpu.memory_space<hbm>>) target(%arg5 : memref<80x128xf32, #tpu.memory_space<vmem>>) offsets(%arg13 : memref<80xi32, #tpu.memory_space<vmem>>) semaphore(%arg26 : memref<!tpu.dma_semaphore, #tpu.memory_space<semaphore_mem>>)
    %dma_wait3A_414 = arith.constant 0 : i32
    %dma_wait3A_415 = arith.constant 0 : i32
    %dma_wait3A_416 = tpu.memref_slice %arg2[%dma_wait3A_414, %dma_wait3A_415] : memref<10000x128xf32, #tpu.memory_space<hbm>> -> memref<10000x128xf32, #tpu.memory_space<hbm>>
    tpu.wait_indirect_dma semaphore(%arg28 : memref<!tpu.dma_semaphore, #tpu.memory_space<semaphore_mem>>) src(%dma_wait3A_416 : memref<10000x128xf32, #tpu.memory_space<hbm>>) dst(%arg7 : memref<80x128xf32, #tpu.memory_space<vmem>>)
    %dma_start3A_417 = arith.constant 0 : i32
    %dma_start3A_418 = arith.constant 0 : i32
    %dma_start3A_419 = tpu.memref_slice %arg25[%dma_start3A_417, %dma_start3A_418] : memref<10240x128xf32, #tpu.memory_space<vmem_shared>> -> memref<10240x128xf32, #tpu.memory_space<vmem_shared>>
    tpu.enqueue_indirect_dma source(%arg7 : memref<80x128xf32, #tpu.memory_space<vmem>>) target(%dma_start3A_419 : memref<10240x128xf32, #tpu.memory_space<vmem_shared>>) offsets(%arg19 : memref<80xi32, #tpu.memory_space<vmem>>) semaphore(%arg32 : memref<!tpu.dma_semaphore, #tpu.memory_space<semaphore_mem>>) {add = true}
    %dma_wait3A_420 = arith.constant 0 : i32
    %dma_wait3A_421 = arith.constant 0 : i32
    %dma_wait3A_422 = tpu.memref_slice %arg2[%dma_wait3A_420, %dma_wait3A_421] : memref<10000x128xf32, #tpu.memory_space<hbm>> -> memref<10000x128xf32, #tpu.memory_space<hbm>>
    tpu.wait_indirect_dma semaphore(%arg29 : memref<!tpu.dma_semaphore, #tpu.memory_space<semaphore_mem>>) src(%dma_wait3A_422 : memref<10000x128xf32, #tpu.memory_space<hbm>>) dst(%arg8 : memref<80x128xf32, #tpu.memory_space<vmem>>)
    %dma_start3A_423 = arith.constant 0 : i32
    %dma_start3A_424 = arith.constant 0 : i32
    %dma_start3A_425 = tpu.memref_slice %arg25[%dma_start3A_423, %dma_start3A_424] : memref<10240x128xf32, #tpu.memory_space<vmem_shared>> -> memref<10240x128xf32, #tpu.memory_space<vmem_shared>>
    tpu.enqueue_indirect_dma source(%arg8 : memref<80x128xf32, #tpu.memory_space<vmem>>) target(%dma_start3A_425 : memref<10240x128xf32, #tpu.memory_space<vmem_shared>>) offsets(%arg20 : memref<80xi32, #tpu.memory_space<vmem>>) semaphore(%arg33 : memref<!tpu.dma_semaphore, #tpu.memory_space<semaphore_mem>>) {add = true}
    %dma_wait3A_426 = arith.constant 0 : i32
    %dma_wait3A_427 = arith.constant 0 : i32
    %dma_wait3A_428 = tpu.memref_slice %arg2[%dma_wait3A_426, %dma_wait3A_427] : memref<10000x128xf32, #tpu.memory_space<hbm>> -> memref<10000x128xf32, #tpu.memory_space<hbm>>
    tpu.wait_indirect_dma semaphore(%arg26 : memref<!tpu.dma_semaphore, #tpu.memory_space<semaphore_mem>>) src(%dma_wait3A_428 : memref<10000x128xf32, #tpu.memory_space<hbm>>) dst(%arg5 : memref<80x128xf32, #tpu.memory_space<vmem>>)
    %dma_start3A_429 = arith.constant 0 : i32
    %dma_start3A_430 = arith.constant 0 : i32
    %dma_start3A_431 = tpu.memref_slice %arg25[%dma_start3A_429, %dma_start3A_430] : memref<10240x128xf32, #tpu.memory_space<vmem_shared>> -> memref<10240x128xf32, #tpu.memory_space<vmem_shared>>
    tpu.enqueue_indirect_dma source(%arg5 : memref<80x128xf32, #tpu.memory_space<vmem>>) target(%dma_start3A_431 : memref<10240x128xf32, #tpu.memory_space<vmem_shared>>) offsets(%arg21 : memref<80xi32, #tpu.memory_space<vmem>>) semaphore(%arg30 : memref<!tpu.dma_semaphore, #tpu.memory_space<semaphore_mem>>) {add = true}
    %dma_wait3A_432 = arith.constant 0 : i32
    %dma_wait3A_433 = arith.constant 0 : i32
    %dma_wait3A_434 = tpu.memref_slice %arg25[%dma_wait3A_432, %dma_wait3A_433] : memref<10240x128xf32, #tpu.memory_space<vmem_shared>> -> memref<10240x128xf32, #tpu.memory_space<vmem_shared>>
    tpu.wait_indirect_dma semaphore(%arg31 : memref<!tpu.dma_semaphore, #tpu.memory_space<semaphore_mem>>) src(%arg5 : memref<80x128xf32, #tpu.memory_space<vmem>>) dst(%dma_wait3A_434 : memref<10240x128xf32, #tpu.memory_space<vmem_shared>>)
    %dma_wait3A_435 = arith.constant 0 : i32
    %dma_wait3A_436 = arith.constant 0 : i32
    %dma_wait3A_437 = tpu.memref_slice %arg25[%dma_wait3A_435, %dma_wait3A_436] : memref<10240x128xf32, #tpu.memory_space<vmem_shared>> -> memref<10240x128xf32, #tpu.memory_space<vmem_shared>>
    tpu.wait_indirect_dma semaphore(%arg32 : memref<!tpu.dma_semaphore, #tpu.memory_space<semaphore_mem>>) src(%arg5 : memref<80x128xf32, #tpu.memory_space<vmem>>) dst(%dma_wait3A_437 : memref<10240x128xf32, #tpu.memory_space<vmem_shared>>)
    %dma_wait3A_438 = arith.constant 0 : i32
    %dma_wait3A_439 = arith.constant 0 : i32
    %dma_wait3A_440 = tpu.memref_slice %arg25[%dma_wait3A_438, %dma_wait3A_439] : memref<10240x128xf32, #tpu.memory_space<vmem_shared>> -> memref<10240x128xf32, #tpu.memory_space<vmem_shared>>
    tpu.wait_indirect_dma semaphore(%arg33 : memref<!tpu.dma_semaphore, #tpu.memory_space<semaphore_mem>>) src(%arg5 : memref<80x128xf32, #tpu.memory_space<vmem>>) dst(%dma_wait3A_440 : memref<10240x128xf32, #tpu.memory_space<vmem_shared>>)
    %dma_wait3A_441 = arith.constant 0 : i32
    %dma_wait3A_442 = arith.constant 0 : i32
    %dma_wait3A_443 = tpu.memref_slice %arg25[%dma_wait3A_441, %dma_wait3A_442] : memref<10240x128xf32, #tpu.memory_space<vmem_shared>> -> memref<10240x128xf32, #tpu.memory_space<vmem_shared>>
    tpu.wait_indirect_dma semaphore(%arg30 : memref<!tpu.dma_semaphore, #tpu.memory_space<semaphore_mem>>) src(%arg5 : memref<80x128xf32, #tpu.memory_space<vmem>>) dst(%dma_wait3A_443 : memref<10240x128xf32, #tpu.memory_space<vmem_shared>>)
    %barrier3A_444 = arith.constant 0 : index
    tpu.barrier barrier_id(%barrier3A_444)
    %mul3A_445 = arith.constant 640 : i32
    %mul3A_446 = arith.muli %arg1, %mul3A_445 : i32
    %mul3A_447 = arith.constant 640 : i32
    %mul3A_448 = arith.muli %arg1, %mul3A_447 : i32
    "tpu.region"() ({
      %run_scoped3A = tpu.sem_alloc : memref<!tpu.dma_semaphore, #tpu.memory_space<semaphore_mem>>
      %dma_start3A_449 = arith.constant 0 : i32
      %dma_start3A_450 = tpu.memref_slice %arg4[%arg0, %mul3A_448, %dma_start3A_449] : memref<2x10240x128xf32, #tpu.memory_space<hbm>> -> memref<1x640x128xf32, #tpu.memory_space<hbm>>
      %dma_start3A_451 = tpu.memref_squeeze %dma_start3A_450 : memref<1x640x128xf32, #tpu.memory_space<hbm>> -> memref<640x128xf32, #tpu.memory_space<hbm>>
      %dma_start3A_452 = arith.constant 0 : i32
      %dma_start3A_453 = tpu.memref_slice %arg25[%mul3A_446, %dma_start3A_452] : memref<10240x128xf32, #tpu.memory_space<vmem_shared>> -> memref<640x128xf32, #tpu.memory_space<vmem_shared>>
      tpu.enqueue_dma source(%dma_start3A_453 : memref<640x128xf32, #tpu.memory_space<vmem_shared>>) target(%dma_start3A_451 : memref<640x128xf32, #tpu.memory_space<hbm>>) target_semaphore(%run_scoped3A : memref<!tpu.dma_semaphore, #tpu.memory_space<semaphore_mem>>)
      %dma_wait3A_454 = arith.constant 0 : i32
      %dma_wait3A_455 = tpu.memref_slice %arg4[%arg0, %mul3A_448, %dma_wait3A_454] : memref<2x10240x128xf32, #tpu.memory_space<hbm>> -> memref<1x640x128xf32, #tpu.memory_space<hbm>>
      %dma_wait3A_456 = tpu.memref_squeeze %dma_wait3A_455 : memref<1x640x128xf32, #tpu.memory_space<hbm>> -> memref<640x128xf32, #tpu.memory_space<hbm>>
      %dma_wait3A_457 = arith.constant 0 : i32
      %dma_wait3A_458 = tpu.memref_slice %arg25[%mul3A_446, %dma_wait3A_457] : memref<10240x128xf32, #tpu.memory_space<vmem_shared>> -> memref<640x128xf32, #tpu.memory_space<vmem_shared>>
      tpu.wait_dma2 semaphore(%run_scoped3A : memref<!tpu.dma_semaphore, #tpu.memory_space<semaphore_mem>>) src(%dma_wait3A_458 : memref<640x128xf32, #tpu.memory_space<vmem_shared>>) dst(%dma_wait3A_456 : memref<640x128xf32, #tpu.memory_space<hbm>>)
      tpu.yield
    }) : () -> ()
    return
  }
}

#map = affine_map<(d0, d1) -> (0, 0)>
#map1 = affine_map<(d0, d1) -> (0)>
#map2 = affine_map<(d0, d1) -> (0, 0, 0)>
module attributes {stable_mosaic.version = 14 : i64} {
  func.func @_agg_body(%arg0: i32, %arg1: i32, %arg2: memref<10000x128xf32, #tpu.memory_space<hbm>>, %arg3: memref<640000xi32, #tpu.memory_space<hbm>>, %arg4: memref<2x10240x128xf32, #tpu.memory_space<hbm>>, %arg5: memref<80x128xf32, #tpu.memory_space<vmem>>, %arg6: memref<80x128xf32, #tpu.memory_space<vmem>>, %arg7: memref<80x128xf32, #tpu.memory_space<vmem>>, %arg8: memref<80x128xf32, #tpu.memory_space<vmem>>, %arg9: memref<80xi32, #tpu.memory_space<vmem>>, %arg10: memref<80xi32, #tpu.memory_space<vmem>>, %arg11: memref<80xi32, #tpu.memory_space<vmem>>, %arg12: memref<80xi32, #tpu.memory_space<vmem>>, %arg13: memref<80xi32, #tpu.memory_space<vmem>>, %arg14: memref<80xi32, #tpu.memory_space<vmem>>, %arg15: memref<80xi32, #tpu.memory_space<vmem>>, %arg16: memref<80xi32, #tpu.memory_space<vmem>>, %arg17: memref<80xi32, #tpu.memory_space<vmem>>, %arg18: memref<80xi32, #tpu.memory_space<vmem>>, %arg19: memref<80xi32, #tpu.memory_space<vmem>>, %arg20: memref<80xi32, #tpu.memory_space<vmem>>, %arg21: memref<80xi32, #tpu.memory_space<vmem>>, %arg22: memref<80xi32, #tpu.memory_space<vmem>>, %arg23: memref<80xi32, #tpu.memory_space<vmem>>, %arg24: memref<80xi32, #tpu.memory_space<vmem>>, %arg25: memref<10240x128xf32, #tpu.memory_space<vmem_shared>>, %arg26: memref<!tpu.dma_semaphore, #tpu.memory_space<semaphore_mem>>, %arg27: memref<!tpu.dma_semaphore, #tpu.memory_space<semaphore_mem>>, %arg28: memref<!tpu.dma_semaphore, #tpu.memory_space<semaphore_mem>>, %arg29: memref<!tpu.dma_semaphore, #tpu.memory_space<semaphore_mem>>, %arg30: memref<!tpu.dma_semaphore, #tpu.memory_space<semaphore_mem>>, %arg31: memref<!tpu.dma_semaphore, #tpu.memory_space<semaphore_mem>>, %arg32: memref<!tpu.dma_semaphore, #tpu.memory_space<semaphore_mem>>, %arg33: memref<!tpu.dma_semaphore, #tpu.memory_space<semaphore_mem>>, %arg34: memref<!tpu.dma_semaphore, #tpu.memory_space<semaphore_mem>>, %arg35: memref<!tpu.dma_semaphore, #tpu.memory_space<semaphore_mem>>, %arg36: memref<!tpu.dma_semaphore, #tpu.memory_space<semaphore_mem>>, %arg37: memref<!tpu.dma_semaphore, #tpu.memory_space<semaphore_mem>>, %arg38: memref<!tpu.dma_semaphore, #tpu.memory_space<semaphore_mem>>, %arg39: memref<!tpu.dma_semaphore, #tpu.memory_space<semaphore_mem>>, %arg40: memref<!tpu.dma_semaphore, #tpu.memory_space<semaphore_mem>>, %arg41: memref<!tpu.dma_semaphore, #tpu.memory_space<semaphore_mem>>, %arg42: memref<!tpu.dma_semaphore, #tpu.memory_space<semaphore_mem>>) attributes {dimension_semantics = [#tpu.dimension_semantics<core_parallel>, #tpu.dimension_semantics<subcore_parallel>], iteration_bounds = array<i64: 2, 16>, scalar_prefetch = 0 : i64, scratch_operands = 38 : i64, tpu.core_type = #tpu.core_type<sc_vector_subcore>, window_params = [{transform_indices = #map}, {transform_indices = #map1}, {transform_indices = #map2}]} {
    %mul3A = arith.constant 16 : i32
    %mul3A_0 = arith.muli %arg0, %mul3A : i32
    %add3A = arith.addi %mul3A_0, %arg1 : i32
    %mul3A_1 = arith.constant 10000 : i32
    %mul3A_2 = arith.muli %add3A, %mul3A_1 : i32
    %scan3A = arith.constant 0 : i32
    %scan3A_3 = arith.constant 80 : i32
    %scan3A_4 = arith.addi %scan3A, %scan3A_3 : i32
    %scan3A_5 = arith.constant 1 : i32
    scf.for %scan3A_449 = %scan3A to %scan3A_4 step %scan3A_5  : i32 {
      %broadcast_in_dim3A = arith.constant 0.000000e+00 : f32
      %broadcast_in_dim3A_450 = vector.broadcast %broadcast_in_dim3A : f32 to vector<16xf32>
      %swap3A = arith.index_cast %scan3A_449 : i32 to index
      %swap3A_451 = arith.constant 0 : index
      %swap3A_452 = tpu.vector_load %arg8[%swap3A, %swap3A_451] {strides = array<i32>} : memref<80x128xf32, #tpu.memory_space<vmem>>, vector<1x16xf32>,
      %swap3A_453 = vector.shape_cast %swap3A_452 : vector<1x16xf32> to vector<16xf32>
      %swap3A_454 = vector.shape_cast %broadcast_in_dim3A_450 : vector<16xf32> to vector<1x16xf32>
      tpu.vector_store %arg8[%swap3A, %swap3A_451], %swap3A_454 {strides = array<i32>} : memref<80x128xf32, #tpu.memory_space<vmem>>, vector<1x16xf32>,
      %broadcast_in_dim3A_455 = arith.constant 0.000000e+00 : f32
      %broadcast_in_dim3A_456 = vector.broadcast %broadcast_in_dim3A_455 : f32 to vector<16xf32>
      %swap3A_457 = arith.index_cast %scan3A_449 : i32 to index
      %swap3A_458 = arith.constant 16 : index
      %swap3A_459 = tpu.vector_load %arg8[%swap3A_457, %swap3A_458] {strides = array<i32>} : memref<80x128xf32, #tpu.memory_space<vmem>>, vector<1x16xf32>,
      %swap3A_460 = vector.shape_cast %swap3A_459 : vector<1x16xf32> to vector<16xf32>
      %swap3A_461 = vector.shape_cast %broadcast_in_dim3A_456 : vector<16xf32> to vector<1x16xf32>
      tpu.vector_store %arg8[%swap3A_457, %swap3A_458], %swap3A_461 {strides = array<i32>} : memref<80x128xf32, #tpu.memory_space<vmem>>, vector<1x16xf32>,
      %broadcast_in_dim3A_462 = arith.constant 0.000000e+00 : f32
      %broadcast_in_dim3A_463 = vector.broadcast %broadcast_in_dim3A_462 : f32 to vector<16xf32>
      %swap3A_464 = arith.index_cast %scan3A_449 : i32 to index
      %swap3A_465 = arith.constant 32 : index
      %swap3A_466 = tpu.vector_load %arg8[%swap3A_464, %swap3A_465] {strides = array<i32>} : memref<80x128xf32, #tpu.memory_space<vmem>>, vector<1x16xf32>,
      %swap3A_467 = vector.shape_cast %swap3A_466 : vector<1x16xf32> to vector<16xf32>
      %swap3A_468 = vector.shape_cast %broadcast_in_dim3A_463 : vector<16xf32> to vector<1x16xf32>
      tpu.vector_store %arg8[%swap3A_464, %swap3A_465], %swap3A_468 {strides = array<i32>} : memref<80x128xf32, #tpu.memory_space<vmem>>, vector<1x16xf32>,
      %broadcast_in_dim3A_469 = arith.constant 0.000000e+00 : f32
      %broadcast_in_dim3A_470 = vector.broadcast %broadcast_in_dim3A_469 : f32 to vector<16xf32>
      %swap3A_471 = arith.index_cast %scan3A_449 : i32 to index
      %swap3A_472 = arith.constant 48 : index
      %swap3A_473 = tpu.vector_load %arg8[%swap3A_471, %swap3A_472] {strides = array<i32>} : memref<80x128xf32, #tpu.memory_space<vmem>>, vector<1x16xf32>,
      %swap3A_474 = vector.shape_cast %swap3A_473 : vector<1x16xf32> to vector<16xf32>
      %swap3A_475 = vector.shape_cast %broadcast_in_dim3A_470 : vector<16xf32> to vector<1x16xf32>
      tpu.vector_store %arg8[%swap3A_471, %swap3A_472], %swap3A_475 {strides = array<i32>} : memref<80x128xf32, #tpu.memory_space<vmem>>, vector<1x16xf32>,
      %broadcast_in_dim3A_476 = arith.constant 0.000000e+00 : f32
      %broadcast_in_dim3A_477 = vector.broadcast %broadcast_in_dim3A_476 : f32 to vector<16xf32>
      %swap3A_478 = arith.index_cast %scan3A_449 : i32 to index
      %swap3A_479 = arith.constant 64 : index
      %swap3A_480 = tpu.vector_load %arg8[%swap3A_478, %swap3A_479] {strides = array<i32>} : memref<80x128xf32, #tpu.memory_space<vmem>>, vector<1x16xf32>,
      %swap3A_481 = vector.shape_cast %swap3A_480 : vector<1x16xf32> to vector<16xf32>
      %swap3A_482 = vector.shape_cast %broadcast_in_dim3A_477 : vector<16xf32> to vector<1x16xf32>
      tpu.vector_store %arg8[%swap3A_478, %swap3A_479], %swap3A_482 {strides = array<i32>} : memref<80x128xf32, #tpu.memory_space<vmem>>, vector<1x16xf32>,
      %broadcast_in_dim3A_483 = arith.constant 0.000000e+00 : f32
      %broadcast_in_dim3A_484 = vector.broadcast %broadcast_in_dim3A_483 : f32 to vector<16xf32>
      %swap3A_485 = arith.index_cast %scan3A_449 : i32 to index
      %swap3A_486 = arith.constant 80 : index
      %swap3A_487 = tpu.vector_load %arg8[%swap3A_485, %swap3A_486] {strides = array<i32>} : memref<80x128xf32, #tpu.memory_space<vmem>>, vector<1x16xf32>,
      %swap3A_488 = vector.shape_cast %swap3A_487 : vector<1x16xf32> to vector<16xf32>
      %swap3A_489 = vector.shape_cast %broadcast_in_dim3A_484 : vector<16xf32> to vector<1x16xf32>
      tpu.vector_store %arg8[%swap3A_485, %swap3A_486], %swap3A_489 {strides = array<i32>} : memref<80x128xf32, #tpu.memory_space<vmem>>, vector<1x16xf32>,
      %broadcast_in_dim3A_490 = arith.constant 0.000000e+00 : f32
      %broadcast_in_dim3A_491 = vector.broadcast %broadcast_in_dim3A_490 : f32 to vector<16xf32>
      %swap3A_492 = arith.index_cast %scan3A_449 : i32 to index
      %swap3A_493 = arith.constant 96 : index
      %swap3A_494 = tpu.vector_load %arg8[%swap3A_492, %swap3A_493] {strides = array<i32>} : memref<80x128xf32, #tpu.memory_space<vmem>>, vector<1x16xf32>,
      %swap3A_495 = vector.shape_cast %swap3A_494 : vector<1x16xf32> to vector<16xf32>
      %swap3A_496 = vector.shape_cast %broadcast_in_dim3A_491 : vector<16xf32> to vector<1x16xf32>
      tpu.vector_store %arg8[%swap3A_492, %swap3A_493], %swap3A_496 {strides = array<i32>} : memref<80x128xf32, #tpu.memory_space<vmem>>, vector<1x16xf32>,
      %broadcast_in_dim3A_497 = arith.constant 0.000000e+00 : f32
      %broadcast_in_dim3A_498 = vector.broadcast %broadcast_in_dim3A_497 : f32 to vector<16xf32>
      %swap3A_499 = arith.index_cast %scan3A_449 : i32 to index
      %swap3A_500 = arith.constant 112 : index
      %swap3A_501 = tpu.vector_load %arg8[%swap3A_499, %swap3A_500] {strides = array<i32>} : memref<80x128xf32, #tpu.memory_space<vmem>>, vector<1x16xf32>,
      %swap3A_502 = vector.shape_cast %swap3A_501 : vector<1x16xf32> to vector<16xf32>
      %swap3A_503 = vector.shape_cast %broadcast_in_dim3A_498 : vector<16xf32> to vector<1x16xf32>
      tpu.vector_store %arg8[%swap3A_499, %swap3A_500], %swap3A_503 {strides = array<i32>} : memref<80x128xf32, #tpu.memory_space<vmem>>, vector<1x16xf32>,
    }
    %scan3A_6 = arith.constant 80 : i32
    %mul3A_7 = arith.constant 640 : i32
    %mul3A_8 = arith.muli %arg1, %mul3A_7 : i32
    %add3A_9 = arith.constant 0 : i32
    %add3A_10 = arith.addi %mul3A_8, %add3A_9 : i32
    %dma_start3A = arith.constant 0 : i32
    %dma_start3A_11 = tpu.memref_slice %arg25[%add3A_10, %dma_start3A] : memref<10240x128xf32, #tpu.memory_space<vmem_shared>> -> memref<80x128xf32, #tpu.memory_space<vmem_shared>>
    %dma_start3A_12 = arith.constant 0 : i32
    %dma_start3A_13 = tpu.memref_slice %arg25[%add3A_10, %dma_start3A_12] : memref<10240x128xf32, #tpu.memory_space<vmem_shared>> -> memref<80x128xf32, #tpu.memory_space<vmem_shared>>
    tpu.enqueue_dma source(%arg8 : memref<80x128xf32, #tpu.memory_space<vmem>>) target(%dma_start3A_13 : memref<80x128xf32, #tpu.memory_space<vmem_shared>>) target_semaphore(%arg42 : memref<!tpu.dma_semaphore, #tpu.memory_space<semaphore_mem>>)
    %mul3A_14 = arith.constant 640 : i32
    %mul3A_15 = arith.muli %arg1, %mul3A_14 : i32
    %add3A_16 = arith.constant 80 : i32
    %add3A_17 = arith.addi %mul3A_15, %add3A_16 : i32
    %dma_start3A_18 = arith.constant 0 : i32
    %dma_start3A_19 = tpu.memref_slice %arg25[%add3A_17, %dma_start3A_18] : memref<10240x128xf32, #tpu.memory_space<vmem_shared>> -> memref<80x128xf32, #tpu.memory_space<vmem_shared>>
    %dma_start3A_20 = arith.constant 0 : i32
    %dma_start3A_21 = tpu.memref_slice %arg25[%add3A_17, %dma_start3A_20] : memref<10240x128xf32, #tpu.memory_space<vmem_shared>> -> memref<80x128xf32, #tpu.memory_space<vmem_shared>>
    tpu.enqueue_dma source(%arg8 : memref<80x128xf32, #tpu.memory_space<vmem>>) target(%dma_start3A_21 : memref<80x128xf32, #tpu.memory_space<vmem_shared>>) target_semaphore(%arg42 : memref<!tpu.dma_semaphore, #tpu.memory_space<semaphore_mem>>)
    %mul3A_22 = arith.constant 640 : i32
    %mul3A_23 = arith.muli %arg1, %mul3A_22 : i32
    %add3A_24 = arith.constant 160 : i32
    %add3A_25 = arith.addi %mul3A_23, %add3A_24 : i32
    %dma_start3A_26 = arith.constant 0 : i32
    %dma_start3A_27 = tpu.memref_slice %arg25[%add3A_25, %dma_start3A_26] : memref<10240x128xf32, #tpu.memory_space<vmem_shared>> -> memref<80x128xf32, #tpu.memory_space<vmem_shared>>
    %dma_start3A_28 = arith.constant 0 : i32
    %dma_start3A_29 = tpu.memref_slice %arg25[%add3A_25, %dma_start3A_28] : memref<10240x128xf32, #tpu.memory_space<vmem_shared>> -> memref<80x128xf32, #tpu.memory_space<vmem_shared>>
    tpu.enqueue_dma source(%arg8 : memref<80x128xf32, #tpu.memory_space<vmem>>) target(%dma_start3A_29 : memref<80x128xf32, #tpu.memory_space<vmem_shared>>) target_semaphore(%arg42 : memref<!tpu.dma_semaphore, #tpu.memory_space<semaphore_mem>>)
    %mul3A_30 = arith.constant 640 : i32
    %mul3A_31 = arith.muli %arg1, %mul3A_30 : i32
    %add3A_32 = arith.constant 240 : i32
    %add3A_33 = arith.addi %mul3A_31, %add3A_32 : i32
    %dma_start3A_34 = arith.constant 0 : i32
    %dma_start3A_35 = tpu.memref_slice %arg25[%add3A_33, %dma_start3A_34] : memref<10240x128xf32, #tpu.memory_space<vmem_shared>> -> memref<80x128xf32, #tpu.memory_space<vmem_shared>>
    %dma_start3A_36 = arith.constant 0 : i32
    %dma_start3A_37 = tpu.memref_slice %arg25[%add3A_33, %dma_start3A_36] : memref<10240x128xf32, #tpu.memory_space<vmem_shared>> -> memref<80x128xf32, #tpu.memory_space<vmem_shared>>
    tpu.enqueue_dma source(%arg8 : memref<80x128xf32, #tpu.memory_space<vmem>>) target(%dma_start3A_37 : memref<80x128xf32, #tpu.memory_space<vmem_shared>>) target_semaphore(%arg42 : memref<!tpu.dma_semaphore, #tpu.memory_space<semaphore_mem>>)
    %mul3A_38 = arith.constant 640 : i32
    %mul3A_39 = arith.muli %arg1, %mul3A_38 : i32
    %add3A_40 = arith.constant 320 : i32
    %add3A_41 = arith.addi %mul3A_39, %add3A_40 : i32
    %dma_start3A_42 = arith.constant 0 : i32
    %dma_start3A_43 = tpu.memref_slice %arg25[%add3A_41, %dma_start3A_42] : memref<10240x128xf32, #tpu.memory_space<vmem_shared>> -> memref<80x128xf32, #tpu.memory_space<vmem_shared>>
    %dma_start3A_44 = arith.constant 0 : i32
    %dma_start3A_45 = tpu.memref_slice %arg25[%add3A_41, %dma_start3A_44] : memref<10240x128xf32, #tpu.memory_space<vmem_shared>> -> memref<80x128xf32, #tpu.memory_space<vmem_shared>>
    tpu.enqueue_dma source(%arg8 : memref<80x128xf32, #tpu.memory_space<vmem>>) target(%dma_start3A_45 : memref<80x128xf32, #tpu.memory_space<vmem_shared>>) target_semaphore(%arg42 : memref<!tpu.dma_semaphore, #tpu.memory_space<semaphore_mem>>)
    %mul3A_46 = arith.constant 640 : i32
    %mul3A_47 = arith.muli %arg1, %mul3A_46 : i32
    %add3A_48 = arith.constant 400 : i32
    %add3A_49 = arith.addi %mul3A_47, %add3A_48 : i32
    %dma_start3A_50 = arith.constant 0 : i32
    %dma_start3A_51 = tpu.memref_slice %arg25[%add3A_49, %dma_start3A_50] : memref<10240x128xf32, #tpu.memory_space<vmem_shared>> -> memref<80x128xf32, #tpu.memory_space<vmem_shared>>
    %dma_start3A_52 = arith.constant 0 : i32
    %dma_start3A_53 = tpu.memref_slice %arg25[%add3A_49, %dma_start3A_52] : memref<10240x128xf32, #tpu.memory_space<vmem_shared>> -> memref<80x128xf32, #tpu.memory_space<vmem_shared>>
    tpu.enqueue_dma source(%arg8 : memref<80x128xf32, #tpu.memory_space<vmem>>) target(%dma_start3A_53 : memref<80x128xf32, #tpu.memory_space<vmem_shared>>) target_semaphore(%arg42 : memref<!tpu.dma_semaphore, #tpu.memory_space<semaphore_mem>>)
    %mul3A_54 = arith.constant 640 : i32
    %mul3A_55 = arith.muli %arg1, %mul3A_54 : i32
    %add3A_56 = arith.constant 480 : i32
    %add3A_57 = arith.addi %mul3A_55, %add3A_56 : i32
    %dma_start3A_58 = arith.constant 0 : i32
    %dma_start3A_59 = tpu.memref_slice %arg25[%add3A_57, %dma_start3A_58] : memref<10240x128xf32, #tpu.memory_space<vmem_shared>> -> memref<80x128xf32, #tpu.memory_space<vmem_shared>>
    %dma_start3A_60 = arith.constant 0 : i32
    %dma_start3A_61 = tpu.memref_slice %arg25[%add3A_57, %dma_start3A_60] : memref<10240x128xf32, #tpu.memory_space<vmem_shared>> -> memref<80x128xf32, #tpu.memory_space<vmem_shared>>
    tpu.enqueue_dma source(%arg8 : memref<80x128xf32, #tpu.memory_space<vmem>>) target(%dma_start3A_61 : memref<80x128xf32, #tpu.memory_space<vmem_shared>>) target_semaphore(%arg42 : memref<!tpu.dma_semaphore, #tpu.memory_space<semaphore_mem>>)
    %mul3A_62 = arith.constant 640 : i32
    %mul3A_63 = arith.muli %arg1, %mul3A_62 : i32
    %add3A_64 = arith.constant 560 : i32
    %add3A_65 = arith.addi %mul3A_63, %add3A_64 : i32
    %dma_start3A_66 = arith.constant 0 : i32
    %dma_start3A_67 = tpu.memref_slice %arg25[%add3A_65, %dma_start3A_66] : memref<10240x128xf32, #tpu.memory_space<vmem_shared>> -> memref<80x128xf32, #tpu.memory_space<vmem_shared>>
    %dma_start3A_68 = arith.constant 0 : i32
    %dma_start3A_69 = tpu.memref_slice %arg25[%add3A_65, %dma_start3A_68] : memref<10240x128xf32, #tpu.memory_space<vmem_shared>> -> memref<80x128xf32, #tpu.memory_space<vmem_shared>>
    tpu.enqueue_dma source(%arg8 : memref<80x128xf32, #tpu.memory_space<vmem>>) target(%dma_start3A_69 : memref<80x128xf32, #tpu.memory_space<vmem_shared>>) target_semaphore(%arg42 : memref<!tpu.dma_semaphore, #tpu.memory_space<semaphore_mem>>)
    %add3A_70 = arith.constant 0 : i32
    %add3A_71 = arith.addi %mul3A_2, %add3A_70 : i32
    %dma_start3A_72 = tpu.memref_slice %arg3[%add3A_71] : memref<640000xi32, #tpu.memory_space<hbm>> -> memref<80xi32, #tpu.memory_space<hbm>>
    %dma_start3A_73 = tpu.memref_slice %arg3[%add3A_71] : memref<640000xi32, #tpu.memory_space<hbm>> -> memref<80xi32, #tpu.memory_space<hbm>>
    tpu.enqueue_dma source(%dma_start3A_73 : memref<80xi32, #tpu.memory_space<hbm>>) target(%arg9 : memref<80xi32, #tpu.memory_space<vmem>>) target_semaphore(%arg34 : memref<!tpu.dma_semaphore, #tpu.memory_space<semaphore_mem>>)
    %add3A_74 = arith.constant 320000 : i32
    %add3A_75 = arith.addi %add3A_74, %mul3A_2 : i32
    %add3A_76 = arith.constant 0 : i32
    %add3A_77 = arith.addi %add3A_75, %add3A_76 : i32
    %dma_start3A_78 = tpu.memref_slice %arg3[%add3A_77] : memref<640000xi32, #tpu.memory_space<hbm>> -> memref<80xi32, #tpu.memory_space<hbm>>
    %dma_start3A_79 = tpu.memref_slice %arg3[%add3A_77] : memref<640000xi32, #tpu.memory_space<hbm>> -> memref<80xi32, #tpu.memory_space<hbm>>
    tpu.enqueue_dma source(%dma_start3A_79 : memref<80xi32, #tpu.memory_space<hbm>>) target(%arg17 : memref<80xi32, #tpu.memory_space<vmem>>) target_semaphore(%arg34 : memref<!tpu.dma_semaphore, #tpu.memory_space<semaphore_mem>>)
    %add3A_80 = arith.constant 80 : i32
    %add3A_81 = arith.addi %mul3A_2, %add3A_80 : i32
    %dma_start3A_82 = tpu.memref_slice %arg3[%add3A_81] : memref<640000xi32, #tpu.memory_space<hbm>> -> memref<80xi32, #tpu.memory_space<hbm>>
    %dma_start3A_83 = tpu.memref_slice %arg3[%add3A_81] : memref<640000xi32, #tpu.memory_space<hbm>> -> memref<80xi32, #tpu.memory_space<hbm>>
    tpu.enqueue_dma source(%dma_start3A_83 : memref<80xi32, #tpu.memory_space<hbm>>) target(%arg10 : memref<80xi32, #tpu.memory_space<vmem>>) target_semaphore(%arg35 : memref<!tpu.dma_semaphore, #tpu.memory_space<semaphore_mem>>)
    %add3A_84 = arith.constant 320000 : i32
    %add3A_85 = arith.addi %add3A_84, %mul3A_2 : i32
    %add3A_86 = arith.constant 80 : i32
    %add3A_87 = arith.addi %add3A_85, %add3A_86 : i32
    %dma_start3A_88 = tpu.memref_slice %arg3[%add3A_87] : memref<640000xi32, #tpu.memory_space<hbm>> -> memref<80xi32, #tpu.memory_space<hbm>>
    %dma_start3A_89 = tpu.memref_slice %arg3[%add3A_87] : memref<640000xi32, #tpu.memory_space<hbm>> -> memref<80xi32, #tpu.memory_space<hbm>>
    tpu.enqueue_dma source(%dma_start3A_89 : memref<80xi32, #tpu.memory_space<hbm>>) target(%arg18 : memref<80xi32, #tpu.memory_space<vmem>>) target_semaphore(%arg35 : memref<!tpu.dma_semaphore, #tpu.memory_space<semaphore_mem>>)
    %add3A_90 = arith.constant 160 : i32
    %add3A_91 = arith.addi %mul3A_2, %add3A_90 : i32
    %dma_start3A_92 = tpu.memref_slice %arg3[%add3A_91] : memref<640000xi32, #tpu.memory_space<hbm>> -> memref<80xi32, #tpu.memory_space<hbm>>
    %dma_start3A_93 = tpu.memref_slice %arg3[%add3A_91] : memref<640000xi32, #tpu.memory_space<hbm>> -> memref<80xi32, #tpu.memory_space<hbm>>
    tpu.enqueue_dma source(%dma_start3A_93 : memref<80xi32, #tpu.memory_space<hbm>>) target(%arg11 : memref<80xi32, #tpu.memory_space<vmem>>) target_semaphore(%arg36 : memref<!tpu.dma_semaphore, #tpu.memory_space<semaphore_mem>>)
    %add3A_94 = arith.constant 320000 : i32
    %add3A_95 = arith.addi %add3A_94, %mul3A_2 : i32
    %add3A_96 = arith.constant 160 : i32
    %add3A_97 = arith.addi %add3A_95, %add3A_96 : i32
    %dma_start3A_98 = tpu.memref_slice %arg3[%add3A_97] : memref<640000xi32, #tpu.memory_space<hbm>> -> memref<80xi32, #tpu.memory_space<hbm>>
    %dma_start3A_99 = tpu.memref_slice %arg3[%add3A_97] : memref<640000xi32, #tpu.memory_space<hbm>> -> memref<80xi32, #tpu.memory_space<hbm>>
    tpu.enqueue_dma source(%dma_start3A_99 : memref<80xi32, #tpu.memory_space<hbm>>) target(%arg19 : memref<80xi32, #tpu.memory_space<vmem>>) target_semaphore(%arg36 : memref<!tpu.dma_semaphore, #tpu.memory_space<semaphore_mem>>)
    %add3A_100 = arith.constant 240 : i32
    %add3A_101 = arith.addi %mul3A_2, %add3A_100 : i32
    %dma_start3A_102 = tpu.memref_slice %arg3[%add3A_101] : memref<640000xi32, #tpu.memory_space<hbm>> -> memref<80xi32, #tpu.memory_space<hbm>>
    %dma_start3A_103 = tpu.memref_slice %arg3[%add3A_101] : memref<640000xi32, #tpu.memory_space<hbm>> -> memref<80xi32, #tpu.memory_space<hbm>>
    tpu.enqueue_dma source(%dma_start3A_103 : memref<80xi32, #tpu.memory_space<hbm>>) target(%arg12 : memref<80xi32, #tpu.memory_space<vmem>>) target_semaphore(%arg37 : memref<!tpu.dma_semaphore, #tpu.memory_space<semaphore_mem>>)
    %add3A_104 = arith.constant 320000 : i32
    %add3A_105 = arith.addi %add3A_104, %mul3A_2 : i32
    %add3A_106 = arith.constant 240 : i32
    %add3A_107 = arith.addi %add3A_105, %add3A_106 : i32
    %dma_start3A_108 = tpu.memref_slice %arg3[%add3A_107] : memref<640000xi32, #tpu.memory_space<hbm>> -> memref<80xi32, #tpu.memory_space<hbm>>
    %dma_start3A_109 = tpu.memref_slice %arg3[%add3A_107] : memref<640000xi32, #tpu.memory_space<hbm>> -> memref<80xi32, #tpu.memory_space<hbm>>
    tpu.enqueue_dma source(%dma_start3A_109 : memref<80xi32, #tpu.memory_space<hbm>>) target(%arg20 : memref<80xi32, #tpu.memory_space<vmem>>) target_semaphore(%arg37 : memref<!tpu.dma_semaphore, #tpu.memory_space<semaphore_mem>>)
    %add3A_110 = arith.constant 320 : i32
    %add3A_111 = arith.addi %mul3A_2, %add3A_110 : i32
    %dma_start3A_112 = tpu.memref_slice %arg3[%add3A_111] : memref<640000xi32, #tpu.memory_space<hbm>> -> memref<80xi32, #tpu.memory_space<hbm>>
    %dma_start3A_113 = tpu.memref_slice %arg3[%add3A_111] : memref<640000xi32, #tpu.memory_space<hbm>> -> memref<80xi32, #tpu.memory_space<hbm>>
    tpu.enqueue_dma source(%dma_start3A_113 : memref<80xi32, #tpu.memory_space<hbm>>) target(%arg13 : memref<80xi32, #tpu.memory_space<vmem>>) target_semaphore(%arg38 : memref<!tpu.dma_semaphore, #tpu.memory_space<semaphore_mem>>)
    %add3A_114 = arith.constant 320000 : i32
    %add3A_115 = arith.addi %add3A_114, %mul3A_2 : i32
    %add3A_116 = arith.constant 320 : i32
    %add3A_117 = arith.addi %add3A_115, %add3A_116 : i32
    %dma_start3A_118 = tpu.memref_slice %arg3[%add3A_117] : memref<640000xi32, #tpu.memory_space<hbm>> -> memref<80xi32, #tpu.memory_space<hbm>>
    %dma_start3A_119 = tpu.memref_slice %arg3[%add3A_117] : memref<640000xi32, #tpu.memory_space<hbm>> -> memref<80xi32, #tpu.memory_space<hbm>>
    tpu.enqueue_dma source(%dma_start3A_119 : memref<80xi32, #tpu.memory_space<hbm>>) target(%arg21 : memref<80xi32, #tpu.memory_space<vmem>>) target_semaphore(%arg38 : memref<!tpu.dma_semaphore, #tpu.memory_space<semaphore_mem>>)
    %dma_wait3A = tpu.memref_slice %arg3[%mul3A_2] : memref<640000xi32, #tpu.memory_space<hbm>> -> memref<80xi32, #tpu.memory_space<hbm>>
    %dma_wait3A_120 = tpu.memref_slice %arg3[%mul3A_2] : memref<640000xi32, #tpu.memory_space<hbm>> -> memref<80xi32, #tpu.memory_space<hbm>>
    tpu.wait_dma2 semaphore(%arg34 : memref<!tpu.dma_semaphore, #tpu.memory_space<semaphore_mem>>) src(%dma_wait3A_120 : memref<80xi32, #tpu.memory_space<hbm>>) dst(%arg9 : memref<80xi32, #tpu.memory_space<vmem>>)
    %dma_wait3A_121 = tpu.memref_slice %arg3[%mul3A_2] : memref<640000xi32, #tpu.memory_space<hbm>> -> memref<80xi32, #tpu.memory_space<hbm>>
    %dma_wait3A_122 = tpu.memref_slice %arg3[%mul3A_2] : memref<640000xi32, #tpu.memory_space<hbm>> -> memref<80xi32, #tpu.memory_space<hbm>>
    tpu.wait_dma2 semaphore(%arg34 : memref<!tpu.dma_semaphore, #tpu.memory_space<semaphore_mem>>) src(%dma_wait3A_122 : memref<80xi32, #tpu.memory_space<hbm>>) dst(%arg17 : memref<80xi32, #tpu.memory_space<vmem>>)
    %dma_start3A_123 = arith.constant 0 : i32
    %dma_start3A_124 = arith.constant 0 : i32
    %dma_start3A_125 = tpu.memref_slice %arg2[%dma_start3A_123, %dma_start3A_124] : memref<10000x128xf32, #tpu.memory_space<hbm>> -> memref<10000x128xf32, #tpu.memory_space<hbm>>
    tpu.enqueue_indirect_dma source(%dma_start3A_125 : memref<10000x128xf32, #tpu.memory_space<hbm>>) target(%arg5 : memref<80x128xf32, #tpu.memory_space<vmem>>) offsets(%arg9 : memref<80xi32, #tpu.memory_space<vmem>>) semaphore(%arg26 : memref<!tpu.dma_semaphore, #tpu.memory_space<semaphore_mem>>)
    %dma_wait3A_126 = tpu.memref_slice %arg3[%mul3A_2] : memref<640000xi32, #tpu.memory_space<hbm>> -> memref<80xi32, #tpu.memory_space<hbm>>
    %dma_wait3A_127 = tpu.memref_slice %arg3[%mul3A_2] : memref<640000xi32, #tpu.memory_space<hbm>> -> memref<80xi32, #tpu.memory_space<hbm>>
    tpu.wait_dma2 semaphore(%arg35 : memref<!tpu.dma_semaphore, #tpu.memory_space<semaphore_mem>>) src(%dma_wait3A_127 : memref<80xi32, #tpu.memory_space<hbm>>) dst(%arg10 : memref<80xi32, #tpu.memory_space<vmem>>)
    %dma_wait3A_128 = tpu.memref_slice %arg3[%mul3A_2] : memref<640000xi32, #tpu.memory_space<hbm>> -> memref<80xi32, #tpu.memory_space<hbm>>
    %dma_wait3A_129 = tpu.memref_slice %arg3[%mul3A_2] : memref<640000xi32, #tpu.memory_space<hbm>> -> memref<80xi32, #tpu.memory_space<hbm>>
    tpu.wait_dma2 semaphore(%arg35 : memref<!tpu.dma_semaphore, #tpu.memory_space<semaphore_mem>>) src(%dma_wait3A_129 : memref<80xi32, #tpu.memory_space<hbm>>) dst(%arg18 : memref<80xi32, #tpu.memory_space<vmem>>)
    %dma_start3A_130 = arith.constant 0 : i32
    %dma_start3A_131 = arith.constant 0 : i32
    %dma_start3A_132 = tpu.memref_slice %arg2[%dma_start3A_130, %dma_start3A_131] : memref<10000x128xf32, #tpu.memory_space<hbm>> -> memref<10000x128xf32, #tpu.memory_space<hbm>>
    tpu.enqueue_indirect_dma source(%dma_start3A_132 : memref<10000x128xf32, #tpu.memory_space<hbm>>) target(%arg6 : memref<80x128xf32, #tpu.memory_space<vmem>>) offsets(%arg10 : memref<80xi32, #tpu.memory_space<vmem>>) semaphore(%arg27 : memref<!tpu.dma_semaphore, #tpu.memory_space<semaphore_mem>>)
    %dma_wait3A_133 = tpu.memref_slice %arg3[%mul3A_2] : memref<640000xi32, #tpu.memory_space<hbm>> -> memref<80xi32, #tpu.memory_space<hbm>>
    %dma_wait3A_134 = tpu.memref_slice %arg3[%mul3A_2] : memref<640000xi32, #tpu.memory_space<hbm>> -> memref<80xi32, #tpu.memory_space<hbm>>
    tpu.wait_dma2 semaphore(%arg36 : memref<!tpu.dma_semaphore, #tpu.memory_space<semaphore_mem>>) src(%dma_wait3A_134 : memref<80xi32, #tpu.memory_space<hbm>>) dst(%arg11 : memref<80xi32, #tpu.memory_space<vmem>>)
    %dma_wait3A_135 = tpu.memref_slice %arg3[%mul3A_2] : memref<640000xi32, #tpu.memory_space<hbm>> -> memref<80xi32, #tpu.memory_space<hbm>>
    %dma_wait3A_136 = tpu.memref_slice %arg3[%mul3A_2] : memref<640000xi32, #tpu.memory_space<hbm>> -> memref<80xi32, #tpu.memory_space<hbm>>
    tpu.wait_dma2 semaphore(%arg36 : memref<!tpu.dma_semaphore, #tpu.memory_space<semaphore_mem>>) src(%dma_wait3A_136 : memref<80xi32, #tpu.memory_space<hbm>>) dst(%arg19 : memref<80xi32, #tpu.memory_space<vmem>>)
    %dma_start3A_137 = arith.constant 0 : i32
    %dma_start3A_138 = arith.constant 0 : i32
    %dma_start3A_139 = tpu.memref_slice %arg2[%dma_start3A_137, %dma_start3A_138] : memref<10000x128xf32, #tpu.memory_space<hbm>> -> memref<10000x128xf32, #tpu.memory_space<hbm>>
    tpu.enqueue_indirect_dma source(%dma_start3A_139 : memref<10000x128xf32, #tpu.memory_space<hbm>>) target(%arg7 : memref<80x128xf32, #tpu.memory_space<vmem>>) offsets(%arg11 : memref<80xi32, #tpu.memory_space<vmem>>) semaphore(%arg28 : memref<!tpu.dma_semaphore, #tpu.memory_space<semaphore_mem>>)
    %dma_wait3A_140 = arith.constant 0 : i32
    %dma_wait3A_141 = tpu.memref_slice %arg25[%add3A_10, %dma_wait3A_140] : memref<10240x128xf32, #tpu.memory_space<vmem_shared>> -> memref<80x128xf32, #tpu.memory_space<vmem_shared>>
    %dma_wait3A_142 = arith.constant 0 : i32
    %dma_wait3A_143 = tpu.memref_slice %arg25[%add3A_10, %dma_wait3A_142] : memref<10240x128xf32, #tpu.memory_space<vmem_shared>> -> memref<80x128xf32, #tpu.memory_space<vmem_shared>>
    tpu.wait_dma2 semaphore(%arg42 : memref<!tpu.dma_semaphore, #tpu.memory_space<semaphore_mem>>) src(%arg8 : memref<80x128xf32, #tpu.memory_space<vmem>>) dst(%dma_wait3A_143 : memref<80x128xf32, #tpu.memory_space<vmem_shared>>)
    %dma_wait3A_144 = arith.constant 0 : i32
    %dma_wait3A_145 = tpu.memref_slice %arg25[%add3A_17, %dma_wait3A_144] : memref<10240x128xf32, #tpu.memory_space<vmem_shared>> -> memref<80x128xf32, #tpu.memory_space<vmem_shared>>
    %dma_wait3A_146 = arith.constant 0 : i32
    %dma_wait3A_147 = tpu.memref_slice %arg25[%add3A_17, %dma_wait3A_146] : memref<10240x128xf32, #tpu.memory_space<vmem_shared>> -> memref<80x128xf32, #tpu.memory_space<vmem_shared>>
    tpu.wait_dma2 semaphore(%arg42 : memref<!tpu.dma_semaphore, #tpu.memory_space<semaphore_mem>>) src(%arg8 : memref<80x128xf32, #tpu.memory_space<vmem>>) dst(%dma_wait3A_147 : memref<80x128xf32, #tpu.memory_space<vmem_shared>>)
    %dma_wait3A_148 = arith.constant 0 : i32
    %dma_wait3A_149 = tpu.memref_slice %arg25[%add3A_25, %dma_wait3A_148] : memref<10240x128xf32, #tpu.memory_space<vmem_shared>> -> memref<80x128xf32, #tpu.memory_space<vmem_shared>>
    %dma_wait3A_150 = arith.constant 0 : i32
    %dma_wait3A_151 = tpu.memref_slice %arg25[%add3A_25, %dma_wait3A_150] : memref<10240x128xf32, #tpu.memory_space<vmem_shared>> -> memref<80x128xf32, #tpu.memory_space<vmem_shared>>
    tpu.wait_dma2 semaphore(%arg42 : memref<!tpu.dma_semaphore, #tpu.memory_space<semaphore_mem>>) src(%arg8 : memref<80x128xf32, #tpu.memory_space<vmem>>) dst(%dma_wait3A_151 : memref<80x128xf32, #tpu.memory_space<vmem_shared>>)
    %dma_wait3A_152 = arith.constant 0 : i32
    %dma_wait3A_153 = tpu.memref_slice %arg25[%add3A_33, %dma_wait3A_152] : memref<10240x128xf32, #tpu.memory_space<vmem_shared>> -> memref<80x128xf32, #tpu.memory_space<vmem_shared>>
    %dma_wait3A_154 = arith.constant 0 : i32
    %dma_wait3A_155 = tpu.memref_slice %arg25[%add3A_33, %dma_wait3A_154] : memref<10240x128xf32, #tpu.memory_space<vmem_shared>> -> memref<80x128xf32, #tpu.memory_space<vmem_shared>>
    tpu.wait_dma2 semaphore(%arg42 : memref<!tpu.dma_semaphore, #tpu.memory_space<semaphore_mem>>) src(%arg8 : memref<80x128xf32, #tpu.memory_space<vmem>>) dst(%dma_wait3A_155 : memref<80x128xf32, #tpu.memory_space<vmem_shared>>)
    %dma_wait3A_156 = arith.constant 0 : i32
    %dma_wait3A_157 = tpu.memref_slice %arg25[%add3A_41, %dma_wait3A_156] : memref<10240x128xf32, #tpu.memory_space<vmem_shared>> -> memref<80x128xf32, #tpu.memory_space<vmem_shared>>
    %dma_wait3A_158 = arith.constant 0 : i32
    %dma_wait3A_159 = tpu.memref_slice %arg25[%add3A_41, %dma_wait3A_158] : memref<10240x128xf32, #tpu.memory_space<vmem_shared>> -> memref<80x128xf32, #tpu.memory_space<vmem_shared>>
    tpu.wait_dma2 semaphore(%arg42 : memref<!tpu.dma_semaphore, #tpu.memory_space<semaphore_mem>>) src(%arg8 : memref<80x128xf32, #tpu.memory_space<vmem>>) dst(%dma_wait3A_159 : memref<80x128xf32, #tpu.memory_space<vmem_shared>>)
    %dma_wait3A_160 = arith.constant 0 : i32
    %dma_wait3A_161 = tpu.memref_slice %arg25[%add3A_49, %dma_wait3A_160] : memref<10240x128xf32, #tpu.memory_space<vmem_shared>> -> memref<80x128xf32, #tpu.memory_space<vmem_shared>>
    %dma_wait3A_162 = arith.constant 0 : i32
    %dma_wait3A_163 = tpu.memref_slice %arg25[%add3A_49, %dma_wait3A_162] : memref<10240x128xf32, #tpu.memory_space<vmem_shared>> -> memref<80x128xf32, #tpu.memory_space<vmem_shared>>
    tpu.wait_dma2 semaphore(%arg42 : memref<!tpu.dma_semaphore, #tpu.memory_space<semaphore_mem>>) src(%arg8 : memref<80x128xf32, #tpu.memory_space<vmem>>) dst(%dma_wait3A_163 : memref<80x128xf32, #tpu.memory_space<vmem_shared>>)
    %dma_wait3A_164 = arith.constant 0 : i32
    %dma_wait3A_165 = tpu.memref_slice %arg25[%add3A_57, %dma_wait3A_164] : memref<10240x128xf32, #tpu.memory_space<vmem_shared>> -> memref<80x128xf32, #tpu.memory_space<vmem_shared>>
    %dma_wait3A_166 = arith.constant 0 : i32
    %dma_wait3A_167 = tpu.memref_slice %arg25[%add3A_57, %dma_wait3A_166] : memref<10240x128xf32, #tpu.memory_space<vmem_shared>> -> memref<80x128xf32, #tpu.memory_space<vmem_shared>>
    tpu.wait_dma2 semaphore(%arg42 : memref<!tpu.dma_semaphore, #tpu.memory_space<semaphore_mem>>) src(%arg8 : memref<80x128xf32, #tpu.memory_space<vmem>>) dst(%dma_wait3A_167 : memref<80x128xf32, #tpu.memory_space<vmem_shared>>)
    %dma_wait3A_168 = arith.constant 0 : i32
    %dma_wait3A_169 = tpu.memref_slice %arg25[%add3A_65, %dma_wait3A_168] : memref<10240x128xf32, #tpu.memory_space<vmem_shared>> -> memref<80x128xf32, #tpu.memory_space<vmem_shared>>
    %dma_wait3A_170 = arith.constant 0 : i32
    %dma_wait3A_171 = tpu.memref_slice %arg25[%add3A_65, %dma_wait3A_170] : memref<10240x128xf32, #tpu.memory_space<vmem_shared>> -> memref<80x128xf32, #tpu.memory_space<vmem_shared>>
    tpu.wait_dma2 semaphore(%arg42 : memref<!tpu.dma_semaphore, #tpu.memory_space<semaphore_mem>>) src(%arg8 : memref<80x128xf32, #tpu.memory_space<vmem>>) dst(%dma_wait3A_171 : memref<80x128xf32, #tpu.memory_space<vmem_shared>>)
    %barrier3A = arith.constant 0 : index
    tpu.barrier barrier_id(%barrier3A)
    %dma_wait3A_172 = arith.constant 0 : i32
    %dma_wait3A_173 = arith.constant 0 : i32
    %dma_wait3A_174 = tpu.memref_slice %arg2[%dma_wait3A_172, %dma_wait3A_173] : memref<10000x128xf32, #tpu.memory_space<hbm>> -> memref<10000x128xf32, #tpu.memory_space<hbm>>
    tpu.wait_indirect_dma semaphore(%arg26 : memref<!tpu.dma_semaphore, #tpu.memory_space<semaphore_mem>>) src(%dma_wait3A_174 : memref<10000x128xf32, #tpu.memory_space<hbm>>) dst(%arg5 : memref<80x128xf32, #tpu.memory_space<vmem>>)
    %dma_start3A_175 = arith.constant 0 : i32
    %dma_start3A_176 = arith.constant 0 : i32
    %dma_start3A_177 = tpu.memref_slice %arg25[%dma_start3A_175, %dma_start3A_176] : memref<10240x128xf32, #tpu.memory_space<vmem_shared>> -> memref<10240x128xf32, #tpu.memory_space<vmem_shared>>
    tpu.enqueue_indirect_dma source(%arg5 : memref<80x128xf32, #tpu.memory_space<vmem>>) target(%dma_start3A_177 : memref<10240x128xf32, #tpu.memory_space<vmem_shared>>) offsets(%arg17 : memref<80xi32, #tpu.memory_space<vmem>>) semaphore(%arg30 : memref<!tpu.dma_semaphore, #tpu.memory_space<semaphore_mem>>) {add = true}
    %dma_wait3A_178 = tpu.memref_slice %arg3[%mul3A_2] : memref<640000xi32, #tpu.memory_space<hbm>> -> memref<80xi32, #tpu.memory_space<hbm>>
    %dma_wait3A_179 = tpu.memref_slice %arg3[%mul3A_2] : memref<640000xi32, #tpu.memory_space<hbm>> -> memref<80xi32, #tpu.memory_space<hbm>>
    tpu.wait_dma2 semaphore(%arg37 : memref<!tpu.dma_semaphore, #tpu.memory_space<semaphore_mem>>) src(%dma_wait3A_179 : memref<80xi32, #tpu.memory_space<hbm>>) dst(%arg12 : memref<80xi32, #tpu.memory_space<vmem>>)
    %dma_wait3A_180 = tpu.memref_slice %arg3[%mul3A_2] : memref<640000xi32, #tpu.memory_space<hbm>> -> memref<80xi32, #tpu.memory_space<hbm>>
    %dma_wait3A_181 = tpu.memref_slice %arg3[%mul3A_2] : memref<640000xi32, #tpu.memory_space<hbm>> -> memref<80xi32, #tpu.memory_space<hbm>>
    tpu.wait_dma2 semaphore(%arg37 : memref<!tpu.dma_semaphore, #tpu.memory_space<semaphore_mem>>) src(%dma_wait3A_181 : memref<80xi32, #tpu.memory_space<hbm>>) dst(%arg20 : memref<80xi32, #tpu.memory_space<vmem>>)
    %dma_start3A_182 = arith.constant 0 : i32
    %dma_start3A_183 = arith.constant 0 : i32
    %dma_start3A_184 = tpu.memref_slice %arg2[%dma_start3A_182, %dma_start3A_183] : memref<10000x128xf32, #tpu.memory_space<hbm>> -> memref<10000x128xf32, #tpu.memory_space<hbm>>
    tpu.enqueue_indirect_dma source(%dma_start3A_184 : memref<10000x128xf32, #tpu.memory_space<hbm>>) target(%arg8 : memref<80x128xf32, #tpu.memory_space<vmem>>) offsets(%arg12 : memref<80xi32, #tpu.memory_space<vmem>>) semaphore(%arg29 : memref<!tpu.dma_semaphore, #tpu.memory_space<semaphore_mem>>)
    %add3A_185 = arith.constant 400 : i32
    %add3A_186 = arith.addi %mul3A_2, %add3A_185 : i32
    %dma_start3A_187 = tpu.memref_slice %arg3[%add3A_186] : memref<640000xi32, #tpu.memory_space<hbm>> -> memref<80xi32, #tpu.memory_space<hbm>>
    %dma_start3A_188 = tpu.memref_slice %arg3[%add3A_186] : memref<640000xi32, #tpu.memory_space<hbm>> -> memref<80xi32, #tpu.memory_space<hbm>>
    tpu.enqueue_dma source(%dma_start3A_188 : memref<80xi32, #tpu.memory_space<hbm>>) target(%arg14 : memref<80xi32, #tpu.memory_space<vmem>>) target_semaphore(%arg39 : memref<!tpu.dma_semaphore, #tpu.memory_space<semaphore_mem>>)
    %add3A_189 = arith.constant 320000 : i32
    %add3A_190 = arith.addi %add3A_189, %mul3A_2 : i32
    %add3A_191 = arith.constant 400 : i32
    %add3A_192 = arith.addi %add3A_190, %add3A_191 : i32
    %dma_start3A_193 = tpu.memref_slice %arg3[%add3A_192] : memref<640000xi32, #tpu.memory_space<hbm>> -> memref<80xi32, #tpu.memory_space<hbm>>
    %dma_start3A_194 = tpu.memref_slice %arg3[%add3A_192] : memref<640000xi32, #tpu.memory_space<hbm>> -> memref<80xi32, #tpu.memory_space<hbm>>
    tpu.enqueue_dma source(%dma_start3A_194 : memref<80xi32, #tpu.memory_space<hbm>>) target(%arg22 : memref<80xi32, #tpu.memory_space<vmem>>) target_semaphore(%arg39 : memref<!tpu.dma_semaphore, #tpu.memory_space<semaphore_mem>>)
    %dma_wait3A_195 = arith.constant 0 : i32
    %dma_wait3A_196 = arith.constant 0 : i32
    %dma_wait3A_197 = tpu.memref_slice %arg2[%dma_wait3A_195, %dma_wait3A_196] : memref<10000x128xf32, #tpu.memory_space<hbm>> -> memref<10000x128xf32, #tpu.memory_space<hbm>>
    tpu.wait_indirect_dma semaphore(%arg27 : memref<!tpu.dma_semaphore, #tpu.memory_space<semaphore_mem>>) src(%dma_wait3A_197 : memref<10000x128xf32, #tpu.memory_space<hbm>>) dst(%arg6 : memref<80x128xf32, #tpu.memory_space<vmem>>)
    %dma_start3A_198 = arith.constant 0 : i32
    %dma_start3A_199 = arith.constant 0 : i32
    %dma_start3A_200 = tpu.memref_slice %arg25[%dma_start3A_198, %dma_start3A_199] : memref<10240x128xf32, #tpu.memory_space<vmem_shared>> -> memref<10240x128xf32, #tpu.memory_space<vmem_shared>>
    tpu.enqueue_indirect_dma source(%arg6 : memref<80x128xf32, #tpu.memory_space<vmem>>) target(%dma_start3A_200 : memref<10240x128xf32, #tpu.memory_space<vmem_shared>>) offsets(%arg18 : memref<80xi32, #tpu.memory_space<vmem>>) semaphore(%arg31 : memref<!tpu.dma_semaphore, #tpu.memory_space<semaphore_mem>>) {add = true}
    %dma_wait3A_201 = arith.constant 0 : i32
    %dma_wait3A_202 = arith.constant 0 : i32
    %dma_wait3A_203 = tpu.memref_slice %arg25[%dma_wait3A_201, %dma_wait3A_202] : memref<10240x128xf32, #tpu.memory_space<vmem_shared>> -> memref<10240x128xf32, #tpu.memory_space<vmem_shared>>
    tpu.wait_indirect_dma semaphore(%arg30 : memref<!tpu.dma_semaphore, #tpu.memory_space<semaphore_mem>>) src(%arg5 : memref<80x128xf32, #tpu.memory_space<vmem>>) dst(%dma_wait3A_203 : memref<10240x128xf32, #tpu.memory_space<vmem_shared>>)
    %dma_wait3A_204 = tpu.memref_slice %arg3[%mul3A_2] : memref<640000xi32, #tpu.memory_space<hbm>> -> memref<80xi32, #tpu.memory_space<hbm>>
    %dma_wait3A_205 = tpu.memref_slice %arg3[%mul3A_2] : memref<640000xi32, #tpu.memory_space<hbm>> -> memref<80xi32, #tpu.memory_space<hbm>>
    tpu.wait_dma2 semaphore(%arg38 : memref<!tpu.dma_semaphore, #tpu.memory_space<semaphore_mem>>) src(%dma_wait3A_205 : memref<80xi32, #tpu.memory_space<hbm>>) dst(%arg13 : memref<80xi32, #tpu.memory_space<vmem>>)
    %dma_wait3A_206 = tpu.memref_slice %arg3[%mul3A_2] : memref<640000xi32, #tpu.memory_space<hbm>> -> memref<80xi32, #tpu.memory_space<hbm>>
    %dma_wait3A_207 = tpu.memref_slice %arg3[%mul3A_2] : memref<640000xi32, #tpu.memory_space<hbm>> -> memref<80xi32, #tpu.memory_space<hbm>>
    tpu.wait_dma2 semaphore(%arg38 : memref<!tpu.dma_semaphore, #tpu.memory_space<semaphore_mem>>) src(%dma_wait3A_207 : memref<80xi32, #tpu.memory_space<hbm>>) dst(%arg21 : memref<80xi32, #tpu.memory_space<vmem>>)
    %dma_start3A_208 = arith.constant 0 : i32
    %dma_start3A_209 = arith.constant 0 : i32
    %dma_start3A_210 = tpu.memref_slice %arg2[%dma_start3A_208, %dma_start3A_209] : memref<10000x128xf32, #tpu.memory_space<hbm>> -> memref<10000x128xf32, #tpu.memory_space<hbm>>
    tpu.enqueue_indirect_dma source(%dma_start3A_210 : memref<10000x128xf32, #tpu.memory_space<hbm>>) target(%arg5 : memref<80x128xf32, #tpu.memory_space<vmem>>) offsets(%arg13 : memref<80xi32, #tpu.memory_space<vmem>>) semaphore(%arg26 : memref<!tpu.dma_semaphore, #tpu.memory_space<semaphore_mem>>)
    %add3A_211 = arith.constant 480 : i32
    %add3A_212 = arith.addi %mul3A_2, %add3A_211 : i32
    %dma_start3A_213 = tpu.memref_slice %arg3[%add3A_212] : memref<640000xi32, #tpu.memory_space<hbm>> -> memref<80xi32, #tpu.memory_space<hbm>>
    %dma_start3A_214 = tpu.memref_slice %arg3[%add3A_212] : memref<640000xi32, #tpu.memory_space<hbm>> -> memref<80xi32, #tpu.memory_space<hbm>>
    tpu.enqueue_dma source(%dma_start3A_214 : memref<80xi32, #tpu.memory_space<hbm>>) target(%arg15 : memref<80xi32, #tpu.memory_space<vmem>>) target_semaphore(%arg40 : memref<!tpu.dma_semaphore, #tpu.memory_space<semaphore_mem>>)
    %add3A_215 = arith.constant 320000 : i32
    %add3A_216 = arith.addi %add3A_215, %mul3A_2 : i32
    %add3A_217 = arith.constant 480 : i32
    %add3A_218 = arith.addi %add3A_216, %add3A_217 : i32
    %dma_start3A_219 = tpu.memref_slice %arg3[%add3A_218] : memref<640000xi32, #tpu.memory_space<hbm>> -> memref<80xi32, #tpu.memory_space<hbm>>
    %dma_start3A_220 = tpu.memref_slice %arg3[%add3A_218] : memref<640000xi32, #tpu.memory_space<hbm>> -> memref<80xi32, #tpu.memory_space<hbm>>
    tpu.enqueue_dma source(%dma_start3A_220 : memref<80xi32, #tpu.memory_space<hbm>>) target(%arg23 : memref<80xi32, #tpu.memory_space<vmem>>) target_semaphore(%arg40 : memref<!tpu.dma_semaphore, #tpu.memory_space<semaphore_mem>>)
    %dma_wait3A_221 = arith.constant 0 : i32
    %dma_wait3A_222 = arith.constant 0 : i32
    %dma_wait3A_223 = tpu.memref_slice %arg2[%dma_wait3A_221, %dma_wait3A_222] : memref<10000x128xf32, #tpu.memory_space<hbm>> -> memref<10000x128xf32, #tpu.memory_space<hbm>>
    tpu.wait_indirect_dma semaphore(%arg28 : memref<!tpu.dma_semaphore, #tpu.memory_space<semaphore_mem>>) src(%dma_wait3A_223 : memref<10000x128xf32, #tpu.memory_space<hbm>>) dst(%arg7 : memref<80x128xf32, #tpu.memory_space<vmem>>)
    %dma_start3A_224 = arith.constant 0 : i32
    %dma_start3A_225 = arith.constant 0 : i32
    %dma_start3A_226 = tpu.memref_slice %arg25[%dma_start3A_224, %dma_start3A_225] : memref<10240x128xf32, #tpu.memory_space<vmem_shared>> -> memref<10240x128xf32, #tpu.memory_space<vmem_shared>>
    tpu.enqueue_indirect_dma source(%arg7 : memref<80x128xf32, #tpu.memory_space<vmem>>) target(%dma_start3A_226 : memref<10240x128xf32, #tpu.memory_space<vmem_shared>>) offsets(%arg19 : memref<80xi32, #tpu.memory_space<vmem>>) semaphore(%arg32 : memref<!tpu.dma_semaphore, #tpu.memory_space<semaphore_mem>>) {add = true}
    %dma_wait3A_227 = arith.constant 0 : i32
    %dma_wait3A_228 = arith.constant 0 : i32
    %dma_wait3A_229 = tpu.memref_slice %arg25[%dma_wait3A_227, %dma_wait3A_228] : memref<10240x128xf32, #tpu.memory_space<vmem_shared>> -> memref<10240x128xf32, #tpu.memory_space<vmem_shared>>
    tpu.wait_indirect_dma semaphore(%arg31 : memref<!tpu.dma_semaphore, #tpu.memory_space<semaphore_mem>>) src(%arg5 : memref<80x128xf32, #tpu.memory_space<vmem>>) dst(%dma_wait3A_229 : memref<10240x128xf32, #tpu.memory_space<vmem_shared>>)
    %dma_wait3A_230 = tpu.memref_slice %arg3[%mul3A_2] : memref<640000xi32, #tpu.memory_space<hbm>> -> memref<80xi32, #tpu.memory_space<hbm>>
    %dma_wait3A_231 = tpu.memref_slice %arg3[%mul3A_2] : memref<640000xi32, #tpu.memory_space<hbm>> -> memref<80xi32, #tpu.memory_space<hbm>>
    tpu.wait_dma2 semaphore(%arg39 : memref<!tpu.dma_semaphore, #tpu.memory_space<semaphore_mem>>) src(%dma_wait3A_231 : memref<80xi32, #tpu.memory_space<hbm>>) dst(%arg14 : memref<80xi32, #tpu.memory_space<vmem>>)
    %dma_wait3A_232 = tpu.memref_slice %arg3[%mul3A_2] : memref<640000xi32, #tpu.memory_space<hbm>> -> memref<80xi32, #tpu.memory_space<hbm>>
    %dma_wait3A_233 = tpu.memref_slice %arg3[%mul3A_2] : memref<640000xi32, #tpu.memory_space<hbm>> -> memref<80xi32, #tpu.memory_space<hbm>>
    tpu.wait_dma2 semaphore(%arg39 : memref<!tpu.dma_semaphore, #tpu.memory_space<semaphore_mem>>) src(%dma_wait3A_233 : memref<80xi32, #tpu.memory_space<hbm>>) dst(%arg22 : memref<80xi32, #tpu.memory_space<vmem>>)
    %dma_start3A_234 = arith.constant 0 : i32
    %dma_start3A_235 = arith.constant 0 : i32
    %dma_start3A_236 = tpu.memref_slice %arg2[%dma_start3A_234, %dma_start3A_235] : memref<10000x128xf32, #tpu.memory_space<hbm>> -> memref<10000x128xf32, #tpu.memory_space<hbm>>
    tpu.enqueue_indirect_dma source(%dma_start3A_236 : memref<10000x128xf32, #tpu.memory_space<hbm>>) target(%arg6 : memref<80x128xf32, #tpu.memory_space<vmem>>) offsets(%arg14 : memref<80xi32, #tpu.memory_space<vmem>>) semaphore(%arg27 : memref<!tpu.dma_semaphore, #tpu.memory_space<semaphore_mem>>)
    %add3A_237 = arith.constant 560 : i32
    %add3A_238 = arith.addi %mul3A_2, %add3A_237 : i32
    %dma_start3A_239 = tpu.memref_slice %arg3[%add3A_238] : memref<640000xi32, #tpu.memory_space<hbm>> -> memref<80xi32, #tpu.memory_space<hbm>>
    %dma_start3A_240 = tpu.memref_slice %arg3[%add3A_238] : memref<640000xi32, #tpu.memory_space<hbm>> -> memref<80xi32, #tpu.memory_space<hbm>>
    tpu.enqueue_dma source(%dma_start3A_240 : memref<80xi32, #tpu.memory_space<hbm>>) target(%arg16 : memref<80xi32, #tpu.memory_space<vmem>>) target_semaphore(%arg41 : memref<!tpu.dma_semaphore, #tpu.memory_space<semaphore_mem>>)
    %add3A_241 = arith.constant 320000 : i32
    %add3A_242 = arith.addi %add3A_241, %mul3A_2 : i32
    %add3A_243 = arith.constant 560 : i32
    %add3A_244 = arith.addi %add3A_242, %add3A_243 : i32
    %dma_start3A_245 = tpu.memref_slice %arg3[%add3A_244] : memref<640000xi32, #tpu.memory_space<hbm>> -> memref<80xi32, #tpu.memory_space<hbm>>
    %dma_start3A_246 = tpu.memref_slice %arg3[%add3A_244] : memref<640000xi32, #tpu.memory_space<hbm>> -> memref<80xi32, #tpu.memory_space<hbm>>
    tpu.enqueue_dma source(%dma_start3A_246 : memref<80xi32, #tpu.memory_space<hbm>>) target(%arg24 : memref<80xi32, #tpu.memory_space<vmem>>) target_semaphore(%arg41 : memref<!tpu.dma_semaphore, #tpu.memory_space<semaphore_mem>>)
    %scan3A_247 = arith.constant 0 : i32
    %scan3A_248 = arith.constant 14 : i32
    %scan3A_249 = arith.addi %scan3A_247, %scan3A_248 : i32
    %scan3A_250 = arith.constant 1 : i32
    scf.for %scan3A_449 = %scan3A_247 to %scan3A_249 step %scan3A_250  : i32 {
      %mul3A_450 = arith.constant 8 : i32
      %mul3A_451 = arith.muli %mul3A_450, %scan3A_449 : i32
      %add3A_452 = arith.constant 3 : i32
      %add3A_453 = arith.addi %mul3A_451, %add3A_452 : i32
      %add3A_454 = arith.constant 0 : i32
      %add3A_455 = arith.addi %add3A_453, %add3A_454 : i32
      %dma_wait3A_456 = arith.constant 0 : i32
      %dma_wait3A_457 = arith.constant 0 : i32
      %dma_wait3A_458 = tpu.memref_slice %arg2[%dma_wait3A_456, %dma_wait3A_457] : memref<10000x128xf32, #tpu.memory_space<hbm>> -> memref<10000x128xf32, #tpu.memory_space<hbm>>
      tpu.wait_indirect_dma semaphore(%arg29 : memref<!tpu.dma_semaphore, #tpu.memory_space<semaphore_mem>>) src(%dma_wait3A_458 : memref<10000x128xf32, #tpu.memory_space<hbm>>) dst(%arg8 : memref<80x128xf32, #tpu.memory_space<vmem>>)
      %dma_start3A_459 = arith.constant 0 : i32
      %dma_start3A_460 = arith.constant 0 : i32
      %dma_start3A_461 = tpu.memref_slice %arg25[%dma_start3A_459, %dma_start3A_460] : memref<10240x128xf32, #tpu.memory_space<vmem_shared>> -> memref<10240x128xf32, #tpu.memory_space<vmem_shared>>
      tpu.enqueue_indirect_dma source(%arg8 : memref<80x128xf32, #tpu.memory_space<vmem>>) target(%dma_start3A_461 : memref<10240x128xf32, #tpu.memory_space<vmem_shared>>) offsets(%arg20 : memref<80xi32, #tpu.memory_space<vmem>>) semaphore(%arg33 : memref<!tpu.dma_semaphore, #tpu.memory_space<semaphore_mem>>) {add = true}
      %dma_wait3A_462 = arith.constant 0 : i32
      %dma_wait3A_463 = arith.constant 0 : i32
      %dma_wait3A_464 = tpu.memref_slice %arg25[%dma_wait3A_462, %dma_wait3A_463] : memref<10240x128xf32, #tpu.memory_space<vmem_shared>> -> memref<10240x128xf32, #tpu.memory_space<vmem_shared>>
      tpu.wait_indirect_dma semaphore(%arg32 : memref<!tpu.dma_semaphore, #tpu.memory_space<semaphore_mem>>) src(%arg5 : memref<80x128xf32, #tpu.memory_space<vmem>>) dst(%dma_wait3A_464 : memref<10240x128xf32, #tpu.memory_space<vmem_shared>>)
      %dma_wait3A_465 = tpu.memref_slice %arg3[%mul3A_2] : memref<640000xi32, #tpu.memory_space<hbm>> -> memref<80xi32, #tpu.memory_space<hbm>>
      %dma_wait3A_466 = tpu.memref_slice %arg3[%mul3A_2] : memref<640000xi32, #tpu.memory_space<hbm>> -> memref<80xi32, #tpu.memory_space<hbm>>
      tpu.wait_dma2 semaphore(%arg40 : memref<!tpu.dma_semaphore, #tpu.memory_space<semaphore_mem>>) src(%dma_wait3A_466 : memref<80xi32, #tpu.memory_space<hbm>>) dst(%arg15 : memref<80xi32, #tpu.memory_space<vmem>>)
      %dma_wait3A_467 = tpu.memref_slice %arg3[%mul3A_2] : memref<640000xi32, #tpu.memory_space<hbm>> -> memref<80xi32, #tpu.memory_space<hbm>>
      %dma_wait3A_468 = tpu.memref_slice %arg3[%mul3A_2] : memref<640000xi32, #tpu.memory_space<hbm>> -> memref<80xi32, #tpu.memory_space<hbm>>
      tpu.wait_dma2 semaphore(%arg40 : memref<!tpu.dma_semaphore, #tpu.memory_space<semaphore_mem>>) src(%dma_wait3A_468 : memref<80xi32, #tpu.memory_space<hbm>>) dst(%arg23 : memref<80xi32, #tpu.memory_space<vmem>>)
      %dma_start3A_469 = arith.constant 0 : i32
      %dma_start3A_470 = arith.constant 0 : i32
      %dma_start3A_471 = tpu.memref_slice %arg2[%dma_start3A_469, %dma_start3A_470] : memref<10000x128xf32, #tpu.memory_space<hbm>> -> memref<10000x128xf32, #tpu.memory_space<hbm>>
      tpu.enqueue_indirect_dma source(%dma_start3A_471 : memref<10000x128xf32, #tpu.memory_space<hbm>>) target(%arg7 : memref<80x128xf32, #tpu.memory_space<vmem>>) offsets(%arg15 : memref<80xi32, #tpu.memory_space<vmem>>) semaphore(%arg28 : memref<!tpu.dma_semaphore, #tpu.memory_space<semaphore_mem>>)
      %add3A_472 = arith.constant 5 : i32
      %add3A_473 = arith.addi %add3A_455, %add3A_472 : i32
      %mul3A_474 = arith.constant 80 : i32
      %mul3A_475 = arith.muli %add3A_473, %mul3A_474 : i32
      %add3A_476 = arith.addi %mul3A_2, %mul3A_475 : i32
      %dma_start3A_477 = tpu.memref_slice %arg3[%add3A_476] : memref<640000xi32, #tpu.memory_space<hbm>> -> memref<80xi32, #tpu.memory_space<hbm>>
      %dma_start3A_478 = tpu.memref_slice %arg3[%add3A_476] : memref<640000xi32, #tpu.memory_space<hbm>> -> memref<80xi32, #tpu.memory_space<hbm>>
      tpu.enqueue_dma source(%dma_start3A_478 : memref<80xi32, #tpu.memory_space<hbm>>) target(%arg9 : memref<80xi32, #tpu.memory_space<vmem>>) target_semaphore(%arg34 : memref<!tpu.dma_semaphore, #tpu.memory_space<semaphore_mem>>)
      %add3A_479 = arith.constant 320000 : i32
      %add3A_480 = arith.addi %add3A_479, %mul3A_2 : i32
      %mul3A_481 = arith.constant 80 : i32
      %mul3A_482 = arith.muli %add3A_473, %mul3A_481 : i32
      %add3A_483 = arith.addi %add3A_480, %mul3A_482 : i32
      %dma_start3A_484 = tpu.memref_slice %arg3[%add3A_483] : memref<640000xi32, #tpu.memory_space<hbm>> -> memref<80xi32, #tpu.memory_space<hbm>>
      %dma_start3A_485 = tpu.memref_slice %arg3[%add3A_483] : memref<640000xi32, #tpu.memory_space<hbm>> -> memref<80xi32, #tpu.memory_space<hbm>>
      tpu.enqueue_dma source(%dma_start3A_485 : memref<80xi32, #tpu.memory_space<hbm>>) target(%arg17 : memref<80xi32, #tpu.memory_space<vmem>>) target_semaphore(%arg34 : memref<!tpu.dma_semaphore, #tpu.memory_space<semaphore_mem>>)
      %mul3A_486 = arith.constant 8 : i32
      %mul3A_487 = arith.muli %mul3A_486, %scan3A_449 : i32
      %add3A_488 = arith.constant 3 : i32
      %add3A_489 = arith.addi %mul3A_487, %add3A_488 : i32
      %add3A_490 = arith.constant 1 : i32
      %add3A_491 = arith.addi %add3A_489, %add3A_490 : i32
      %dma_wait3A_492 = arith.constant 0 : i32
      %dma_wait3A_493 = arith.constant 0 : i32
      %dma_wait3A_494 = tpu.memref_slice %arg2[%dma_wait3A_492, %dma_wait3A_493] : memref<10000x128xf32, #tpu.memory_space<hbm>> -> memref<10000x128xf32, #tpu.memory_space<hbm>>
      tpu.wait_indirect_dma semaphore(%arg26 : memref<!tpu.dma_semaphore, #tpu.memory_space<semaphore_mem>>) src(%dma_wait3A_494 : memref<10000x128xf32, #tpu.memory_space<hbm>>) dst(%arg5 : memref<80x128xf32, #tpu.memory_space<vmem>>)
      %dma_start3A_495 = arith.constant 0 : i32
      %dma_start3A_496 = arith.constant 0 : i32
      %dma_start3A_497 = tpu.memref_slice %arg25[%dma_start3A_495, %dma_start3A_496] : memref<10240x128xf32, #tpu.memory_space<vmem_shared>> -> memref<10240x128xf32, #tpu.memory_space<vmem_shared>>
      tpu.enqueue_indirect_dma source(%arg5 : memref<80x128xf32, #tpu.memory_space<vmem>>) target(%dma_start3A_497 : memref<10240x128xf32, #tpu.memory_space<vmem_shared>>) offsets(%arg21 : memref<80xi32, #tpu.memory_space<vmem>>) semaphore(%arg30 : memref<!tpu.dma_semaphore, #tpu.memory_space<semaphore_mem>>) {add = true}
      %dma_wait3A_498 = arith.constant 0 : i32
      %dma_wait3A_499 = arith.constant 0 : i32
      %dma_wait3A_500 = tpu.memref_slice %arg25[%dma_wait3A_498, %dma_wait3A_499] : memref<10240x128xf32, #tpu.memory_space<vmem_shared>> -> memref<10240x128xf32, #tpu.memory_space<vmem_shared>>
      tpu.wait_indirect_dma semaphore(%arg33 : memref<!tpu.dma_semaphore, #tpu.memory_space<semaphore_mem>>) src(%arg5 : memref<80x128xf32, #tpu.memory_space<vmem>>) dst(%dma_wait3A_500 : memref<10240x128xf32, #tpu.memory_space<vmem_shared>>)
      %dma_wait3A_501 = tpu.memref_slice %arg3[%mul3A_2] : memref<640000xi32, #tpu.memory_space<hbm>> -> memref<80xi32, #tpu.memory_space<hbm>>
      %dma_wait3A_502 = tpu.memref_slice %arg3[%mul3A_2] : memref<640000xi32, #tpu.memory_space<hbm>> -> memref<80xi32, #tpu.memory_space<hbm>>
      tpu.wait_dma2 semaphore(%arg41 : memref<!tpu.dma_semaphore, #tpu.memory_space<semaphore_mem>>) src(%dma_wait3A_502 : memref<80xi32, #tpu.memory_space<hbm>>) dst(%arg16 : memref<80xi32, #tpu.memory_space<vmem>>)
      %dma_wait3A_503 = tpu.memref_slice %arg3[%mul3A_2] : memref<640000xi32, #tpu.memory_space<hbm>> -> memref<80xi32, #tpu.memory_space<hbm>>
      %dma_wait3A_504 = tpu.memref_slice %arg3[%mul3A_2] : memref<640000xi32, #tpu.memory_space<hbm>> -> memref<80xi32, #tpu.memory_space<hbm>>
      tpu.wait_dma2 semaphore(%arg41 : memref<!tpu.dma_semaphore, #tpu.memory_space<semaphore_mem>>) src(%dma_wait3A_504 : memref<80xi32, #tpu.memory_space<hbm>>) dst(%arg24 : memref<80xi32, #tpu.memory_space<vmem>>)
      %dma_start3A_505 = arith.constant 0 : i32
      %dma_start3A_506 = arith.constant 0 : i32
      %dma_start3A_507 = tpu.memref_slice %arg2[%dma_start3A_505, %dma_start3A_506] : memref<10000x128xf32, #tpu.memory_space<hbm>> -> memref<10000x128xf32, #tpu.memory_space<hbm>>
      tpu.enqueue_indirect_dma source(%dma_start3A_507 : memref<10000x128xf32, #tpu.memory_space<hbm>>) target(%arg8 : memref<80x128xf32, #tpu.memory_space<vmem>>) offsets(%arg16 : memref<80xi32, #tpu.memory_space<vmem>>) semaphore(%arg29 : memref<!tpu.dma_semaphore, #tpu.memory_space<semaphore_mem>>)
      %add3A_508 = arith.constant 5 : i32
      %add3A_509 = arith.addi %add3A_491, %add3A_508 : i32
      %mul3A_510 = arith.constant 80 : i32
      %mul3A_511 = arith.muli %add3A_509, %mul3A_510 : i32
      %add3A_512 = arith.addi %mul3A_2, %mul3A_511 : i32
      %dma_start3A_513 = tpu.memref_slice %arg3[%add3A_512] : memref<640000xi32, #tpu.memory_space<hbm>> -> memref<80xi32, #tpu.memory_space<hbm>>
      %dma_start3A_514 = tpu.memref_slice %arg3[%add3A_512] : memref<640000xi32, #tpu.memory_space<hbm>> -> memref<80xi32, #tpu.memory_space<hbm>>
      tpu.enqueue_dma source(%dma_start3A_514 : memref<80xi32, #tpu.memory_space<hbm>>) target(%arg10 : memref<80xi32, #tpu.memory_space<vmem>>) target_semaphore(%arg35 : memref<!tpu.dma_semaphore, #tpu.memory_space<semaphore_mem>>)
      %add3A_515 = arith.constant 320000 : i32
      %add3A_516 = arith.addi %add3A_515, %mul3A_2 : i32
      %mul3A_517 = arith.constant 80 : i32
      %mul3A_518 = arith.muli %add3A_509, %mul3A_517 : i32
      %add3A_519 = arith.addi %add3A_516, %mul3A_518 : i32
      %dma_start3A_520 = tpu.memref_slice %arg3[%add3A_519] : memref<640000xi32, #tpu.memory_space<hbm>> -> memref<80xi32, #tpu.memory_space<hbm>>
      %dma_start3A_521 = tpu.memref_slice %arg3[%add3A_519] : memref<640000xi32, #tpu.memory_space<hbm>> -> memref<80xi32, #tpu.memory_space<hbm>>
      tpu.enqueue_dma source(%dma_start3A_521 : memref<80xi32, #tpu.memory_space<hbm>>) target(%arg18 : memref<80xi32, #tpu.memory_space<vmem>>) target_semaphore(%arg35 : memref<!tpu.dma_semaphore, #tpu.memory_space<semaphore_mem>>)
      %mul3A_522 = arith.constant 8 : i32
      %mul3A_523 = arith.muli %mul3A_522, %scan3A_449 : i32
      %add3A_524 = arith.constant 3 : i32
      %add3A_525 = arith.addi %mul3A_523, %add3A_524 : i32
      %add3A_526 = arith.constant 2 : i32
      %add3A_527 = arith.addi %add3A_525, %add3A_526 : i32
      %dma_wait3A_528 = arith.constant 0 : i32
      %dma_wait3A_529 = arith.constant 0 : i32
      %dma_wait3A_530 = tpu.memref_slice %arg2[%dma_wait3A_528, %dma_wait3A_529] : memref<10000x128xf32, #tpu.memory_space<hbm>> -> memref<10000x128xf32, #tpu.memory_space<hbm>>
      tpu.wait_indirect_dma semaphore(%arg27 : memref<!tpu.dma_semaphore, #tpu.memory_space<semaphore_mem>>) src(%dma_wait3A_530 : memref<10000x128xf32, #tpu.memory_space<hbm>>) dst(%arg6 : memref<80x128xf32, #tpu.memory_space<vmem>>)
      %dma_start3A_531 = arith.constant 0 : i32
      %dma_start3A_532 = arith.constant 0 : i32
      %dma_start3A_533 = tpu.memref_slice %arg25[%dma_start3A_531, %dma_start3A_532] : memref<10240x128xf32, #tpu.memory_space<vmem_shared>> -> memref<10240x128xf32, #tpu.memory_space<vmem_shared>>
      tpu.enqueue_indirect_dma source(%arg6 : memref<80x128xf32, #tpu.memory_space<vmem>>) target(%dma_start3A_533 : memref<10240x128xf32, #tpu.memory_space<vmem_shared>>) offsets(%arg22 : memref<80xi32, #tpu.memory_space<vmem>>) semaphore(%arg31 : memref<!tpu.dma_semaphore, #tpu.memory_space<semaphore_mem>>) {add = true}
      %dma_wait3A_534 = arith.constant 0 : i32
      %dma_wait3A_535 = arith.constant 0 : i32
      %dma_wait3A_536 = tpu.memref_slice %arg25[%dma_wait3A_534, %dma_wait3A_535] : memref<10240x128xf32, #tpu.memory_space<vmem_shared>> -> memref<10240x128xf32, #tpu.memory_space<vmem_shared>>
      tpu.wait_indirect_dma semaphore(%arg30 : memref<!tpu.dma_semaphore, #tpu.memory_space<semaphore_mem>>) src(%arg5 : memref<80x128xf32, #tpu.memory_space<vmem>>) dst(%dma_wait3A_536 : memref<10240x128xf32, #tpu.memory_space<vmem_shared>>)
      %dma_wait3A_537 = tpu.memref_slice %arg3[%mul3A_2] : memref<640000xi32, #tpu.memory_space<hbm>> -> memref<80xi32, #tpu.memory_space<hbm>>
      %dma_wait3A_538 = tpu.memref_slice %arg3[%mul3A_2] : memref<640000xi32, #tpu.memory_space<hbm>> -> memref<80xi32, #tpu.memory_space<hbm>>
      tpu.wait_dma2 semaphore(%arg34 : memref<!tpu.dma_semaphore, #tpu.memory_space<semaphore_mem>>) src(%dma_wait3A_538 : memref<80xi32, #tpu.memory_space<hbm>>) dst(%arg9 : memref<80xi32, #tpu.memory_space<vmem>>)
      %dma_wait3A_539 = tpu.memref_slice %arg3[%mul3A_2] : memref<640000xi32, #tpu.memory_space<hbm>> -> memref<80xi32, #tpu.memory_space<hbm>>
      %dma_wait3A_540 = tpu.memref_slice %arg3[%mul3A_2] : memref<640000xi32, #tpu.memory_space<hbm>> -> memref<80xi32, #tpu.memory_space<hbm>>
      tpu.wait_dma2 semaphore(%arg34 : memref<!tpu.dma_semaphore, #tpu.memory_space<semaphore_mem>>) src(%dma_wait3A_540 : memref<80xi32, #tpu.memory_space<hbm>>) dst(%arg17 : memref<80xi32, #tpu.memory_space<vmem>>)
      %dma_start3A_541 = arith.constant 0 : i32
      %dma_start3A_542 = arith.constant 0 : i32
      %dma_start3A_543 = tpu.memref_slice %arg2[%dma_start3A_541, %dma_start3A_542] : memref<10000x128xf32, #tpu.memory_space<hbm>> -> memref<10000x128xf32, #tpu.memory_space<hbm>>
      tpu.enqueue_indirect_dma source(%dma_start3A_543 : memref<10000x128xf32, #tpu.memory_space<hbm>>) target(%arg5 : memref<80x128xf32, #tpu.memory_space<vmem>>) offsets(%arg9 : memref<80xi32, #tpu.memory_space<vmem>>) semaphore(%arg26 : memref<!tpu.dma_semaphore, #tpu.memory_space<semaphore_mem>>)
      %add3A_544 = arith.constant 5 : i32
      %add3A_545 = arith.addi %add3A_527, %add3A_544 : i32
      %mul3A_546 = arith.constant 80 : i32
      %mul3A_547 = arith.muli %add3A_545, %mul3A_546 : i32
      %add3A_548 = arith.addi %mul3A_2, %mul3A_547 : i32
      %dma_start3A_549 = tpu.memref_slice %arg3[%add3A_548] : memref<640000xi32, #tpu.memory_space<hbm>> -> memref<80xi32, #tpu.memory_space<hbm>>
      %dma_start3A_550 = tpu.memref_slice %arg3[%add3A_548] : memref<640000xi32, #tpu.memory_space<hbm>> -> memref<80xi32, #tpu.memory_space<hbm>>
      tpu.enqueue_dma source(%dma_start3A_550 : memref<80xi32, #tpu.memory_space<hbm>>) target(%arg11 : memref<80xi32, #tpu.memory_space<vmem>>) target_semaphore(%arg36 : memref<!tpu.dma_semaphore, #tpu.memory_space<semaphore_mem>>)
      %add3A_551 = arith.constant 320000 : i32
      %add3A_552 = arith.addi %add3A_551, %mul3A_2 : i32
      %mul3A_553 = arith.constant 80 : i32
      %mul3A_554 = arith.muli %add3A_545, %mul3A_553 : i32
      %add3A_555 = arith.addi %add3A_552, %mul3A_554 : i32
      %dma_start3A_556 = tpu.memref_slice %arg3[%add3A_555] : memref<640000xi32, #tpu.memory_space<hbm>> -> memref<80xi32, #tpu.memory_space<hbm>>
      %dma_start3A_557 = tpu.memref_slice %arg3[%add3A_555] : memref<640000xi32, #tpu.memory_space<hbm>> -> memref<80xi32, #tpu.memory_space<hbm>>
      tpu.enqueue_dma source(%dma_start3A_557 : memref<80xi32, #tpu.memory_space<hbm>>) target(%arg19 : memref<80xi32, #tpu.memory_space<vmem>>) target_semaphore(%arg36 : memref<!tpu.dma_semaphore, #tpu.memory_space<semaphore_mem>>)
      %mul3A_558 = arith.constant 8 : i32
      %mul3A_559 = arith.muli %mul3A_558, %scan3A_449 : i32
      %add3A_560 = arith.constant 3 : i32
      %add3A_561 = arith.addi %mul3A_559, %add3A_560 : i32
      %add3A_562 = arith.constant 3 : i32
      %add3A_563 = arith.addi %add3A_561, %add3A_562 : i32
      %dma_wait3A_564 = arith.constant 0 : i32
      %dma_wait3A_565 = arith.constant 0 : i32
      %dma_wait3A_566 = tpu.memref_slice %arg2[%dma_wait3A_564, %dma_wait3A_565] : memref<10000x128xf32, #tpu.memory_space<hbm>> -> memref<10000x128xf32, #tpu.memory_space<hbm>>
      tpu.wait_indirect_dma semaphore(%arg28 : memref<!tpu.dma_semaphore, #tpu.memory_space<semaphore_mem>>) src(%dma_wait3A_566 : memref<10000x128xf32, #tpu.memory_space<hbm>>) dst(%arg7 : memref<80x128xf32, #tpu.memory_space<vmem>>)
      %dma_start3A_567 = arith.constant 0 : i32
      %dma_start3A_568 = arith.constant 0 : i32
      %dma_start3A_569 = tpu.memref_slice %arg25[%dma_start3A_567, %dma_start3A_568] : memref<10240x128xf32, #tpu.memory_space<vmem_shared>> -> memref<10240x128xf32, #tpu.memory_space<vmem_shared>>
      tpu.enqueue_indirect_dma source(%arg7 : memref<80x128xf32, #tpu.memory_space<vmem>>) target(%dma_start3A_569 : memref<10240x128xf32, #tpu.memory_space<vmem_shared>>) offsets(%arg23 : memref<80xi32, #tpu.memory_space<vmem>>) semaphore(%arg32 : memref<!tpu.dma_semaphore, #tpu.memory_space<semaphore_mem>>) {add = true}
      %dma_wait3A_570 = arith.constant 0 : i32
      %dma_wait3A_571 = arith.constant 0 : i32
      %dma_wait3A_572 = tpu.memref_slice %arg25[%dma_wait3A_570, %dma_wait3A_571] : memref<10240x128xf32, #tpu.memory_space<vmem_shared>> -> memref<10240x128xf32, #tpu.memory_space<vmem_shared>>
      tpu.wait_indirect_dma semaphore(%arg31 : memref<!tpu.dma_semaphore, #tpu.memory_space<semaphore_mem>>) src(%arg5 : memref<80x128xf32, #tpu.memory_space<vmem>>) dst(%dma_wait3A_572 : memref<10240x128xf32, #tpu.memory_space<vmem_shared>>)
      %dma_wait3A_573 = tpu.memref_slice %arg3[%mul3A_2] : memref<640000xi32, #tpu.memory_space<hbm>> -> memref<80xi32, #tpu.memory_space<hbm>>
      %dma_wait3A_574 = tpu.memref_slice %arg3[%mul3A_2] : memref<640000xi32, #tpu.memory_space<hbm>> -> memref<80xi32, #tpu.memory_space<hbm>>
      tpu.wait_dma2 semaphore(%arg35 : memref<!tpu.dma_semaphore, #tpu.memory_space<semaphore_mem>>) src(%dma_wait3A_574 : memref<80xi32, #tpu.memory_space<hbm>>) dst(%arg10 : memref<80xi32, #tpu.memory_space<vmem>>)
      %dma_wait3A_575 = tpu.memref_slice %arg3[%mul3A_2] : memref<640000xi32, #tpu.memory_space<hbm>> -> memref<80xi32, #tpu.memory_space<hbm>>
      %dma_wait3A_576 = tpu.memref_slice %arg3[%mul3A_2] : memref<640000xi32, #tpu.memory_space<hbm>> -> memref<80xi32, #tpu.memory_space<hbm>>
      tpu.wait_dma2 semaphore(%arg35 : memref<!tpu.dma_semaphore, #tpu.memory_space<semaphore_mem>>) src(%dma_wait3A_576 : memref<80xi32, #tpu.memory_space<hbm>>) dst(%arg18 : memref<80xi32, #tpu.memory_space<vmem>>)
      %dma_start3A_577 = arith.constant 0 : i32
      %dma_start3A_578 = arith.constant 0 : i32
      %dma_start3A_579 = tpu.memref_slice %arg2[%dma_start3A_577, %dma_start3A_578] : memref<10000x128xf32, #tpu.memory_space<hbm>> -> memref<10000x128xf32, #tpu.memory_space<hbm>>
      tpu.enqueue_indirect_dma source(%dma_start3A_579 : memref<10000x128xf32, #tpu.memory_space<hbm>>) target(%arg6 : memref<80x128xf32, #tpu.memory_space<vmem>>) offsets(%arg10 : memref<80xi32, #tpu.memory_space<vmem>>) semaphore(%arg27 : memref<!tpu.dma_semaphore, #tpu.memory_space<semaphore_mem>>)
      %add3A_580 = arith.constant 5 : i32
      %add3A_581 = arith.addi %add3A_563, %add3A_580 : i32
      %mul3A_582 = arith.constant 80 : i32
      %mul3A_583 = arith.muli %add3A_581, %mul3A_582 : i32
      %add3A_584 = arith.addi %mul3A_2, %mul3A_583 : i32
      %dma_start3A_585 = tpu.memref_slice %arg3[%add3A_584] : memref<640000xi32, #tpu.memory_space<hbm>> -> memref<80xi32, #tpu.memory_space<hbm>>
      %dma_start3A_586 = tpu.memref_slice %arg3[%add3A_584] : memref<640000xi32, #tpu.memory_space<hbm>> -> memref<80xi32, #tpu.memory_space<hbm>>
      tpu.enqueue_dma source(%dma_start3A_586 : memref<80xi32, #tpu.memory_space<hbm>>) target(%arg12 : memref<80xi32, #tpu.memory_space<vmem>>) target_semaphore(%arg37 : memref<!tpu.dma_semaphore, #tpu.memory_space<semaphore_mem>>)
      %add3A_587 = arith.constant 320000 : i32
      %add3A_588 = arith.addi %add3A_587, %mul3A_2 : i32
      %mul3A_589 = arith.constant 80 : i32
      %mul3A_590 = arith.muli %add3A_581, %mul3A_589 : i32
      %add3A_591 = arith.addi %add3A_588, %mul3A_590 : i32
      %dma_start3A_592 = tpu.memref_slice %arg3[%add3A_591] : memref<640000xi32, #tpu.memory_space<hbm>> -> memref<80xi32, #tpu.memory_space<hbm>>
      %dma_start3A_593 = tpu.memref_slice %arg3[%add3A_591] : memref<640000xi32, #tpu.memory_space<hbm>> -> memref<80xi32, #tpu.memory_space<hbm>>
      tpu.enqueue_dma source(%dma_start3A_593 : memref<80xi32, #tpu.memory_space<hbm>>) target(%arg20 : memref<80xi32, #tpu.memory_space<vmem>>) target_semaphore(%arg37 : memref<!tpu.dma_semaphore, #tpu.memory_space<semaphore_mem>>)
      %mul3A_594 = arith.constant 8 : i32
      %mul3A_595 = arith.muli %mul3A_594, %scan3A_449 : i32
      %add3A_596 = arith.constant 3 : i32
      %add3A_597 = arith.addi %mul3A_595, %add3A_596 : i32
      %add3A_598 = arith.constant 4 : i32
      %add3A_599 = arith.addi %add3A_597, %add3A_598 : i32
      %dma_wait3A_600 = arith.constant 0 : i32
      %dma_wait3A_601 = arith.constant 0 : i32
      %dma_wait3A_602 = tpu.memref_slice %arg2[%dma_wait3A_600, %dma_wait3A_601] : memref<10000x128xf32, #tpu.memory_space<hbm>> -> memref<10000x128xf32, #tpu.memory_space<hbm>>
      tpu.wait_indirect_dma semaphore(%arg29 : memref<!tpu.dma_semaphore, #tpu.memory_space<semaphore_mem>>) src(%dma_wait3A_602 : memref<10000x128xf32, #tpu.memory_space<hbm>>) dst(%arg8 : memref<80x128xf32, #tpu.memory_space<vmem>>)
      %dma_start3A_603 = arith.constant 0 : i32
      %dma_start3A_604 = arith.constant 0 : i32
      %dma_start3A_605 = tpu.memref_slice %arg25[%dma_start3A_603, %dma_start3A_604] : memref<10240x128xf32, #tpu.memory_space<vmem_shared>> -> memref<10240x128xf32, #tpu.memory_space<vmem_shared>>
      tpu.enqueue_indirect_dma source(%arg8 : memref<80x128xf32, #tpu.memory_space<vmem>>) target(%dma_start3A_605 : memref<10240x128xf32, #tpu.memory_space<vmem_shared>>) offsets(%arg24 : memref<80xi32, #tpu.memory_space<vmem>>) semaphore(%arg33 : memref<!tpu.dma_semaphore, #tpu.memory_space<semaphore_mem>>) {add = true}
      %dma_wait3A_606 = arith.constant 0 : i32
      %dma_wait3A_607 = arith.constant 0 : i32
      %dma_wait3A_608 = tpu.memref_slice %arg25[%dma_wait3A_606, %dma_wait3A_607] : memref<10240x128xf32, #tpu.memory_space<vmem_shared>> -> memref<10240x128xf32, #tpu.memory_space<vmem_shared>>
      tpu.wait_indirect_dma semaphore(%arg32 : memref<!tpu.dma_semaphore, #tpu.memory_space<semaphore_mem>>) src(%arg5 : memref<80x128xf32, #tpu.memory_space<vmem>>) dst(%dma_wait3A_608 : memref<10240x128xf32, #tpu.memory_space<vmem_shared>>)
      %dma_wait3A_609 = tpu.memref_slice %arg3[%mul3A_2] : memref<640000xi32, #tpu.memory_space<hbm>> -> memref<80xi32, #tpu.memory_space<hbm>>
      %dma_wait3A_610 = tpu.memref_slice %arg3[%mul3A_2] : memref<640000xi32, #tpu.memory_space<hbm>> -> memref<80xi32, #tpu.memory_space<hbm>>
      tpu.wait_dma2 semaphore(%arg36 : memref<!tpu.dma_semaphore, #tpu.memory_space<semaphore_mem>>) src(%dma_wait3A_610 : memref<80xi32, #tpu.memory_space<hbm>>) dst(%arg11 : memref<80xi32, #tpu.memory_space<vmem>>)
      %dma_wait3A_611 = tpu.memref_slice %arg3[%mul3A_2] : memref<640000xi32, #tpu.memory_space<hbm>> -> memref<80xi32, #tpu.memory_space<hbm>>
      %dma_wait3A_612 = tpu.memref_slice %arg3[%mul3A_2] : memref<640000xi32, #tpu.memory_space<hbm>> -> memref<80xi32, #tpu.memory_space<hbm>>
      tpu.wait_dma2 semaphore(%arg36 : memref<!tpu.dma_semaphore, #tpu.memory_space<semaphore_mem>>) src(%dma_wait3A_612 : memref<80xi32, #tpu.memory_space<hbm>>) dst(%arg19 : memref<80xi32, #tpu.memory_space<vmem>>)
      %dma_start3A_613 = arith.constant 0 : i32
      %dma_start3A_614 = arith.constant 0 : i32
      %dma_start3A_615 = tpu.memref_slice %arg2[%dma_start3A_613, %dma_start3A_614] : memref<10000x128xf32, #tpu.memory_space<hbm>> -> memref<10000x128xf32, #tpu.memory_space<hbm>>
      tpu.enqueue_indirect_dma source(%dma_start3A_615 : memref<10000x128xf32, #tpu.memory_space<hbm>>) target(%arg7 : memref<80x128xf32, #tpu.memory_space<vmem>>) offsets(%arg11 : memref<80xi32, #tpu.memory_space<vmem>>) semaphore(%arg28 : memref<!tpu.dma_semaphore, #tpu.memory_space<semaphore_mem>>)
      %add3A_616 = arith.constant 5 : i32
      %add3A_617 = arith.addi %add3A_599, %add3A_616 : i32
      %mul3A_618 = arith.constant 80 : i32
      %mul3A_619 = arith.muli %add3A_617, %mul3A_618 : i32
      %add3A_620 = arith.addi %mul3A_2, %mul3A_619 : i32
      %dma_start3A_621 = tpu.memref_slice %arg3[%add3A_620] : memref<640000xi32, #tpu.memory_space<hbm>> -> memref<80xi32, #tpu.memory_space<hbm>>
      %dma_start3A_622 = tpu.memref_slice %arg3[%add3A_620] : memref<640000xi32, #tpu.memory_space<hbm>> -> memref<80xi32, #tpu.memory_space<hbm>>
      tpu.enqueue_dma source(%dma_start3A_622 : memref<80xi32, #tpu.memory_space<hbm>>) target(%arg13 : memref<80xi32, #tpu.memory_space<vmem>>) target_semaphore(%arg38 : memref<!tpu.dma_semaphore, #tpu.memory_space<semaphore_mem>>)
      %add3A_623 = arith.constant 320000 : i32
      %add3A_624 = arith.addi %add3A_623, %mul3A_2 : i32
      %mul3A_625 = arith.constant 80 : i32
      %mul3A_626 = arith.muli %add3A_617, %mul3A_625 : i32
      %add3A_627 = arith.addi %add3A_624, %mul3A_626 : i32
      %dma_start3A_628 = tpu.memref_slice %arg3[%add3A_627] : memref<640000xi32, #tpu.memory_space<hbm>> -> memref<80xi32, #tpu.memory_space<hbm>>
      %dma_start3A_629 = tpu.memref_slice %arg3[%add3A_627] : memref<640000xi32, #tpu.memory_space<hbm>> -> memref<80xi32, #tpu.memory_space<hbm>>
      tpu.enqueue_dma source(%dma_start3A_629 : memref<80xi32, #tpu.memory_space<hbm>>) target(%arg21 : memref<80xi32, #tpu.memory_space<vmem>>) target_semaphore(%arg38 : memref<!tpu.dma_semaphore, #tpu.memory_space<semaphore_mem>>)
      %mul3A_630 = arith.constant 8 : i32
      %mul3A_631 = arith.muli %mul3A_630, %scan3A_449 : i32
      %add3A_632 = arith.constant 3 : i32
      %add3A_633 = arith.addi %mul3A_631, %add3A_632 : i32
      %add3A_634 = arith.constant 5 : i32
      %add3A_635 = arith.addi %add3A_633, %add3A_634 : i32
      %dma_wait3A_636 = arith.constant 0 : i32
      %dma_wait3A_637 = arith.constant 0 : i32
      %dma_wait3A_638 = tpu.memref_slice %arg2[%dma_wait3A_636, %dma_wait3A_637] : memref<10000x128xf32, #tpu.memory_space<hbm>> -> memref<10000x128xf32, #tpu.memory_space<hbm>>
      tpu.wait_indirect_dma semaphore(%arg26 : memref<!tpu.dma_semaphore, #tpu.memory_space<semaphore_mem>>) src(%dma_wait3A_638 : memref<10000x128xf32, #tpu.memory_space<hbm>>) dst(%arg5 : memref<80x128xf32, #tpu.memory_space<vmem>>)
      %dma_start3A_639 = arith.constant 0 : i32
      %dma_start3A_640 = arith.constant 0 : i32
      %dma_start3A_641 = tpu.memref_slice %arg25[%dma_start3A_639, %dma_start3A_640] : memref<10240x128xf32, #tpu.memory_space<vmem_shared>> -> memref<10240x128xf32, #tpu.memory_space<vmem_shared>>
      tpu.enqueue_indirect_dma source(%arg5 : memref<80x128xf32, #tpu.memory_space<vmem>>) target(%dma_start3A_641 : memref<10240x128xf32, #tpu.memory_space<vmem_shared>>) offsets(%arg17 : memref<80xi32, #tpu.memory_space<vmem>>) semaphore(%arg30 : memref<!tpu.dma_semaphore, #tpu.memory_space<semaphore_mem>>) {add = true}
      %dma_wait3A_642 = arith.constant 0 : i32
      %dma_wait3A_643 = arith.constant 0 : i32
      %dma_wait3A_644 = tpu.memref_slice %arg25[%dma_wait3A_642, %dma_wait3A_643] : memref<10240x128xf32, #tpu.memory_space<vmem_shared>> -> memref<10240x128xf32, #tpu.memory_space<vmem_shared>>
      tpu.wait_indirect_dma semaphore(%arg33 : memref<!tpu.dma_semaphore, #tpu.memory_space<semaphore_mem>>) src(%arg5 : memref<80x128xf32, #tpu.memory_space<vmem>>) dst(%dma_wait3A_644 : memref<10240x128xf32, #tpu.memory_space<vmem_shared>>)
      %dma_wait3A_645 = tpu.memref_slice %arg3[%mul3A_2] : memref<640000xi32, #tpu.memory_space<hbm>> -> memref<80xi32, #tpu.memory_space<hbm>>
      %dma_wait3A_646 = tpu.memref_slice %arg3[%mul3A_2] : memref<640000xi32, #tpu.memory_space<hbm>> -> memref<80xi32, #tpu.memory_space<hbm>>
      tpu.wait_dma2 semaphore(%arg37 : memref<!tpu.dma_semaphore, #tpu.memory_space<semaphore_mem>>) src(%dma_wait3A_646 : memref<80xi32, #tpu.memory_space<hbm>>) dst(%arg12 : memref<80xi32, #tpu.memory_space<vmem>>)
      %dma_wait3A_647 = tpu.memref_slice %arg3[%mul3A_2] : memref<640000xi32, #tpu.memory_space<hbm>> -> memref<80xi32, #tpu.memory_space<hbm>>
      %dma_wait3A_648 = tpu.memref_slice %arg3[%mul3A_2] : memref<640000xi32, #tpu.memory_space<hbm>> -> memref<80xi32, #tpu.memory_space<hbm>>
      tpu.wait_dma2 semaphore(%arg37 : memref<!tpu.dma_semaphore, #tpu.memory_space<semaphore_mem>>) src(%dma_wait3A_648 : memref<80xi32, #tpu.memory_space<hbm>>) dst(%arg20 : memref<80xi32, #tpu.memory_space<vmem>>)
      %dma_start3A_649 = arith.constant 0 : i32
      %dma_start3A_650 = arith.constant 0 : i32
      %dma_start3A_651 = tpu.memref_slice %arg2[%dma_start3A_649, %dma_start3A_650] : memref<10000x128xf32, #tpu.memory_space<hbm>> -> memref<10000x128xf32, #tpu.memory_space<hbm>>
      tpu.enqueue_indirect_dma source(%dma_start3A_651 : memref<10000x128xf32, #tpu.memory_space<hbm>>) target(%arg8 : memref<80x128xf32, #tpu.memory_space<vmem>>) offsets(%arg12 : memref<80xi32, #tpu.memory_space<vmem>>) semaphore(%arg29 : memref<!tpu.dma_semaphore, #tpu.memory_space<semaphore_mem>>)
      %add3A_652 = arith.constant 5 : i32
      %add3A_653 = arith.addi %add3A_635, %add3A_652 : i32
      %mul3A_654 = arith.constant 80 : i32
      %mul3A_655 = arith.muli %add3A_653, %mul3A_654 : i32
      %add3A_656 = arith.addi %mul3A_2, %mul3A_655 : i32
      %dma_start3A_657 = tpu.memref_slice %arg3[%add3A_656] : memref<640000xi32, #tpu.memory_space<hbm>> -> memref<80xi32, #tpu.memory_space<hbm>>
      %dma_start3A_658 = tpu.memref_slice %arg3[%add3A_656] : memref<640000xi32, #tpu.memory_space<hbm>> -> memref<80xi32, #tpu.memory_space<hbm>>
      tpu.enqueue_dma source(%dma_start3A_658 : memref<80xi32, #tpu.memory_space<hbm>>) target(%arg14 : memref<80xi32, #tpu.memory_space<vmem>>) target_semaphore(%arg39 : memref<!tpu.dma_semaphore, #tpu.memory_space<semaphore_mem>>)
      %add3A_659 = arith.constant 320000 : i32
      %add3A_660 = arith.addi %add3A_659, %mul3A_2 : i32
      %mul3A_661 = arith.constant 80 : i32
      %mul3A_662 = arith.muli %add3A_653, %mul3A_661 : i32
      %add3A_663 = arith.addi %add3A_660, %mul3A_662 : i32
      %dma_start3A_664 = tpu.memref_slice %arg3[%add3A_663] : memref<640000xi32, #tpu.memory_space<hbm>> -> memref<80xi32, #tpu.memory_space<hbm>>
      %dma_start3A_665 = tpu.memref_slice %arg3[%add3A_663] : memref<640000xi32, #tpu.memory_space<hbm>> -> memref<80xi32, #tpu.memory_space<hbm>>
      tpu.enqueue_dma source(%dma_start3A_665 : memref<80xi32, #tpu.memory_space<hbm>>) target(%arg22 : memref<80xi32, #tpu.memory_space<vmem>>) target_semaphore(%arg39 : memref<!tpu.dma_semaphore, #tpu.memory_space<semaphore_mem>>)
      %mul3A_666 = arith.constant 8 : i32
      %mul3A_667 = arith.muli %mul3A_666, %scan3A_449 : i32
      %add3A_668 = arith.constant 3 : i32
      %add3A_669 = arith.addi %mul3A_667, %add3A_668 : i32
      %add3A_670 = arith.constant 6 : i32
      %add3A_671 = arith.addi %add3A_669, %add3A_670 : i32
      %dma_wait3A_672 = arith.constant 0 : i32
      %dma_wait3A_673 = arith.constant 0 : i32
      %dma_wait3A_674 = tpu.memref_slice %arg2[%dma_wait3A_672, %dma_wait3A_673] : memref<10000x128xf32, #tpu.memory_space<hbm>> -> memref<10000x128xf32, #tpu.memory_space<hbm>>
      tpu.wait_indirect_dma semaphore(%arg27 : memref<!tpu.dma_semaphore, #tpu.memory_space<semaphore_mem>>) src(%dma_wait3A_674 : memref<10000x128xf32, #tpu.memory_space<hbm>>) dst(%arg6 : memref<80x128xf32, #tpu.memory_space<vmem>>)
      %dma_start3A_675 = arith.constant 0 : i32
      %dma_start3A_676 = arith.constant 0 : i32
      %dma_start3A_677 = tpu.memref_slice %arg25[%dma_start3A_675, %dma_start3A_676] : memref<10240x128xf32, #tpu.memory_space<vmem_shared>> -> memref<10240x128xf32, #tpu.memory_space<vmem_shared>>
      tpu.enqueue_indirect_dma source(%arg6 : memref<80x128xf32, #tpu.memory_space<vmem>>) target(%dma_start3A_677 : memref<10240x128xf32, #tpu.memory_space<vmem_shared>>) offsets(%arg18 : memref<80xi32, #tpu.memory_space<vmem>>) semaphore(%arg31 : memref<!tpu.dma_semaphore, #tpu.memory_space<semaphore_mem>>) {add = true}
      %dma_wait3A_678 = arith.constant 0 : i32
      %dma_wait3A_679 = arith.constant 0 : i32
      %dma_wait3A_680 = tpu.memref_slice %arg25[%dma_wait3A_678, %dma_wait3A_679] : memref<10240x128xf32, #tpu.memory_space<vmem_shared>> -> memref<10240x128xf32, #tpu.memory_space<vmem_shared>>
      tpu.wait_indirect_dma semaphore(%arg30 : memref<!tpu.dma_semaphore, #tpu.memory_space<semaphore_mem>>) src(%arg5 : memref<80x128xf32, #tpu.memory_space<vmem>>) dst(%dma_wait3A_680 : memref<10240x128xf32, #tpu.memory_space<vmem_shared>>)
      %dma_wait3A_681 = tpu.memref_slice %arg3[%mul3A_2] : memref<640000xi32, #tpu.memory_space<hbm>> -> memref<80xi32, #tpu.memory_space<hbm>>
      %dma_wait3A_682 = tpu.memref_slice %arg3[%mul3A_2] : memref<640000xi32, #tpu.memory_space<hbm>> -> memref<80xi32, #tpu.memory_space<hbm>>
      tpu.wait_dma2 semaphore(%arg38 : memref<!tpu.dma_semaphore, #tpu.memory_space<semaphore_mem>>) src(%dma_wait3A_682 : memref<80xi32, #tpu.memory_space<hbm>>) dst(%arg13 : memref<80xi32, #tpu.memory_space<vmem>>)
      %dma_wait3A_683 = tpu.memref_slice %arg3[%mul3A_2] : memref<640000xi32, #tpu.memory_space<hbm>> -> memref<80xi32, #tpu.memory_space<hbm>>
      %dma_wait3A_684 = tpu.memref_slice %arg3[%mul3A_2] : memref<640000xi32, #tpu.memory_space<hbm>> -> memref<80xi32, #tpu.memory_space<hbm>>
      tpu.wait_dma2 semaphore(%arg38 : memref<!tpu.dma_semaphore, #tpu.memory_space<semaphore_mem>>) src(%dma_wait3A_684 : memref<80xi32, #tpu.memory_space<hbm>>) dst(%arg21 : memref<80xi32, #tpu.memory_space<vmem>>)
      %dma_start3A_685 = arith.constant 0 : i32
      %dma_start3A_686 = arith.constant 0 : i32
      %dma_start3A_687 = tpu.memref_slice %arg2[%dma_start3A_685, %dma_start3A_686] : memref<10000x128xf32, #tpu.memory_space<hbm>> -> memref<10000x128xf32, #tpu.memory_space<hbm>>
      tpu.enqueue_indirect_dma source(%dma_start3A_687 : memref<10000x128xf32, #tpu.memory_space<hbm>>) target(%arg5 : memref<80x128xf32, #tpu.memory_space<vmem>>) offsets(%arg13 : memref<80xi32, #tpu.memory_space<vmem>>) semaphore(%arg26 : memref<!tpu.dma_semaphore, #tpu.memory_space<semaphore_mem>>)
      %add3A_688 = arith.constant 5 : i32
      %add3A_689 = arith.addi %add3A_671, %add3A_688 : i32
      %mul3A_690 = arith.constant 80 : i32
      %mul3A_691 = arith.muli %add3A_689, %mul3A_690 : i32
      %add3A_692 = arith.addi %mul3A_2, %mul3A_691 : i32
      %dma_start3A_693 = tpu.memref_slice %arg3[%add3A_692] : memref<640000xi32, #tpu.memory_space<hbm>> -> memref<80xi32, #tpu.memory_space<hbm>>
      %dma_start3A_694 = tpu.memref_slice %arg3[%add3A_692] : memref<640000xi32, #tpu.memory_space<hbm>> -> memref<80xi32, #tpu.memory_space<hbm>>
      tpu.enqueue_dma source(%dma_start3A_694 : memref<80xi32, #tpu.memory_space<hbm>>) target(%arg15 : memref<80xi32, #tpu.memory_space<vmem>>) target_semaphore(%arg40 : memref<!tpu.dma_semaphore, #tpu.memory_space<semaphore_mem>>)
      %add3A_695 = arith.constant 320000 : i32
      %add3A_696 = arith.addi %add3A_695, %mul3A_2 : i32
      %mul3A_697 = arith.constant 80 : i32
      %mul3A_698 = arith.muli %add3A_689, %mul3A_697 : i32
      %add3A_699 = arith.addi %add3A_696, %mul3A_698 : i32
      %dma_start3A_700 = tpu.memref_slice %arg3[%add3A_699] : memref<640000xi32, #tpu.memory_space<hbm>> -> memref<80xi32, #tpu.memory_space<hbm>>
      %dma_start3A_701 = tpu.memref_slice %arg3[%add3A_699] : memref<640000xi32, #tpu.memory_space<hbm>> -> memref<80xi32, #tpu.memory_space<hbm>>
      tpu.enqueue_dma source(%dma_start3A_701 : memref<80xi32, #tpu.memory_space<hbm>>) target(%arg23 : memref<80xi32, #tpu.memory_space<vmem>>) target_semaphore(%arg40 : memref<!tpu.dma_semaphore, #tpu.memory_space<semaphore_mem>>)
      %mul3A_702 = arith.constant 8 : i32
      %mul3A_703 = arith.muli %mul3A_702, %scan3A_449 : i32
      %add3A_704 = arith.constant 3 : i32
      %add3A_705 = arith.addi %mul3A_703, %add3A_704 : i32
      %add3A_706 = arith.constant 7 : i32
      %add3A_707 = arith.addi %add3A_705, %add3A_706 : i32
      %dma_wait3A_708 = arith.constant 0 : i32
      %dma_wait3A_709 = arith.constant 0 : i32
      %dma_wait3A_710 = tpu.memref_slice %arg2[%dma_wait3A_708, %dma_wait3A_709] : memref<10000x128xf32, #tpu.memory_space<hbm>> -> memref<10000x128xf32, #tpu.memory_space<hbm>>
      tpu.wait_indirect_dma semaphore(%arg28 : memref<!tpu.dma_semaphore, #tpu.memory_space<semaphore_mem>>) src(%dma_wait3A_710 : memref<10000x128xf32, #tpu.memory_space<hbm>>) dst(%arg7 : memref<80x128xf32, #tpu.memory_space<vmem>>)
      %dma_start3A_711 = arith.constant 0 : i32
      %dma_start3A_712 = arith.constant 0 : i32
      %dma_start3A_713 = tpu.memref_slice %arg25[%dma_start3A_711, %dma_start3A_712] : memref<10240x128xf32, #tpu.memory_space<vmem_shared>> -> memref<10240x128xf32, #tpu.memory_space<vmem_shared>>
      tpu.enqueue_indirect_dma source(%arg7 : memref<80x128xf32, #tpu.memory_space<vmem>>) target(%dma_start3A_713 : memref<10240x128xf32, #tpu.memory_space<vmem_shared>>) offsets(%arg19 : memref<80xi32, #tpu.memory_space<vmem>>) semaphore(%arg32 : memref<!tpu.dma_semaphore, #tpu.memory_space<semaphore_mem>>) {add = true}
      %dma_wait3A_714 = arith.constant 0 : i32
      %dma_wait3A_715 = arith.constant 0 : i32
      %dma_wait3A_716 = tpu.memref_slice %arg25[%dma_wait3A_714, %dma_wait3A_715] : memref<10240x128xf32, #tpu.memory_space<vmem_shared>> -> memref<10240x128xf32, #tpu.memory_space<vmem_shared>>
      tpu.wait_indirect_dma semaphore(%arg31 : memref<!tpu.dma_semaphore, #tpu.memory_space<semaphore_mem>>) src(%arg5 : memref<80x128xf32, #tpu.memory_space<vmem>>) dst(%dma_wait3A_716 : memref<10240x128xf32, #tpu.memory_space<vmem_shared>>)
      %dma_wait3A_717 = tpu.memref_slice %arg3[%mul3A_2] : memref<640000xi32, #tpu.memory_space<hbm>> -> memref<80xi32, #tpu.memory_space<hbm>>
      %dma_wait3A_718 = tpu.memref_slice %arg3[%mul3A_2] : memref<640000xi32, #tpu.memory_space<hbm>> -> memref<80xi32, #tpu.memory_space<hbm>>
      tpu.wait_dma2 semaphore(%arg39 : memref<!tpu.dma_semaphore, #tpu.memory_space<semaphore_mem>>) src(%dma_wait3A_718 : memref<80xi32, #tpu.memory_space<hbm>>) dst(%arg14 : memref<80xi32, #tpu.memory_space<vmem>>)
      %dma_wait3A_719 = tpu.memref_slice %arg3[%mul3A_2] : memref<640000xi32, #tpu.memory_space<hbm>> -> memref<80xi32, #tpu.memory_space<hbm>>
      %dma_wait3A_720 = tpu.memref_slice %arg3[%mul3A_2] : memref<640000xi32, #tpu.memory_space<hbm>> -> memref<80xi32, #tpu.memory_space<hbm>>
      tpu.wait_dma2 semaphore(%arg39 : memref<!tpu.dma_semaphore, #tpu.memory_space<semaphore_mem>>) src(%dma_wait3A_720 : memref<80xi32, #tpu.memory_space<hbm>>) dst(%arg22 : memref<80xi32, #tpu.memory_space<vmem>>)
      %dma_start3A_721 = arith.constant 0 : i32
      %dma_start3A_722 = arith.constant 0 : i32
      %dma_start3A_723 = tpu.memref_slice %arg2[%dma_start3A_721, %dma_start3A_722] : memref<10000x128xf32, #tpu.memory_space<hbm>> -> memref<10000x128xf32, #tpu.memory_space<hbm>>
      tpu.enqueue_indirect_dma source(%dma_start3A_723 : memref<10000x128xf32, #tpu.memory_space<hbm>>) target(%arg6 : memref<80x128xf32, #tpu.memory_space<vmem>>) offsets(%arg14 : memref<80xi32, #tpu.memory_space<vmem>>) semaphore(%arg27 : memref<!tpu.dma_semaphore, #tpu.memory_space<semaphore_mem>>)
      %add3A_724 = arith.constant 5 : i32
      %add3A_725 = arith.addi %add3A_707, %add3A_724 : i32
      %mul3A_726 = arith.constant 80 : i32
      %mul3A_727 = arith.muli %add3A_725, %mul3A_726 : i32
      %add3A_728 = arith.addi %mul3A_2, %mul3A_727 : i32
      %dma_start3A_729 = tpu.memref_slice %arg3[%add3A_728] : memref<640000xi32, #tpu.memory_space<hbm>> -> memref<80xi32, #tpu.memory_space<hbm>>
      %dma_start3A_730 = tpu.memref_slice %arg3[%add3A_728] : memref<640000xi32, #tpu.memory_space<hbm>> -> memref<80xi32, #tpu.memory_space<hbm>>
      tpu.enqueue_dma source(%dma_start3A_730 : memref<80xi32, #tpu.memory_space<hbm>>) target(%arg16 : memref<80xi32, #tpu.memory_space<vmem>>) target_semaphore(%arg41 : memref<!tpu.dma_semaphore, #tpu.memory_space<semaphore_mem>>)
      %add3A_731 = arith.constant 320000 : i32
      %add3A_732 = arith.addi %add3A_731, %mul3A_2 : i32
      %mul3A_733 = arith.constant 80 : i32
      %mul3A_734 = arith.muli %add3A_725, %mul3A_733 : i32
      %add3A_735 = arith.addi %add3A_732, %mul3A_734 : i32
      %dma_start3A_736 = tpu.memref_slice %arg3[%add3A_735] : memref<640000xi32, #tpu.memory_space<hbm>> -> memref<80xi32, #tpu.memory_space<hbm>>
      %dma_start3A_737 = tpu.memref_slice %arg3[%add3A_735] : memref<640000xi32, #tpu.memory_space<hbm>> -> memref<80xi32, #tpu.memory_space<hbm>>
      tpu.enqueue_dma source(%dma_start3A_737 : memref<80xi32, #tpu.memory_space<hbm>>) target(%arg24 : memref<80xi32, #tpu.memory_space<vmem>>) target_semaphore(%arg41 : memref<!tpu.dma_semaphore, #tpu.memory_space<semaphore_mem>>)
    }
    %scan3A_251 = arith.constant 14 : i32
    %dma_wait3A_252 = arith.constant 0 : i32
    %dma_wait3A_253 = arith.constant 0 : i32
    %dma_wait3A_254 = tpu.memref_slice %arg2[%dma_wait3A_252, %dma_wait3A_253] : memref<10000x128xf32, #tpu.memory_space<hbm>> -> memref<10000x128xf32, #tpu.memory_space<hbm>>
    tpu.wait_indirect_dma semaphore(%arg29 : memref<!tpu.dma_semaphore, #tpu.memory_space<semaphore_mem>>) src(%dma_wait3A_254 : memref<10000x128xf32, #tpu.memory_space<hbm>>) dst(%arg8 : memref<80x128xf32, #tpu.memory_space<vmem>>)
    %dma_start3A_255 = arith.constant 0 : i32
    %dma_start3A_256 = arith.constant 0 : i32
    %dma_start3A_257 = tpu.memref_slice %arg25[%dma_start3A_255, %dma_start3A_256] : memref<10240x128xf32, #tpu.memory_space<vmem_shared>> -> memref<10240x128xf32, #tpu.memory_space<vmem_shared>>
    tpu.enqueue_indirect_dma source(%arg8 : memref<80x128xf32, #tpu.memory_space<vmem>>) target(%dma_start3A_257 : memref<10240x128xf32, #tpu.memory_space<vmem_shared>>) offsets(%arg20 : memref<80xi32, #tpu.memory_space<vmem>>) semaphore(%arg33 : memref<!tpu.dma_semaphore, #tpu.memory_space<semaphore_mem>>) {add = true}
    %dma_wait3A_258 = arith.constant 0 : i32
    %dma_wait3A_259 = arith.constant 0 : i32
    %dma_wait3A_260 = tpu.memref_slice %arg25[%dma_wait3A_258, %dma_wait3A_259] : memref<10240x128xf32, #tpu.memory_space<vmem_shared>> -> memref<10240x128xf32, #tpu.memory_space<vmem_shared>>
    tpu.wait_indirect_dma semaphore(%arg32 : memref<!tpu.dma_semaphore, #tpu.memory_space<semaphore_mem>>) src(%arg5 : memref<80x128xf32, #tpu.memory_space<vmem>>) dst(%dma_wait3A_260 : memref<10240x128xf32, #tpu.memory_space<vmem_shared>>)
    %dma_wait3A_261 = tpu.memref_slice %arg3[%mul3A_2] : memref<640000xi32, #tpu.memory_space<hbm>> -> memref<80xi32, #tpu.memory_space<hbm>>
    %dma_wait3A_262 = tpu.memref_slice %arg3[%mul3A_2] : memref<640000xi32, #tpu.memory_space<hbm>> -> memref<80xi32, #tpu.memory_space<hbm>>
    tpu.wait_dma2 semaphore(%arg40 : memref<!tpu.dma_semaphore, #tpu.memory_space<semaphore_mem>>) src(%dma_wait3A_262 : memref<80xi32, #tpu.memory_space<hbm>>) dst(%arg15 : memref<80xi32, #tpu.memory_space<vmem>>)
    %dma_wait3A_263 = tpu.memref_slice %arg3[%mul3A_2] : memref<640000xi32, #tpu.memory_space<hbm>> -> memref<80xi32, #tpu.memory_space<hbm>>
    %dma_wait3A_264 = tpu.memref_slice %arg3[%mul3A_2] : memref<640000xi32, #tpu.memory_space<hbm>> -> memref<80xi32, #tpu.memory_space<hbm>>
    tpu.wait_dma2 semaphore(%arg40 : memref<!tpu.dma_semaphore, #tpu.memory_space<semaphore_mem>>) src(%dma_wait3A_264 : memref<80xi32, #tpu.memory_space<hbm>>) dst(%arg23 : memref<80xi32, #tpu.memory_space<vmem>>)
    %dma_start3A_265 = arith.constant 0 : i32
    %dma_start3A_266 = arith.constant 0 : i32
    %dma_start3A_267 = tpu.memref_slice %arg2[%dma_start3A_265, %dma_start3A_266] : memref<10000x128xf32, #tpu.memory_space<hbm>> -> memref<10000x128xf32, #tpu.memory_space<hbm>>
    tpu.enqueue_indirect_dma source(%dma_start3A_267 : memref<10000x128xf32, #tpu.memory_space<hbm>>) target(%arg7 : memref<80x128xf32, #tpu.memory_space<vmem>>) offsets(%arg15 : memref<80xi32, #tpu.memory_space<vmem>>) semaphore(%arg28 : memref<!tpu.dma_semaphore, #tpu.memory_space<semaphore_mem>>)
    %add3A_268 = arith.constant 9600 : i32
    %add3A_269 = arith.addi %mul3A_2, %add3A_268 : i32
    %dma_start3A_270 = tpu.memref_slice %arg3[%add3A_269] : memref<640000xi32, #tpu.memory_space<hbm>> -> memref<80xi32, #tpu.memory_space<hbm>>
    %dma_start3A_271 = tpu.memref_slice %arg3[%add3A_269] : memref<640000xi32, #tpu.memory_space<hbm>> -> memref<80xi32, #tpu.memory_space<hbm>>
    tpu.enqueue_dma source(%dma_start3A_271 : memref<80xi32, #tpu.memory_space<hbm>>) target(%arg9 : memref<80xi32, #tpu.memory_space<vmem>>) target_semaphore(%arg34 : memref<!tpu.dma_semaphore, #tpu.memory_space<semaphore_mem>>)
    %add3A_272 = arith.constant 320000 : i32
    %add3A_273 = arith.addi %add3A_272, %mul3A_2 : i32
    %add3A_274 = arith.constant 9600 : i32
    %add3A_275 = arith.addi %add3A_273, %add3A_274 : i32
    %dma_start3A_276 = tpu.memref_slice %arg3[%add3A_275] : memref<640000xi32, #tpu.memory_space<hbm>> -> memref<80xi32, #tpu.memory_space<hbm>>
    %dma_start3A_277 = tpu.memref_slice %arg3[%add3A_275] : memref<640000xi32, #tpu.memory_space<hbm>> -> memref<80xi32, #tpu.memory_space<hbm>>
    tpu.enqueue_dma source(%dma_start3A_277 : memref<80xi32, #tpu.memory_space<hbm>>) target(%arg17 : memref<80xi32, #tpu.memory_space<vmem>>) target_semaphore(%arg34 : memref<!tpu.dma_semaphore, #tpu.memory_space<semaphore_mem>>)
    %dma_wait3A_278 = arith.constant 0 : i32
    %dma_wait3A_279 = arith.constant 0 : i32
    %dma_wait3A_280 = tpu.memref_slice %arg2[%dma_wait3A_278, %dma_wait3A_279] : memref<10000x128xf32, #tpu.memory_space<hbm>> -> memref<10000x128xf32, #tpu.memory_space<hbm>>
    tpu.wait_indirect_dma semaphore(%arg26 : memref<!tpu.dma_semaphore, #tpu.memory_space<semaphore_mem>>) src(%dma_wait3A_280 : memref<10000x128xf32, #tpu.memory_space<hbm>>) dst(%arg5 : memref<80x128xf32, #tpu.memory_space<vmem>>)
    %dma_start3A_281 = arith.constant 0 : i32
    %dma_start3A_282 = arith.constant 0 : i32
    %dma_start3A_283 = tpu.memref_slice %arg25[%dma_start3A_281, %dma_start3A_282] : memref<10240x128xf32, #tpu.memory_space<vmem_shared>> -> memref<10240x128xf32, #tpu.memory_space<vmem_shared>>
    tpu.enqueue_indirect_dma source(%arg5 : memref<80x128xf32, #tpu.memory_space<vmem>>) target(%dma_start3A_283 : memref<10240x128xf32, #tpu.memory_space<vmem_shared>>) offsets(%arg21 : memref<80xi32, #tpu.memory_space<vmem>>) semaphore(%arg30 : memref<!tpu.dma_semaphore, #tpu.memory_space<semaphore_mem>>) {add = true}
    %dma_wait3A_284 = arith.constant 0 : i32
    %dma_wait3A_285 = arith.constant 0 : i32
    %dma_wait3A_286 = tpu.memref_slice %arg25[%dma_wait3A_284, %dma_wait3A_285] : memref<10240x128xf32, #tpu.memory_space<vmem_shared>> -> memref<10240x128xf32, #tpu.memory_space<vmem_shared>>
    tpu.wait_indirect_dma semaphore(%arg33 : memref<!tpu.dma_semaphore, #tpu.memory_space<semaphore_mem>>) src(%arg5 : memref<80x128xf32, #tpu.memory_space<vmem>>) dst(%dma_wait3A_286 : memref<10240x128xf32, #tpu.memory_space<vmem_shared>>)
    %dma_wait3A_287 = tpu.memref_slice %arg3[%mul3A_2] : memref<640000xi32, #tpu.memory_space<hbm>> -> memref<80xi32, #tpu.memory_space<hbm>>
    %dma_wait3A_288 = tpu.memref_slice %arg3[%mul3A_2] : memref<640000xi32, #tpu.memory_space<hbm>> -> memref<80xi32, #tpu.memory_space<hbm>>
    tpu.wait_dma2 semaphore(%arg41 : memref<!tpu.dma_semaphore, #tpu.memory_space<semaphore_mem>>) src(%dma_wait3A_288 : memref<80xi32, #tpu.memory_space<hbm>>) dst(%arg16 : memref<80xi32, #tpu.memory_space<vmem>>)
    %dma_wait3A_289 = tpu.memref_slice %arg3[%mul3A_2] : memref<640000xi32, #tpu.memory_space<hbm>> -> memref<80xi32, #tpu.memory_space<hbm>>
    %dma_wait3A_290 = tpu.memref_slice %arg3[%mul3A_2] : memref<640000xi32, #tpu.memory_space<hbm>> -> memref<80xi32, #tpu.memory_space<hbm>>
    tpu.wait_dma2 semaphore(%arg41 : memref<!tpu.dma_semaphore, #tpu.memory_space<semaphore_mem>>) src(%dma_wait3A_290 : memref<80xi32, #tpu.memory_space<hbm>>) dst(%arg24 : memref<80xi32, #tpu.memory_space<vmem>>)
    %dma_start3A_291 = arith.constant 0 : i32
    %dma_start3A_292 = arith.constant 0 : i32
    %dma_start3A_293 = tpu.memref_slice %arg2[%dma_start3A_291, %dma_start3A_292] : memref<10000x128xf32, #tpu.memory_space<hbm>> -> memref<10000x128xf32, #tpu.memory_space<hbm>>
    tpu.enqueue_indirect_dma source(%dma_start3A_293 : memref<10000x128xf32, #tpu.memory_space<hbm>>) target(%arg8 : memref<80x128xf32, #tpu.memory_space<vmem>>) offsets(%arg16 : memref<80xi32, #tpu.memory_space<vmem>>) semaphore(%arg29 : memref<!tpu.dma_semaphore, #tpu.memory_space<semaphore_mem>>)
    %add3A_294 = arith.constant 9680 : i32
    %add3A_295 = arith.addi %mul3A_2, %add3A_294 : i32
    %dma_start3A_296 = tpu.memref_slice %arg3[%add3A_295] : memref<640000xi32, #tpu.memory_space<hbm>> -> memref<80xi32, #tpu.memory_space<hbm>>
    %dma_start3A_297 = tpu.memref_slice %arg3[%add3A_295] : memref<640000xi32, #tpu.memory_space<hbm>> -> memref<80xi32, #tpu.memory_space<hbm>>
    tpu.enqueue_dma source(%dma_start3A_297 : memref<80xi32, #tpu.memory_space<hbm>>) target(%arg10 : memref<80xi32, #tpu.memory_space<vmem>>) target_semaphore(%arg35 : memref<!tpu.dma_semaphore, #tpu.memory_space<semaphore_mem>>)
    %add3A_298 = arith.constant 320000 : i32
    %add3A_299 = arith.addi %add3A_298, %mul3A_2 : i32
    %add3A_300 = arith.constant 9680 : i32
    %add3A_301 = arith.addi %add3A_299, %add3A_300 : i32
    %dma_start3A_302 = tpu.memref_slice %arg3[%add3A_301] : memref<640000xi32, #tpu.memory_space<hbm>> -> memref<80xi32, #tpu.memory_space<hbm>>
    %dma_start3A_303 = tpu.memref_slice %arg3[%add3A_301] : memref<640000xi32, #tpu.memory_space<hbm>> -> memref<80xi32, #tpu.memory_space<hbm>>
    tpu.enqueue_dma source(%dma_start3A_303 : memref<80xi32, #tpu.memory_space<hbm>>) target(%arg18 : memref<80xi32, #tpu.memory_space<vmem>>) target_semaphore(%arg35 : memref<!tpu.dma_semaphore, #tpu.memory_space<semaphore_mem>>)
    %dma_wait3A_304 = arith.constant 0 : i32
    %dma_wait3A_305 = arith.constant 0 : i32
    %dma_wait3A_306 = tpu.memref_slice %arg2[%dma_wait3A_304, %dma_wait3A_305] : memref<10000x128xf32, #tpu.memory_space<hbm>> -> memref<10000x128xf32, #tpu.memory_space<hbm>>
    tpu.wait_indirect_dma semaphore(%arg27 : memref<!tpu.dma_semaphore, #tpu.memory_space<semaphore_mem>>) src(%dma_wait3A_306 : memref<10000x128xf32, #tpu.memory_space<hbm>>) dst(%arg6 : memref<80x128xf32, #tpu.memory_space<vmem>>)
    %dma_start3A_307 = arith.constant 0 : i32
    %dma_start3A_308 = arith.constant 0 : i32
    %dma_start3A_309 = tpu.memref_slice %arg25[%dma_start3A_307, %dma_start3A_308] : memref<10240x128xf32, #tpu.memory_space<vmem_shared>> -> memref<10240x128xf32, #tpu.memory_space<vmem_shared>>
    tpu.enqueue_indirect_dma source(%arg6 : memref<80x128xf32, #tpu.memory_space<vmem>>) target(%dma_start3A_309 : memref<10240x128xf32, #tpu.memory_space<vmem_shared>>) offsets(%arg22 : memref<80xi32, #tpu.memory_space<vmem>>) semaphore(%arg31 : memref<!tpu.dma_semaphore, #tpu.memory_space<semaphore_mem>>) {add = true}
    %dma_wait3A_310 = arith.constant 0 : i32
    %dma_wait3A_311 = arith.constant 0 : i32
    %dma_wait3A_312 = tpu.memref_slice %arg25[%dma_wait3A_310, %dma_wait3A_311] : memref<10240x128xf32, #tpu.memory_space<vmem_shared>> -> memref<10240x128xf32, #tpu.memory_space<vmem_shared>>
    tpu.wait_indirect_dma semaphore(%arg30 : memref<!tpu.dma_semaphore, #tpu.memory_space<semaphore_mem>>) src(%arg5 : memref<80x128xf32, #tpu.memory_space<vmem>>) dst(%dma_wait3A_312 : memref<10240x128xf32, #tpu.memory_space<vmem_shared>>)
    %dma_wait3A_313 = tpu.memref_slice %arg3[%mul3A_2] : memref<640000xi32, #tpu.memory_space<hbm>> -> memref<80xi32, #tpu.memory_space<hbm>>
    %dma_wait3A_314 = tpu.memref_slice %arg3[%mul3A_2] : memref<640000xi32, #tpu.memory_space<hbm>> -> memref<80xi32, #tpu.memory_space<hbm>>
    tpu.wait_dma2 semaphore(%arg34 : memref<!tpu.dma_semaphore, #tpu.memory_space<semaphore_mem>>) src(%dma_wait3A_314 : memref<80xi32, #tpu.memory_space<hbm>>) dst(%arg9 : memref<80xi32, #tpu.memory_space<vmem>>)
    %dma_wait3A_315 = tpu.memref_slice %arg3[%mul3A_2] : memref<640000xi32, #tpu.memory_space<hbm>> -> memref<80xi32, #tpu.memory_space<hbm>>
    %dma_wait3A_316 = tpu.memref_slice %arg3[%mul3A_2] : memref<640000xi32, #tpu.memory_space<hbm>> -> memref<80xi32, #tpu.memory_space<hbm>>
    tpu.wait_dma2 semaphore(%arg34 : memref<!tpu.dma_semaphore, #tpu.memory_space<semaphore_mem>>) src(%dma_wait3A_316 : memref<80xi32, #tpu.memory_space<hbm>>) dst(%arg17 : memref<80xi32, #tpu.memory_space<vmem>>)
    %dma_start3A_317 = arith.constant 0 : i32
    %dma_start3A_318 = arith.constant 0 : i32
    %dma_start3A_319 = tpu.memref_slice %arg2[%dma_start3A_317, %dma_start3A_318] : memref<10000x128xf32, #tpu.memory_space<hbm>> -> memref<10000x128xf32, #tpu.memory_space<hbm>>
    tpu.enqueue_indirect_dma source(%dma_start3A_319 : memref<10000x128xf32, #tpu.memory_space<hbm>>) target(%arg5 : memref<80x128xf32, #tpu.memory_space<vmem>>) offsets(%arg9 : memref<80xi32, #tpu.memory_space<vmem>>) semaphore(%arg26 : memref<!tpu.dma_semaphore, #tpu.memory_space<semaphore_mem>>)
    %add3A_320 = arith.constant 9760 : i32
    %add3A_321 = arith.addi %mul3A_2, %add3A_320 : i32
    %dma_start3A_322 = tpu.memref_slice %arg3[%add3A_321] : memref<640000xi32, #tpu.memory_space<hbm>> -> memref<80xi32, #tpu.memory_space<hbm>>
    %dma_start3A_323 = tpu.memref_slice %arg3[%add3A_321] : memref<640000xi32, #tpu.memory_space<hbm>> -> memref<80xi32, #tpu.memory_space<hbm>>
    tpu.enqueue_dma source(%dma_start3A_323 : memref<80xi32, #tpu.memory_space<hbm>>) target(%arg11 : memref<80xi32, #tpu.memory_space<vmem>>) target_semaphore(%arg36 : memref<!tpu.dma_semaphore, #tpu.memory_space<semaphore_mem>>)
    %add3A_324 = arith.constant 320000 : i32
    %add3A_325 = arith.addi %add3A_324, %mul3A_2 : i32
    %add3A_326 = arith.constant 9760 : i32
    %add3A_327 = arith.addi %add3A_325, %add3A_326 : i32
    %dma_start3A_328 = tpu.memref_slice %arg3[%add3A_327] : memref<640000xi32, #tpu.memory_space<hbm>> -> memref<80xi32, #tpu.memory_space<hbm>>
    %dma_start3A_329 = tpu.memref_slice %arg3[%add3A_327] : memref<640000xi32, #tpu.memory_space<hbm>> -> memref<80xi32, #tpu.memory_space<hbm>>
    tpu.enqueue_dma source(%dma_start3A_329 : memref<80xi32, #tpu.memory_space<hbm>>) target(%arg19 : memref<80xi32, #tpu.memory_space<vmem>>) target_semaphore(%arg36 : memref<!tpu.dma_semaphore, #tpu.memory_space<semaphore_mem>>)
    %dma_wait3A_330 = arith.constant 0 : i32
    %dma_wait3A_331 = arith.constant 0 : i32
    %dma_wait3A_332 = tpu.memref_slice %arg2[%dma_wait3A_330, %dma_wait3A_331] : memref<10000x128xf32, #tpu.memory_space<hbm>> -> memref<10000x128xf32, #tpu.memory_space<hbm>>
    tpu.wait_indirect_dma semaphore(%arg28 : memref<!tpu.dma_semaphore, #tpu.memory_space<semaphore_mem>>) src(%dma_wait3A_332 : memref<10000x128xf32, #tpu.memory_space<hbm>>) dst(%arg7 : memref<80x128xf32, #tpu.memory_space<vmem>>)
    %dma_start3A_333 = arith.constant 0 : i32
    %dma_start3A_334 = arith.constant 0 : i32
    %dma_start3A_335 = tpu.memref_slice %arg25[%dma_start3A_333, %dma_start3A_334] : memref<10240x128xf32, #tpu.memory_space<vmem_shared>> -> memref<10240x128xf32, #tpu.memory_space<vmem_shared>>
    tpu.enqueue_indirect_dma source(%arg7 : memref<80x128xf32, #tpu.memory_space<vmem>>) target(%dma_start3A_335 : memref<10240x128xf32, #tpu.memory_space<vmem_shared>>) offsets(%arg23 : memref<80xi32, #tpu.memory_space<vmem>>) semaphore(%arg32 : memref<!tpu.dma_semaphore, #tpu.memory_space<semaphore_mem>>) {add = true}
    %dma_wait3A_336 = arith.constant 0 : i32
    %dma_wait3A_337 = arith.constant 0 : i32
    %dma_wait3A_338 = tpu.memref_slice %arg25[%dma_wait3A_336, %dma_wait3A_337] : memref<10240x128xf32, #tpu.memory_space<vmem_shared>> -> memref<10240x128xf32, #tpu.memory_space<vmem_shared>>
    tpu.wait_indirect_dma semaphore(%arg31 : memref<!tpu.dma_semaphore, #tpu.memory_space<semaphore_mem>>) src(%arg5 : memref<80x128xf32, #tpu.memory_space<vmem>>) dst(%dma_wait3A_338 : memref<10240x128xf32, #tpu.memory_space<vmem_shared>>)
    %dma_wait3A_339 = tpu.memref_slice %arg3[%mul3A_2] : memref<640000xi32, #tpu.memory_space<hbm>> -> memref<80xi32, #tpu.memory_space<hbm>>
    %dma_wait3A_340 = tpu.memref_slice %arg3[%mul3A_2] : memref<640000xi32, #tpu.memory_space<hbm>> -> memref<80xi32, #tpu.memory_space<hbm>>
    tpu.wait_dma2 semaphore(%arg35 : memref<!tpu.dma_semaphore, #tpu.memory_space<semaphore_mem>>) src(%dma_wait3A_340 : memref<80xi32, #tpu.memory_space<hbm>>) dst(%arg10 : memref<80xi32, #tpu.memory_space<vmem>>)
    %dma_wait3A_341 = tpu.memref_slice %arg3[%mul3A_2] : memref<640000xi32, #tpu.memory_space<hbm>> -> memref<80xi32, #tpu.memory_space<hbm>>
    %dma_wait3A_342 = tpu.memref_slice %arg3[%mul3A_2] : memref<640000xi32, #tpu.memory_space<hbm>> -> memref<80xi32, #tpu.memory_space<hbm>>
    tpu.wait_dma2 semaphore(%arg35 : memref<!tpu.dma_semaphore, #tpu.memory_space<semaphore_mem>>) src(%dma_wait3A_342 : memref<80xi32, #tpu.memory_space<hbm>>) dst(%arg18 : memref<80xi32, #tpu.memory_space<vmem>>)
    %dma_start3A_343 = arith.constant 0 : i32
    %dma_start3A_344 = arith.constant 0 : i32
    %dma_start3A_345 = tpu.memref_slice %arg2[%dma_start3A_343, %dma_start3A_344] : memref<10000x128xf32, #tpu.memory_space<hbm>> -> memref<10000x128xf32, #tpu.memory_space<hbm>>
    tpu.enqueue_indirect_dma source(%dma_start3A_345 : memref<10000x128xf32, #tpu.memory_space<hbm>>) target(%arg6 : memref<80x128xf32, #tpu.memory_space<vmem>>) offsets(%arg10 : memref<80xi32, #tpu.memory_space<vmem>>) semaphore(%arg27 : memref<!tpu.dma_semaphore, #tpu.memory_space<semaphore_mem>>)
    %add3A_346 = arith.constant 9840 : i32
    %add3A_347 = arith.addi %mul3A_2, %add3A_346 : i32
    %dma_start3A_348 = tpu.memref_slice %arg3[%add3A_347] : memref<640000xi32, #tpu.memory_space<hbm>> -> memref<80xi32, #tpu.memory_space<hbm>>
    %dma_start3A_349 = tpu.memref_slice %arg3[%add3A_347] : memref<640000xi32, #tpu.memory_space<hbm>> -> memref<80xi32, #tpu.memory_space<hbm>>
    tpu.enqueue_dma source(%dma_start3A_349 : memref<80xi32, #tpu.memory_space<hbm>>) target(%arg12 : memref<80xi32, #tpu.memory_space<vmem>>) target_semaphore(%arg37 : memref<!tpu.dma_semaphore, #tpu.memory_space<semaphore_mem>>)
    %add3A_350 = arith.constant 320000 : i32
    %add3A_351 = arith.addi %add3A_350, %mul3A_2 : i32
    %add3A_352 = arith.constant 9840 : i32
    %add3A_353 = arith.addi %add3A_351, %add3A_352 : i32
    %dma_start3A_354 = tpu.memref_slice %arg3[%add3A_353] : memref<640000xi32, #tpu.memory_space<hbm>> -> memref<80xi32, #tpu.memory_space<hbm>>
    %dma_start3A_355 = tpu.memref_slice %arg3[%add3A_353] : memref<640000xi32, #tpu.memory_space<hbm>> -> memref<80xi32, #tpu.memory_space<hbm>>
    tpu.enqueue_dma source(%dma_start3A_355 : memref<80xi32, #tpu.memory_space<hbm>>) target(%arg20 : memref<80xi32, #tpu.memory_space<vmem>>) target_semaphore(%arg37 : memref<!tpu.dma_semaphore, #tpu.memory_space<semaphore_mem>>)
    %dma_wait3A_356 = arith.constant 0 : i32
    %dma_wait3A_357 = arith.constant 0 : i32
    %dma_wait3A_358 = tpu.memref_slice %arg2[%dma_wait3A_356, %dma_wait3A_357] : memref<10000x128xf32, #tpu.memory_space<hbm>> -> memref<10000x128xf32, #tpu.memory_space<hbm>>
    tpu.wait_indirect_dma semaphore(%arg29 : memref<!tpu.dma_semaphore, #tpu.memory_space<semaphore_mem>>) src(%dma_wait3A_358 : memref<10000x128xf32, #tpu.memory_space<hbm>>) dst(%arg8 : memref<80x128xf32, #tpu.memory_space<vmem>>)
    %dma_start3A_359 = arith.constant 0 : i32
    %dma_start3A_360 = arith.constant 0 : i32
    %dma_start3A_361 = tpu.memref_slice %arg25[%dma_start3A_359, %dma_start3A_360] : memref<10240x128xf32, #tpu.memory_space<vmem_shared>> -> memref<10240x128xf32, #tpu.memory_space<vmem_shared>>
    tpu.enqueue_indirect_dma source(%arg8 : memref<80x128xf32, #tpu.memory_space<vmem>>) target(%dma_start3A_361 : memref<10240x128xf32, #tpu.memory_space<vmem_shared>>) offsets(%arg24 : memref<80xi32, #tpu.memory_space<vmem>>) semaphore(%arg33 : memref<!tpu.dma_semaphore, #tpu.memory_space<semaphore_mem>>) {add = true}
    %dma_wait3A_362 = arith.constant 0 : i32
    %dma_wait3A_363 = arith.constant 0 : i32
    %dma_wait3A_364 = tpu.memref_slice %arg25[%dma_wait3A_362, %dma_wait3A_363] : memref<10240x128xf32, #tpu.memory_space<vmem_shared>> -> memref<10240x128xf32, #tpu.memory_space<vmem_shared>>
    tpu.wait_indirect_dma semaphore(%arg32 : memref<!tpu.dma_semaphore, #tpu.memory_space<semaphore_mem>>) src(%arg5 : memref<80x128xf32, #tpu.memory_space<vmem>>) dst(%dma_wait3A_364 : memref<10240x128xf32, #tpu.memory_space<vmem_shared>>)
    %dma_wait3A_365 = tpu.memref_slice %arg3[%mul3A_2] : memref<640000xi32, #tpu.memory_space<hbm>> -> memref<80xi32, #tpu.memory_space<hbm>>
    %dma_wait3A_366 = tpu.memref_slice %arg3[%mul3A_2] : memref<640000xi32, #tpu.memory_space<hbm>> -> memref<80xi32, #tpu.memory_space<hbm>>
    tpu.wait_dma2 semaphore(%arg36 : memref<!tpu.dma_semaphore, #tpu.memory_space<semaphore_mem>>) src(%dma_wait3A_366 : memref<80xi32, #tpu.memory_space<hbm>>) dst(%arg11 : memref<80xi32, #tpu.memory_space<vmem>>)
    %dma_wait3A_367 = tpu.memref_slice %arg3[%mul3A_2] : memref<640000xi32, #tpu.memory_space<hbm>> -> memref<80xi32, #tpu.memory_space<hbm>>
    %dma_wait3A_368 = tpu.memref_slice %arg3[%mul3A_2] : memref<640000xi32, #tpu.memory_space<hbm>> -> memref<80xi32, #tpu.memory_space<hbm>>
    tpu.wait_dma2 semaphore(%arg36 : memref<!tpu.dma_semaphore, #tpu.memory_space<semaphore_mem>>) src(%dma_wait3A_368 : memref<80xi32, #tpu.memory_space<hbm>>) dst(%arg19 : memref<80xi32, #tpu.memory_space<vmem>>)
    %dma_start3A_369 = arith.constant 0 : i32
    %dma_start3A_370 = arith.constant 0 : i32
    %dma_start3A_371 = tpu.memref_slice %arg2[%dma_start3A_369, %dma_start3A_370] : memref<10000x128xf32, #tpu.memory_space<hbm>> -> memref<10000x128xf32, #tpu.memory_space<hbm>>
    tpu.enqueue_indirect_dma source(%dma_start3A_371 : memref<10000x128xf32, #tpu.memory_space<hbm>>) target(%arg7 : memref<80x128xf32, #tpu.memory_space<vmem>>) offsets(%arg11 : memref<80xi32, #tpu.memory_space<vmem>>) semaphore(%arg28 : memref<!tpu.dma_semaphore, #tpu.memory_space<semaphore_mem>>)
    %add3A_372 = arith.constant 9920 : i32
    %add3A_373 = arith.addi %mul3A_2, %add3A_372 : i32
    %dma_start3A_374 = tpu.memref_slice %arg3[%add3A_373] : memref<640000xi32, #tpu.memory_space<hbm>> -> memref<80xi32, #tpu.memory_space<hbm>>
    %dma_start3A_375 = tpu.memref_slice %arg3[%add3A_373] : memref<640000xi32, #tpu.memory_space<hbm>> -> memref<80xi32, #tpu.memory_space<hbm>>
    tpu.enqueue_dma source(%dma_start3A_375 : memref<80xi32, #tpu.memory_space<hbm>>) target(%arg13 : memref<80xi32, #tpu.memory_space<vmem>>) target_semaphore(%arg38 : memref<!tpu.dma_semaphore, #tpu.memory_space<semaphore_mem>>)
    %add3A_376 = arith.constant 320000 : i32
    %add3A_377 = arith.addi %add3A_376, %mul3A_2 : i32
    %add3A_378 = arith.constant 9920 : i32
    %add3A_379 = arith.addi %add3A_377, %add3A_378 : i32
    %dma_start3A_380 = tpu.memref_slice %arg3[%add3A_379] : memref<640000xi32, #tpu.memory_space<hbm>> -> memref<80xi32, #tpu.memory_space<hbm>>
    %dma_start3A_381 = tpu.memref_slice %arg3[%add3A_379] : memref<640000xi32, #tpu.memory_space<hbm>> -> memref<80xi32, #tpu.memory_space<hbm>>
    tpu.enqueue_dma source(%dma_start3A_381 : memref<80xi32, #tpu.memory_space<hbm>>) target(%arg21 : memref<80xi32, #tpu.memory_space<vmem>>) target_semaphore(%arg38 : memref<!tpu.dma_semaphore, #tpu.memory_space<semaphore_mem>>)
    %dma_wait3A_382 = arith.constant 0 : i32
    %dma_wait3A_383 = arith.constant 0 : i32
    %dma_wait3A_384 = tpu.memref_slice %arg2[%dma_wait3A_382, %dma_wait3A_383] : memref<10000x128xf32, #tpu.memory_space<hbm>> -> memref<10000x128xf32, #tpu.memory_space<hbm>>
    tpu.wait_indirect_dma semaphore(%arg26 : memref<!tpu.dma_semaphore, #tpu.memory_space<semaphore_mem>>) src(%dma_wait3A_384 : memref<10000x128xf32, #tpu.memory_space<hbm>>) dst(%arg5 : memref<80x128xf32, #tpu.memory_space<vmem>>)
    %dma_start3A_385 = arith.constant 0 : i32
    %dma_start3A_386 = arith.constant 0 : i32
    %dma_start3A_387 = tpu.memref_slice %arg25[%dma_start3A_385, %dma_start3A_386] : memref<10240x128xf32, #tpu.memory_space<vmem_shared>> -> memref<10240x128xf32, #tpu.memory_space<vmem_shared>>
    tpu.enqueue_indirect_dma source(%arg5 : memref<80x128xf32, #tpu.memory_space<vmem>>) target(%dma_start3A_387 : memref<10240x128xf32, #tpu.memory_space<vmem_shared>>) offsets(%arg17 : memref<80xi32, #tpu.memory_space<vmem>>) semaphore(%arg30 : memref<!tpu.dma_semaphore, #tpu.memory_space<semaphore_mem>>) {add = true}
    %dma_wait3A_388 = arith.constant 0 : i32
    %dma_wait3A_389 = arith.constant 0 : i32
    %dma_wait3A_390 = tpu.memref_slice %arg25[%dma_wait3A_388, %dma_wait3A_389] : memref<10240x128xf32, #tpu.memory_space<vmem_shared>> -> memref<10240x128xf32, #tpu.memory_space<vmem_shared>>
    tpu.wait_indirect_dma semaphore(%arg33 : memref<!tpu.dma_semaphore, #tpu.memory_space<semaphore_mem>>) src(%arg5 : memref<80x128xf32, #tpu.memory_space<vmem>>) dst(%dma_wait3A_390 : memref<10240x128xf32, #tpu.memory_space<vmem_shared>>)
    %dma_wait3A_391 = tpu.memref_slice %arg3[%mul3A_2] : memref<640000xi32, #tpu.memory_space<hbm>> -> memref<80xi32, #tpu.memory_space<hbm>>
    %dma_wait3A_392 = tpu.memref_slice %arg3[%mul3A_2] : memref<640000xi32, #tpu.memory_space<hbm>> -> memref<80xi32, #tpu.memory_space<hbm>>
    tpu.wait_dma2 semaphore(%arg37 : memref<!tpu.dma_semaphore, #tpu.memory_space<semaphore_mem>>) src(%dma_wait3A_392 : memref<80xi32, #tpu.memory_space<hbm>>) dst(%arg12 : memref<80xi32, #tpu.memory_space<vmem>>)
    %dma_wait3A_393 = tpu.memref_slice %arg3[%mul3A_2] : memref<640000xi32, #tpu.memory_space<hbm>> -> memref<80xi32, #tpu.memory_space<hbm>>
    %dma_wait3A_394 = tpu.memref_slice %arg3[%mul3A_2] : memref<640000xi32, #tpu.memory_space<hbm>> -> memref<80xi32, #tpu.memory_space<hbm>>
    tpu.wait_dma2 semaphore(%arg37 : memref<!tpu.dma_semaphore, #tpu.memory_space<semaphore_mem>>) src(%dma_wait3A_394 : memref<80xi32, #tpu.memory_space<hbm>>) dst(%arg20 : memref<80xi32, #tpu.memory_space<vmem>>)
    %dma_start3A_395 = arith.constant 0 : i32
    %dma_start3A_396 = arith.constant 0 : i32
    %dma_start3A_397 = tpu.memref_slice %arg2[%dma_start3A_395, %dma_start3A_396] : memref<10000x128xf32, #tpu.memory_space<hbm>> -> memref<10000x128xf32, #tpu.memory_space<hbm>>
    tpu.enqueue_indirect_dma source(%dma_start3A_397 : memref<10000x128xf32, #tpu.memory_space<hbm>>) target(%arg8 : memref<80x128xf32, #tpu.memory_space<vmem>>) offsets(%arg12 : memref<80xi32, #tpu.memory_space<vmem>>) semaphore(%arg29 : memref<!tpu.dma_semaphore, #tpu.memory_space<semaphore_mem>>)
    %dma_wait3A_398 = arith.constant 0 : i32
    %dma_wait3A_399 = arith.constant 0 : i32
    %dma_wait3A_400 = tpu.memref_slice %arg2[%dma_wait3A_398, %dma_wait3A_399] : memref<10000x128xf32, #tpu.memory_space<hbm>> -> memref<10000x128xf32, #tpu.memory_space<hbm>>
    tpu.wait_indirect_dma semaphore(%arg27 : memref<!tpu.dma_semaphore, #tpu.memory_space<semaphore_mem>>) src(%dma_wait3A_400 : memref<10000x128xf32, #tpu.memory_space<hbm>>) dst(%arg6 : memref<80x128xf32, #tpu.memory_space<vmem>>)
    %dma_start3A_401 = arith.constant 0 : i32
    %dma_start3A_402 = arith.constant 0 : i32
    %dma_start3A_403 = tpu.memref_slice %arg25[%dma_start3A_401, %dma_start3A_402] : memref<10240x128xf32, #tpu.memory_space<vmem_shared>> -> memref<10240x128xf32, #tpu.memory_space<vmem_shared>>
    tpu.enqueue_indirect_dma source(%arg6 : memref<80x128xf32, #tpu.memory_space<vmem>>) target(%dma_start3A_403 : memref<10240x128xf32, #tpu.memory_space<vmem_shared>>) offsets(%arg18 : memref<80xi32, #tpu.memory_space<vmem>>) semaphore(%arg31 : memref<!tpu.dma_semaphore, #tpu.memory_space<semaphore_mem>>) {add = true}
    %dma_wait3A_404 = arith.constant 0 : i32
    %dma_wait3A_405 = arith.constant 0 : i32
    %dma_wait3A_406 = tpu.memref_slice %arg25[%dma_wait3A_404, %dma_wait3A_405] : memref<10240x128xf32, #tpu.memory_space<vmem_shared>> -> memref<10240x128xf32, #tpu.memory_space<vmem_shared>>
    tpu.wait_indirect_dma semaphore(%arg30 : memref<!tpu.dma_semaphore, #tpu.memory_space<semaphore_mem>>) src(%arg5 : memref<80x128xf32, #tpu.memory_space<vmem>>) dst(%dma_wait3A_406 : memref<10240x128xf32, #tpu.memory_space<vmem_shared>>)
    %dma_wait3A_407 = tpu.memref_slice %arg3[%mul3A_2] : memref<640000xi32, #tpu.memory_space<hbm>> -> memref<80xi32, #tpu.memory_space<hbm>>
    %dma_wait3A_408 = tpu.memref_slice %arg3[%mul3A_2] : memref<640000xi32, #tpu.memory_space<hbm>> -> memref<80xi32, #tpu.memory_space<hbm>>
    tpu.wait_dma2 semaphore(%arg38 : memref<!tpu.dma_semaphore, #tpu.memory_space<semaphore_mem>>) src(%dma_wait3A_408 : memref<80xi32, #tpu.memory_space<hbm>>) dst(%arg13 : memref<80xi32, #tpu.memory_space<vmem>>)
    %dma_wait3A_409 = tpu.memref_slice %arg3[%mul3A_2] : memref<640000xi32, #tpu.memory_space<hbm>> -> memref<80xi32, #tpu.memory_space<hbm>>
    %dma_wait3A_410 = tpu.memref_slice %arg3[%mul3A_2] : memref<640000xi32, #tpu.memory_space<hbm>> -> memref<80xi32, #tpu.memory_space<hbm>>
    tpu.wait_dma2 semaphore(%arg38 : memref<!tpu.dma_semaphore, #tpu.memory_space<semaphore_mem>>) src(%dma_wait3A_410 : memref<80xi32, #tpu.memory_space<hbm>>) dst(%arg21 : memref<80xi32, #tpu.memory_space<vmem>>)
    %dma_start3A_411 = arith.constant 0 : i32
    %dma_start3A_412 = arith.constant 0 : i32
    %dma_start3A_413 = tpu.memref_slice %arg2[%dma_start3A_411, %dma_start3A_412] : memref<10000x128xf32, #tpu.memory_space<hbm>> -> memref<10000x128xf32, #tpu.memory_space<hbm>>
    tpu.enqueue_indirect_dma source(%dma_start3A_413 : memref<10000x128xf32, #tpu.memory_space<hbm>>) target(%arg5 : memref<80x128xf32, #tpu.memory_space<vmem>>) offsets(%arg13 : memref<80xi32, #tpu.memory_space<vmem>>) semaphore(%arg26 : memref<!tpu.dma_semaphore, #tpu.memory_space<semaphore_mem>>)
    %dma_wait3A_414 = arith.constant 0 : i32
    %dma_wait3A_415 = arith.constant 0 : i32
    %dma_wait3A_416 = tpu.memref_slice %arg2[%dma_wait3A_414, %dma_wait3A_415] : memref<10000x128xf32, #tpu.memory_space<hbm>> -> memref<10000x128xf32, #tpu.memory_space<hbm>>
    tpu.wait_indirect_dma semaphore(%arg28 : memref<!tpu.dma_semaphore, #tpu.memory_space<semaphore_mem>>) src(%dma_wait3A_416 : memref<10000x128xf32, #tpu.memory_space<hbm>>) dst(%arg7 : memref<80x128xf32, #tpu.memory_space<vmem>>)
    %dma_start3A_417 = arith.constant 0 : i32
    %dma_start3A_418 = arith.constant 0 : i32
    %dma_start3A_419 = tpu.memref_slice %arg25[%dma_start3A_417, %dma_start3A_418] : memref<10240x128xf32, #tpu.memory_space<vmem_shared>> -> memref<10240x128xf32, #tpu.memory_space<vmem_shared>>
    tpu.enqueue_indirect_dma source(%arg7 : memref<80x128xf32, #tpu.memory_space<vmem>>) target(%dma_start3A_419 : memref<10240x128xf32, #tpu.memory_space<vmem_shared>>) offsets(%arg19 : memref<80xi32, #tpu.memory_space<vmem>>) semaphore(%arg32 : memref<!tpu.dma_semaphore, #tpu.memory_space<semaphore_mem>>) {add = true}
    %dma_wait3A_420 = arith.constant 0 : i32
    %dma_wait3A_421 = arith.constant 0 : i32
    %dma_wait3A_422 = tpu.memref_slice %arg2[%dma_wait3A_420, %dma_wait3A_421] : memref<10000x128xf32, #tpu.memory_space<hbm>> -> memref<10000x128xf32, #tpu.memory_space<hbm>>
    tpu.wait_indirect_dma semaphore(%arg29 : memref<!tpu.dma_semaphore, #tpu.memory_space<semaphore_mem>>) src(%dma_wait3A_422 : memref<10000x128xf32, #tpu.memory_space<hbm>>) dst(%arg8 : memref<80x128xf32, #tpu.memory_space<vmem>>)
    %dma_start3A_423 = arith.constant 0 : i32
    %dma_start3A_424 = arith.constant 0 : i32
    %dma_start3A_425 = tpu.memref_slice %arg25[%dma_start3A_423, %dma_start3A_424] : memref<10240x128xf32, #tpu.memory_space<vmem_shared>> -> memref<10240x128xf32, #tpu.memory_space<vmem_shared>>
    tpu.enqueue_indirect_dma source(%arg8 : memref<80x128xf32, #tpu.memory_space<vmem>>) target(%dma_start3A_425 : memref<10240x128xf32, #tpu.memory_space<vmem_shared>>) offsets(%arg20 : memref<80xi32, #tpu.memory_space<vmem>>) semaphore(%arg33 : memref<!tpu.dma_semaphore, #tpu.memory_space<semaphore_mem>>) {add = true}
    %dma_wait3A_426 = arith.constant 0 : i32
    %dma_wait3A_427 = arith.constant 0 : i32
    %dma_wait3A_428 = tpu.memref_slice %arg2[%dma_wait3A_426, %dma_wait3A_427] : memref<10000x128xf32, #tpu.memory_space<hbm>> -> memref<10000x128xf32, #tpu.memory_space<hbm>>
    tpu.wait_indirect_dma semaphore(%arg26 : memref<!tpu.dma_semaphore, #tpu.memory_space<semaphore_mem>>) src(%dma_wait3A_428 : memref<10000x128xf32, #tpu.memory_space<hbm>>) dst(%arg5 : memref<80x128xf32, #tpu.memory_space<vmem>>)
    %dma_start3A_429 = arith.constant 0 : i32
    %dma_start3A_430 = arith.constant 0 : i32
    %dma_start3A_431 = tpu.memref_slice %arg25[%dma_start3A_429, %dma_start3A_430] : memref<10240x128xf32, #tpu.memory_space<vmem_shared>> -> memref<10240x128xf32, #tpu.memory_space<vmem_shared>>
    tpu.enqueue_indirect_dma source(%arg5 : memref<80x128xf32, #tpu.memory_space<vmem>>) target(%dma_start3A_431 : memref<10240x128xf32, #tpu.memory_space<vmem_shared>>) offsets(%arg21 : memref<80xi32, #tpu.memory_space<vmem>>) semaphore(%arg30 : memref<!tpu.dma_semaphore, #tpu.memory_space<semaphore_mem>>) {add = true}
    %dma_wait3A_432 = arith.constant 0 : i32
    %dma_wait3A_433 = arith.constant 0 : i32
    %dma_wait3A_434 = tpu.memref_slice %arg25[%dma_wait3A_432, %dma_wait3A_433] : memref<10240x128xf32, #tpu.memory_space<vmem_shared>> -> memref<10240x128xf32, #tpu.memory_space<vmem_shared>>
    tpu.wait_indirect_dma semaphore(%arg31 : memref<!tpu.dma_semaphore, #tpu.memory_space<semaphore_mem>>) src(%arg5 : memref<80x128xf32, #tpu.memory_space<vmem>>) dst(%dma_wait3A_434 : memref<10240x128xf32, #tpu.memory_space<vmem_shared>>)
    %dma_wait3A_435 = arith.constant 0 : i32
    %dma_wait3A_436 = arith.constant 0 : i32
    %dma_wait3A_437 = tpu.memref_slice %arg25[%dma_wait3A_435, %dma_wait3A_436] : memref<10240x128xf32, #tpu.memory_space<vmem_shared>> -> memref<10240x128xf32, #tpu.memory_space<vmem_shared>>
    tpu.wait_indirect_dma semaphore(%arg32 : memref<!tpu.dma_semaphore, #tpu.memory_space<semaphore_mem>>) src(%arg5 : memref<80x128xf32, #tpu.memory_space<vmem>>) dst(%dma_wait3A_437 : memref<10240x128xf32, #tpu.memory_space<vmem_shared>>)
    %dma_wait3A_438 = arith.constant 0 : i32
    %dma_wait3A_439 = arith.constant 0 : i32
    %dma_wait3A_440 = tpu.memref_slice %arg25[%dma_wait3A_438, %dma_wait3A_439] : memref<10240x128xf32, #tpu.memory_space<vmem_shared>> -> memref<10240x128xf32, #tpu.memory_space<vmem_shared>>
    tpu.wait_indirect_dma semaphore(%arg33 : memref<!tpu.dma_semaphore, #tpu.memory_space<semaphore_mem>>) src(%arg5 : memref<80x128xf32, #tpu.memory_space<vmem>>) dst(%dma_wait3A_440 : memref<10240x128xf32, #tpu.memory_space<vmem_shared>>)
    %dma_wait3A_441 = arith.constant 0 : i32
    %dma_wait3A_442 = arith.constant 0 : i32
    %dma_wait3A_443 = tpu.memref_slice %arg25[%dma_wait3A_441, %dma_wait3A_442] : memref<10240x128xf32, #tpu.memory_space<vmem_shared>> -> memref<10240x128xf32, #tpu.memory_space<vmem_shared>>
    tpu.wait_indirect_dma semaphore(%arg30 : memref<!tpu.dma_semaphore, #tpu.memory_space<semaphore_mem>>) src(%arg5 : memref<80x128xf32, #tpu.memory_space<vmem>>) dst(%dma_wait3A_443 : memref<10240x128xf32, #tpu.memory_space<vmem_shared>>)
    %barrier3A_444 = arith.constant 0 : index
    tpu.barrier barrier_id(%barrier3A_444)
    %mul3A_445 = arith.constant 640 : i32
    %mul3A_446 = arith.muli %arg1, %mul3A_445 : i32
    %mul3A_447 = arith.constant 640 : i32
    %mul3A_448 = arith.muli %arg1, %mul3A_447 : i32
    "tpu.region"() ({
      %run_scoped3A = tpu.sem_alloc : memref<!tpu.dma_semaphore, #tpu.memory_space<semaphore_mem>>
      %dma_start3A_449 = arith.constant 0 : i32
      %dma_start3A_450 = tpu.memref_slice %arg4[%arg0, %mul3A_448, %dma_start3A_449] : memref<2x10240x128xf32, #tpu.memory_space<hbm>> -> memref<1x640x128xf32, #tpu.memory_space<hbm>>
      %dma_start3A_451 = tpu.memref_squeeze %dma_start3A_450 : memref<1x640x128xf32, #tpu.memory_space<hbm>> -> memref<640x128xf32, #tpu.memory_space<hbm>>
      %dma_start3A_452 = arith.constant 0 : i32
      %dma_start3A_453 = tpu.memref_slice %arg25[%mul3A_446, %dma_start3A_452] : memref<10240x128xf32, #tpu.memory_space<vmem_shared>> -> memref<640x128xf32, #tpu.memory_space<vmem_shared>>
      tpu.enqueue_dma source(%dma_start3A_453 : memref<640x128xf32, #tpu.memory_space<vmem_shared>>) target(%dma_start3A_451 : memref<640x128xf32, #tpu.memory_space<hbm>>) target_semaphore(%run_scoped3A : memref<!tpu.dma_semaphore, #tpu.memory_space<semaphore_mem>>)
      %dma_wait3A_454 = arith.constant 0 : i32
      %dma_wait3A_455 = tpu.memref_slice %arg4[%arg0, %mul3A_448, %dma_wait3A_454] : memref<2x10240x128xf32, #tpu.memory_space<hbm>> -> memref<1x640x128xf32, #tpu.memory_space<hbm>>
      %dma_wait3A_456 = tpu.memref_squeeze %dma_wait3A_455 : memref<1x640x128xf32, #tpu.memory_space<hbm>> -> memref<640x128xf32, #tpu.memory_space<hbm>>
      %dma_wait3A_457 = arith.constant 0 : i32
      %dma_wait3A_458 = tpu.memref_slice %arg25[%mul3A_446, %dma_wait3A_457] : memref<10240x128xf32, #tpu.memory_space<vmem_shared>> -> memref<640x128xf32, #tpu.memory_space<vmem_shared>>
      tpu.wait_dma2 semaphore(%run_scoped3A : memref<!tpu.dma_semaphore, #tpu.memory_space<semaphore_mem>>) src(%dma_wait3A_458 : memref<640x128xf32, #tpu.memory_space<vmem_shared>>) dst(%dma_wait3A_456 : memref<640x128xf32, #tpu.memory_space<hbm>>)
      tpu.yield
    }) : () -> ()
    return
  }
}

module attributes {stable_mosaic.version = 14 : i64} {
  func.func @_prep_body(%arg0: memref<10000x128xf32, #tpu.memory_space<vmem>>, %arg1: memref<128x128xf32, #tpu.memory_space<vmem>>, %arg2: memref<2x10240xf32, #tpu.memory_space<vmem>>, %arg3: memref<10000x128xf32, #tpu.memory_space<vmem>>) attributes {dimension_semantics = [], scalar_prefetch = 0 : i64, scratch_operands = 0 : i64, tpu.core_type = #tpu.core_type<tc>} {
    %get3A = arith.constant 0 : index
    %get3A_0 = arith.constant 0 : index
    %get3A_1 = vector.load %arg2[%get3A, %get3A_0] : memref<2x10240xf32, #tpu.memory_space<vmem>>, vector<1x10240xf32>
    %get3A_2 = vector.shape_cast %get3A_1 : vector<1x10240xf32> to vector<10240xf32>
    %get3A_3 = arith.constant 1 : index
    %get3A_4 = arith.constant 0 : index
    %get3A_5 = vector.load %arg2[%get3A_3, %get3A_4] : memref<2x10240xf32, #tpu.memory_space<vmem>>, vector<1x10240xf32>
    %get3A_6 = vector.shape_cast %get3A_5 : vector<1x10240xf32> to vector<10240xf32>
    %add3A = arith.addf %get3A_2, %get3A_6 : vector<10240xf32>
    %add3A_7 = arith.constant 1.000000e+00 : f32
    %add3A_8 = vector.broadcast %add3A_7 : f32 to vector<10240xf32>
    %add3A_9 = arith.addf %add3A, %add3A_8 : vector<10240xf32>
    %rsqrt3A = math.rsqrt %add3A_9 : vector<10240xf32>
    %slice3A = vector.extract_strided_slice %rsqrt3A {offsets = [0], sizes = [10000], strides = [1]} : vector<10240xf32> to vector<10000xf32>
    %get3A_10 = arith.constant 0 : index
    %get3A_11 = arith.constant 0 : index
    %get3A_12 = vector.load %arg0[%get3A_10, %get3A_11] : memref<10000x128xf32, #tpu.memory_space<vmem>>, vector<10000x128xf32>
    %get3A_13 = arith.constant 0 : index
    %get3A_14 = arith.constant 0 : index
    %get3A_15 = vector.load %arg1[%get3A_13, %get3A_14] : memref<128x128xf32, #tpu.memory_space<vmem>>, vector<128x128xf32>
    %dot_general3A = arith.constant dense<0.000000e+00> : vector<10000x128xf32>
    %dot_general3A_16 = tpu.matmul %get3A_12, %get3A_15, %dot_general3A {dimension_numbers = #tpu.dot_dimension_numbers<[1], [0], [0], [1], [0, 0, 1, 1], [], []>, transpose_lhs_hint = false} : vector<10000x128xf32>, vector<128x128xf32>, vector<10000x128xf32> -> vector<10000x128xf32>
    %broadcast_in_dim3A = vector.shape_cast %slice3A : vector<10000xf32> to vector<10000x1xf32>
    %mul3A = vector.broadcast %broadcast_in_dim3A : vector<10000x1xf32> to vector<10000x128xf32>
    %mul3A_17 = arith.mulf %dot_general3A_16, %mul3A : vector<10000x128xf32>
    %swap3A = arith.constant 0 : index
    %swap3A_18 = arith.constant 0 : index
    %swap3A_19 = vector.load %arg3[%swap3A, %swap3A_18] : memref<10000x128xf32, #tpu.memory_space<vmem>>, vector<10000x128xf32>
    tpu.vector_store %arg3[%swap3A, %swap3A_18], %mul3A_17 {strides = array<i32>} : memref<10000x128xf32, #tpu.memory_space<vmem>>, vector<10000x128xf32>,
    return
  }
}

module attributes {stable_mosaic.version = 14 : i64} {
  func.func @_mid_body(%arg0: memref<2x10240x128xf32, #tpu.memory_space<vmem>>, %arg1: memref<10000x128xf32, #tpu.memory_space<vmem>>, %arg2: memref<2x10240xf32, #tpu.memory_space<vmem>>, %arg3: memref<128xf32, #tpu.memory_space<vmem>>, %arg4: memref<128x128xf32, #tpu.memory_space<vmem>>, %arg5: memref<10000x128xf32, #tpu.memory_space<vmem>>) attributes {dimension_semantics = [], scalar_prefetch = 0 : i64, scratch_operands = 0 : i64, tpu.core_type = #tpu.core_type<tc>} {
    %get3A = arith.constant 0 : index
    %get3A_0 = arith.constant 0 : index
    %get3A_1 = vector.load %arg2[%get3A, %get3A_0] : memref<2x10240xf32, #tpu.memory_space<vmem>>, vector<1x10240xf32>
    %get3A_2 = vector.shape_cast %get3A_1 : vector<1x10240xf32> to vector<10240xf32>
    %get3A_3 = arith.constant 1 : index
    %get3A_4 = arith.constant 0 : index
    %get3A_5 = vector.load %arg2[%get3A_3, %get3A_4] : memref<2x10240xf32, #tpu.memory_space<vmem>>, vector<1x10240xf32>
    %get3A_6 = vector.shape_cast %get3A_5 : vector<1x10240xf32> to vector<10240xf32>
    %add3A = arith.addf %get3A_2, %get3A_6 : vector<10240xf32>
    %add3A_7 = arith.constant 1.000000e+00 : f32
    %add3A_8 = vector.broadcast %add3A_7 : f32 to vector<10240xf32>
    %add3A_9 = arith.addf %add3A, %add3A_8 : vector<10240xf32>
    %rsqrt3A = math.rsqrt %add3A_9 : vector<10240xf32>
    %slice3A = vector.extract_strided_slice %rsqrt3A {offsets = [0], sizes = [10000], strides = [1]} : vector<10240xf32> to vector<10000xf32>
    %get3A_10 = arith.constant 0 : index
    %get3A_11 = arith.constant 0 : index
    %get3A_12 = arith.constant 0 : index
    %get3A_13 = vector.load %arg0[%get3A_10, %get3A_11, %get3A_12] : memref<2x10240x128xf32, #tpu.memory_space<vmem>>, vector<1x10000x128xf32>
    %get3A_14 = vector.shape_cast %get3A_13 : vector<1x10000x128xf32> to vector<10000x128xf32>
    %get3A_15 = arith.constant 1 : index
    %get3A_16 = arith.constant 0 : index
    %get3A_17 = arith.constant 0 : index
    %get3A_18 = vector.load %arg0[%get3A_15, %get3A_16, %get3A_17] : memref<2x10240x128xf32, #tpu.memory_space<vmem>>, vector<1x10000x128xf32>
    %get3A_19 = vector.shape_cast %get3A_18 : vector<1x10000x128xf32> to vector<10000x128xf32>
    %add3A_20 = arith.addf %get3A_14, %get3A_19 : vector<10000x128xf32>
    %broadcast_in_dim3A = vector.shape_cast %slice3A : vector<10000xf32> to vector<10000x1xf32>
    %get3A_21 = arith.constant 0 : index
    %get3A_22 = arith.constant 0 : index
    %get3A_23 = vector.load %arg1[%get3A_21, %get3A_22] : memref<10000x128xf32, #tpu.memory_space<vmem>>, vector<10000x128xf32>
    %add3A_24 = arith.addf %add3A_20, %get3A_23 : vector<10000x128xf32>
    %mul3A = vector.broadcast %broadcast_in_dim3A : vector<10000x1xf32> to vector<10000x128xf32>
    %mul3A_25 = arith.mulf %mul3A, %add3A_24 : vector<10000x128xf32>
    %get3A_26 = arith.constant 0 : index
    %get3A_27 = vector.load %arg3[%get3A_26] : memref<128xf32, #tpu.memory_space<vmem>>, vector<128xf32>
    %broadcast_in_dim3A_28 = vector.shape_cast %get3A_27 : vector<128xf32> to vector<1x128xf32>
    %add3A_29 = vector.broadcast %broadcast_in_dim3A_28 : vector<1x128xf32> to vector<10000x128xf32>
    %add3A_30 = arith.addf %mul3A_25, %add3A_29 : vector<10000x128xf32>
    %max3A = arith.constant 0.000000e+00 : f32
    %max3A_31 = vector.broadcast %max3A : f32 to vector<10000x128xf32>
    %max3A_32 = arith.maximumf %add3A_30, %max3A_31 : vector<10000x128xf32>
    %get3A_33 = arith.constant 0 : index
    %get3A_34 = arith.constant 0 : index
    %get3A_35 = vector.load %arg4[%get3A_33, %get3A_34] : memref<128x128xf32, #tpu.memory_space<vmem>>, vector<128x128xf32>
    %dot_general3A = arith.constant dense<0.000000e+00> : vector<10000x128xf32>
    %dot_general3A_36 = tpu.matmul %max3A_32, %get3A_35, %dot_general3A {dimension_numbers = #tpu.dot_dimension_numbers<[1], [0], [0], [1], [0, 0, 1, 1], [], []>, transpose_lhs_hint = false} : vector<10000x128xf32>, vector<128x128xf32>, vector<10000x128xf32> -> vector<10000x128xf32>
    %broadcast_in_dim3A_37 = vector.shape_cast %slice3A : vector<10000xf32> to vector<10000x1xf32>
    %mul3A_38 = vector.broadcast %broadcast_in_dim3A_37 : vector<10000x1xf32> to vector<10000x128xf32>
    %mul3A_39 = arith.mulf %dot_general3A_36, %mul3A_38 : vector<10000x128xf32>
    %swap3A = arith.constant 0 : index
    %swap3A_40 = arith.constant 0 : index
    %swap3A_41 = vector.load %arg5[%swap3A, %swap3A_40] : memref<10000x128xf32, #tpu.memory_space<vmem>>, vector<10000x128xf32>
    tpu.vector_store %arg5[%swap3A, %swap3A_40], %mul3A_39 {strides = array<i32>} : memref<10000x128xf32, #tpu.memory_space<vmem>>, vector<10000x128xf32>,
    return
  }
}

module attributes {stable_mosaic.version = 14 : i64} {
  func.func @_fin_body(%arg0: memref<2x10240x128xf32, #tpu.memory_space<vmem>>, %arg1: memref<10000x128xf32, #tpu.memory_space<vmem>>, %arg2: memref<2x10240xf32, #tpu.memory_space<vmem>>, %arg3: memref<128xf32, #tpu.memory_space<vmem>>, %arg4: memref<10000x128xf32, #tpu.memory_space<vmem>>) attributes {dimension_semantics = [], scalar_prefetch = 0 : i64, scratch_operands = 0 : i64, tpu.core_type = #tpu.core_type<tc>} {
    %get3A = arith.constant 0 : index
    %get3A_0 = arith.constant 0 : index
    %get3A_1 = vector.load %arg2[%get3A, %get3A_0] : memref<2x10240xf32, #tpu.memory_space<vmem>>, vector<1x10240xf32>
    %get3A_2 = vector.shape_cast %get3A_1 : vector<1x10240xf32> to vector<10240xf32>
    %get3A_3 = arith.constant 1 : index
    %get3A_4 = arith.constant 0 : index
    %get3A_5 = vector.load %arg2[%get3A_3, %get3A_4] : memref<2x10240xf32, #tpu.memory_space<vmem>>, vector<1x10240xf32>
    %get3A_6 = vector.shape_cast %get3A_5 : vector<1x10240xf32> to vector<10240xf32>
    %add3A = arith.addf %get3A_2, %get3A_6 : vector<10240xf32>
    %add3A_7 = arith.constant 1.000000e+00 : f32
    %add3A_8 = vector.broadcast %add3A_7 : f32 to vector<10240xf32>
    %add3A_9 = arith.addf %add3A, %add3A_8 : vector<10240xf32>
    %rsqrt3A = math.rsqrt %add3A_9 : vector<10240xf32>
    %slice3A = vector.extract_strided_slice %rsqrt3A {offsets = [0], sizes = [10000], strides = [1]} : vector<10240xf32> to vector<10000xf32>
    %get3A_10 = arith.constant 0 : index
    %get3A_11 = arith.constant 0 : index
    %get3A_12 = arith.constant 0 : index
    %get3A_13 = vector.load %arg0[%get3A_10, %get3A_11, %get3A_12] : memref<2x10240x128xf32, #tpu.memory_space<vmem>>, vector<1x10000x128xf32>
    %get3A_14 = vector.shape_cast %get3A_13 : vector<1x10000x128xf32> to vector<10000x128xf32>
    %get3A_15 = arith.constant 1 : index
    %get3A_16 = arith.constant 0 : index
    %get3A_17 = arith.constant 0 : index
    %get3A_18 = vector.load %arg0[%get3A_15, %get3A_16, %get3A_17] : memref<2x10240x128xf32, #tpu.memory_space<vmem>>, vector<1x10000x128xf32>
    %get3A_19 = vector.shape_cast %get3A_18 : vector<1x10000x128xf32> to vector<10000x128xf32>
    %add3A_20 = arith.addf %get3A_14, %get3A_19 : vector<10000x128xf32>
    %broadcast_in_dim3A = vector.shape_cast %slice3A : vector<10000xf32> to vector<10000x1xf32>
    %get3A_21 = arith.constant 0 : index
    %get3A_22 = arith.constant 0 : index
    %get3A_23 = vector.load %arg1[%get3A_21, %get3A_22] : memref<10000x128xf32, #tpu.memory_space<vmem>>, vector<10000x128xf32>
    %add3A_24 = arith.addf %add3A_20, %get3A_23 : vector<10000x128xf32>
    %mul3A = vector.broadcast %broadcast_in_dim3A : vector<10000x1xf32> to vector<10000x128xf32>
    %mul3A_25 = arith.mulf %mul3A, %add3A_24 : vector<10000x128xf32>
    %get3A_26 = arith.constant 0 : index
    %get3A_27 = vector.load %arg3[%get3A_26] : memref<128xf32, #tpu.memory_space<vmem>>, vector<128xf32>
    %broadcast_in_dim3A_28 = vector.shape_cast %get3A_27 : vector<128xf32> to vector<1x128xf32>
    %add3A_29 = vector.broadcast %broadcast_in_dim3A_28 : vector<1x128xf32> to vector<10000x128xf32>
    %add3A_30 = arith.addf %mul3A_25, %add3A_29 : vector<10000x128xf32>
    %max3A = arith.constant 0.000000e+00 : f32
    %max3A_31 = vector.broadcast %max3A : f32 to vector<10000x128xf32>
    %max3A_32 = arith.maximumf %add3A_30, %max3A_31 : vector<10000x128xf32>
    %swap3A = arith.constant 0 : index
    %swap3A_33 = arith.constant 0 : index
    %swap3A_34 = vector.load %arg4[%swap3A, %swap3A_33] : memref<10000x128xf32, #tpu.memory_space<vmem>>, vector<10000x128xf32>
    tpu.vector_store %arg4[%swap3A, %swap3A_33], %max3A_32 {strides = array<i32>} : memref<10000x128xf32, #tpu.memory_space<vmem>>, vector<10000x128xf32>,
    return
  }
}

</mosaic_0001>

<sc_bundles>
// kernel: kernel.11.cloned.1.call-start
scs
__scs_entry_jumppad:
0x0: {  	(pc) =	sbr.rel $0x88, $3  }
0x1: {  	(tag) =	ssettag $0x0;
	lr =	simm.s32 $0x1  }
0x2: {  	[smem:$0x3F9B] =	sst lr;
	_ =	strace $0xD0000000  }
0x3: {  	_ = 	snop  }
0x4: {  	_ = 	snop  }
0x5: {  	_ = 	snop  }
0x6: {  	_ = 	snop  }
0x7: {  	_ = 	snop  }
__scs_overlays_trampoline_lowered:
0x8: {  	[smem:$0x3FAA] =	sst s0  }
0x9: {  	[smem:$0x3FAB] =	sst s1  }
0xa: {  	[smem:$0x3FAC] =	sst s2  }
0xb: {  	[smem:$0x3FAD] =	sst s3  }
0xc: {  	[smem:$0x3FAE] =	sst s4  }
0xd: {  	[smem:$0x3FAF] =	sst s5  }
0xe: {  	[smem:$0x3FB0] =	sst s6  }
0xf: {  	[smem:$0x3FB1] =	sst s7  }
0x10: {  	[smem:$0x3FB2] =	sst s8  }
0x11: {  	[smem:$0x3FB3] =	sst s9;
	s0 =	simm.s32 @!p0 $0x0  }
0x12: {  	s1 =	sld [smem:$0x3F99];
	s0 =	simm.s32 @p0 $0x1  }
0x13: {  	[smem:$0x3FB4] =	sst s0;
	s0 =	simm.s32 @!p1 $0x0  }
0x14: {  	s2 =	sld [smem:$0x3F98];
	s0 =	simm.s32 @p1 $0x1  }
0x15: {  	[smem:$0x3FB5] =	sst s0;
	s0 =	simm.s32 @!p2 $0x0  }
0x16: {  	s3 =	sld [smem:$0x3FDB];
	s0 =	simm.s32 @p2 $0x1  }
0x17: {  	s4 =	simm.s32 $0x1BF5;
	[smem:$0x3FB7] =	sst s0  }
0x18: {  	s0 =	sld [smem:$0x3F9A];
	_ =	swait.ge [sflag:s4], $0x0  }
0x19: {  	s7 =	sld [smem:$0x3F9B]  }
0x1a: {  	s8 =	sadd.s32 $0xFFFFE003, lr  }
0x1b: {  	s9 =	sadd.s32 $0xFFFFFEF7, lr;
	s5 =	simm.s32 $0xFFFFFFFF;
	p2 =	slt.u32 s8, $0xFFFFF086  }
0x1c: {  	p1 =	slt.u32 s9, $0xF7A;
	s5 =	simm.s32 @!p2 $0x0  }
0x1d: {  	s5 =	simm.s32 @p1 $0x1;
	p0 =	seq.s32 s7, s2  }
0x1e: {  	s7 =	smul.u32 @!p0 $0xF7A, s2;
	p2 =	seq.s32 @!p0 s5, $0x0  }
0x1f: {  	s9 =	smul.u32 $0xF7A, s1;
	s8 =	simm.s32 @!p0 $0x1BF5;
	p2 =	por !p2, p0  }
0x20: {  	[sflag:s8] =	ssyncset.s32 @!p0 $0xFFFFF086;
	s6 =	sadd.s32 @!p0 s3, s7;
	s7 =	simm.s32 @!p0 $0x108  }
0x21: {  	s3 =	sadd.s32 s3, s9;
	s6 =	sadd.s32 @!p0 $0x88, s6;
	s7 =	simm.s32 @p2 $0x1082  }
0x22: {  	[simem:s7], [sflag:s8] =	dma.local @!p0 [hbm:s6], $0xF7A  }
0x23: {  	s9 =	sor.u32 $0xD0000000, s2;
	s6 =	simm.s32 $0x108;
	_ =	swait.ge @!p0 [sflag:s8], $0x0  }
0x24: {  	s3 =	sadd.s32 $0x88, s3;
	s6 =	simm.s32 @!p1 $0x1082;
	[sflag:s4] =	ssyncset.s32 $0xFFFFF086  }
0x25: {  	[simem:s6], [sflag:s4] =	dma.local [hbm:s3], $0xF7A  }
0x26: {  	[smem:$0x3F9B] =	sst s1;
	(tag) =	ssettag s2;
	_ =	strace s9  }
0x27: {  	s1 =	sld [smem:$0x3FAB]  }
0x28: {  	s2 =	sld [smem:$0x3FAC]  }
0x29: {  	s4 =	sld [smem:$0x3FAE]  }
0x2a: {  	p0 =	seq.s32 s5, $0x0;
	s5 =	sld [smem:$0x3FAF]  }
0x2b: {  	s6 =	sld [smem:$0x3FB0]  }
0x2c: {  	s7 =	sld [smem:$0x3FB1]  }
0x2d: {  	s3 =	simm.s32 $0x108;
	s8 =	sld [smem:$0x3FB2]  }
0x2e: {  	s3 =	simm.s32 @!p0 $0x1082;
	s9 =	sld [smem:$0x3FB3]  }
0x2f: {  	lr =	sadd.s32 s0, s3;
	s0 =	sld [smem:$0x3FAA]  }
0x30: {  	s3 =	sld [smem:$0x3FAD]  }
0x31: {  	[smem:$0x3FB6] =	sst s10  }
0x32: {  	s10 =	sld [smem:$0x3FB4];
	_ =	sdelay $0x3  }
0x33: {  	p0 =	seq.s32 s10, $0x1;
	s10 =	sld [smem:$0x3FB6];
	_ =	sdelay $0x3  }
0x34: {  	[smem:$0x3FB6] =	sst s10  }
0x35: {  	s10 =	sld [smem:$0x3FB5];
	_ =	sdelay $0x3  }
0x36: {  	p1 =	seq.s32 s10, $0x1;
	s10 =	sld [smem:$0x3FB6];
	_ =	sdelay $0x3  }
0x37: {  	[smem:$0x3FB6] =	sst s10  }
0x38: {  	s10 =	sld [smem:$0x3FB7]  }
0x39: {  	_ = 	snop;
	(pc) =	sbr.ind lr, $3  }
0x3a: {  	_ = 	snop  }
0x3b: {  	_ = 	snop  }
0x3c: {  	p2 =	seq.s32 s10, $0x1;
	s10 =	sld [smem:$0x3FB6]  }
0x3d: {  	_ =	shalt  }
0x3e: {  	_ =	shalt  }
0x3f: {  	_ =	shalt  }
0x40: {  	_ =	shalt  }
0x41: {  	_ =	shalt  }
0x42: {  	_ =	shalt  }
0x43: {  	_ =	shalt  }
0x44: {  	_ =	shalt  }
0x45: {  	_ =	shalt  }
0x46: {  	_ =	shalt  }
0x47: {  	_ =	shalt  }
0x48: {  	_ =	shalt  }
0x49: {  	_ =	shalt  }
0x4a: {  	_ =	shalt  }
0x4b: {  	_ =	shalt  }
0x4c: {  	_ =	shalt  }
0x4d: {  	_ =	shalt  }
0x4e: {  	_ =	shalt  }
0x4f: {  	_ =	shalt  }
0x50: {  	_ =	shalt  }
0x51: {  	_ =	shalt  }
0x52: {  	_ =	shalt  }
0x53: {  	_ =	shalt  }
0x54: {  	_ =	shalt  }
0x55: {  	_ =	shalt  }
0x56: {  	_ =	shalt  }
0x57: {  	_ =	shalt  }
0x58: {  	_ =	shalt  }
0x59: {  	_ =	shalt  }
0x5a: {  	_ =	shalt  }
0x5b: {  	_ =	shalt  }
0x5c: {  	_ =	shalt  }
0x5d: {  	_ =	shalt  }
0x5e: {  	_ =	shalt  }
0x5f: {  	_ =	shalt  }
0x60: {  	_ =	shalt  }
0x61: {  	_ =	shalt  }
0x62: {  	_ =	shalt  }
0x63: {  	_ =	shalt  }
0x64: {  	_ =	shalt  }
0x65: {  	_ =	shalt  }
0x66: {  	_ =	shalt  }
0x67: {  	_ =	shalt  }
0x68: {  	_ =	shalt  }
0x69: {  	_ =	shalt  }
0x6a: {  	_ =	shalt  }
0x6b: {  	_ =	shalt  }
0x6c: {  	_ =	shalt  }
0x6d: {  	_ =	shalt  }
0x6e: {  	_ =	shalt  }
0x6f: {  	_ =	shalt  }
0x70: {  	_ =	shalt  }
0x71: {  	_ =	shalt  }
0x72: {  	_ =	shalt  }
0x73: {  	_ =	shalt  }
0x74: {  	_ =	shalt  }
0x75: {  	_ =	shalt  }
0x76: {  	_ =	shalt  }
0x77: {  	_ =	shalt  }
0x78: {  	_ =	shalt  }
0x79: {  	_ =	shalt  }
0x7a: {  	_ =	shalt  }
0x7b: {  	_ =	shalt  }
0x7c: {  	_ =	shalt  }
0x7d: {  	_ =	shalt  }
0x7e: {  	_ =	shalt  }
0x7f: {  	_ =	shalt  }
0x80: {  	_ =	shalt  }
0x81: {  	_ =	shalt  }
0x82: {  	_ =	shalt  }
0x83: {  	_ =	shalt  }
0x84: {  	_ =	shalt  }
0x85: {  	_ =	shalt  }
0x86: {  	_ =	shalt  }
0x87: {  	_ =	shalt  }
.Lfunc_end0:
.L_simem_size_0:
called_computation.1_lowered:
.L_overlay_start_0:
0x88: {  	s2 =	sld [smem:$0x3FD9]  }
0x89: {  	s3 =	sld [smem:$0x3FFE];
	_ =	sdelay $0x1  }
0x8a: {  	s1 =	srdreg.scid  }
0x8b: {  	s0 =	sand.u32 $0x1, s1  }
0x8c: {  	s17 =	sshll.u32 s0, $0xA;
	s2 =	sadd.s32 s3, s2  }
0x8d: {  	s2 =	sadd.s32 s2, s17  }
0x8e: {  	[smem:$0x3FC2] =	sst s2  }
0x8f: {  	_ = 	snop  }
0x90: {  	s2 =	sld [smem:$0x3FD0];
	(tm) =	ssettm $0x1  }
0x91: {  	s18 =	sld [smem:$0x3FFB];
	_ =	sdelay $0x3  }
0x92: {  	_ =	strace s18  }
0x93: {  	s3 =	sld [smem:$0x3FFC];
	_ =	sdelay $0x3  }
0x94: {  	_ =	strace s3  }
0x95: {  	s3 =	sld [smem:$0x3FFD];
	_ =	sdelay $0x3  }
0x96: {  	_ =	strace s3  }
0x97: {  	_ =	strace $0x8FFFFFFF  }
0x98: {  	s19 =	sld [smem:$0x3FDB];
	_ =	sdelay $0x1  }
0x99: {  	s4 =	simm.s32 $_scs_section_size  }
0x9a: {  	s5 =	simm.s32 $_size__tile_overlayer_lowered;
	s6 =	simm.s32 $_tile_overlayer_lowered  }
0x9b: {  	s22 =	simm.s32 $0x1BFF;
	s21 =	sshll.u32 s6, $0x1;
	s3 =	sadd.s32 s4, s19  }
0x9c: {  	s7 =	simm.s32 $0x0;
	s20 =	sshll.u32 s5, $0x1;
	s5 =	sadd.s32 s21, s3  }
0x9d: {  	[timem:s7], [sflag:s22] =	dma.local [hbm:s5], s20  }
0x9e: {  	_ =	swait.ge [sflag:s22], s20  }
0x9f: {  	s4 =	ssub.s32 $0x0, s20;
	[sflag:s22] =	ssyncset.done $0x0  }
0xa0: {  	[sflag:s22] =	ssyncadd.s32 s4;
	_ =	sdelay $0x1  }
0xa1: {  	s23 =	simm.s32 $0x1B8B  }
0xa2: {  	_ =	swait.ge [sflag:s23], $0x1  }
0xa3: {  	[sflag:s23] =	ssyncset.done $0x0  }
0xa4: {  	s25 =	simm.s32 $0x1B8E;
	s24 =	sld [smem:$0x3FFE];
	[sflag:s23] =	ssyncadd.s32 $0xFFFFFFFF  }
0xa5: {  	s26 =	simm.s32 $execute0_lowered;
	[smem:$0x3FD2] =	sst s25  }
0xa6: {  	s5 =	sshll.u32 s26, $0x1;
	_ =	strace $0x80000049;
	[dreg:$0x1] =	wrdreg $0xFFFFFFFF  }
0xa7: {  	s28 =	simm.s32 $_size_execute0_lowered;
	s3 =	sadd.s32 s3, s5;
	[dreg:$0x0] =	wrdreg $0x0  }
0xa8: {  	s5 =	sshll.u32 s28, $0x1;
	[dreg:$0x2] =	wrdreg s3  }
0xa9: {  	[dreg:$0x3] =	wrdreg s5  }
0xaa: {  	[dreg:$0x4] =	wrdreg $0xC0  }
0xab: {  	_ =	task [dreg:s7], $0x5FFFF  }
0xac: {  	[dreg:$0x1] =	wrdreg $0xFFFFFFFF  }
0xad: {  	[dreg:$0x0] =	wrdreg $0x60  }
0xae: {  	[dreg:$0x2] =	wrdreg s2  }
0xaf: {  	[dreg:$0x3] =	wrdreg s24  }
0xb0: {  	[dreg:$0x4] =	wrdreg $0xA8000  }
0xb1: {  	[dreg:$0x5] =	wrdreg $0x9  }
0xb2: {  	_ =	task.clear_ibuf [dreg:s7], $0x6FFFF;
	_ =	strace $0x90000049  }
0xb3: {  	s29 =	simm.s32 $0x9;
	_ =	strace $0x8000004B  }
0xb4: {  	_ =	swait.ge [sflag:s29], $0x1  }
0xb5: {  	[sflag:s29] =	ssyncadd.s32 $0xFFFFFFFF  }
0xb6: {  	_ =	strace $0x9000004B  }
0xb7: {  	_ =	sfence  }
0xb8: {  	s30 =	sld [smem:$0x0];
	_ =	sdelay $0x2  }
0xb9: {  	s31 =	sshll.u32 s1, $0xD;
	s1 =	sshrl.u32 s1, $0x2  }
0xba: {  	s3 =	sand.u32 $0x4000, s31;
	s1 =	sadd.s32 s1, s30  }
0xbb: {  	s0 =	sor.u32 s3, s0;
	s1 =	sshll.u32 s1, $0x11  }
0xbc: {  	s0 =	sor.u32 s1, s0  }
0xbd: {  	s0 =	sadd.s32 $0x8F2B, s0  }
0xbe: {  	[sflag:s0] =	ssyncadd.remote.s32 $0x1  }
0xbf: {  	_ =	sfence.sel $0xFFFF  }
0xc0: {  	[dreg:$0x0] =	wrdreg $0xFFFFFFFF;
	(pc) =	sbr.abs _section_cstart, $3  }
0xc1: {  	[dreg:$0x1] =	wrdreg $0xFFFFFFFF  }
0xc2: {  	_ =	task.clear_ibuf [dreg:s7], $0x2FFFF;
	_ =	strace $0x9FFFFFFF  }
0xc3: {  	(tm) =	ssettm $0x7FFFFFFF  }
tec
execute0_lowered:
.L_overlay_start_1:
0x0: {  	(tag) =	ssettag $0x1  }
0x1: {  	s0 =	srdreg.scid  }
0x2: {  	s3 =	rddreg [dreg:$0x0];
	s9 =	stileid.u32  }
0x3: {  	s2 =	rddreg [dreg:$0x1];
	s6 =	smul.u32 $0x14000, s9  }
0x4: {  	s19 =	rddreg [dreg:$0x2];
	s4 =	simm.s32 $0x0;
	s26 =	smul.u32 $0x50000, s9  }
0x5: {  	s5 =	sand.u32 $0x1, s0;
	[smem:$0x7FF] =	sst s4;
	s15 =	smul.u32 $0x2710, s9  }
0x6: {  	s28 =	sadd.s32 $0x3600, s2;
	s0 =	smul.u32 $0x140000, s5;
	_ =	strace $0x8000004A  }
0x7: {  	s1 =	ssub.s32 $0x2, s5;
	s7 =	sshll.u32 s5, $0x4;
	s5 =	smul.u32 $0x27100, s5  }
0x8: {  	[dreg:$0x13] =	wrdreg s28;
	s8 =	sshrl.u32 s1, $0x1;
	s7 =	sor.u32 s9, s7  }
0x9: {  	s0 =	sadd.s32 s6, s0;
	s6 =	sshrl.u32 s26, $0x2;
	s10 =	smul.u32 $0x2710, s7  }
0xa: {  	s5 =	sadd.s32 s15, s5;
	s0 =	sshrl.u32 s0, $0x3;
	s25 =	sadd.s32 s6, s19  }
0xb: {  	s23 =	sadd.s32 $0x4B0, s5;
	s11 =	sadd.s32 $0x2800, s25;
	[dreg:$0x14] =	wrdreg s25  }
0xc: {  	s26 =	sadd.s32 $0x4E6B0, s5;
	s12 =	sadd.s32 $0x5000, s25;
	[dreg:$0x15] =	wrdreg s11  }
0xd: {  	s0 =	sadd.s32 s0, s2;
	s13 =	sadd.s32 $0x7800, s25;
	[dreg:$0x16] =	wrdreg s12  }
0xe: {  	s2 =	ssub.s32 s1, s8;
	s14 =	sadd.s32 $0xA000, s25;
	[dreg:$0x17] =	wrdreg s13  }
0xf: {  	s6 =	sshrl.u32 s10, $0x3;
	s16 =	sadd.s32 $0xC800, s25;
	[dreg:$0x18] =	wrdreg s14  }
0x10: {  	s17 =	sadd.s32 $0xF000, s25;
	s18 =	sadd.s32 $0x11800, s25;
	[dreg:$0x19] =	wrdreg s16  }
0x11: {  	s7 =	sshrl.u32 s26, $0x3;
	s1 =	sadd.s32 $0x460, s5;
	[dreg:$0x1a] =	wrdreg s17  }
0x12: {  	s9 =	sadd.s32 s28, s6;
	[dreg:$0x1c] =	wrdreg s18;
	s7 =	sadd.s32 s7, s28  }
0x13: {  	s6 =	sshrl.u32 s23, $0x3;
	s0 =	sadd.s32 $0x17000, s0;
	[dreg:$0x5] =	wrdreg s7  }
0x14: {  	s8 =	sshrl.u32 s1, $0x3;
	s2 =	smax.u32 s2, $0x1;
	[smem:$0x7EA] =	sst s0  }
0x15: {  	s11 =	sadd.s32 $0x4E660, s5;
	s13 =	sadd.s32 $0x410, s5;
	[smem:$0x7EB] =	sst s2  }
0x16: {  	s14 =	sadd.s32 $0x4E610, s5;
	s20 =	sadd.s32 $0x9C40, s9;
	[dreg:$0x1b] =	wrdreg s9  }
0x17: {  	s18 =	sadd.s32 $0x3C0, s5;
	s21 =	sadd.s32 $0xA, s9;
	[dreg:$0x1d] =	wrdreg s20  }
0x18: {  	s1 =	sadd.s32 $0x4E570, s5;
	s22 =	sadd.s32 $0x9C4A, s9;
	[dreg:$0x1e] =	wrdreg s21  }
0x19: {  	s24 =	sadd.s32 $0x14, s9;
	s6 =	sadd.s32 s6, s28;
	[dreg:$0x1f] =	wrdreg s22  }
0x1a: {  	s10 =	sadd.s32 s8, s28;
	s12 =	sshrl.u32 s11, $0x3;
	[smem:$0x7E5] =	sst s24  }
0x1b: {  	s7 =	sshrl.u32 s13, $0x3;
	s16 =	sshrl.u32 s14, $0x3;
	[dreg:$0x4] =	wrdreg s6  }
0x1c: {  	s8 =	sshrl.u32 s1, $0x3;
	s1 =	sadd.s32 $0x28, s9;
	[dreg:$0x6] =	wrdreg s10  }
0x1d: {  	s11 =	sadd.s32 $0x4E520, s5;
	s6 =	sadd.s32 s12, s28;
	[smem:$0x7E9] =	sst s1  }
0x1e: {  	s15 =	sadd.s32 s7, s28;
	s17 =	sadd.s32 s16, s28;
	[dreg:$0x7] =	wrdreg s6  }
0x1f: {  	s20 =	sshrl.u32 s18, $0x3;
	s21 =	sadd.s32 $0x4E5C0, s5;
	[dreg:$0x8] =	wrdreg s15  }
0x20: {  	s13 =	sshrl.u32 s11, $0x3;
	s11 =	sadd.s32 $0x3C, s9;
	[dreg:$0x9] =	wrdreg s17  }
0x21: {  	s22 =	sadd.s32 $0x370, s5;
	s6 =	sadd.s32 s20, s28;
	[smem:$0x7F0] =	sst s11  }
0x22: {  	s18 =	sadd.s32 $0x4E480, s5;
	s14 =	sadd.s32 s13, s28;
	[dreg:$0xa] =	wrdreg s6  }
0x23: {  	s24 =	sshrl.u32 s22, $0x3;
	s22 =	sadd.s32 $0x9C54, s9;
	[dreg:$0xf] =	wrdreg s14  }
0x24: {  	s7 =	sshrl.u32 s21, $0x3;
	s13 =	sadd.s32 $0x46, s9;
	[smem:$0x7E6] =	sst s22  }
0x25: {  	s21 =	sshrl.u32 s18, $0x3;
	s18 =	sadd.s32 $0xA0FA, s9;
	[smem:$0x7F2] =	sst s13  }
0x26: {  	s23 =	sadd.s32 s7, s28;
	[smem:$0x7F7] =	sst s18  }
0x27: {  	s26 =	sadd.s32 s24, s28;
	[dreg:$0xb] =	wrdreg s23  }
0x28: {  	s6 =	sadd.s32 s8, s28;
	[dreg:$0xc] =	wrdreg s26  }
0x29: {  	s24 =	sadd.s32 $0x1E, s9;
	[dreg:$0xd] =	wrdreg s6  }
0x2a: {  	s10 =	sadd.s32 $0x320, s5;
	s8 =	sadd.s32 $0x32, s9;
	[smem:$0x7E7] =	sst s24  }
0x2b: {  	s7 =	sshrl.u32 s10, $0x3;
	s10 =	sadd.s32 $0x9C72, s9;
	[smem:$0x7EE] =	sst s8  }
0x2c: {  	s15 =	sadd.s32 $0x2D0, s5;
	s14 =	sadd.s32 $0x9C86, s9;
	[smem:$0x7EF] =	sst s10  }
0x2d: {  	s16 =	sshrl.u32 s15, $0x3;
	s15 =	sadd.s32 $0x4B0, s9;
	[smem:$0x7F3] =	sst s14  }
0x2e: {  	s22 =	sadd.s32 $0x4CE, s9;
	[smem:$0x7F4] =	sst s15  }
0x2f: {  	s30 =	simm.s32 $0xA080;
	s12 =	sadd.s32 s7, s28;
	[smem:$0x7FA] =	sst s22  }
0x30: {  	s31 =	simm.s32 $0x1;
	s6 =	sadd.s32 s16, s28;
	[dreg:$0xe] =	wrdreg s12  }
0x31: {  	s29 =	simm.s32 $0x0;
	s26 =	sadd.s32 $0x9C5E, s9;
	[dreg:$0x10] =	wrdreg s6  }
0x32: {  	s0 =	simm.s32 $0x9;
	s23 =	sadd.s32 s21, s28;
	[smem:$0x7E8] =	sst s26  }
0x33: {  	s17 =	sadd.s32 $0x4E4D0, s5;
	s16 =	sadd.s32 $0xA0F0, s9;
	[dreg:$0x12] =	wrdreg s23  }
0x34: {  	s7 =	sshrl.u32 s17, $0x3;
	s17 =	sadd.s32 $0x4BA, s9;
	[smem:$0x7F5] =	sst s16  }
0x35: {  	s2 =	simm.s32 $0x50;
	s21 =	sadd.s32 $0xA104, s9;
	[smem:$0x7F6] =	sst s17  }
0x36: {  	s11 =	simm.s32 $0xB;
	s24 =	sadd.s32 $0x4D8, s9;
	[smem:$0x7F9] =	sst s21  }
0x37: {  	s13 =	simm.s32 $0xE;
	s20 =	sadd.s32 s7, s28;
	[smem:$0x7FC] =	sst s24  }
0x38: {  	s8 =	simm.s32 $0xA;
	s6 =	sadd.s32 $0x280, s5;
	[dreg:$0x11] =	wrdreg s20  }
0x39: {  	s22 =	simm.s32 $0x4;
	s7 =	sadd.s32 $0x9C68, s9;
	[smem:$0x7EC] =	sst s6  }
0x3a: {  	s12 =	sadd.s32 $0x9C7C, s9;
	s23 =	sadd.s32 $0xA10E, s9;
	[smem:$0x7ED] =	sst s7  }
0x3b: {  	s26 =	sadd.s32 $0xA118, s9;
	s21 =	simm.s32 $0xA400;
	[smem:$0x7F1] =	sst s12  }
0x3c: {  	s16 =	simm.s32 $0x2;
	s17 =	simm.s32 $0x5;
	[smem:$0x7FB] =	sst s23  }
0x3d: {  	s20 =	sadd.s32 $0x4C4, s9;
	[smem:$0x7FD] =	sst s26;
	s7 =	simm.s32 $0x2800  }
0x3e: {  	s9 =	simm.s32 $0x5000;
	s12 =	simm.s32 $0xC;
	s23 =	simm.s32 $0x7  }
0x3f: {  	v0 =	vimm.f32 $0.0e+00;
	s26 =	simm.s32 $0x10;
	[smem:$0x7F8] =	sst s20;
	s20 =	simm.s32 $0xA000  }
.LBB2_1:
0x40: {  	[smem:$0x7E4] =	sst s29;
	s14 =	simm.s32 $0x0;
	s29 =	simm.s32 $0x200  }
.LBB2_2:
0x41: {  	p0 =	sne.s32 s29, $0x9E00;
	[tilespmem:s14+$0x7870] =	vst v0  }
0x42: {  	[tilespmem:s14+$0x7800] =	vst v0  }
0x43: {  	[tilespmem:s14+$0x7810] =	vst v0  }
.Ltmp0:
0x44: {  	[tilespmem:s14+$0x7820] =	vst v0;
	(pc) =	sbr.rel @p0 .LBB2_2-.Ltmp0, $4  }
0x45: {  	[tilespmem:s14+$0x7830] =	vst v0  }
0x46: {  	[tilespmem:s14+$0x7840] =	vst v0  }
0x47: {  	[tilespmem:s14+$0x7850] =	vst v0  }
0x48: {  	[tilespmem:s14+$0x7860] =	vst v0;
	s14 =	sshra.s32 s29, $0x2;
	s29 =	sadd.s32 $0x200, s29  }
0x49: {  	[tilespmem:s14+$0x7870] =	vst v0  }
0x4a: {  	[tilespmem:s14+$0x7800] =	vst v0  }
0x4b: {  	[tilespmem:s14+$0x7810] =	vst v0  }
0x4c: {  	[tilespmem:s14+$0x7820] =	vst v0  }
0x4d: {  	[tilespmem:s14+$0x7830] =	vst v0  }
0x4e: {  	[tilespmem:s14+$0x7840] =	vst v0  }
0x4f: {  	[tilespmem:s14+$0x7850] =	vst v0  }
0x50: {  	[tilespmem:s14+$0x7860] =	vst v0;
	s18 =	simm.s32 $0x7800;
	s6 =	rddreg [dreg:$0x15]  }
0x51: {  	[spmem:s25] =	stream.linear.scatter [tilespmem:s18], [sflag:$0x11], $0x2800, $0x38;
	[tilespmem:$0x1E800] =	vst v63  }
0x52: {  	s5 =	rddreg [dreg:$0x16]  }
0x53: {  	[spmem:s6] =	stream.linear.scatter [tilespmem:s18], [sflag:$0x11], $0x2800, $0x38;
	[tilespmem:$0x1E800] =	vst v63  }
0x54: {  	s10 =	rddreg [dreg:$0x17]  }
0x55: {  	[spmem:s5] =	stream.linear.scatter [tilespmem:s18], [sflag:$0x11], $0x2800, $0x38;
	[tilespmem:$0x1E800] =	vst v63  }
0x56: {  	s14 =	rddreg [dreg:$0x18]  }
0x57: {  	[spmem:s10] =	stream.linear.scatter [tilespmem:s18], [sflag:$0x11], $0x2800, $0x38;
	[tilespmem:$0x1E800] =	vst v63  }
0x58: {  	s15 =	rddreg [dreg:$0x19]  }
0x59: {  	[spmem:s14] =	stream.linear.scatter [tilespmem:s18], [sflag:$0x11], $0x2800, $0x38;
	[tilespmem:$0x1E800] =	vst v63  }
0x5a: {  	s24 =	rddreg [dreg:$0x1a]  }
0x5b: {  	[spmem:s15] =	stream.linear.scatter [tilespmem:s18], [sflag:$0x11], $0x2800, $0x38;
	[tilespmem:$0x1E800] =	vst v63  }
0x5c: {  	s1 =	rddreg [dreg:$0x1b]  }
0x5d: {  	[spmem:s24] =	stream.linear.scatter [tilespmem:s18], [sflag:$0x11], $0x2800, $0x38;
	[tilespmem:$0x1E800] =	vst v63  }
0x5e: {  	s25 =	rddreg [dreg:$0x1c]  }
0x5f: {  	[spmem:s25] =	stream.linear.scatter [tilespmem:s18], [sflag:$0x11], $0x2800, $0x38;
	[tilespmem:$0x1E800] =	vst v63  }
0x60: {  	s5 =	rddreg [dreg:$0x1d];
	s14 =	simm.s32 $0x0  }
0x61: {  	[tilespmem:s20], [sflag:$0x9] =	stream.linear.gather [hbm4b:s1+s14], $0x50, $0x38;
	[tilespmem:$0x1E800] =	vst v63  }
0x62: {  	s10 =	rddreg [dreg:$0x1e]  }
0x63: {  	[tilespmem:s21], [sflag:$0x9] =	stream.linear.gather [hbm4b:s5+s14], $0x50, $0x38;
	[tilespmem:$0x1E800] =	vst v63  }
0x64: {  	s15 =	rddreg [dreg:$0x1f]  }
0x65: {  	[tilespmem:s30], [sflag:$0xA] =	stream.linear.gather [hbm4b:s10+s14], $0x50, $0x38;
	[tilespmem:$0x1E800] =	vst v63  }
0x66: {  	s24 =	sld [smem:$0x7E5];
	s1 =	simm.s32 $0xA480  }
0x67: {  	[tilespmem:s1], [sflag:$0xA] =	stream.linear.gather [hbm4b:s15+s14], $0x50, $0x38;
	[tilespmem:$0x1E800] =	vst v63  }
0x68: {  	s25 =	simm.s32 $0xA100;
	s1 =	sld [smem:$0x7E6]  }
0x69: {  	[tilespmem:s25], [sflag:$0xB] =	stream.linear.gather [hbm4b:s24+s14], $0x50, $0x38;
	[tilespmem:$0x1E800] =	vst v63  }
0x6a: {  	s10 =	simm.s32 $0xA500;
	s15 =	sld [smem:$0x7E7]  }
0x6b: {  	[tilespmem:s10], [sflag:$0xB] =	stream.linear.gather [hbm4b:s1+s14], $0x50, $0x38;
	[tilespmem:$0x1E800] =	vst v63  }
0x6c: {  	s25 =	simm.s32 $0xA180;
	s10 =	sld [smem:$0x7E8]  }
0x6d: {  	[tilespmem:s25], [sflag:$0xC] =	stream.linear.gather [hbm4b:s15+s14], $0x50, $0x38;
	[tilespmem:$0x1E800] =	vst v63  }
0x6e: {  	s1 =	sld [smem:$0x7E9];
	s25 =	simm.s32 $0xA580  }
0x6f: {  	[tilespmem:s25], [sflag:$0xC] =	stream.linear.gather [hbm4b:s10+s14], $0x50, $0x38;
	[tilespmem:$0x1E800] =	vst v63  }
0x70: {  	s10 =	simm.s32 $0xA200;
	s25 =	sld [smem:$0x7ED]  }
0x71: {  	[tilespmem:s10], [sflag:$0xD] =	stream.linear.gather [hbm4b:s1+s14], $0x50, $0x38;
	[tilespmem:$0x1E800] =	vst v63  }
0x72: {  	s10 =	simm.s32 $0xA600  }
0x73: {  	[tilespmem:s10], [sflag:$0xD] =	stream.linear.gather [hbm4b:s25+s14], $0x50, $0x38;
	[tilespmem:$0x1E800] =	vst v63  }
0x74: {  	_ =	swait.ge [sflag:s0], $0x50  }
0x75: {  	[sflag:s0] =	ssyncset.done $0x0  }
0x76: {  	[sflag:s0] =	ssyncadd.s32 $0xFFFFFFB0  }
0x77: {  	_ =	swait.ge [sflag:s0], $0x50  }
0x78: {  	[sflag:s0] =	ssyncset.done $0x0  }
0x79: {  	[sflag:s0] =	ssyncadd.s32 $0xFFFFFFB0  }
0x7a: {  	[tilespmem:s14], [sflag:$0x1] =	stream.indirect.gather [hbm4b:s3+s2], $0x80, s20, s2, $0xb8;
	[tilespmem:$0x1E800] =	vst v63  }
0x7b: {  	_ =	swait.ge [sflag:s8], $0x50  }
0x7c: {  	[sflag:s8] =	ssyncset.done $0x0  }
0x7d: {  	[sflag:s8] =	ssyncadd.s32 $0xFFFFFFB0  }
0x7e: {  	_ =	swait.ge [sflag:s8], $0x50  }
0x7f: {  	[sflag:s8] =	ssyncset.done $0x0  }
0x80: {  	[sflag:s8] =	ssyncadd.s32 $0xFFFFFFB0  }
0x81: {  	[tilespmem:s7], [sflag:$0x2] =	stream.indirect.gather [hbm4b:s3+s2], $0x80, s30, s2, $0xb8;
	[tilespmem:$0x1E800] =	vst v63  }
0x82: {  	_ =	swait.ge [sflag:s11], $0x50  }
0x83: {  	[sflag:s11] =	ssyncset.done $0x0  }
0x84: {  	[sflag:s11] =	ssyncadd.s32 $0xFFFFFFB0  }
0x85: {  	_ =	swait.ge [sflag:s11], $0x50  }
0x86: {  	[sflag:s11] =	ssyncset.done $0x0  }
0x87: {  	s24 =	simm.s32 $0xA100;
	[sflag:s11] =	ssyncadd.s32 $0xFFFFFFB0  }
0x88: {  	[tilespmem:s9], [sflag:$0x3] =	stream.indirect.gather [hbm4b:s3+s2], $0x80, s24, s2, $0xb8;
	[tilespmem:$0x1E800] =	vst v63  }
0x89: {  	s24 =	simm.s32 $0x11  }
0x8a: {  	_ =	swait.ge [sflag:s24], $0x2800  }
0x8b: {  	[sflag:s24] =	ssyncset.done $0x0  }
0x8c: {  	[sflag:s24] =	ssyncadd.s32 $0xFFFFD800  }
0x8d: {  	_ =	swait.ge [sflag:s24], $0x2800  }
0x8e: {  	[sflag:s24] =	ssyncset.done $0x0  }
0x8f: {  	[sflag:s24] =	ssyncadd.s32 $0xFFFFD800  }
0x90: {  	_ =	swait.ge [sflag:s24], $0x2800  }
0x91: {  	[sflag:s24] =	ssyncset.done $0x0  }
0x92: {  	[sflag:s24] =	ssyncadd.s32 $0xFFFFD800  }
0x93: {  	_ =	swait.ge [sflag:s24], $0x2800  }
0x94: {  	[sflag:s24] =	ssyncset.done $0x0  }
0x95: {  	[sflag:s24] =	ssyncadd.s32 $0xFFFFD800  }
0x96: {  	_ =	swait.ge [sflag:s24], $0x2800  }
0x97: {  	[sflag:s24] =	ssyncset.done $0x0  }
0x98: {  	[sflag:s24] =	ssyncadd.s32 $0xFFFFD800  }
0x99: {  	_ =	swait.ge [sflag:s24], $0x2800  }
0x9a: {  	[sflag:s24] =	ssyncset.done $0x0  }
0x9b: {  	[sflag:s24] =	ssyncadd.s32 $0xFFFFD800  }
0x9c: {  	_ =	swait.ge [sflag:s24], $0x2800  }
0x9d: {  	[sflag:s24] =	ssyncset.done $0x0  }
0x9e: {  	[sflag:s24] =	ssyncadd.s32 $0xFFFFD800  }
0x9f: {  	_ =	swait.ge [sflag:s24], $0x2800  }
0xa0: {  	[sflag:s24] =	ssyncset.done $0x0  }
0xa1: {  	[sflag:s24] =	ssyncadd.s32 $0xFFFFD800  }
0xa2: {  	[bflag:$0x0] =	sbarrier.arrive $0xFFFF  }
0xa3: {  	_ =	swait.ge [sflag:s31], $0x2800  }
0xa4: {  	[sflag:s31] =	ssyncset.done $0x0  }
0xa5: {  	[sflag:s31] =	ssyncadd.s32 $0xFFFFD800  }
0xa6: {  	[spmem:s19] =	stream.indirect.scatter.add.f32 [tilespmem:s14], [sflag:$0x5], $0x80, s21, s2, $0xb8;
	[tilespmem:$0x1E800] =	vst v63  }
0xa7: {  	_ =	swait.ge [sflag:s12], $0x50  }
0xa8: {  	[sflag:s12] =	ssyncset.done $0x0  }
0xa9: {  	[sflag:s12] =	ssyncadd.s32 $0xFFFFFFB0  }
0xaa: {  	_ =	swait.ge [sflag:s12], $0x50  }
0xab: {  	[sflag:s12] =	ssyncset.done $0x0  }
0xac: {  	s15 =	simm.s32 $0xA180;
	s25 =	sld [smem:$0x7EE];
	[sflag:s12] =	ssyncadd.s32 $0xFFFFFFB0  }
0xad: {  	[tilespmem:s18], [sflag:$0x4] =	stream.indirect.gather [hbm4b:s3+s2], $0x80, s15, s2, $0xb8;
	[tilespmem:$0x1E800] =	vst v63  }
0xae: {  	s10 =	simm.s32 $0xA280;
	s24 =	sld [smem:$0x7EF]  }
0xaf: {  	[tilespmem:s10], [sflag:$0xE] =	stream.linear.gather [hbm4b:s25+s14], $0x50, $0x38;
	[tilespmem:$0x1E800] =	vst v63  }
0xb0: {  	s10 =	simm.s32 $0xA680  }
0xb1: {  	[tilespmem:s10], [sflag:$0xE] =	stream.linear.gather [hbm4b:s24+s14], $0x50, $0x38;
	[tilespmem:$0x1E800] =	vst v63  }
0xb2: {  	_ =	swait.ge [sflag:s16], $0x2800  }
0xb3: {  	[sflag:s16] =	ssyncset.done $0x0  }
0xb4: {  	s5 =	simm.s32 $0xA480;
	[sflag:s16] =	ssyncadd.s32 $0xFFFFD800  }
0xb5: {  	[spmem:s19] =	stream.indirect.scatter.add.f32 [tilespmem:s7], [sflag:$0x6], $0x80, s5, s2, $0xb8;
	[tilespmem:$0x1E800] =	vst v63  }
0xb6: {  	_ =	swait.ge [sflag:s17], $0x2800  }
0xb7: {  	[sflag:s17] =	ssyncset.done $0x0  }
0xb8: {  	s24 =	simm.s32 $0xD;
	[sflag:s17] =	ssyncadd.s32 $0xFFFFD800  }
0xb9: {  	_ =	swait.ge [sflag:s24], $0x50  }
0xba: {  	[sflag:s24] =	ssyncset.done $0x0  }
0xbb: {  	[sflag:s24] =	ssyncadd.s32 $0xFFFFFFB0  }
0xbc: {  	_ =	swait.ge [sflag:s24], $0x50  }
0xbd: {  	[sflag:s24] =	ssyncset.done $0x0  }
0xbe: {  	s1 =	simm.s32 $0xA200;
	s10 =	sld [smem:$0x7F0];
	[sflag:s24] =	ssyncadd.s32 $0xFFFFFFB0  }
0xbf: {  	[tilespmem:s14], [sflag:$0x1] =	stream.indirect.gather [hbm4b:s3+s2], $0x80, s1, s2, $0xb8;
	[tilespmem:$0x1E800] =	vst v63  }
0xc0: {  	s15 =	simm.s32 $0xA300;
	s5 =	sld [smem:$0x7F1]  }
0xc1: {  	[tilespmem:s15], [sflag:$0xF] =	stream.linear.gather [hbm4b:s10+s14], $0x50, $0x38;
	[tilespmem:$0x1E800] =	vst v63  }
0xc2: {  	s15 =	simm.s32 $0xA700  }
0xc3: {  	[tilespmem:s15], [sflag:$0xF] =	stream.linear.gather [hbm4b:s5+s14], $0x50, $0x38;
	[tilespmem:$0x1E800] =	vst v63  }
0xc4: {  	s5 =	simm.s32 $0x3  }
0xc5: {  	_ =	swait.ge [sflag:s5], $0x2800  }
0xc6: {  	[sflag:s5] =	ssyncset.done $0x0  }
0xc7: {  	s29 =	simm.s32 $0xA500;
	s15 =	simm.s32 $0x6;
	[sflag:s5] =	ssyncadd.s32 $0xFFFFD800  }
0xc8: {  	[spmem:s19] =	stream.indirect.scatter.add.f32 [tilespmem:s9], [sflag:$0x7], $0x80, s29, s2, $0xb8;
	[tilespmem:$0x1E800] =	vst v63  }
0xc9: {  	_ =	swait.ge [sflag:s15], $0x2800  }
0xca: {  	[sflag:s15] =	ssyncset.done $0x0  }
0xcb: {  	[sflag:s15] =	ssyncadd.s32 $0xFFFFD800  }
0xcc: {  	_ =	swait.ge [sflag:s13], $0x50  }
0xcd: {  	[sflag:s13] =	ssyncset.done $0x0  }
0xce: {  	[sflag:s13] =	ssyncadd.s32 $0xFFFFFFB0  }
0xcf: {  	_ =	swait.ge [sflag:s13], $0x50  }
0xd0: {  	[sflag:s13] =	ssyncset.done $0x0  }
0xd1: {  	s25 =	simm.s32 $0xA280;
	s1 =	sld [smem:$0x7F2];
	[sflag:s13] =	ssyncadd.s32 $0xFFFFFFB0  }
0xd2: {  	[tilespmem:s7], [sflag:$0x2] =	stream.indirect.gather [hbm4b:s3+s2], $0x80, s25, s2, $0xb8;
	[tilespmem:$0x1E800] =	vst v63  }
0xd3: {  	s6 =	sld [smem:$0x7F3];
	s25 =	simm.s32 $0xA380  }
0xd4: {  	[tilespmem:s25], [sflag:$0x10] =	stream.linear.gather [hbm4b:s1+s14], $0x50, $0x38;
	[tilespmem:$0x1E800] =	vst v63  }
0xd5: {  	s25 =	simm.s32 $0xA780  }
0xd6: {  	[tilespmem:s25], [sflag:$0x10] =	stream.linear.gather [hbm4b:s6+s14], $0x50, $0x38;
	[tilespmem:$0x1E800] =	vst v63  }
0xd7: {  	_ =	swait.ge [sflag:s22], $0x2800  }
0xd8: {  	[sflag:s22] =	ssyncset.done $0x0  }
0xd9: {  	s25 =	simm.s32 $0xA580;
	[sflag:s22] =	ssyncadd.s32 $0xFFFFD800  }
0xda: {  	[spmem:s19] =	stream.indirect.scatter.add.f32 [tilespmem:s18], [sflag:$0x8], $0x80, s25, s2, $0xb8;
	[tilespmem:$0x1E800] =	vst v63  }
0xdb: {  	_ =	swait.ge [sflag:s23], $0x2800  }
0xdc: {  	[sflag:s23] =	ssyncset.done $0x0  }
0xdd: {  	s6 =	simm.s32 $0xF;
	[sflag:s23] =	ssyncadd.s32 $0xFFFFD800  }
0xde: {  	_ =	swait.ge [sflag:s6], $0x50  }
0xdf: {  	[sflag:s6] =	ssyncset.done $0x0  }
0xe0: {  	[sflag:s6] =	ssyncadd.s32 $0xFFFFFFB0  }
0xe1: {  	_ =	swait.ge [sflag:s6], $0x50  }
0xe2: {  	[sflag:s6] =	ssyncset.done $0x0;
	s25 =	sld [smem:$0x7EC]  }
0xe3: {  	s10 =	simm.s32 $0xA300;
	[sflag:s6] =	ssyncadd.s32 $0xFFFFFFB0  }
0xe4: {  	[tilespmem:s9], [sflag:$0x3] =	stream.indirect.gather [hbm4b:s3+s2], $0x80, s10, s2, $0xb8;
	[tilespmem:$0x1E800] =	vst v63  }
0xe5: {  	s14 =	sshrl.u32 s25, $0x3  }
0xe6: {  	s29 =	rddreg [dreg:$0x12];
	s14 =	sadd.s32 s28, s14  }
0xe7: {  	[tilespmem:s20], [sflag:$0x9] =	stream.linear.gather [hbm4b:s14+s4], $0x50, $0x38;
	[tilespmem:$0x1E800] =	vst v63  }
0xe8: {  	s10 =	sadd.s32 $0x0, s29  }
0xe9: {  	[tilespmem:s21], [sflag:$0x9] =	stream.linear.gather [hbm4b:s10+s4], $0x50, $0x38;
	[tilespmem:$0x1E800] =	vst v63  }
0xea: {  	_ =	swait.ge [sflag:s31], $0x2800  }
0xeb: {  	[sflag:s31] =	ssyncset.done $0x0  }
0xec: {  	s28 =	simm.s32 $0xA600;
	[sflag:s31] =	ssyncadd.s32 $0xFFFFD800  }
0xed: {  	[spmem:s19] =	stream.indirect.scatter.add.f32 [tilespmem:s4], [sflag:$0x5], $0x80, s28, s2, $0xb8;
	[tilespmem:$0x1E800] =	vst v63  }
0xee: {  	s28 =	simm.s32 $0x8  }
0xef: {  	_ =	swait.ge [sflag:s28], $0x2800  }
0xf0: {  	[sflag:s28] =	ssyncset.done $0x0  }
0xf1: {  	[sflag:s28] =	ssyncadd.s32 $0xFFFFD800  }
0xf2: {  	_ =	swait.ge [sflag:s26], $0x50  }
0xf3: {  	[sflag:s26] =	ssyncset.done $0x0  }
0xf4: {  	[sflag:s26] =	ssyncadd.s32 $0xFFFFFFB0  }
0xf5: {  	_ =	swait.ge [sflag:s26], $0x50  }
0xf6: {  	[sflag:s26] =	ssyncset.done $0x0  }
0xf7: {  	s1 =	simm.s32 $0xA380;
	s10 =	rddreg [dreg:$0x10];
	[sflag:s26] =	ssyncadd.s32 $0xFFFFFFB0  }
0xf8: {  	[tilespmem:s18], [sflag:$0x4] =	stream.indirect.gather [hbm4b:s3+s2], $0x80, s1, s2, $0xb8;
	[tilespmem:$0x1E800] =	vst v63  }
0xf9: {  	s29 =	rddreg [dreg:$0x11];
	s14 =	sadd.s32 $0x0, s10  }
0xfa: {  	[tilespmem:s30], [sflag:$0xA] =	stream.linear.gather [hbm4b:s14+s4], $0x50, $0x38;
	[tilespmem:$0x1E800] =	vst v63  }
0xfb: {  	s10 =	simm.s32 $0xA480;
	s1 =	sadd.s32 $0x0, s29  }
0xfc: {  	[tilespmem:s10], [sflag:$0xA] =	stream.linear.gather [hbm4b:s1+s4], $0x50, $0x38;
	[tilespmem:$0x1E800] =	vst v63  }
0xfd: {  	_ =	swait.ge [sflag:s16], $0x2800  }
0xfe: {  	[sflag:s16] =	ssyncset.done $0x0  }
0xff: {  	s14 =	simm.s32 $0xA680;
	[sflag:s16] =	ssyncadd.s32 $0xFFFFD800  }
0x100: {  	[spmem:s19] =	stream.indirect.scatter.add.f32 [tilespmem:s7], [sflag:$0x6], $0x80, s14, s2, $0xb8;
	[tilespmem:$0x1E800] =	vst v63  }
0x101: {  	_ =	swait.ge [sflag:s17], $0x2800  }
0x102: {  	[sflag:s17] =	ssyncset.done $0x0  }
0x103: {  	[sflag:s17] =	ssyncadd.s32 $0xFFFFD800  }
0x104: {  	_ =	swait.ge [sflag:s0], $0x50  }
0x105: {  	[sflag:s0] =	ssyncset.done $0x0  }
0x106: {  	[sflag:s0] =	ssyncadd.s32 $0xFFFFFFB0  }
0x107: {  	_ =	swait.ge [sflag:s0], $0x50  }
0x108: {  	[sflag:s0] =	ssyncset.done $0x0  }
0x109: {  	s1 =	rddreg [dreg:$0xe];
	[sflag:s0] =	ssyncadd.s32 $0xFFFFFFB0  }
0x10a: {  	[tilespmem:s4], [sflag:$0x1] =	stream.indirect.gather [hbm4b:s3+s2], $0x80, s20, s2, $0xb8;
	[tilespmem:$0x1E800] =	vst v63  }
0x10b: {  	s29 =	rddreg [dreg:$0xf];
	s14 =	sadd.s32 $0x0, s1;
	s0 =	simm.s32 $0xA100  }
0x10c: {  	[tilespmem:s0], [sflag:$0xB] =	stream.linear.gather [hbm4b:s14+s4], $0x50, $0x38;
	[tilespmem:$0x1E800] =	vst v63  }
0x10d: {  	s10 =	sadd.s32 $0x0, s29;
	s20 =	simm.s32 $0xA500  }
0x10e: {  	[tilespmem:s20], [sflag:$0xB] =	stream.linear.gather [hbm4b:s10+s4], $0x50, $0x38;
	[tilespmem:$0x1E800] =	vst v63  }
0x10f: {  	_ =	swait.ge [sflag:s5], $0x2800  }
0x110: {  	[sflag:s5] =	ssyncset.done $0x0  }
0x111: {  	s10 =	simm.s32 $0xA700;
	[sflag:s5] =	ssyncadd.s32 $0xFFFFD800  }
0x112: {  	[spmem:s19] =	stream.indirect.scatter.add.f32 [tilespmem:s9], [sflag:$0x7], $0x80, s10, s2, $0xb8;
	[tilespmem:$0x1E800] =	vst v63  }
0x113: {  	_ =	swait.ge [sflag:s15], $0x2800  }
0x114: {  	[sflag:s15] =	ssyncset.done $0x0  }
0x115: {  	[sflag:s15] =	ssyncadd.s32 $0xFFFFD800  }
0x116: {  	_ =	swait.ge [sflag:s8], $0x50  }
0x117: {  	[sflag:s8] =	ssyncset.done $0x0  }
0x118: {  	[sflag:s8] =	ssyncadd.s32 $0xFFFFFFB0  }
0x119: {  	_ =	swait.ge [sflag:s8], $0x50  }
0x11a: {  	[sflag:s8] =	ssyncset.done $0x0  }
0x11b: {  	s1 =	rddreg [dreg:$0xc];
	[sflag:s8] =	ssyncadd.s32 $0xFFFFFFB0  }
0x11c: {  	[tilespmem:s7], [sflag:$0x2] =	stream.indirect.gather [hbm4b:s3+s2], $0x80, s30, s2, $0xb8;
	[tilespmem:$0x1E800] =	vst v63  }
0x11d: {  	s29 =	rddreg [dreg:$0xd];
	s14 =	sadd.s32 $0x0, s1;
	s8 =	simm.s32 $0xA180  }
0x11e: {  	[tilespmem:s8], [sflag:$0xC] =	stream.linear.gather [hbm4b:s14+s4], $0x50, $0x38;
	[tilespmem:$0x1E800] =	vst v63  }
0x11f: {  	s1 =	simm.s32 $0xA580;
	s14 =	sadd.s32 $0x0, s29  }
0x120: {  	[tilespmem:s1], [sflag:$0xC] =	stream.linear.gather [hbm4b:s14+s4], $0x50, $0x38;
	[tilespmem:$0x1E800] =	vst v63  }
0x121: {  	_ =	swait.ge [sflag:s22], $0x2800  }
0x122: {  	[sflag:s22] =	ssyncset.done $0x0  }
0x123: {  	[sflag:s22] =	ssyncadd.s32 $0xFFFFD800;
	s22 =	simm.s32 $0xA780  }
0x124: {  	[spmem:s19] =	stream.indirect.scatter.add.f32 [tilespmem:s18], [sflag:$0x8], $0x80, s22, s2, $0xb8;
	[tilespmem:$0x1E800] =	vst v63  }
0x125: {  	_ =	swait.ge [sflag:s23], $0x2800  }
0x126: {  	[sflag:s23] =	ssyncset.done $0x0  }
0x127: {  	[sflag:s23] =	ssyncadd.s32 $0xFFFFD800  }
0x128: {  	_ =	swait.ge [sflag:s11], $0x50  }
0x129: {  	[sflag:s11] =	ssyncset.done $0x0  }
0x12a: {  	[sflag:s11] =	ssyncadd.s32 $0xFFFFFFB0  }
0x12b: {  	_ =	swait.ge [sflag:s11], $0x50  }
0x12c: {  	[sflag:s11] =	ssyncset.done $0x0  }
0x12d: {  	s1 =	rddreg [dreg:$0xa];
	[sflag:s11] =	ssyncadd.s32 $0xFFFFFFB0  }
0x12e: {  	[tilespmem:s9], [sflag:$0x3] =	stream.indirect.gather [hbm4b:s3+s2], $0x80, s0, s2, $0xb8;
	[tilespmem:$0x1E800] =	vst v63  }
0x12f: {  	s29 =	rddreg [dreg:$0xb];
	s14 =	sadd.s32 $0x0, s1;
	s0 =	simm.s32 $0xA200  }
0x130: {  	[tilespmem:s0], [sflag:$0xD] =	stream.linear.gather [hbm4b:s14+s4], $0x50, $0x38;
	[tilespmem:$0x1E800] =	vst v63  }
0x131: {  	s22 =	simm.s32 $0xA600;
	s18 =	sadd.s32 $0x0, s29  }
0x132: {  	[tilespmem:s22], [sflag:$0xD] =	stream.linear.gather [hbm4b:s18+s4], $0x50, $0x38;
	[tilespmem:$0x1E800] =	vst v63  }
0x133: {  	_ =	swait.ge [sflag:s31], $0x2800  }
0x134: {  	[sflag:s31] =	ssyncset.done $0x0  }
0x135: {  	[sflag:s31] =	ssyncadd.s32 $0xFFFFD800  }
0x136: {  	[spmem:s19] =	stream.indirect.scatter.add.f32 [tilespmem:s4], [sflag:$0x5], $0x80, s21, s2, $0xb8;
	[tilespmem:$0x1E800] =	vst v63  }
0x137: {  	_ =	swait.ge [sflag:s28], $0x2800  }
0x138: {  	[sflag:s28] =	ssyncset.done $0x0  }
0x139: {  	[sflag:s28] =	ssyncadd.s32 $0xFFFFD800  }
0x13a: {  	_ =	swait.ge [sflag:s12], $0x50  }
0x13b: {  	[sflag:s12] =	ssyncset.done $0x0  }
0x13c: {  	[sflag:s12] =	ssyncadd.s32 $0xFFFFFFB0  }
0x13d: {  	_ =	swait.ge [sflag:s12], $0x50  }
0x13e: {  	[sflag:s12] =	ssyncset.done $0x0  }
0x13f: {  	s21 =	simm.s32 $0x7800;
	s23 =	rddreg [dreg:$0x8];
	[sflag:s12] =	ssyncadd.s32 $0xFFFFFFB0  }
0x140: {  	[tilespmem:s21], [sflag:$0x4] =	stream.indirect.gather [hbm4b:s3+s2], $0x80, s8, s2, $0xb8;
	[tilespmem:$0x1E800] =	vst v63  }
0x141: {  	s28 =	simm.s32 $0xA280;
	s29 =	rddreg [dreg:$0x9];
	s14 =	sadd.s32 $0x0, s23  }
0x142: {  	[tilespmem:s28], [sflag:$0xE] =	stream.linear.gather [hbm4b:s14+s4], $0x50, $0x38;
	[tilespmem:$0x1E800] =	vst v63  }
0x143: {  	s11 =	sadd.s32 $0x0, s29;
	s12 =	simm.s32 $0xA680  }
0x144: {  	[tilespmem:s12], [sflag:$0xE] =	stream.linear.gather [hbm4b:s11+s4], $0x50, $0x38;
	[tilespmem:$0x1E800] =	vst v63  }
0x145: {  	_ =	swait.ge [sflag:s16], $0x2800  }
0x146: {  	[sflag:s16] =	ssyncset.done $0x0  }
0x147: {  	s14 =	simm.s32 $0xA480;
	[sflag:s16] =	ssyncadd.s32 $0xFFFFD800  }
0x148: {  	[spmem:s19] =	stream.indirect.scatter.add.f32 [tilespmem:s7], [sflag:$0x6], $0x80, s14, s2, $0xb8;
	[tilespmem:$0x1E800] =	vst v63  }
0x149: {  	_ =	swait.ge [sflag:s17], $0x2800  }
0x14a: {  	[sflag:s17] =	ssyncset.done $0x0  }
0x14b: {  	[sflag:s17] =	ssyncadd.s32 $0xFFFFD800  }
0x14c: {  	_ =	swait.ge [sflag:s24], $0x50  }
0x14d: {  	[sflag:s24] =	ssyncset.done $0x0  }
0x14e: {  	[sflag:s24] =	ssyncadd.s32 $0xFFFFFFB0  }
0x14f: {  	_ =	swait.ge [sflag:s24], $0x50  }
0x150: {  	[sflag:s24] =	ssyncset.done $0x0  }
0x151: {  	s18 =	rddreg [dreg:$0x6];
	[sflag:s24] =	ssyncadd.s32 $0xFFFFFFB0  }
0x152: {  	[tilespmem:s4], [sflag:$0x1] =	stream.indirect.gather [hbm4b:s3+s2], $0x80, s0, s2, $0xb8;
	[tilespmem:$0x1E800] =	vst v63  }
0x153: {  	s22 =	simm.s32 $0xA300;
	s29 =	rddreg [dreg:$0x7];
	s14 =	sadd.s32 $0x0, s18  }
0x154: {  	[tilespmem:s22], [sflag:$0xF] =	stream.linear.gather [hbm4b:s14+s4], $0x50, $0x38;
	[tilespmem:$0x1E800] =	vst v63  }
0x155: {  	s23 =	sadd.s32 $0x0, s29  }
0x156: {  	[tilespmem:s10], [sflag:$0xF] =	stream.linear.gather [hbm4b:s23+s4], $0x50, $0x38;
	[tilespmem:$0x1E800] =	vst v63  }
0x157: {  	_ =	swait.ge [sflag:s5], $0x2800  }
0x158: {  	[sflag:s5] =	ssyncset.done $0x0  }
0x159: {  	[sflag:s5] =	ssyncadd.s32 $0xFFFFD800  }
0x15a: {  	[spmem:s19] =	stream.indirect.scatter.add.f32 [tilespmem:s9], [sflag:$0x7], $0x80, s20, s2, $0xb8;
	[tilespmem:$0x1E800] =	vst v63  }
0x15b: {  	_ =	swait.ge [sflag:s15], $0x2800  }
0x15c: {  	[sflag:s15] =	ssyncset.done $0x0  }
0x15d: {  	[sflag:s15] =	ssyncadd.s32 $0xFFFFD800  }
0x15e: {  	_ =	swait.ge [sflag:s13], $0x50  }
0x15f: {  	[sflag:s13] =	ssyncset.done $0x0  }
0x160: {  	[sflag:s13] =	ssyncadd.s32 $0xFFFFFFB0  }
0x161: {  	_ =	swait.ge [sflag:s13], $0x50  }
0x162: {  	s29 =	simm.s32 $0x50;
	[sflag:s13] =	ssyncset.done $0x0  }
0x163: {  	s0 =	simm.s32 $0x9;
	s24 =	rddreg [dreg:$0x4];
	[sflag:s13] =	ssyncadd.s32 $0xFFFFFFB0  }
0x164: {  	[tilespmem:s7], [sflag:$0x2] =	stream.indirect.gather [hbm4b:s3+s2], $0x80, s28, s2, $0xb8;
	[tilespmem:$0x1E800] =	vst v63  }
0x165: {  	s30 =	rddreg [dreg:$0x5];
	s14 =	sadd.s32 $0x0, s24;
	s28 =	simm.s32 $0xA380  }
0x166: {  	[tilespmem:s28], [sflag:$0x10] =	stream.linear.gather [hbm4b:s14+s4], $0x50, $0x38;
	[tilespmem:$0x1E800] =	vst v63  }
0x167: {  	s22 =	simm.s32 $0xE;
	s14 =	sadd.s32 $0x0, s30;
	s30 =	sadd.s32 $0x280, s25  }
.LBB2_4:
0x168: {  	s1 =	simm.s32 $0xA780;
	s11 =	simm.s32 $0x4  }
0x169: {  	[tilespmem:s1], [sflag:$0x10] =	stream.linear.gather [hbm4b:s14+s4], $0x50, $0x38;
	[tilespmem:$0x1E800] =	vst v63  }
0x16a: {  	_ =	swait.ge [sflag:s11], $0x2800  }
0x16b: {  	[sflag:s11] =	ssyncset.done $0x0  }
0x16c: {  	s18 =	simm.s32 $0xA580;
	s23 =	simm.s32 $0x7;
	[sflag:s11] =	ssyncadd.s32 $0xFFFFD800  }
0x16d: {  	[spmem:s19] =	stream.indirect.scatter.add.f32 [tilespmem:s21], [sflag:$0x8], $0x80, s18, s2, $0xb8;
	[tilespmem:$0x1E800] =	vst v63  }
0x16e: {  	_ =	swait.ge [sflag:s23], $0x2800  }
0x16f: {  	[sflag:s23] =	ssyncset.done $0x0  }
0x170: {  	[sflag:s23] =	ssyncadd.s32 $0xFFFFD800  }
0x171: {  	_ =	swait.ge [sflag:s6], $0x50  }
0x172: {  	[sflag:s6] =	ssyncset.done $0x0  }
0x173: {  	[sflag:s6] =	ssyncadd.s32 $0xFFFFFFB0  }
0x174: {  	_ =	swait.ge [sflag:s6], $0x50  }
0x175: {  	s15 =	sshrl.u32 s30, $0x3;
	s5 =	simm.s32 $0xA300;
	[sflag:s6] =	ssyncset.done $0x0  }
0x176: {  	s14 =	smov.u32 s29;
	s10 =	rddreg [dreg:$0x13];
	[sflag:s6] =	ssyncadd.s32 $0xFFFFFFB0  }
0x177: {  	[tilespmem:s9], [sflag:$0x3] =	stream.indirect.gather [hbm4b:s3+s2], $0x80, s5, s2, $0xb8;
	[tilespmem:$0x1E800] =	vst v63  }
0x178: {  	s25 =	rddreg [dreg:$0x12];
	s15 =	sadd.s32 s10, s15;
	s10 =	simm.s32 $0xA000  }
0x179: {  	[tilespmem:s10], [sflag:$0x9] =	stream.linear.gather [hbm4b:s15+s4], $0x50, $0x38;
	[tilespmem:$0x1E800] =	vst v63  }
0x17a: {  	s24 =	simm.s32 $0xA400;
	s12 =	sadd.s32 s14, s25  }
0x17b: {  	[tilespmem:s24], [sflag:$0x9] =	stream.linear.gather [hbm4b:s12+s4], $0x50, $0x38;
	[tilespmem:$0x1E800] =	vst v63  }
0x17c: {  	_ =	swait.ge [sflag:s31], $0x2800  }
0x17d: {  	[sflag:s31] =	ssyncset.done $0x0  }
0x17e: {  	s21 =	simm.s32 $0xA600;
	s5 =	simm.s32 $0x8;
	[sflag:s31] =	ssyncadd.s32 $0xFFFFD800  }
0x17f: {  	[spmem:s19] =	stream.indirect.scatter.add.f32 [tilespmem:s4], [sflag:$0x5], $0x80, s21, s2, $0xb8;
	[tilespmem:$0x1E800] =	vst v63  }
0x180: {  	_ =	swait.ge [sflag:s5], $0x2800  }
0x181: {  	[sflag:s5] =	ssyncset.done $0x0  }
0x182: {  	[sflag:s5] =	ssyncadd.s32 $0xFFFFD800  }
0x183: {  	_ =	swait.ge [sflag:s26], $0x50  }
0x184: {  	[sflag:s26] =	ssyncset.done $0x0  }
0x185: {  	[sflag:s26] =	ssyncadd.s32 $0xFFFFFFB0  }
0x186: {  	_ =	swait.ge [sflag:s26], $0x50  }
0x187: {  	s7 =	simm.s32 $0x7800;
	[sflag:s26] =	ssyncset.done $0x0  }
0x188: {  	s8 =	simm.s32 $0xA380;
	s13 =	rddreg [dreg:$0x10];
	[sflag:s26] =	ssyncadd.s32 $0xFFFFFFB0  }
0x189: {  	[tilespmem:s7], [sflag:$0x4] =	stream.indirect.gather [hbm4b:s3+s2], $0x80, s8, s2, $0xb8;
	[tilespmem:$0x1E800] =	vst v63  }
0x18a: {  	s20 =	rddreg [dreg:$0x11];
	s15 =	sadd.s32 s14, s13;
	s8 =	simm.s32 $0xA080  }
0x18b: {  	[tilespmem:s8], [sflag:$0xA] =	stream.linear.gather [hbm4b:s15+s4], $0x50, $0x38;
	[tilespmem:$0x1E800] =	vst v63  }
0x18c: {  	s31 =	simm.s32 $0xA480;
	s25 =	sadd.s32 s14, s20  }
0x18d: {  	[tilespmem:s31], [sflag:$0xA] =	stream.linear.gather [hbm4b:s25+s4], $0x50, $0x38;
	[tilespmem:$0x1E800] =	vst v63  }
0x18e: {  	_ =	swait.ge [sflag:s16], $0x2800  }
0x18f: {  	[sflag:s16] =	ssyncset.done $0x0  }
0x190: {  	s9 =	simm.s32 $0x2800;
	s13 =	simm.s32 $0xA680;
	[sflag:s16] =	ssyncadd.s32 $0xFFFFD800  }
0x191: {  	[spmem:s19] =	stream.indirect.scatter.add.f32 [tilespmem:s9], [sflag:$0x6], $0x80, s13, s2, $0xb8;
	[tilespmem:$0x1E800] =	vst v63  }
0x192: {  	_ =	swait.ge [sflag:s17], $0x2800  }
0x193: {  	[sflag:s17] =	ssyncset.done $0x0  }
0x194: {  	[sflag:s17] =	ssyncadd.s32 $0xFFFFD800  }
0x195: {  	_ =	swait.ge [sflag:s0], $0x50  }
0x196: {  	[sflag:s0] =	ssyncset.done $0x0  }
0x197: {  	[sflag:s0] =	ssyncadd.s32 $0xFFFFFFB0  }
0x198: {  	_ =	swait.ge [sflag:s0], $0x50  }
0x199: {  	[sflag:s0] =	ssyncset.done $0x0  }
0x19a: {  	s26 =	rddreg [dreg:$0xe];
	[sflag:s0] =	ssyncadd.s32 $0xFFFFFFB0  }
0x19b: {  	[tilespmem:s4], [sflag:$0x1] =	stream.indirect.gather [hbm4b:s3+s2], $0x80, s10, s2, $0xb8;
	[tilespmem:$0x1E800] =	vst v63  }
0x19c: {  	s17 =	simm.s32 $0xA100;
	s28 =	rddreg [dreg:$0xf];
	s15 =	sadd.s32 s14, s26  }
0x19d: {  	[tilespmem:s17], [sflag:$0xB] =	stream.linear.gather [hbm4b:s15+s4], $0x50, $0x38;
	[tilespmem:$0x1E800] =	vst v63  }
0x19e: {  	s20 =	simm.s32 $0xA500;
	s10 =	sadd.s32 s14, s28;
	s28 =	simm.s32 $0x3  }
0x19f: {  	[tilespmem:s20], [sflag:$0xB] =	stream.linear.gather [hbm4b:s10+s4], $0x50, $0x38;
	[tilespmem:$0x1E800] =	vst v63  }
0x1a0: {  	_ =	swait.ge [sflag:s28], $0x2800  }
0x1a1: {  	s6 =	simm.s32 $0x5000;
	[sflag:s28] =	ssyncset.done $0x0  }
0x1a2: {  	s26 =	simm.s32 $0xA700;
	s10 =	simm.s32 $0x6;
	[sflag:s28] =	ssyncadd.s32 $0xFFFFD800  }
0x1a3: {  	[spmem:s19] =	stream.indirect.scatter.add.f32 [tilespmem:s6], [sflag:$0x7], $0x80, s26, s2, $0xb8;
	[tilespmem:$0x1E800] =	vst v63  }
0x1a4: {  	_ =	swait.ge [sflag:s10], $0x2800  }
0x1a5: {  	[sflag:s10] =	ssyncset.done $0x0  }
0x1a6: {  	s16 =	simm.s32 $0xA;
	[sflag:s10] =	ssyncadd.s32 $0xFFFFD800  }
0x1a7: {  	_ =	swait.ge [sflag:s16], $0x50  }
0x1a8: {  	[sflag:s16] =	ssyncset.done $0x0  }
0x1a9: {  	[sflag:s16] =	ssyncadd.s32 $0xFFFFFFB0  }
0x1aa: {  	_ =	swait.ge [sflag:s16], $0x50  }
0x1ab: {  	[sflag:s16] =	ssyncset.done $0x0  }
0x1ac: {  	s25 =	rddreg [dreg:$0xc];
	[sflag:s16] =	ssyncadd.s32 $0xFFFFFFB0  }
0x1ad: {  	[tilespmem:s9], [sflag:$0x2] =	stream.indirect.gather [hbm4b:s3+s2], $0x80, s8, s2, $0xb8;
	[tilespmem:$0x1E800] =	vst v63  }
0x1ae: {  	s6 =	rddreg [dreg:$0xd];
	s15 =	sadd.s32 s14, s25;
	s16 =	simm.s32 $0xA180  }
0x1af: {  	[tilespmem:s16], [sflag:$0xC] =	stream.linear.gather [hbm4b:s15+s4], $0x50, $0x38;
	[tilespmem:$0x1E800] =	vst v63  }
0x1b0: {  	s6 =	sadd.s32 s14, s6  }
0x1b1: {  	[tilespmem:s18], [sflag:$0xC] =	stream.linear.gather [hbm4b:s6+s4], $0x50, $0x38;
	[tilespmem:$0x1E800] =	vst v63  }
0x1b2: {  	_ =	swait.ge [sflag:s11], $0x2800  }
0x1b3: {  	[sflag:s11] =	ssyncset.done $0x0  }
0x1b4: {  	[sflag:s11] =	ssyncadd.s32 $0xFFFFD800  }
0x1b5: {  	[spmem:s19] =	stream.indirect.scatter.add.f32 [tilespmem:s7], [sflag:$0x8], $0x80, s1, s2, $0xb8;
	[tilespmem:$0x1E800] =	vst v63  }
0x1b6: {  	_ =	swait.ge [sflag:s23], $0x2800  }
0x1b7: {  	[sflag:s23] =	ssyncset.done $0x0  }
0x1b8: {  	s8 =	simm.s32 $0xB;
	[sflag:s23] =	ssyncadd.s32 $0xFFFFD800  }
0x1b9: {  	_ =	swait.ge [sflag:s8], $0x50  }
0x1ba: {  	[sflag:s8] =	ssyncset.done $0x0  }
0x1bb: {  	[sflag:s8] =	ssyncadd.s32 $0xFFFFFFB0  }
0x1bc: {  	_ =	swait.ge [sflag:s8], $0x50  }
0x1bd: {  	[sflag:s8] =	ssyncset.done $0x0  }
0x1be: {  	s9 =	simm.s32 $0x5000;
	s11 =	rddreg [dreg:$0xa];
	[sflag:s8] =	ssyncadd.s32 $0xFFFFFFB0  }
0x1bf: {  	[tilespmem:s9], [sflag:$0x3] =	stream.indirect.gather [hbm4b:s3+s2], $0x80, s17, s2, $0xb8;
	[tilespmem:$0x1E800] =	vst v63  }
0x1c0: {  	s6 =	simm.s32 $0xA200;
	s18 =	rddreg [dreg:$0xb];
	s15 =	sadd.s32 s14, s11  }
0x1c1: {  	[tilespmem:s6], [sflag:$0xD] =	stream.linear.gather [hbm4b:s15+s4], $0x50, $0x38;
	[tilespmem:$0x1E800] =	vst v63  }
0x1c2: {  	s12 =	simm.s32 $0x1;
	s23 =	sadd.s32 s14, s18  }
0x1c3: {  	[tilespmem:s21], [sflag:$0xD] =	stream.linear.gather [hbm4b:s23+s4], $0x50, $0x38;
	[tilespmem:$0x1E800] =	vst v63  }
0x1c4: {  	_ =	swait.ge [sflag:s12], $0x2800  }
0x1c5: {  	[sflag:s12] =	ssyncset.done $0x0  }
0x1c6: {  	[sflag:s12] =	ssyncadd.s32 $0xFFFFD800  }
0x1c7: {  	[spmem:s19] =	stream.indirect.scatter.add.f32 [tilespmem:s4], [sflag:$0x5], $0x80, s24, s2, $0xb8;
	[tilespmem:$0x1E800] =	vst v63  }
0x1c8: {  	_ =	swait.ge [sflag:s5], $0x2800  }
0x1c9: {  	[sflag:s5] =	ssyncset.done $0x0  }
0x1ca: {  	s12 =	simm.s32 $0xC;
	[sflag:s5] =	ssyncadd.s32 $0xFFFFD800  }
0x1cb: {  	_ =	swait.ge [sflag:s12], $0x50  }
0x1cc: {  	[sflag:s12] =	ssyncset.done $0x0  }
0x1cd: {  	[sflag:s12] =	ssyncadd.s32 $0xFFFFFFB0  }
0x1ce: {  	_ =	swait.ge [sflag:s12], $0x50  }
0x1cf: {  	[sflag:s12] =	ssyncset.done $0x0  }
0x1d0: {  	s21 =	simm.s32 $0x7800;
	s25 =	rddreg [dreg:$0x8];
	[sflag:s12] =	ssyncadd.s32 $0xFFFFFFB0  }
0x1d1: {  	[tilespmem:s21], [sflag:$0x4] =	stream.indirect.gather [hbm4b:s3+s2], $0x80, s16, s2, $0xb8;
	[tilespmem:$0x1E800] =	vst v63  }
0x1d2: {  	s5 =	simm.s32 $0xA280;
	s1 =	rddreg [dreg:$0x9];
	s15 =	sadd.s32 s14, s25  }
0x1d3: {  	[tilespmem:s5], [sflag:$0xE] =	stream.linear.gather [hbm4b:s15+s4], $0x50, $0x38;
	[tilespmem:$0x1E800] =	vst v63  }
0x1d4: {  	s8 =	sadd.s32 s14, s1;
	s16 =	simm.s32 $0x2  }
0x1d5: {  	[tilespmem:s13], [sflag:$0xE] =	stream.linear.gather [hbm4b:s8+s4], $0x50, $0x38;
	[tilespmem:$0x1E800] =	vst v63  }
0x1d6: {  	_ =	swait.ge [sflag:s16], $0x2800  }
0x1d7: {  	[sflag:s16] =	ssyncset.done $0x0  }
0x1d8: {  	s7 =	simm.s32 $0x2800;
	s17 =	simm.s32 $0x5;
	[sflag:s16] =	ssyncadd.s32 $0xFFFFD800  }
0x1d9: {  	[spmem:s19] =	stream.indirect.scatter.add.f32 [tilespmem:s7], [sflag:$0x6], $0x80, s31, s2, $0xb8;
	[tilespmem:$0x1E800] =	vst v63  }
0x1da: {  	_ =	swait.ge [sflag:s17], $0x2800  }
0x1db: {  	[sflag:s17] =	ssyncset.done $0x0  }
0x1dc: {  	s11 =	simm.s32 $0xD;
	[sflag:s17] =	ssyncadd.s32 $0xFFFFD800  }
0x1dd: {  	_ =	swait.ge [sflag:s11], $0x50  }
0x1de: {  	[sflag:s11] =	ssyncset.done $0x0  }
0x1df: {  	[sflag:s11] =	ssyncadd.s32 $0xFFFFFFB0  }
0x1e0: {  	_ =	swait.ge [sflag:s11], $0x50  }
0x1e1: {  	[sflag:s11] =	ssyncset.done $0x0  }
0x1e2: {  	s13 =	rddreg [dreg:$0x6];
	[sflag:s11] =	ssyncadd.s32 $0xFFFFFFB0  }
0x1e3: {  	[tilespmem:s4], [sflag:$0x1] =	stream.indirect.gather [hbm4b:s3+s2], $0x80, s6, s2, $0xb8;
	[tilespmem:$0x1E800] =	vst v63  }
0x1e4: {  	s24 =	simm.s32 $0xA300;
	s23 =	rddreg [dreg:$0x7];
	s15 =	sadd.s32 s14, s13  }
0x1e5: {  	[tilespmem:s24], [sflag:$0xF] =	stream.linear.gather [hbm4b:s15+s4], $0x50, $0x38;
	[tilespmem:$0x1E800] =	vst v63  }
0x1e6: {  	s11 =	sadd.s32 s14, s23  }
0x1e7: {  	[tilespmem:s26], [sflag:$0xF] =	stream.linear.gather [hbm4b:s11+s4], $0x50, $0x38;
	[tilespmem:$0x1E800] =	vst v63  }
0x1e8: {  	_ =	swait.ge [sflag:s28], $0x2800  }
0x1e9: {  	[sflag:s28] =	ssyncset.done $0x0  }
0x1ea: {  	[sflag:s28] =	ssyncadd.s32 $0xFFFFD800  }
0x1eb: {  	[spmem:s19] =	stream.indirect.scatter.add.f32 [tilespmem:s9], [sflag:$0x7], $0x80, s20, s2, $0xb8;
	[tilespmem:$0x1E800] =	vst v63  }
0x1ec: {  	_ =	swait.ge [sflag:s10], $0x2800  }
0x1ed: {  	[sflag:s10] =	ssyncset.done $0x0  }
0x1ee: {  	p0 =	sne.s32 s29, $0x410;
	[sflag:s10] =	ssyncadd.s32 $0xFFFFD800  }
0x1ef: {  	s30 =	sadd.s32 $0x280, s30;
	s29 =	sadd.s32 $0x50, s29;
	_ =	swait.ge [sflag:s22], $0x50  }
0x1f0: {  	s18 =	simm.s32 $0xA680;
	s1 =	simm.s32 $0xA300;
	[sflag:s22] =	ssyncset.done $0x0  }
0x1f1: {  	s31 =	simm.s32 $0x1;
	s13 =	simm.s32 $0xA700;
	[sflag:s22] =	ssyncadd.s32 $0xFFFFFFB0  }
0x1f2: {  	s6 =	simm.s32 $0xF;
	s26 =	simm.s32 $0x10;
	_ =	swait.ge [sflag:s22], $0x50  }
.Ltmp1:
0x1f3: {  	[sflag:s22] =	ssyncset.done $0x0;
	s23 =	rddreg [dreg:$0x4];
	(pc) =	sbr.rel @p0 .LBB2_4-.Ltmp1, $4  }
0x1f4: {  	s28 =	simm.s32 $0xA380;
	s24 =	rddreg [dreg:$0x5];
	[sflag:s22] =	ssyncadd.s32 $0xFFFFFFB0  }
0x1f5: {  	[tilespmem:s7], [sflag:$0x2] =	stream.indirect.gather [hbm4b:s3+s2], $0x80, s5, s2, $0xb8;
	[tilespmem:$0x1E800] =	vst v63  }
0x1f6: {  	s15 =	sadd.s32 s14, s23;
	s14 =	sadd.s32 s14, s24;
	s5 =	simm.s32 $0xA380  }
0x1f7: {  	[tilespmem:s28], [sflag:$0x10] =	stream.linear.gather [hbm4b:s15+s4], $0x50, $0x38;
	[tilespmem:$0x1E800] =	vst v63  }
0x1f8: {  	s20 =	simm.s32 $0xA780;
	s11 =	simm.s32 $0x4  }
0x1f9: {  	[tilespmem:s20], [sflag:$0x10] =	stream.linear.gather [hbm4b:s14+s4], $0x50, $0x38;
	[tilespmem:$0x1E800] =	vst v63  }
0x1fa: {  	_ =	swait.ge [sflag:s11], $0x2800  }
0x1fb: {  	[sflag:s11] =	ssyncset.done $0x0  }
0x1fc: {  	s22 =	simm.s32 $0xA580;
	s23 =	simm.s32 $0x7;
	[sflag:s11] =	ssyncadd.s32 $0xFFFFD800  }
0x1fd: {  	[spmem:s19] =	stream.indirect.scatter.add.f32 [tilespmem:s21], [sflag:$0x8], $0x80, s22, s2, $0xb8;
	[tilespmem:$0x1E800] =	vst v63  }
0x1fe: {  	_ =	swait.ge [sflag:s23], $0x2800  }
0x1ff: {  	[sflag:s23] =	ssyncset.done $0x0  }
0x200: {  	[sflag:s23] =	ssyncadd.s32 $0xFFFFD800  }
0x201: {  	_ =	swait.ge [sflag:s6], $0x50  }
0x202: {  	[sflag:s6] =	ssyncset.done $0x0  }
0x203: {  	[sflag:s6] =	ssyncadd.s32 $0xFFFFFFB0  }
0x204: {  	_ =	swait.ge [sflag:s6], $0x50  }
0x205: {  	[sflag:s6] =	ssyncset.done $0x0  }
0x206: {  	s8 =	sld [smem:$0x7F4];
	[sflag:s6] =	ssyncadd.s32 $0xFFFFFFB0  }
0x207: {  	[tilespmem:s9], [sflag:$0x3] =	stream.indirect.gather [hbm4b:s3+s2], $0x80, s1, s2, $0xb8;
	[tilespmem:$0x1E800] =	vst v63  }
0x208: {  	s10 =	simm.s32 $0xA000;
	s24 =	sld [smem:$0x7F5]  }
0x209: {  	[tilespmem:s10], [sflag:$0x9] =	stream.linear.gather [hbm4b:s8+s4], $0x50, $0x38;
	[tilespmem:$0x1E800] =	vst v63  }
0x20a: {  	s1 =	simm.s32 $0xA400  }
0x20b: {  	[tilespmem:s1], [sflag:$0x9] =	stream.linear.gather [hbm4b:s24+s4], $0x50, $0x38;
	[tilespmem:$0x1E800] =	vst v63  }
0x20c: {  	_ =	swait.ge [sflag:s31], $0x2800  }
0x20d: {  	[sflag:s31] =	ssyncset.done $0x0  }
0x20e: {  	s15 =	simm.s32 $0xA600;
	s28 =	simm.s32 $0x8;
	[sflag:s31] =	ssyncadd.s32 $0xFFFFD800  }
0x20f: {  	[spmem:s19] =	stream.indirect.scatter.add.f32 [tilespmem:s4], [sflag:$0x5], $0x80, s15, s2, $0xb8;
	[tilespmem:$0x1E800] =	vst v63  }
0x210: {  	_ =	swait.ge [sflag:s28], $0x2800  }
0x211: {  	[sflag:s28] =	ssyncset.done $0x0  }
0x212: {  	[sflag:s28] =	ssyncadd.s32 $0xFFFFD800  }
0x213: {  	_ =	swait.ge [sflag:s26], $0x50  }
0x214: {  	[sflag:s26] =	ssyncset.done $0x0  }
0x215: {  	[sflag:s26] =	ssyncadd.s32 $0xFFFFFFB0  }
0x216: {  	_ =	swait.ge [sflag:s26], $0x50  }
0x217: {  	[sflag:s26] =	ssyncset.done $0x0  }
0x218: {  	s25 =	sld [smem:$0x7F6];
	[sflag:s26] =	ssyncadd.s32 $0xFFFFFFB0  }
0x219: {  	[tilespmem:s21], [sflag:$0x4] =	stream.indirect.gather [hbm4b:s3+s2], $0x80, s5, s2, $0xb8;
	[tilespmem:$0x1E800] =	vst v63  }
0x21a: {  	s8 =	simm.s32 $0xA080;
	s5 =	sld [smem:$0x7F7]  }
0x21b: {  	[tilespmem:s8], [sflag:$0xA] =	stream.linear.gather [hbm4b:s25+s4], $0x50, $0x38;
	[tilespmem:$0x1E800] =	vst v63  }
0x21c: {  	s25 =	simm.s32 $0xA480  }
0x21d: {  	[tilespmem:s25], [sflag:$0xA] =	stream.linear.gather [hbm4b:s5+s4], $0x50, $0x38;
	[tilespmem:$0x1E800] =	vst v63  }
0x21e: {  	_ =	swait.ge [sflag:s16], $0x2800  }
0x21f: {  	[sflag:s16] =	ssyncset.done $0x0  }
0x220: {  	[sflag:s16] =	ssyncadd.s32 $0xFFFFD800  }
0x221: {  	[spmem:s19] =	stream.indirect.scatter.add.f32 [tilespmem:s7], [sflag:$0x6], $0x80, s18, s2, $0xb8;
	[tilespmem:$0x1E800] =	vst v63  }
0x222: {  	_ =	swait.ge [sflag:s17], $0x2800  }
0x223: {  	[sflag:s17] =	ssyncset.done $0x0  }
0x224: {  	[sflag:s17] =	ssyncadd.s32 $0xFFFFD800  }
0x225: {  	_ =	swait.ge [sflag:s0], $0x50  }
0x226: {  	[sflag:s0] =	ssyncset.done $0x0  }
0x227: {  	[sflag:s0] =	ssyncadd.s32 $0xFFFFFFB0  }
0x228: {  	_ =	swait.ge [sflag:s0], $0x50  }
0x229: {  	[sflag:s0] =	ssyncset.done $0x0  }
0x22a: {  	[sflag:s0] =	ssyncadd.s32 $0xFFFFFFB0  }
0x22b: {  	[tilespmem:s4], [sflag:$0x1] =	stream.indirect.gather [hbm4b:s3+s2], $0x80, s10, s2, $0xb8;
	[tilespmem:$0x1E800] =	vst v63  }
0x22c: {  	s10 =	sld [smem:$0x7F8];
	_ =	sdelay $0x1  }
0x22d: {  	s17 =	simm.s32 $0xA100;
	s18 =	sld [smem:$0x7F9]  }
0x22e: {  	[tilespmem:s17], [sflag:$0xB] =	stream.linear.gather [hbm4b:s10+s4], $0x50, $0x38;
	[tilespmem:$0x1E800] =	vst v63  }
0x22f: {  	s6 =	simm.s32 $0xA500;
	s5 =	simm.s32 $0x3  }
0x230: {  	[tilespmem:s6], [sflag:$0xB] =	stream.linear.gather [hbm4b:s18+s4], $0x50, $0x38;
	[tilespmem:$0x1E800] =	vst v63  }
0x231: {  	_ =	swait.ge [sflag:s5], $0x2800  }
0x232: {  	[sflag:s5] =	ssyncset.done $0x0  }
0x233: {  	s10 =	simm.s32 $0x6;
	[sflag:s5] =	ssyncadd.s32 $0xFFFFD800  }
0x234: {  	[spmem:s19] =	stream.indirect.scatter.add.f32 [tilespmem:s9], [sflag:$0x7], $0x80, s13, s2, $0xb8;
	[tilespmem:$0x1E800] =	vst v63  }
0x235: {  	_ =	swait.ge [sflag:s10], $0x2800  }
0x236: {  	[sflag:s10] =	ssyncset.done $0x0  }
0x237: {  	s24 =	simm.s32 $0xA;
	[sflag:s10] =	ssyncadd.s32 $0xFFFFD800  }
0x238: {  	_ =	swait.ge [sflag:s24], $0x50  }
0x239: {  	[sflag:s24] =	ssyncset.done $0x0  }
0x23a: {  	[sflag:s24] =	ssyncadd.s32 $0xFFFFFFB0  }
0x23b: {  	_ =	swait.ge [sflag:s24], $0x50  }
0x23c: {  	[sflag:s24] =	ssyncset.done $0x0  }
0x23d: {  	s13 =	sld [smem:$0x7FA];
	[sflag:s24] =	ssyncadd.s32 $0xFFFFFFB0  }
0x23e: {  	[tilespmem:s7], [sflag:$0x2] =	stream.indirect.gather [hbm4b:s3+s2], $0x80, s8, s2, $0xb8;
	[tilespmem:$0x1E800] =	vst v63  }
0x23f: {  	s0 =	simm.s32 $0xA180;
	s18 =	sld [smem:$0x7FB]  }
0x240: {  	[tilespmem:s0], [sflag:$0xC] =	stream.linear.gather [hbm4b:s13+s4], $0x50, $0x38;
	[tilespmem:$0x1E800] =	vst v63  }
0x241: {  	_ = 	snop  }
0x242: {  	[tilespmem:s22], [sflag:$0xC] =	stream.linear.gather [hbm4b:s18+s4], $0x50, $0x38;
	[tilespmem:$0x1E800] =	vst v63  }
0x243: {  	_ =	swait.ge [sflag:s11], $0x2800  }
0x244: {  	[sflag:s11] =	ssyncset.done $0x0  }
0x245: {  	[sflag:s11] =	ssyncadd.s32 $0xFFFFD800  }
0x246: {  	[spmem:s19] =	stream.indirect.scatter.add.f32 [tilespmem:s21], [sflag:$0x8], $0x80, s20, s2, $0xb8;
	[tilespmem:$0x1E800] =	vst v63  }
0x247: {  	_ =	swait.ge [sflag:s23], $0x2800  }
0x248: {  	[sflag:s23] =	ssyncset.done $0x0  }
0x249: {  	s20 =	simm.s32 $0xB;
	[sflag:s23] =	ssyncadd.s32 $0xFFFFD800  }
0x24a: {  	_ =	swait.ge [sflag:s20], $0x50  }
0x24b: {  	[sflag:s20] =	ssyncset.done $0x0  }
0x24c: {  	[sflag:s20] =	ssyncadd.s32 $0xFFFFFFB0  }
0x24d: {  	_ =	swait.ge [sflag:s20], $0x50  }
0x24e: {  	[sflag:s20] =	ssyncset.done $0x0  }
0x24f: {  	s24 =	sld [smem:$0x7FC];
	[sflag:s20] =	ssyncadd.s32 $0xFFFFFFB0  }
0x250: {  	[tilespmem:s9], [sflag:$0x3] =	stream.indirect.gather [hbm4b:s3+s2], $0x80, s17, s2, $0xb8;
	[tilespmem:$0x1E800] =	vst v63  }
0x251: {  	s8 =	simm.s32 $0xA200;
	s13 =	sld [smem:$0x7FD]  }
0x252: {  	[tilespmem:s8], [sflag:$0xD] =	stream.linear.gather [hbm4b:s24+s4], $0x50, $0x38;
	[tilespmem:$0x1E800] =	vst v63  }
0x253: {  	_ = 	snop  }
0x254: {  	[tilespmem:s15], [sflag:$0xD] =	stream.linear.gather [hbm4b:s13+s4], $0x50, $0x38;
	[tilespmem:$0x1E800] =	vst v63  }
0x255: {  	_ =	swait.ge [sflag:s31], $0x2800  }
0x256: {  	[sflag:s31] =	ssyncset.done $0x0  }
0x257: {  	[sflag:s31] =	ssyncadd.s32 $0xFFFFD800  }
0x258: {  	[spmem:s19] =	stream.indirect.scatter.add.f32 [tilespmem:s4], [sflag:$0x5], $0x80, s1, s2, $0xb8;
	[tilespmem:$0x1E800] =	vst v63  }
0x259: {  	_ =	swait.ge [sflag:s28], $0x2800  }
0x25a: {  	[sflag:s28] =	ssyncset.done $0x0  }
0x25b: {  	[sflag:s28] =	ssyncadd.s32 $0xFFFFD800  }
0x25c: {  	_ =	swait.ge [sflag:s12], $0x50  }
0x25d: {  	[sflag:s12] =	ssyncset.done $0x0  }
0x25e: {  	[sflag:s12] =	ssyncadd.s32 $0xFFFFFFB0  }
0x25f: {  	_ =	swait.ge [sflag:s12], $0x50  }
0x260: {  	[sflag:s12] =	ssyncset.done $0x0  }
0x261: {  	[sflag:s12] =	ssyncadd.s32 $0xFFFFFFB0  }
0x262: {  	[tilespmem:s21], [sflag:$0x4] =	stream.indirect.gather [hbm4b:s3+s2], $0x80, s0, s2, $0xb8;
	[tilespmem:$0x1E800] =	vst v63  }
0x263: {  	_ =	swait.ge [sflag:s16], $0x2800  }
0x264: {  	[sflag:s16] =	ssyncset.done $0x0  }
0x265: {  	s17 =	simm.s32 $0x5;
	[sflag:s16] =	ssyncadd.s32 $0xFFFFD800  }
0x266: {  	[spmem:s19] =	stream.indirect.scatter.add.f32 [tilespmem:s7], [sflag:$0x6], $0x80, s25, s2, $0xb8;
	[tilespmem:$0x1E800] =	vst v63  }
0x267: {  	_ =	swait.ge [sflag:s17], $0x2800  }
0x268: {  	[sflag:s17] =	ssyncset.done $0x0  }
0x269: {  	s18 =	simm.s32 $0xD;
	[sflag:s17] =	ssyncadd.s32 $0xFFFFD800  }
0x26a: {  	_ =	swait.ge [sflag:s18], $0x50  }
0x26b: {  	[sflag:s18] =	ssyncset.done $0x0  }
0x26c: {  	[sflag:s18] =	ssyncadd.s32 $0xFFFFFFB0  }
0x26d: {  	_ =	swait.ge [sflag:s18], $0x50  }
0x26e: {  	[sflag:s18] =	ssyncset.done $0x0  }
0x26f: {  	[sflag:s18] =	ssyncadd.s32 $0xFFFFFFB0  }
0x270: {  	[tilespmem:s4], [sflag:$0x1] =	stream.indirect.gather [hbm4b:s3+s2], $0x80, s8, s2, $0xb8;
	[tilespmem:$0x1E800] =	vst v63  }
0x271: {  	_ =	swait.ge [sflag:s5], $0x2800  }
0x272: {  	[sflag:s5] =	ssyncset.done $0x0  }
0x273: {  	[sflag:s5] =	ssyncadd.s32 $0xFFFFD800  }
0x274: {  	[spmem:s19] =	stream.indirect.scatter.add.f32 [tilespmem:s9], [sflag:$0x7], $0x80, s6, s2, $0xb8;
	[tilespmem:$0x1E800] =	vst v63  }
0x275: {  	_ =	swait.ge [sflag:s11], $0x2800  }
0x276: {  	[sflag:s11] =	ssyncset.done $0x0  }
0x277: {  	[sflag:s11] =	ssyncadd.s32 $0xFFFFD800  }
0x278: {  	[spmem:s19] =	stream.indirect.scatter.add.f32 [tilespmem:s21], [sflag:$0x8], $0x80, s22, s2, $0xb8;
	[tilespmem:$0x1E800] =	vst v63  }
0x279: {  	_ =	swait.ge [sflag:s31], $0x2800  }
0x27a: {  	[sflag:s31] =	ssyncset.done $0x0  }
0x27b: {  	[sflag:s31] =	ssyncadd.s32 $0xFFFFD800  }
0x27c: {  	[spmem:s19] =	stream.indirect.scatter.add.f32 [tilespmem:s4], [sflag:$0x5], $0x80, s15, s2, $0xb8;
	[tilespmem:$0x1E800] =	vst v63  }
0x27d: {  	_ =	swait.ge [sflag:s10], $0x2800  }
0x27e: {  	[sflag:s10] =	ssyncset.done $0x0  }
0x27f: {  	[sflag:s10] =	ssyncadd.s32 $0xFFFFD800  }
0x280: {  	_ =	swait.ge [sflag:s23], $0x2800  }
0x281: {  	[sflag:s23] =	ssyncset.done $0x0  }
0x282: {  	[sflag:s23] =	ssyncadd.s32 $0xFFFFD800  }
0x283: {  	_ =	swait.ge [sflag:s28], $0x2800  }
0x284: {  	[sflag:s28] =	ssyncset.done $0x0  }
0x285: {  	[sflag:s28] =	ssyncadd.s32 $0xFFFFD800  }
0x286: {  	_ =	swait.ge [sflag:s17], $0x2800  }
0x287: {  	[sflag:s17] =	ssyncset.done $0x0  }
0x288: {  	[sflag:s17] =	ssyncadd.s32 $0xFFFFD800  }
0x289: {  	[bflag:$0x0] =	sbarrier.arrive $0xFFFF  }
0x28a: {  	s21 =	stileid.u32;
	s29 =	sld [smem:$0x7EA]  }
0x28b: {  	s14 =	sshll.u32 s21, $0x6;
	s25 =	rddreg [dreg:$0x14]  }
0x28c: {  	s14 =	sor.u32 $0x1C12, s14;
	s23 =	simm.s32 $0x12;
	s22 =	sshrl.u32 s25, $0x3  }
0x28d: {  	[hbm:s29], [sflag:s14] =	dma.local [spmem:s22], $0x2800  }
0x28e: {  	_ =	swait.ge [sflag:s23], $0x2800  }
0x28f: {  	s29 =	sld [smem:$0x7E4]  }
0x290: {  	s24 =	sld [smem:$0x7EB];
	_ =	sdelay $0x1  }
0x291: {  	s29 =	sadd.s32 $0x1, s29  }
0x292: {  	p0 =	sne.s32 s29, s24  }
.Ltmp2:
0x293: {  	_ = 	snop;
	(pc) =	sbr.rel @p0 .LBB2_1-.Ltmp2, $4  }
0x294: {  	s30 =	simm.s32 $0xA080;
	s20 =	simm.s32 $0xA000;
	s13 =	simm.s32 $0xE  }
0x295: {  	s0 =	simm.s32 $0x9;
	s8 =	simm.s32 $0xA;
	s11 =	simm.s32 $0xB  }
0x296: {  	s21 =	simm.s32 $0xA400;
	s22 =	simm.s32 $0x4;
	[sflag:s23] =	ssyncset.done $0x0  }
0x297: {  	s28 =	rddreg [dreg:$0x13];
	[sflag:s23] =	ssyncadd.s32 $0xFFFFD800;
	s23 =	simm.s32 $0x7  }
0x298: {  	_ =	sfence.sel $0x180000  }
0x299: {  	[bflag:$0x0] =	sbarrier.arrive $0xFFFF  }
0x29a: {  	_ =	strace $0x9000004A  }
0x29b: {  	s0 =	stileid.u32;
	[bflag:$0x2] =	sbarrier.arrive $0xFFFF  }
0x29c: {  	p0 =	sne.s32 s0, $0x0;
	s0 =	rddreg [dreg:$0x3]  }
0x29d: {  	s0 =	sadd.s32 @!p0 $0x100000, s0  }
0x29e: {  	[sflag:s0] =	ssyncadd.tile.s32 @!p0 $0x1;
	_ =	shalt  }
.Lfunc_end2:
_tile_overlayer_lowered:
.L_overlay_start_2:
0x29f: {  	(tag) =	ssettag $0x2  }
0x2a0: {  	s0 =	rddreg [dreg:$0x0];
	s2 =	stileid.u32  }
0x2a1: {  	s1 =	rddreg [dreg:$0x1];
	p0 =	sne.s32 s2, $0x0  }
0x2a2: {  	s3 =	rddreg [dreg:$0x2];
	[bflag:$0x3] =	sbarrier.arrive $0xFFFF;
	s2 =	simm.s32 @!p0 $0x1C12  }
0x2a3: {  	[timem:s3], [sflag:s2] =	dma.local @!p0 [hbm:s0], s1  }
0x2a4: {  	s0 =	simm.s32 @!p0 $0x12  }
0x2a5: {  	_ =	swait.ge @!p0 [sflag:s0], s1  }
0x2a6: {  	s1 =	ssub.s32 @!p0 $0x0, s1;
	[sflag:s0] =	ssyncset.done @!p0 $0x0  }
0x2a7: {  	[sflag:s0] =	ssyncadd.s32 @!p0 s1  }
0x2a8: {  	[bflag:$0x3] =	sbarrier.arrive $0xFFFF  }
0x2a9: {  	_ =	shalt  }

// kernel: kernel.14.cloned.1.call-start
scs
__scs_entry_jumppad:
0x0: {  	(pc) =	sbr.rel $0x88, $3  }
0x1: {  	(tag) =	ssettag $0x0;
	lr =	simm.s32 $0x1  }
0x2: {  	[smem:$0x3F9B] =	sst lr;
	_ =	strace $0xD0000000  }
0x3: {  	_ = 	snop  }
0x4: {  	_ = 	snop  }
0x5: {  	_ = 	snop  }
0x6: {  	_ = 	snop  }
0x7: {  	_ = 	snop  }
__scs_overlays_trampoline_lowered:
0x8: {  	[smem:$0x3FAA] =	sst s0  }
0x9: {  	[smem:$0x3FAB] =	sst s1  }
0xa: {  	[smem:$0x3FAC] =	sst s2  }
0xb: {  	[smem:$0x3FAD] =	sst s3  }
0xc: {  	[smem:$0x3FAE] =	sst s4  }
0xd: {  	[smem:$0x3FAF] =	sst s5  }
0xe: {  	[smem:$0x3FB0] =	sst s6  }
0xf: {  	[smem:$0x3FB1] =	sst s7  }
0x10: {  	[smem:$0x3FB2] =	sst s8  }
0x11: {  	[smem:$0x3FB3] =	sst s9;
	s0 =	simm.s32 @!p0 $0x0  }
0x12: {  	s1 =	sld [smem:$0x3F99];
	s0 =	simm.s32 @p0 $0x1  }
0x13: {  	[smem:$0x3FB4] =	sst s0;
	s0 =	simm.s32 @!p1 $0x0  }
0x14: {  	s2 =	sld [smem:$0x3F98];
	s0 =	simm.s32 @p1 $0x1  }
0x15: {  	[smem:$0x3FB5] =	sst s0;
	s0 =	simm.s32 @!p2 $0x0  }
0x16: {  	s3 =	sld [smem:$0x3FDB];
	s0 =	simm.s32 @p2 $0x1  }
0x17: {  	s4 =	simm.s32 $0x1BF5;
	[smem:$0x3FB7] =	sst s0  }
0x18: {  	s0 =	sld [smem:$0x3F9A];
	_ =	swait.ge [sflag:s4], $0x0  }
0x19: {  	s7 =	sld [smem:$0x3F9B]  }
0x1a: {  	s8 =	sadd.s32 $0xFFFFE003, lr  }
0x1b: {  	s9 =	sadd.s32 $0xFFFFFEF7, lr;
	s5 =	simm.s32 $0xFFFFFFFF;
	p2 =	slt.u32 s8, $0xFFFFF086  }
0x1c: {  	p1 =	slt.u32 s9, $0xF7A;
	s5 =	simm.s32 @!p2 $0x0  }
0x1d: {  	s5 =	simm.s32 @p1 $0x1;
	p0 =	seq.s32 s7, s2  }
0x1e: {  	s7 =	smul.u32 @!p0 $0xF7A, s2;
	p2 =	seq.s32 @!p0 s5, $0x0  }
0x1f: {  	s9 =	smul.u32 $0xF7A, s1;
	s8 =	simm.s32 @!p0 $0x1BF5;
	p2 =	por !p2, p0  }
0x20: {  	[sflag:s8] =	ssyncset.s32 @!p0 $0xFFFFF086;
	s6 =	sadd.s32 @!p0 s3, s7;
	s7 =	simm.s32 @!p0 $0x108  }
0x21: {  	s3 =	sadd.s32 s3, s9;
	s6 =	sadd.s32 @!p0 $0x88, s6;
	s7 =	simm.s32 @p2 $0x1082  }
0x22: {  	[simem:s7], [sflag:s8] =	dma.local @!p0 [hbm:s6], $0xF7A  }
0x23: {  	s9 =	sor.u32 $0xD0000000, s2;
	s6 =	simm.s32 $0x108;
	_ =	swait.ge @!p0 [sflag:s8], $0x0  }
0x24: {  	s3 =	sadd.s32 $0x88, s3;
	s6 =	simm.s32 @!p1 $0x1082;
	[sflag:s4] =	ssyncset.s32 $0xFFFFF086  }
0x25: {  	[simem:s6], [sflag:s4] =	dma.local [hbm:s3], $0xF7A  }
0x26: {  	[smem:$0x3F9B] =	sst s1;
	(tag) =	ssettag s2;
	_ =	strace s9  }
0x27: {  	s1 =	sld [smem:$0x3FAB]  }
0x28: {  	s2 =	sld [smem:$0x3FAC]  }
0x29: {  	s4 =	sld [smem:$0x3FAE]  }
0x2a: {  	p0 =	seq.s32 s5, $0x0;
	s5 =	sld [smem:$0x3FAF]  }
0x2b: {  	s6 =	sld [smem:$0x3FB0]  }
0x2c: {  	s7 =	sld [smem:$0x3FB1]  }
0x2d: {  	s3 =	simm.s32 $0x108;
	s8 =	sld [smem:$0x3FB2]  }
0x2e: {  	s3 =	simm.s32 @!p0 $0x1082;
	s9 =	sld [smem:$0x3FB3]  }
0x2f: {  	lr =	sadd.s32 s0, s3;
	s0 =	sld [smem:$0x3FAA]  }
0x30: {  	s3 =	sld [smem:$0x3FAD]  }
0x31: {  	[smem:$0x3FB6] =	sst s10  }
0x32: {  	s10 =	sld [smem:$0x3FB4];
	_ =	sdelay $0x3  }
0x33: {  	p0 =	seq.s32 s10, $0x1;
	s10 =	sld [smem:$0x3FB6];
	_ =	sdelay $0x3  }
0x34: {  	[smem:$0x3FB6] =	sst s10  }
0x35: {  	s10 =	sld [smem:$0x3FB5];
	_ =	sdelay $0x3  }
0x36: {  	p1 =	seq.s32 s10, $0x1;
	s10 =	sld [smem:$0x3FB6];
	_ =	sdelay $0x3  }
0x37: {  	[smem:$0x3FB6] =	sst s10  }
0x38: {  	s10 =	sld [smem:$0x3FB7]  }
0x39: {  	_ = 	snop;
	(pc) =	sbr.ind lr, $3  }
0x3a: {  	_ = 	snop  }
0x3b: {  	_ = 	snop  }
0x3c: {  	p2 =	seq.s32 s10, $0x1;
	s10 =	sld [smem:$0x3FB6]  }
0x3d: {  	_ =	shalt  }
0x3e: {  	_ =	shalt  }
0x3f: {  	_ =	shalt  }
0x40: {  	_ =	shalt  }
0x41: {  	_ =	shalt  }
0x42: {  	_ =	shalt  }
0x43: {  	_ =	shalt  }
0x44: {  	_ =	shalt  }
0x45: {  	_ =	shalt  }
0x46: {  	_ =	shalt  }
0x47: {  	_ =	shalt  }
0x48: {  	_ =	shalt  }
0x49: {  	_ =	shalt  }
0x4a: {  	_ =	shalt  }
0x4b: {  	_ =	shalt  }
0x4c: {  	_ =	shalt  }
0x4d: {  	_ =	shalt  }
0x4e: {  	_ =	shalt  }
0x4f: {  	_ =	shalt  }
0x50: {  	_ =	shalt  }
0x51: {  	_ =	shalt  }
0x52: {  	_ =	shalt  }
0x53: {  	_ =	shalt  }
0x54: {  	_ =	shalt  }
0x55: {  	_ =	shalt  }
0x56: {  	_ =	shalt  }
0x57: {  	_ =	shalt  }
0x58: {  	_ =	shalt  }
0x59: {  	_ =	shalt  }
0x5a: {  	_ =	shalt  }
0x5b: {  	_ =	shalt  }
0x5c: {  	_ =	shalt  }
0x5d: {  	_ =	shalt  }
0x5e: {  	_ =	shalt  }
0x5f: {  	_ =	shalt  }
0x60: {  	_ =	shalt  }
0x61: {  	_ =	shalt  }
0x62: {  	_ =	shalt  }
0x63: {  	_ =	shalt  }
0x64: {  	_ =	shalt  }
0x65: {  	_ =	shalt  }
0x66: {  	_ =	shalt  }
0x67: {  	_ =	shalt  }
0x68: {  	_ =	shalt  }
0x69: {  	_ =	shalt  }
0x6a: {  	_ =	shalt  }
0x6b: {  	_ =	shalt  }
0x6c: {  	_ =	shalt  }
0x6d: {  	_ =	shalt  }
0x6e: {  	_ =	shalt  }
0x6f: {  	_ =	shalt  }
0x70: {  	_ =	shalt  }
0x71: {  	_ =	shalt  }
0x72: {  	_ =	shalt  }
0x73: {  	_ =	shalt  }
0x74: {  	_ =	shalt  }
0x75: {  	_ =	shalt  }
0x76: {  	_ =	shalt  }
0x77: {  	_ =	shalt  }
0x78: {  	_ =	shalt  }
0x79: {  	_ =	shalt  }
0x7a: {  	_ =	shalt  }
0x7b: {  	_ =	shalt  }
0x7c: {  	_ =	shalt  }
0x7d: {  	_ =	shalt  }
0x7e: {  	_ =	shalt  }
0x7f: {  	_ =	shalt  }
0x80: {  	_ =	shalt  }
0x81: {  	_ =	shalt  }
0x82: {  	_ =	shalt  }
0x83: {  	_ =	shalt  }
0x84: {  	_ =	shalt  }
0x85: {  	_ =	shalt  }
0x86: {  	_ =	shalt  }
0x87: {  	_ =	shalt  }
.Lfunc_end0:
.L_simem_size_0:
called_computation.2_lowered:
.L_overlay_start_0:
0x88: {  	s2 =	sld [smem:$0x3FD9]  }
0x89: {  	s3 =	sld [smem:$0x3FFE];
	_ =	sdelay $0x1  }
0x8a: {  	s1 =	srdreg.scid  }
0x8b: {  	s0 =	sand.u32 $0x1, s1  }
0x8c: {  	s17 =	sshll.u32 s0, $0xA;
	s2 =	sadd.s32 s3, s2  }
0x8d: {  	s2 =	sadd.s32 s2, s17  }
0x8e: {  	[smem:$0x3FC2] =	sst s2  }
0x8f: {  	_ = 	snop  }
0x90: {  	s2 =	sld [smem:$0x3FD0];
	(tm) =	ssettm $0x1  }
0x91: {  	s18 =	sld [smem:$0x3FFB];
	_ =	sdelay $0x3  }
0x92: {  	_ =	strace s18  }
0x93: {  	s3 =	sld [smem:$0x3FFC];
	_ =	sdelay $0x3  }
0x94: {  	_ =	strace s3  }
0x95: {  	s3 =	sld [smem:$0x3FFD];
	_ =	sdelay $0x3  }
0x96: {  	_ =	strace s3  }
0x97: {  	_ =	strace $0x8FFFFFFF  }
0x98: {  	s19 =	sld [smem:$0x3FDB];
	_ =	sdelay $0x1  }
0x99: {  	s4 =	simm.s32 $_scs_section_size  }
0x9a: {  	s5 =	simm.s32 $_size__tile_overlayer_lowered;
	s6 =	simm.s32 $_tile_overlayer_lowered  }
0x9b: {  	s22 =	simm.s32 $0x1BFF;
	s21 =	sshll.u32 s6, $0x1;
	s3 =	sadd.s32 s4, s19  }
0x9c: {  	s7 =	simm.s32 $0x0;
	s20 =	sshll.u32 s5, $0x1;
	s5 =	sadd.s32 s21, s3  }
0x9d: {  	[timem:s7], [sflag:s22] =	dma.local [hbm:s5], s20  }
0x9e: {  	_ =	swait.ge [sflag:s22], s20  }
0x9f: {  	s4 =	ssub.s32 $0x0, s20;
	[sflag:s22] =	ssyncset.done $0x0  }
0xa0: {  	[sflag:s22] =	ssyncadd.s32 s4;
	_ =	sdelay $0x1  }
0xa1: {  	s23 =	simm.s32 $0x1B8B  }
0xa2: {  	_ =	swait.ge [sflag:s23], $0x1  }
0xa3: {  	[sflag:s23] =	ssyncset.done $0x0  }
0xa4: {  	s25 =	simm.s32 $0x1B8E;
	s24 =	sld [smem:$0x3FFE];
	[sflag:s23] =	ssyncadd.s32 $0xFFFFFFFF  }
0xa5: {  	s26 =	simm.s32 $execute0_lowered;
	[smem:$0x3FD2] =	sst s25  }
0xa6: {  	s5 =	sshll.u32 s26, $0x1;
	_ =	strace $0x8000004C;
	[dreg:$0x1] =	wrdreg $0xFFFFFFFF  }
0xa7: {  	s28 =	simm.s32 $_size_execute0_lowered;
	s3 =	sadd.s32 s3, s5;
	[dreg:$0x0] =	wrdreg $0x0  }
0xa8: {  	s5 =	sshll.u32 s28, $0x1;
	[dreg:$0x2] =	wrdreg s3  }
0xa9: {  	[dreg:$0x3] =	wrdreg s5  }
0xaa: {  	[dreg:$0x4] =	wrdreg $0xC0  }
0xab: {  	_ =	task [dreg:s7], $0x5FFFF  }
0xac: {  	[dreg:$0x1] =	wrdreg $0xFFFFFFFF  }
0xad: {  	[dreg:$0x0] =	wrdreg $0x60  }
0xae: {  	[dreg:$0x2] =	wrdreg s2  }
0xaf: {  	[dreg:$0x3] =	wrdreg s24  }
0xb0: {  	[dreg:$0x4] =	wrdreg $0xA8000  }
0xb1: {  	[dreg:$0x5] =	wrdreg $0x9  }
0xb2: {  	_ =	task.clear_ibuf [dreg:s7], $0x6FFFF;
	_ =	strace $0x9000004C  }
0xb3: {  	s29 =	simm.s32 $0x9;
	_ =	strace $0x8000004E  }
0xb4: {  	_ =	swait.ge [sflag:s29], $0x1  }
0xb5: {  	[sflag:s29] =	ssyncadd.s32 $0xFFFFFFFF  }
0xb6: {  	_ =	strace $0x9000004E  }
0xb7: {  	_ =	sfence  }
0xb8: {  	s30 =	sld [smem:$0x0];
	_ =	sdelay $0x2  }
0xb9: {  	s31 =	sshll.u32 s1, $0xD;
	s1 =	sshrl.u32 s1, $0x2  }
0xba: {  	s3 =	sand.u32 $0x4000, s31;
	s1 =	sadd.s32 s1, s30  }
0xbb: {  	s0 =	sor.u32 s3, s0;
	s1 =	sshll.u32 s1, $0x11  }
0xbc: {  	s0 =	sor.u32 s1, s0  }
0xbd: {  	s0 =	sadd.s32 $0x8F2B, s0  }
0xbe: {  	[sflag:s0] =	ssyncadd.remote.s32 $0x1  }
0xbf: {  	_ =	sfence.sel $0xFFFF  }
0xc0: {  	[dreg:$0x0] =	wrdreg $0xFFFFFFFF;
	(pc) =	sbr.abs _section_cstart, $3  }
0xc1: {  	[dreg:$0x1] =	wrdreg $0xFFFFFFFF  }
0xc2: {  	_ =	task.clear_ibuf [dreg:s7], $0x2FFFF;
	_ =	strace $0x9FFFFFFF  }
0xc3: {  	(tm) =	ssettm $0x7FFFFFFF  }
tec
execute0_lowered:
.L_overlay_start_1:
0x0: {  	(tag) =	ssettag $0x1  }
0x1: {  	s0 =	srdreg.scid  }
0x2: {  	s3 =	rddreg [dreg:$0x0];
	s9 =	stileid.u32  }
0x3: {  	s2 =	rddreg [dreg:$0x1];
	s6 =	smul.u32 $0x14000, s9  }
0x4: {  	s19 =	rddreg [dreg:$0x2];
	s4 =	simm.s32 $0x0;
	s26 =	smul.u32 $0x50000, s9  }
0x5: {  	s5 =	sand.u32 $0x1, s0;
	[smem:$0x7FF] =	sst s4;
	s15 =	smul.u32 $0x2710, s9  }
0x6: {  	s28 =	sadd.s32 $0x3600, s2;
	s0 =	smul.u32 $0x140000, s5;
	_ =	strace $0x8000004D  }
0x7: {  	s1 =	ssub.s32 $0x2, s5;
	s7 =	sshll.u32 s5, $0x4;
	s5 =	smul.u32 $0x27100, s5  }
0x8: {  	[dreg:$0x13] =	wrdreg s28;
	s8 =	sshrl.u32 s1, $0x1;
	s7 =	sor.u32 s9, s7  }
0x9: {  	s0 =	sadd.s32 s6, s0;
	s6 =	sshrl.u32 s26, $0x2;
	s10 =	smul.u32 $0x2710, s7  }
0xa: {  	s5 =	sadd.s32 s15, s5;
	s0 =	sshrl.u32 s0, $0x3;
	s25 =	sadd.s32 s6, s19  }
0xb: {  	s23 =	sadd.s32 $0x4B0, s5;
	s11 =	sadd.s32 $0x2800, s25;
	[dreg:$0x14] =	wrdreg s25  }
0xc: {  	s26 =	sadd.s32 $0x4E6B0, s5;
	s12 =	sadd.s32 $0x5000, s25;
	[dreg:$0x15] =	wrdreg s11  }
0xd: {  	s0 =	sadd.s32 s0, s2;
	s13 =	sadd.s32 $0x7800, s25;
	[dreg:$0x16] =	wrdreg s12  }
0xe: {  	s2 =	ssub.s32 s1, s8;
	s14 =	sadd.s32 $0xA000, s25;
	[dreg:$0x17] =	wrdreg s13  }
0xf: {  	s6 =	sshrl.u32 s10, $0x3;
	s16 =	sadd.s32 $0xC800, s25;
	[dreg:$0x18] =	wrdreg s14  }
0x10: {  	s17 =	sadd.s32 $0xF000, s25;
	s18 =	sadd.s32 $0x11800, s25;
	[dreg:$0x19] =	wrdreg s16  }
0x11: {  	s7 =	sshrl.u32 s26, $0x3;
	s1 =	sadd.s32 $0x460, s5;
	[dreg:$0x1a] =	wrdreg s17  }
0x12: {  	s9 =	sadd.s32 s28, s6;
	[dreg:$0x1c] =	wrdreg s18;
	s7 =	sadd.s32 s7, s28  }
0x13: {  	s6 =	sshrl.u32 s23, $0x3;
	s0 =	sadd.s32 $0x17000, s0;
	[dreg:$0x5] =	wrdreg s7  }
0x14: {  	s8 =	sshrl.u32 s1, $0x3;
	s2 =	smax.u32 s2, $0x1;
	[smem:$0x7EA] =	sst s0  }
0x15: {  	s11 =	sadd.s32 $0x4E660, s5;
	s13 =	sadd.s32 $0x410, s5;
	[smem:$0x7EB] =	sst s2  }
0x16: {  	s14 =	sadd.s32 $0x4E610, s5;
	s20 =	sadd.s32 $0x9C40, s9;
	[dreg:$0x1b] =	wrdreg s9  }
0x17: {  	s18 =	sadd.s32 $0x3C0, s5;
	s21 =	sadd.s32 $0xA, s9;
	[dreg:$0x1d] =	wrdreg s20  }
0x18: {  	s1 =	sadd.s32 $0x4E570, s5;
	s22 =	sadd.s32 $0x9C4A, s9;
	[dreg:$0x1e] =	wrdreg s21  }
0x19: {  	s24 =	sadd.s32 $0x14, s9;
	s6 =	sadd.s32 s6, s28;
	[dreg:$0x1f] =	wrdreg s22  }
0x1a: {  	s10 =	sadd.s32 s8, s28;
	s12 =	sshrl.u32 s11, $0x3;
	[smem:$0x7E5] =	sst s24  }
0x1b: {  	s7 =	sshrl.u32 s13, $0x3;
	s16 =	sshrl.u32 s14, $0x3;
	[dreg:$0x4] =	wrdreg s6  }
0x1c: {  	s8 =	sshrl.u32 s1, $0x3;
	s1 =	sadd.s32 $0x28, s9;
	[dreg:$0x6] =	wrdreg s10  }
0x1d: {  	s11 =	sadd.s32 $0x4E520, s5;
	s6 =	sadd.s32 s12, s28;
	[smem:$0x7E9] =	sst s1  }
0x1e: {  	s15 =	sadd.s32 s7, s28;
	s17 =	sadd.s32 s16, s28;
	[dreg:$0x7] =	wrdreg s6  }
0x1f: {  	s20 =	sshrl.u32 s18, $0x3;
	s21 =	sadd.s32 $0x4E5C0, s5;
	[dreg:$0x8] =	wrdreg s15  }
0x20: {  	s13 =	sshrl.u32 s11, $0x3;
	s11 =	sadd.s32 $0x3C, s9;
	[dreg:$0x9] =	wrdreg s17  }
0x21: {  	s22 =	sadd.s32 $0x370, s5;
	s6 =	sadd.s32 s20, s28;
	[smem:$0x7F0] =	sst s11  }
0x22: {  	s18 =	sadd.s32 $0x4E480, s5;
	s14 =	sadd.s32 s13, s28;
	[dreg:$0xa] =	wrdreg s6  }
0x23: {  	s24 =	sshrl.u32 s22, $0x3;
	s22 =	sadd.s32 $0x9C54, s9;
	[dreg:$0xf] =	wrdreg s14  }
0x24: {  	s7 =	sshrl.u32 s21, $0x3;
	s13 =	sadd.s32 $0x46, s9;
	[smem:$0x7E6] =	sst s22  }
0x25: {  	s21 =	sshrl.u32 s18, $0x3;
	s18 =	sadd.s32 $0xA0FA, s9;
	[smem:$0x7F2] =	sst s13  }
0x26: {  	s23 =	sadd.s32 s7, s28;
	[smem:$0x7F7] =	sst s18  }
0x27: {  	s26 =	sadd.s32 s24, s28;
	[dreg:$0xb] =	wrdreg s23  }
0x28: {  	s6 =	sadd.s32 s8, s28;
	[dreg:$0xc] =	wrdreg s26  }
0x29: {  	s24 =	sadd.s32 $0x1E, s9;
	[dreg:$0xd] =	wrdreg s6  }
0x2a: {  	s10 =	sadd.s32 $0x320, s5;
	s8 =	sadd.s32 $0x32, s9;
	[smem:$0x7E7] =	sst s24  }
0x2b: {  	s7 =	sshrl.u32 s10, $0x3;
	s10 =	sadd.s32 $0x9C72, s9;
	[smem:$0x7EE] =	sst s8  }
0x2c: {  	s15 =	sadd.s32 $0x2D0, s5;
	s14 =	sadd.s32 $0x9C86, s9;
	[smem:$0x7EF] =	sst s10  }
0x2d: {  	s16 =	sshrl.u32 s15, $0x3;
	s15 =	sadd.s32 $0x4B0, s9;
	[smem:$0x7F3] =	sst s14  }
0x2e: {  	s22 =	sadd.s32 $0x4CE, s9;
	[smem:$0x7F4] =	sst s15  }
0x2f: {  	s30 =	simm.s32 $0xA080;
	s12 =	sadd.s32 s7, s28;
	[smem:$0x7FA] =	sst s22  }
0x30: {  	s31 =	simm.s32 $0x1;
	s6 =	sadd.s32 s16, s28;
	[dreg:$0xe] =	wrdreg s12  }
0x31: {  	s29 =	simm.s32 $0x0;
	s26 =	sadd.s32 $0x9C5E, s9;
	[dreg:$0x10] =	wrdreg s6  }
0x32: {  	s0 =	simm.s32 $0x9;
	s23 =	sadd.s32 s21, s28;
	[smem:$0x7E8] =	sst s26  }
0x33: {  	s17 =	sadd.s32 $0x4E4D0, s5;
	s16 =	sadd.s32 $0xA0F0, s9;
	[dreg:$0x12] =	wrdreg s23  }
0x34: {  	s7 =	sshrl.u32 s17, $0x3;
	s17 =	sadd.s32 $0x4BA, s9;
	[smem:$0x7F5] =	sst s16  }
0x35: {  	s2 =	simm.s32 $0x50;
	s21 =	sadd.s32 $0xA104, s9;
	[smem:$0x7F6] =	sst s17  }
0x36: {  	s11 =	simm.s32 $0xB;
	s24 =	sadd.s32 $0x4D8, s9;
	[smem:$0x7F9] =	sst s21  }
0x37: {  	s13 =	simm.s32 $0xE;
	s20 =	sadd.s32 s7, s28;
	[smem:$0x7FC] =	sst s24  }
0x38: {  	s8 =	simm.s32 $0xA;
	s6 =	sadd.s32 $0x280, s5;
	[dreg:$0x11] =	wrdreg s20  }
0x39: {  	s22 =	simm.s32 $0x4;
	s7 =	sadd.s32 $0x9C68, s9;
	[smem:$0x7EC] =	sst s6  }
0x3a: {  	s12 =	sadd.s32 $0x9C7C, s9;
	s23 =	sadd.s32 $0xA10E, s9;
	[smem:$0x7ED] =	sst s7  }
0x3b: {  	s26 =	sadd.s32 $0xA118, s9;
	s21 =	simm.s32 $0xA400;
	[smem:$0x7F1] =	sst s12  }
0x3c: {  	s16 =	simm.s32 $0x2;
	s17 =	simm.s32 $0x5;
	[smem:$0x7FB] =	sst s23  }
0x3d: {  	s20 =	sadd.s32 $0x4C4, s9;
	[smem:$0x7FD] =	sst s26;
	s7 =	simm.s32 $0x2800  }
0x3e: {  	s9 =	simm.s32 $0x5000;
	s12 =	simm.s32 $0xC;
	s23 =	simm.s32 $0x7  }
0x3f: {  	v0 =	vimm.f32 $0.0e+00;
	s26 =	simm.s32 $0x10;
	[smem:$0x7F8] =	sst s20;
	s20 =	simm.s32 $0xA000  }
.LBB2_1:
0x40: {  	[smem:$0x7E4] =	sst s29;
	s14 =	simm.s32 $0x0;
	s29 =	simm.s32 $0x200  }
.LBB2_2:
0x41: {  	p0 =	sne.s32 s29, $0x9E00;
	[tilespmem:s14+$0x7870] =	vst v0  }
0x42: {  	[tilespmem:s14+$0x7800] =	vst v0  }
0x43: {  	[tilespmem:s14+$0x7810] =	vst v0  }
.Ltmp0:
0x44: {  	[tilespmem:s14+$0x7820] =	vst v0;
	(pc) =	sbr.rel @p0 .LBB2_2-.Ltmp0, $4  }
0x45: {  	[tilespmem:s14+$0x7830] =	vst v0  }
0x46: {  	[tilespmem:s14+$0x7840] =	vst v0  }
0x47: {  	[tilespmem:s14+$0x7850] =	vst v0  }
0x48: {  	[tilespmem:s14+$0x7860] =	vst v0;
	s14 =	sshra.s32 s29, $0x2;
	s29 =	sadd.s32 $0x200, s29  }
0x49: {  	[tilespmem:s14+$0x7870] =	vst v0  }
0x4a: {  	[tilespmem:s14+$0x7800] =	vst v0  }
0x4b: {  	[tilespmem:s14+$0x7810] =	vst v0  }
0x4c: {  	[tilespmem:s14+$0x7820] =	vst v0  }
0x4d: {  	[tilespmem:s14+$0x7830] =	vst v0  }
0x4e: {  	[tilespmem:s14+$0x7840] =	vst v0  }
0x4f: {  	[tilespmem:s14+$0x7850] =	vst v0  }
0x50: {  	[tilespmem:s14+$0x7860] =	vst v0;
	s18 =	simm.s32 $0x7800;
	s6 =	rddreg [dreg:$0x15]  }
0x51: {  	[spmem:s25] =	stream.linear.scatter [tilespmem:s18], [sflag:$0x11], $0x2800, $0x38;
	[tilespmem:$0x1E800] =	vst v63  }
0x52: {  	s5 =	rddreg [dreg:$0x16]  }
0x53: {  	[spmem:s6] =	stream.linear.scatter [tilespmem:s18], [sflag:$0x11], $0x2800, $0x38;
	[tilespmem:$0x1E800] =	vst v63  }
0x54: {  	s10 =	rddreg [dreg:$0x17]  }
0x55: {  	[spmem:s5] =	stream.linear.scatter [tilespmem:s18], [sflag:$0x11], $0x2800, $0x38;
	[tilespmem:$0x1E800] =	vst v63  }
0x56: {  	s14 =	rddreg [dreg:$0x18]  }
0x57: {  	[spmem:s10] =	stream.linear.scatter [tilespmem:s18], [sflag:$0x11], $0x2800, $0x38;
	[tilespmem:$0x1E800] =	vst v63  }
0x58: {  	s15 =	rddreg [dreg:$0x19]  }
0x59: {  	[spmem:s14] =	stream.linear.scatter [tilespmem:s18], [sflag:$0x11], $0x2800, $0x38;
	[tilespmem:$0x1E800] =	vst v63  }
0x5a: {  	s24 =	rddreg [dreg:$0x1a]  }
0x5b: {  	[spmem:s15] =	stream.linear.scatter [tilespmem:s18], [sflag:$0x11], $0x2800, $0x38;
	[tilespmem:$0x1E800] =	vst v63  }
0x5c: {  	s1 =	rddreg [dreg:$0x1b]  }
0x5d: {  	[spmem:s24] =	stream.linear.scatter [tilespmem:s18], [sflag:$0x11], $0x2800, $0x38;
	[tilespmem:$0x1E800] =	vst v63  }
0x5e: {  	s25 =	rddreg [dreg:$0x1c]  }
0x5f: {  	[spmem:s25] =	stream.linear.scatter [tilespmem:s18], [sflag:$0x11], $0x2800, $0x38;
	[tilespmem:$0x1E800] =	vst v63  }
0x60: {  	s5 =	rddreg [dreg:$0x1d];
	s14 =	simm.s32 $0x0  }
0x61: {  	[tilespmem:s20], [sflag:$0x9] =	stream.linear.gather [hbm4b:s1+s14], $0x50, $0x38;
	[tilespmem:$0x1E800] =	vst v63  }
0x62: {  	s10 =	rddreg [dreg:$0x1e]  }
0x63: {  	[tilespmem:s21], [sflag:$0x9] =	stream.linear.gather [hbm4b:s5+s14], $0x50, $0x38;
	[tilespmem:$0x1E800] =	vst v63  }
0x64: {  	s15 =	rddreg [dreg:$0x1f]  }
0x65: {  	[tilespmem:s30], [sflag:$0xA] =	stream.linear.gather [hbm4b:s10+s14], $0x50, $0x38;
	[tilespmem:$0x1E800] =	vst v63  }
0x66: {  	s24 =	sld [smem:$0x7E5];
	s1 =	simm.s32 $0xA480  }
0x67: {  	[tilespmem:s1], [sflag:$0xA] =	stream.linear.gather [hbm4b:s15+s14], $0x50, $0x38;
	[tilespmem:$0x1E800] =	vst v63  }
0x68: {  	s25 =	simm.s32 $0xA100;
	s1 =	sld [smem:$0x7E6]  }
0x69: {  	[tilespmem:s25], [sflag:$0xB] =	stream.linear.gather [hbm4b:s24+s14], $0x50, $0x38;
	[tilespmem:$0x1E800] =	vst v63  }
0x6a: {  	s10 =	simm.s32 $0xA500;
	s15 =	sld [smem:$0x7E7]  }
0x6b: {  	[tilespmem:s10], [sflag:$0xB] =	stream.linear.gather [hbm4b:s1+s14], $0x50, $0x38;
	[tilespmem:$0x1E800] =	vst v63  }
0x6c: {  	s25 =	simm.s32 $0xA180;
	s10 =	sld [smem:$0x7E8]  }
0x6d: {  	[tilespmem:s25], [sflag:$0xC] =	stream.linear.gather [hbm4b:s15+s14], $0x50, $0x38;
	[tilespmem:$0x1E800] =	vst v63  }
0x6e: {  	s1 =	sld [smem:$0x7E9];
	s25 =	simm.s32 $0xA580  }
0x6f: {  	[tilespmem:s25], [sflag:$0xC] =	stream.linear.gather [hbm4b:s10+s14], $0x50, $0x38;
	[tilespmem:$0x1E800] =	vst v63  }
0x70: {  	s10 =	simm.s32 $0xA200;
	s25 =	sld [smem:$0x7ED]  }
0x71: {  	[tilespmem:s10], [sflag:$0xD] =	stream.linear.gather [hbm4b:s1+s14], $0x50, $0x38;
	[tilespmem:$0x1E800] =	vst v63  }
0x72: {  	s10 =	simm.s32 $0xA600  }
0x73: {  	[tilespmem:s10], [sflag:$0xD] =	stream.linear.gather [hbm4b:s25+s14], $0x50, $0x38;
	[tilespmem:$0x1E800] =	vst v63  }
0x74: {  	_ =	swait.ge [sflag:s0], $0x50  }
0x75: {  	[sflag:s0] =	ssyncset.done $0x0  }
0x76: {  	[sflag:s0] =	ssyncadd.s32 $0xFFFFFFB0  }
0x77: {  	_ =	swait.ge [sflag:s0], $0x50  }
0x78: {  	[sflag:s0] =	ssyncset.done $0x0  }
0x79: {  	[sflag:s0] =	ssyncadd.s32 $0xFFFFFFB0  }
0x7a: {  	[tilespmem:s14], [sflag:$0x1] =	stream.indirect.gather [hbm4b:s3+s2], $0x80, s20, s2, $0xb8;
	[tilespmem:$0x1E800] =	vst v63  }
0x7b: {  	_ =	swait.ge [sflag:s8], $0x50  }
0x7c: {  	[sflag:s8] =	ssyncset.done $0x0  }
0x7d: {  	[sflag:s8] =	ssyncadd.s32 $0xFFFFFFB0  }
0x7e: {  	_ =	swait.ge [sflag:s8], $0x50  }
0x7f: {  	[sflag:s8] =	ssyncset.done $0x0  }
0x80: {  	[sflag:s8] =	ssyncadd.s32 $0xFFFFFFB0  }
0x81: {  	[tilespmem:s7], [sflag:$0x2] =	stream.indirect.gather [hbm4b:s3+s2], $0x80, s30, s2, $0xb8;
	[tilespmem:$0x1E800] =	vst v63  }
0x82: {  	_ =	swait.ge [sflag:s11], $0x50  }
0x83: {  	[sflag:s11] =	ssyncset.done $0x0  }
0x84: {  	[sflag:s11] =	ssyncadd.s32 $0xFFFFFFB0  }
0x85: {  	_ =	swait.ge [sflag:s11], $0x50  }
0x86: {  	[sflag:s11] =	ssyncset.done $0x0  }
0x87: {  	s24 =	simm.s32 $0xA100;
	[sflag:s11] =	ssyncadd.s32 $0xFFFFFFB0  }
0x88: {  	[tilespmem:s9], [sflag:$0x3] =	stream.indirect.gather [hbm4b:s3+s2], $0x80, s24, s2, $0xb8;
	[tilespmem:$0x1E800] =	vst v63  }
0x89: {  	s24 =	simm.s32 $0x11  }
0x8a: {  	_ =	swait.ge [sflag:s24], $0x2800  }
0x8b: {  	[sflag:s24] =	ssyncset.done $0x0  }
0x8c: {  	[sflag:s24] =	ssyncadd.s32 $0xFFFFD800  }
0x8d: {  	_ =	swait.ge [sflag:s24], $0x2800  }
0x8e: {  	[sflag:s24] =	ssyncset.done $0x0  }
0x8f: {  	[sflag:s24] =	ssyncadd.s32 $0xFFFFD800  }
0x90: {  	_ =	swait.ge [sflag:s24], $0x2800  }
0x91: {  	[sflag:s24] =	ssyncset.done $0x0  }
0x92: {  	[sflag:s24] =	ssyncadd.s32 $0xFFFFD800  }
0x93: {  	_ =	swait.ge [sflag:s24], $0x2800  }
0x94: {  	[sflag:s24] =	ssyncset.done $0x0  }
0x95: {  	[sflag:s24] =	ssyncadd.s32 $0xFFFFD800  }
0x96: {  	_ =	swait.ge [sflag:s24], $0x2800  }
0x97: {  	[sflag:s24] =	ssyncset.done $0x0  }
0x98: {  	[sflag:s24] =	ssyncadd.s32 $0xFFFFD800  }
0x99: {  	_ =	swait.ge [sflag:s24], $0x2800  }
0x9a: {  	[sflag:s24] =	ssyncset.done $0x0  }
0x9b: {  	[sflag:s24] =	ssyncadd.s32 $0xFFFFD800  }
0x9c: {  	_ =	swait.ge [sflag:s24], $0x2800  }
0x9d: {  	[sflag:s24] =	ssyncset.done $0x0  }
0x9e: {  	[sflag:s24] =	ssyncadd.s32 $0xFFFFD800  }
0x9f: {  	_ =	swait.ge [sflag:s24], $0x2800  }
0xa0: {  	[sflag:s24] =	ssyncset.done $0x0  }
0xa1: {  	[sflag:s24] =	ssyncadd.s32 $0xFFFFD800  }
0xa2: {  	[bflag:$0x0] =	sbarrier.arrive $0xFFFF  }
0xa3: {  	_ =	swait.ge [sflag:s31], $0x2800  }
0xa4: {  	[sflag:s31] =	ssyncset.done $0x0  }
0xa5: {  	[sflag:s31] =	ssyncadd.s32 $0xFFFFD800  }
0xa6: {  	[spmem:s19] =	stream.indirect.scatter.add.f32 [tilespmem:s14], [sflag:$0x5], $0x80, s21, s2, $0xb8;
	[tilespmem:$0x1E800] =	vst v63  }
0xa7: {  	_ =	swait.ge [sflag:s12], $0x50  }
0xa8: {  	[sflag:s12] =	ssyncset.done $0x0  }
0xa9: {  	[sflag:s12] =	ssyncadd.s32 $0xFFFFFFB0  }
0xaa: {  	_ =	swait.ge [sflag:s12], $0x50  }
0xab: {  	[sflag:s12] =	ssyncset.done $0x0  }
0xac: {  	s15 =	simm.s32 $0xA180;
	s25 =	sld [smem:$0x7EE];
	[sflag:s12] =	ssyncadd.s32 $0xFFFFFFB0  }
0xad: {  	[tilespmem:s18], [sflag:$0x4] =	stream.indirect.gather [hbm4b:s3+s2], $0x80, s15, s2, $0xb8;
	[tilespmem:$0x1E800] =	vst v63  }
0xae: {  	s10 =	simm.s32 $0xA280;
	s24 =	sld [smem:$0x7EF]  }
0xaf: {  	[tilespmem:s10], [sflag:$0xE] =	stream.linear.gather [hbm4b:s25+s14], $0x50, $0x38;
	[tilespmem:$0x1E800] =	vst v63  }
0xb0: {  	s10 =	simm.s32 $0xA680  }
0xb1: {  	[tilespmem:s10], [sflag:$0xE] =	stream.linear.gather [hbm4b:s24+s14], $0x50, $0x38;
	[tilespmem:$0x1E800] =	vst v63  }
0xb2: {  	_ =	swait.ge [sflag:s16], $0x2800  }
0xb3: {  	[sflag:s16] =	ssyncset.done $0x0  }
0xb4: {  	s5 =	simm.s32 $0xA480;
	[sflag:s16] =	ssyncadd.s32 $0xFFFFD800  }
0xb5: {  	[spmem:s19] =	stream.indirect.scatter.add.f32 [tilespmem:s7], [sflag:$0x6], $0x80, s5, s2, $0xb8;
	[tilespmem:$0x1E800] =	vst v63  }
0xb6: {  	_ =	swait.ge [sflag:s17], $0x2800  }
0xb7: {  	[sflag:s17] =	ssyncset.done $0x0  }
0xb8: {  	s24 =	simm.s32 $0xD;
	[sflag:s17] =	ssyncadd.s32 $0xFFFFD800  }
0xb9: {  	_ =	swait.ge [sflag:s24], $0x50  }
0xba: {  	[sflag:s24] =	ssyncset.done $0x0  }
0xbb: {  	[sflag:s24] =	ssyncadd.s32 $0xFFFFFFB0  }
0xbc: {  	_ =	swait.ge [sflag:s24], $0x50  }
0xbd: {  	[sflag:s24] =	ssyncset.done $0x0  }
0xbe: {  	s1 =	simm.s32 $0xA200;
	s10 =	sld [smem:$0x7F0];
	[sflag:s24] =	ssyncadd.s32 $0xFFFFFFB0  }
0xbf: {  	[tilespmem:s14], [sflag:$0x1] =	stream.indirect.gather [hbm4b:s3+s2], $0x80, s1, s2, $0xb8;
	[tilespmem:$0x1E800] =	vst v63  }
0xc0: {  	s15 =	simm.s32 $0xA300;
	s5 =	sld [smem:$0x7F1]  }
0xc1: {  	[tilespmem:s15], [sflag:$0xF] =	stream.linear.gather [hbm4b:s10+s14], $0x50, $0x38;
	[tilespmem:$0x1E800] =	vst v63  }
0xc2: {  	s15 =	simm.s32 $0xA700  }
0xc3: {  	[tilespmem:s15], [sflag:$0xF] =	stream.linear.gather [hbm4b:s5+s14], $0x50, $0x38;
	[tilespmem:$0x1E800] =	vst v63  }
0xc4: {  	s5 =	simm.s32 $0x3  }
0xc5: {  	_ =	swait.ge [sflag:s5], $0x2800  }
0xc6: {  	[sflag:s5] =	ssyncset.done $0x0  }
0xc7: {  	s29 =	simm.s32 $0xA500;
	s15 =	simm.s32 $0x6;
	[sflag:s5] =	ssyncadd.s32 $0xFFFFD800  }
0xc8: {  	[spmem:s19] =	stream.indirect.scatter.add.f32 [tilespmem:s9], [sflag:$0x7], $0x80, s29, s2, $0xb8;
	[tilespmem:$0x1E800] =	vst v63  }
0xc9: {  	_ =	swait.ge [sflag:s15], $0x2800  }
0xca: {  	[sflag:s15] =	ssyncset.done $0x0  }
0xcb: {  	[sflag:s15] =	ssyncadd.s32 $0xFFFFD800  }
0xcc: {  	_ =	swait.ge [sflag:s13], $0x50  }
0xcd: {  	[sflag:s13] =	ssyncset.done $0x0  }
0xce: {  	[sflag:s13] =	ssyncadd.s32 $0xFFFFFFB0  }
0xcf: {  	_ =	swait.ge [sflag:s13], $0x50  }
0xd0: {  	[sflag:s13] =	ssyncset.done $0x0  }
0xd1: {  	s25 =	simm.s32 $0xA280;
	s1 =	sld [smem:$0x7F2];
	[sflag:s13] =	ssyncadd.s32 $0xFFFFFFB0  }
0xd2: {  	[tilespmem:s7], [sflag:$0x2] =	stream.indirect.gather [hbm4b:s3+s2], $0x80, s25, s2, $0xb8;
	[tilespmem:$0x1E800] =	vst v63  }
0xd3: {  	s6 =	sld [smem:$0x7F3];
	s25 =	simm.s32 $0xA380  }
0xd4: {  	[tilespmem:s25], [sflag:$0x10] =	stream.linear.gather [hbm4b:s1+s14], $0x50, $0x38;
	[tilespmem:$0x1E800] =	vst v63  }
0xd5: {  	s25 =	simm.s32 $0xA780  }
0xd6: {  	[tilespmem:s25], [sflag:$0x10] =	stream.linear.gather [hbm4b:s6+s14], $0x50, $0x38;
	[tilespmem:$0x1E800] =	vst v63  }
0xd7: {  	_ =	swait.ge [sflag:s22], $0x2800  }
0xd8: {  	[sflag:s22] =	ssyncset.done $0x0  }
0xd9: {  	s25 =	simm.s32 $0xA580;
	[sflag:s22] =	ssyncadd.s32 $0xFFFFD800  }
0xda: {  	[spmem:s19] =	stream.indirect.scatter.add.f32 [tilespmem:s18], [sflag:$0x8], $0x80, s25, s2, $0xb8;
	[tilespmem:$0x1E800] =	vst v63  }
0xdb: {  	_ =	swait.ge [sflag:s23], $0x2800  }
0xdc: {  	[sflag:s23] =	ssyncset.done $0x0  }
0xdd: {  	s6 =	simm.s32 $0xF;
	[sflag:s23] =	ssyncadd.s32 $0xFFFFD800  }
0xde: {  	_ =	swait.ge [sflag:s6], $0x50  }
0xdf: {  	[sflag:s6] =	ssyncset.done $0x0  }
0xe0: {  	[sflag:s6] =	ssyncadd.s32 $0xFFFFFFB0  }
0xe1: {  	_ =	swait.ge [sflag:s6], $0x50  }
0xe2: {  	[sflag:s6] =	ssyncset.done $0x0;
	s25 =	sld [smem:$0x7EC]  }
0xe3: {  	s10 =	simm.s32 $0xA300;
	[sflag:s6] =	ssyncadd.s32 $0xFFFFFFB0  }
0xe4: {  	[tilespmem:s9], [sflag:$0x3] =	stream.indirect.gather [hbm4b:s3+s2], $0x80, s10, s2, $0xb8;
	[tilespmem:$0x1E800] =	vst v63  }
0xe5: {  	s14 =	sshrl.u32 s25, $0x3  }
0xe6: {  	s29 =	rddreg [dreg:$0x12];
	s14 =	sadd.s32 s28, s14  }
0xe7: {  	[tilespmem:s20], [sflag:$0x9] =	stream.linear.gather [hbm4b:s14+s4], $0x50, $0x38;
	[tilespmem:$0x1E800] =	vst v63  }
0xe8: {  	s10 =	sadd.s32 $0x0, s29  }
0xe9: {  	[tilespmem:s21], [sflag:$0x9] =	stream.linear.gather [hbm4b:s10+s4], $0x50, $0x38;
	[tilespmem:$0x1E800] =	vst v63  }
0xea: {  	_ =	swait.ge [sflag:s31], $0x2800  }
0xeb: {  	[sflag:s31] =	ssyncset.done $0x0  }
0xec: {  	s28 =	simm.s32 $0xA600;
	[sflag:s31] =	ssyncadd.s32 $0xFFFFD800  }
0xed: {  	[spmem:s19] =	stream.indirect.scatter.add.f32 [tilespmem:s4], [sflag:$0x5], $0x80, s28, s2, $0xb8;
	[tilespmem:$0x1E800] =	vst v63  }
0xee: {  	s28 =	simm.s32 $0x8  }
0xef: {  	_ =	swait.ge [sflag:s28], $0x2800  }
0xf0: {  	[sflag:s28] =	ssyncset.done $0x0  }
0xf1: {  	[sflag:s28] =	ssyncadd.s32 $0xFFFFD800  }
0xf2: {  	_ =	swait.ge [sflag:s26], $0x50  }
0xf3: {  	[sflag:s26] =	ssyncset.done $0x0  }
0xf4: {  	[sflag:s26] =	ssyncadd.s32 $0xFFFFFFB0  }
0xf5: {  	_ =	swait.ge [sflag:s26], $0x50  }
0xf6: {  	[sflag:s26] =	ssyncset.done $0x0  }
0xf7: {  	s1 =	simm.s32 $0xA380;
	s10 =	rddreg [dreg:$0x10];
	[sflag:s26] =	ssyncadd.s32 $0xFFFFFFB0  }
0xf8: {  	[tilespmem:s18], [sflag:$0x4] =	stream.indirect.gather [hbm4b:s3+s2], $0x80, s1, s2, $0xb8;
	[tilespmem:$0x1E800] =	vst v63  }
0xf9: {  	s29 =	rddreg [dreg:$0x11];
	s14 =	sadd.s32 $0x0, s10  }
0xfa: {  	[tilespmem:s30], [sflag:$0xA] =	stream.linear.gather [hbm4b:s14+s4], $0x50, $0x38;
	[tilespmem:$0x1E800] =	vst v63  }
0xfb: {  	s10 =	simm.s32 $0xA480;
	s1 =	sadd.s32 $0x0, s29  }
0xfc: {  	[tilespmem:s10], [sflag:$0xA] =	stream.linear.gather [hbm4b:s1+s4], $0x50, $0x38;
	[tilespmem:$0x1E800] =	vst v63  }
0xfd: {  	_ =	swait.ge [sflag:s16], $0x2800  }
0xfe: {  	[sflag:s16] =	ssyncset.done $0x0  }
0xff: {  	s14 =	simm.s32 $0xA680;
	[sflag:s16] =	ssyncadd.s32 $0xFFFFD800  }
0x100: {  	[spmem:s19] =	stream.indirect.scatter.add.f32 [tilespmem:s7], [sflag:$0x6], $0x80, s14, s2, $0xb8;
	[tilespmem:$0x1E800] =	vst v63  }
0x101: {  	_ =	swait.ge [sflag:s17], $0x2800  }
0x102: {  	[sflag:s17] =	ssyncset.done $0x0  }
0x103: {  	[sflag:s17] =	ssyncadd.s32 $0xFFFFD800  }
0x104: {  	_ =	swait.ge [sflag:s0], $0x50  }
0x105: {  	[sflag:s0] =	ssyncset.done $0x0  }
0x106: {  	[sflag:s0] =	ssyncadd.s32 $0xFFFFFFB0  }
0x107: {  	_ =	swait.ge [sflag:s0], $0x50  }
0x108: {  	[sflag:s0] =	ssyncset.done $0x0  }
0x109: {  	s1 =	rddreg [dreg:$0xe];
	[sflag:s0] =	ssyncadd.s32 $0xFFFFFFB0  }
0x10a: {  	[tilespmem:s4], [sflag:$0x1] =	stream.indirect.gather [hbm4b:s3+s2], $0x80, s20, s2, $0xb8;
	[tilespmem:$0x1E800] =	vst v63  }
0x10b: {  	s29 =	rddreg [dreg:$0xf];
	s14 =	sadd.s32 $0x0, s1;
	s0 =	simm.s32 $0xA100  }
0x10c: {  	[tilespmem:s0], [sflag:$0xB] =	stream.linear.gather [hbm4b:s14+s4], $0x50, $0x38;
	[tilespmem:$0x1E800] =	vst v63  }
0x10d: {  	s10 =	sadd.s32 $0x0, s29;
	s20 =	simm.s32 $0xA500  }
0x10e: {  	[tilespmem:s20], [sflag:$0xB] =	stream.linear.gather [hbm4b:s10+s4], $0x50, $0x38;
	[tilespmem:$0x1E800] =	vst v63  }
0x10f: {  	_ =	swait.ge [sflag:s5], $0x2800  }
0x110: {  	[sflag:s5] =	ssyncset.done $0x0  }
0x111: {  	s10 =	simm.s32 $0xA700;
	[sflag:s5] =	ssyncadd.s32 $0xFFFFD800  }
0x112: {  	[spmem:s19] =	stream.indirect.scatter.add.f32 [tilespmem:s9], [sflag:$0x7], $0x80, s10, s2, $0xb8;
	[tilespmem:$0x1E800] =	vst v63  }
0x113: {  	_ =	swait.ge [sflag:s15], $0x2800  }
0x114: {  	[sflag:s15] =	ssyncset.done $0x0  }
0x115: {  	[sflag:s15] =	ssyncadd.s32 $0xFFFFD800  }
0x116: {  	_ =	swait.ge [sflag:s8], $0x50  }
0x117: {  	[sflag:s8] =	ssyncset.done $0x0  }
0x118: {  	[sflag:s8] =	ssyncadd.s32 $0xFFFFFFB0  }
0x119: {  	_ =	swait.ge [sflag:s8], $0x50  }
0x11a: {  	[sflag:s8] =	ssyncset.done $0x0  }
0x11b: {  	s1 =	rddreg [dreg:$0xc];
	[sflag:s8] =	ssyncadd.s32 $0xFFFFFFB0  }
0x11c: {  	[tilespmem:s7], [sflag:$0x2] =	stream.indirect.gather [hbm4b:s3+s2], $0x80, s30, s2, $0xb8;
	[tilespmem:$0x1E800] =	vst v63  }
0x11d: {  	s29 =	rddreg [dreg:$0xd];
	s14 =	sadd.s32 $0x0, s1;
	s8 =	simm.s32 $0xA180  }
0x11e: {  	[tilespmem:s8], [sflag:$0xC] =	stream.linear.gather [hbm4b:s14+s4], $0x50, $0x38;
	[tilespmem:$0x1E800] =	vst v63  }
0x11f: {  	s1 =	simm.s32 $0xA580;
	s14 =	sadd.s32 $0x0, s29  }
0x120: {  	[tilespmem:s1], [sflag:$0xC] =	stream.linear.gather [hbm4b:s14+s4], $0x50, $0x38;
	[tilespmem:$0x1E800] =	vst v63  }
0x121: {  	_ =	swait.ge [sflag:s22], $0x2800  }
0x122: {  	[sflag:s22] =	ssyncset.done $0x0  }
0x123: {  	[sflag:s22] =	ssyncadd.s32 $0xFFFFD800;
	s22 =	simm.s32 $0xA780  }
0x124: {  	[spmem:s19] =	stream.indirect.scatter.add.f32 [tilespmem:s18], [sflag:$0x8], $0x80, s22, s2, $0xb8;
	[tilespmem:$0x1E800] =	vst v63  }
0x125: {  	_ =	swait.ge [sflag:s23], $0x2800  }
0x126: {  	[sflag:s23] =	ssyncset.done $0x0  }
0x127: {  	[sflag:s23] =	ssyncadd.s32 $0xFFFFD800  }
0x128: {  	_ =	swait.ge [sflag:s11], $0x50  }
0x129: {  	[sflag:s11] =	ssyncset.done $0x0  }
0x12a: {  	[sflag:s11] =	ssyncadd.s32 $0xFFFFFFB0  }
0x12b: {  	_ =	swait.ge [sflag:s11], $0x50  }
0x12c: {  	[sflag:s11] =	ssyncset.done $0x0  }
0x12d: {  	s1 =	rddreg [dreg:$0xa];
	[sflag:s11] =	ssyncadd.s32 $0xFFFFFFB0  }
0x12e: {  	[tilespmem:s9], [sflag:$0x3] =	stream.indirect.gather [hbm4b:s3+s2], $0x80, s0, s2, $0xb8;
	[tilespmem:$0x1E800] =	vst v63  }
0x12f: {  	s29 =	rddreg [dreg:$0xb];
	s14 =	sadd.s32 $0x0, s1;
	s0 =	simm.s32 $0xA200  }
0x130: {  	[tilespmem:s0], [sflag:$0xD] =	stream.linear.gather [hbm4b:s14+s4], $0x50, $0x38;
	[tilespmem:$0x1E800] =	vst v63  }
0x131: {  	s22 =	simm.s32 $0xA600;
	s18 =	sadd.s32 $0x0, s29  }
0x132: {  	[tilespmem:s22], [sflag:$0xD] =	stream.linear.gather [hbm4b:s18+s4], $0x50, $0x38;
	[tilespmem:$0x1E800] =	vst v63  }
0x133: {  	_ =	swait.ge [sflag:s31], $0x2800  }
0x134: {  	[sflag:s31] =	ssyncset.done $0x0  }
0x135: {  	[sflag:s31] =	ssyncadd.s32 $0xFFFFD800  }
0x136: {  	[spmem:s19] =	stream.indirect.scatter.add.f32 [tilespmem:s4], [sflag:$0x5], $0x80, s21, s2, $0xb8;
	[tilespmem:$0x1E800] =	vst v63  }
0x137: {  	_ =	swait.ge [sflag:s28], $0x2800  }
0x138: {  	[sflag:s28] =	ssyncset.done $0x0  }
0x139: {  	[sflag:s28] =	ssyncadd.s32 $0xFFFFD800  }
0x13a: {  	_ =	swait.ge [sflag:s12], $0x50  }
0x13b: {  	[sflag:s12] =	ssyncset.done $0x0  }
0x13c: {  	[sflag:s12] =	ssyncadd.s32 $0xFFFFFFB0  }
0x13d: {  	_ =	swait.ge [sflag:s12], $0x50  }
0x13e: {  	[sflag:s12] =	ssyncset.done $0x0  }
0x13f: {  	s21 =	simm.s32 $0x7800;
	s23 =	rddreg [dreg:$0x8];
	[sflag:s12] =	ssyncadd.s32 $0xFFFFFFB0  }
0x140: {  	[tilespmem:s21], [sflag:$0x4] =	stream.indirect.gather [hbm4b:s3+s2], $0x80, s8, s2, $0xb8;
	[tilespmem:$0x1E800] =	vst v63  }
0x141: {  	s28 =	simm.s32 $0xA280;
	s29 =	rddreg [dreg:$0x9];
	s14 =	sadd.s32 $0x0, s23  }
0x142: {  	[tilespmem:s28], [sflag:$0xE] =	stream.linear.gather [hbm4b:s14+s4], $0x50, $0x38;
	[tilespmem:$0x1E800] =	vst v63  }
0x143: {  	s11 =	sadd.s32 $0x0, s29;
	s12 =	simm.s32 $0xA680  }
0x144: {  	[tilespmem:s12], [sflag:$0xE] =	stream.linear.gather [hbm4b:s11+s4], $0x50, $0x38;
	[tilespmem:$0x1E800] =	vst v63  }
0x145: {  	_ =	swait.ge [sflag:s16], $0x2800  }
0x146: {  	[sflag:s16] =	ssyncset.done $0x0  }
0x147: {  	s14 =	simm.s32 $0xA480;
	[sflag:s16] =	ssyncadd.s32 $0xFFFFD800  }
0x148: {  	[spmem:s19] =	stream.indirect.scatter.add.f32 [tilespmem:s7], [sflag:$0x6], $0x80, s14, s2, $0xb8;
	[tilespmem:$0x1E800] =	vst v63  }
0x149: {  	_ =	swait.ge [sflag:s17], $0x2800  }
0x14a: {  	[sflag:s17] =	ssyncset.done $0x0  }
0x14b: {  	[sflag:s17] =	ssyncadd.s32 $0xFFFFD800  }
0x14c: {  	_ =	swait.ge [sflag:s24], $0x50  }
0x14d: {  	[sflag:s24] =	ssyncset.done $0x0  }
0x14e: {  	[sflag:s24] =	ssyncadd.s32 $0xFFFFFFB0  }
0x14f: {  	_ =	swait.ge [sflag:s24], $0x50  }
0x150: {  	[sflag:s24] =	ssyncset.done $0x0  }
0x151: {  	s18 =	rddreg [dreg:$0x6];
	[sflag:s24] =	ssyncadd.s32 $0xFFFFFFB0  }
0x152: {  	[tilespmem:s4], [sflag:$0x1] =	stream.indirect.gather [hbm4b:s3+s2], $0x80, s0, s2, $0xb8;
	[tilespmem:$0x1E800] =	vst v63  }
0x153: {  	s22 =	simm.s32 $0xA300;
	s29 =	rddreg [dreg:$0x7];
	s14 =	sadd.s32 $0x0, s18  }
0x154: {  	[tilespmem:s22], [sflag:$0xF] =	stream.linear.gather [hbm4b:s14+s4], $0x50, $0x38;
	[tilespmem:$0x1E800] =	vst v63  }
0x155: {  	s23 =	sadd.s32 $0x0, s29  }
0x156: {  	[tilespmem:s10], [sflag:$0xF] =	stream.linear.gather [hbm4b:s23+s4], $0x50, $0x38;
	[tilespmem:$0x1E800] =	vst v63  }
0x157: {  	_ =	swait.ge [sflag:s5], $0x2800  }
0x158: {  	[sflag:s5] =	ssyncset.done $0x0  }
0x159: {  	[sflag:s5] =	ssyncadd.s32 $0xFFFFD800  }
0x15a: {  	[spmem:s19] =	stream.indirect.scatter.add.f32 [tilespmem:s9], [sflag:$0x7], $0x80, s20, s2, $0xb8;
	[tilespmem:$0x1E800] =	vst v63  }
0x15b: {  	_ =	swait.ge [sflag:s15], $0x2800  }
0x15c: {  	[sflag:s15] =	ssyncset.done $0x0  }
0x15d: {  	[sflag:s15] =	ssyncadd.s32 $0xFFFFD800  }
0x15e: {  	_ =	swait.ge [sflag:s13], $0x50  }
0x15f: {  	[sflag:s13] =	ssyncset.done $0x0  }
0x160: {  	[sflag:s13] =	ssyncadd.s32 $0xFFFFFFB0  }
0x161: {  	_ =	swait.ge [sflag:s13], $0x50  }
0x162: {  	s29 =	simm.s32 $0x50;
	[sflag:s13] =	ssyncset.done $0x0  }
0x163: {  	s0 =	simm.s32 $0x9;
	s24 =	rddreg [dreg:$0x4];
	[sflag:s13] =	ssyncadd.s32 $0xFFFFFFB0  }
0x164: {  	[tilespmem:s7], [sflag:$0x2] =	stream.indirect.gather [hbm4b:s3+s2], $0x80, s28, s2, $0xb8;
	[tilespmem:$0x1E800] =	vst v63  }
0x165: {  	s30 =	rddreg [dreg:$0x5];
	s14 =	sadd.s32 $0x0, s24;
	s28 =	simm.s32 $0xA380  }
0x166: {  	[tilespmem:s28], [sflag:$0x10] =	stream.linear.gather [hbm4b:s14+s4], $0x50, $0x38;
	[tilespmem:$0x1E800] =	vst v63  }
0x167: {  	s22 =	simm.s32 $0xE;
	s14 =	sadd.s32 $0x0, s30;
	s30 =	sadd.s32 $0x280, s25  }
.LBB2_4:
0x168: {  	s1 =	simm.s32 $0xA780;
	s11 =	simm.s32 $0x4  }
0x169: {  	[tilespmem:s1], [sflag:$0x10] =	stream.linear.gather [hbm4b:s14+s4], $0x50, $0x38;
	[tilespmem:$0x1E800] =	vst v63  }
0x16a: {  	_ =	swait.ge [sflag:s11], $0x2800  }
0x16b: {  	[sflag:s11] =	ssyncset.done $0x0  }
0x16c: {  	s18 =	simm.s32 $0xA580;
	s23 =	simm.s32 $0x7;
	[sflag:s11] =	ssyncadd.s32 $0xFFFFD800  }
0x16d: {  	[spmem:s19] =	stream.indirect.scatter.add.f32 [tilespmem:s21], [sflag:$0x8], $0x80, s18, s2, $0xb8;
	[tilespmem:$0x1E800] =	vst v63  }
0x16e: {  	_ =	swait.ge [sflag:s23], $0x2800  }
0x16f: {  	[sflag:s23] =	ssyncset.done $0x0  }
0x170: {  	[sflag:s23] =	ssyncadd.s32 $0xFFFFD800  }
0x171: {  	_ =	swait.ge [sflag:s6], $0x50  }
0x172: {  	[sflag:s6] =	ssyncset.done $0x0  }
0x173: {  	[sflag:s6] =	ssyncadd.s32 $0xFFFFFFB0  }
0x174: {  	_ =	swait.ge [sflag:s6], $0x50  }
0x175: {  	s15 =	sshrl.u32 s30, $0x3;
	s5 =	simm.s32 $0xA300;
	[sflag:s6] =	ssyncset.done $0x0  }
0x176: {  	s14 =	smov.u32 s29;
	s10 =	rddreg [dreg:$0x13];
	[sflag:s6] =	ssyncadd.s32 $0xFFFFFFB0  }
0x177: {  	[tilespmem:s9], [sflag:$0x3] =	stream.indirect.gather [hbm4b:s3+s2], $0x80, s5, s2, $0xb8;
	[tilespmem:$0x1E800] =	vst v63  }
0x178: {  	s25 =	rddreg [dreg:$0x12];
	s15 =	sadd.s32 s10, s15;
	s10 =	simm.s32 $0xA000  }
0x179: {  	[tilespmem:s10], [sflag:$0x9] =	stream.linear.gather [hbm4b:s15+s4], $0x50, $0x38;
	[tilespmem:$0x1E800] =	vst v63  }
0x17a: {  	s24 =	simm.s32 $0xA400;
	s12 =	sadd.s32 s14, s25  }
0x17b: {  	[tilespmem:s24], [sflag:$0x9] =	stream.linear.gather [hbm4b:s12+s4], $0x50, $0x38;
	[tilespmem:$0x1E800] =	vst v63  }
0x17c: {  	_ =	swait.ge [sflag:s31], $0x2800  }
0x17d: {  	[sflag:s31] =	ssyncset.done $0x0  }
0x17e: {  	s21 =	simm.s32 $0xA600;
	s5 =	simm.s32 $0x8;
	[sflag:s31] =	ssyncadd.s32 $0xFFFFD800  }
0x17f: {  	[spmem:s19] =	stream.indirect.scatter.add.f32 [tilespmem:s4], [sflag:$0x5], $0x80, s21, s2, $0xb8;
	[tilespmem:$0x1E800] =	vst v63  }
0x180: {  	_ =	swait.ge [sflag:s5], $0x2800  }
0x181: {  	[sflag:s5] =	ssyncset.done $0x0  }
0x182: {  	[sflag:s5] =	ssyncadd.s32 $0xFFFFD800  }
0x183: {  	_ =	swait.ge [sflag:s26], $0x50  }
0x184: {  	[sflag:s26] =	ssyncset.done $0x0  }
0x185: {  	[sflag:s26] =	ssyncadd.s32 $0xFFFFFFB0  }
0x186: {  	_ =	swait.ge [sflag:s26], $0x50  }
0x187: {  	s7 =	simm.s32 $0x7800;
	[sflag:s26] =	ssyncset.done $0x0  }
0x188: {  	s8 =	simm.s32 $0xA380;
	s13 =	rddreg [dreg:$0x10];
	[sflag:s26] =	ssyncadd.s32 $0xFFFFFFB0  }
0x189: {  	[tilespmem:s7], [sflag:$0x4] =	stream.indirect.gather [hbm4b:s3+s2], $0x80, s8, s2, $0xb8;
	[tilespmem:$0x1E800] =	vst v63  }
0x18a: {  	s20 =	rddreg [dreg:$0x11];
	s15 =	sadd.s32 s14, s13;
	s8 =	simm.s32 $0xA080  }
0x18b: {  	[tilespmem:s8], [sflag:$0xA] =	stream.linear.gather [hbm4b:s15+s4], $0x50, $0x38;
	[tilespmem:$0x1E800] =	vst v63  }
0x18c: {  	s31 =	simm.s32 $0xA480;
	s25 =	sadd.s32 s14, s20  }
0x18d: {  	[tilespmem:s31], [sflag:$0xA] =	stream.linear.gather [hbm4b:s25+s4], $0x50, $0x38;
	[tilespmem:$0x1E800] =	vst v63  }
0x18e: {  	_ =	swait.ge [sflag:s16], $0x2800  }
0x18f: {  	[sflag:s16] =	ssyncset.done $0x0  }
0x190: {  	s9 =	simm.s32 $0x2800;
	s13 =	simm.s32 $0xA680;
	[sflag:s16] =	ssyncadd.s32 $0xFFFFD800  }
0x191: {  	[spmem:s19] =	stream.indirect.scatter.add.f32 [tilespmem:s9], [sflag:$0x6], $0x80, s13, s2, $0xb8;
	[tilespmem:$0x1E800] =	vst v63  }
0x192: {  	_ =	swait.ge [sflag:s17], $0x2800  }
0x193: {  	[sflag:s17] =	ssyncset.done $0x0  }
0x194: {  	[sflag:s17] =	ssyncadd.s32 $0xFFFFD800  }
0x195: {  	_ =	swait.ge [sflag:s0], $0x50  }
0x196: {  	[sflag:s0] =	ssyncset.done $0x0  }
0x197: {  	[sflag:s0] =	ssyncadd.s32 $0xFFFFFFB0  }
0x198: {  	_ =	swait.ge [sflag:s0], $0x50  }
0x199: {  	[sflag:s0] =	ssyncset.done $0x0  }
0x19a: {  	s26 =	rddreg [dreg:$0xe];
	[sflag:s0] =	ssyncadd.s32 $0xFFFFFFB0  }
0x19b: {  	[tilespmem:s4], [sflag:$0x1] =	stream.indirect.gather [hbm4b:s3+s2], $0x80, s10, s2, $0xb8;
	[tilespmem:$0x1E800] =	vst v63  }
0x19c: {  	s17 =	simm.s32 $0xA100;
	s28 =	rddreg [dreg:$0xf];
	s15 =	sadd.s32 s14, s26  }
0x19d: {  	[tilespmem:s17], [sflag:$0xB] =	stream.linear.gather [hbm4b:s15+s4], $0x50, $0x38;
	[tilespmem:$0x1E800] =	vst v63  }
0x19e: {  	s20 =	simm.s32 $0xA500;
	s10 =	sadd.s32 s14, s28;
	s28 =	simm.s32 $0x3  }
0x19f: {  	[tilespmem:s20], [sflag:$0xB] =	stream.linear.gather [hbm4b:s10+s4], $0x50, $0x38;
	[tilespmem:$0x1E800] =	vst v63  }
0x1a0: {  	_ =	swait.ge [sflag:s28], $0x2800  }
0x1a1: {  	s6 =	simm.s32 $0x5000;
	[sflag:s28] =	ssyncset.done $0x0  }
0x1a2: {  	s26 =	simm.s32 $0xA700;
	s10 =	simm.s32 $0x6;
	[sflag:s28] =	ssyncadd.s32 $0xFFFFD800  }
0x1a3: {  	[spmem:s19] =	stream.indirect.scatter.add.f32 [tilespmem:s6], [sflag:$0x7], $0x80, s26, s2, $0xb8;
	[tilespmem:$0x1E800] =	vst v63  }
0x1a4: {  	_ =	swait.ge [sflag:s10], $0x2800  }
0x1a5: {  	[sflag:s10] =	ssyncset.done $0x0  }
0x1a6: {  	s16 =	simm.s32 $0xA;
	[sflag:s10] =	ssyncadd.s32 $0xFFFFD800  }
0x1a7: {  	_ =	swait.ge [sflag:s16], $0x50  }
0x1a8: {  	[sflag:s16] =	ssyncset.done $0x0  }
0x1a9: {  	[sflag:s16] =	ssyncadd.s32 $0xFFFFFFB0  }
0x1aa: {  	_ =	swait.ge [sflag:s16], $0x50  }
0x1ab: {  	[sflag:s16] =	ssyncset.done $0x0  }
0x1ac: {  	s25 =	rddreg [dreg:$0xc];
	[sflag:s16] =	ssyncadd.s32 $0xFFFFFFB0  }
0x1ad: {  	[tilespmem:s9], [sflag:$0x2] =	stream.indirect.gather [hbm4b:s3+s2], $0x80, s8, s2, $0xb8;
	[tilespmem:$0x1E800] =	vst v63  }
0x1ae: {  	s6 =	rddreg [dreg:$0xd];
	s15 =	sadd.s32 s14, s25;
	s16 =	simm.s32 $0xA180  }
0x1af: {  	[tilespmem:s16], [sflag:$0xC] =	stream.linear.gather [hbm4b:s15+s4], $0x50, $0x38;
	[tilespmem:$0x1E800] =	vst v63  }
0x1b0: {  	s6 =	sadd.s32 s14, s6  }
0x1b1: {  	[tilespmem:s18], [sflag:$0xC] =	stream.linear.gather [hbm4b:s6+s4], $0x50, $0x38;
	[tilespmem:$0x1E800] =	vst v63  }
0x1b2: {  	_ =	swait.ge [sflag:s11], $0x2800  }
0x1b3: {  	[sflag:s11] =	ssyncset.done $0x0  }
0x1b4: {  	[sflag:s11] =	ssyncadd.s32 $0xFFFFD800  }
0x1b5: {  	[spmem:s19] =	stream.indirect.scatter.add.f32 [tilespmem:s7], [sflag:$0x8], $0x80, s1, s2, $0xb8;
	[tilespmem:$0x1E800] =	vst v63  }
0x1b6: {  	_ =	swait.ge [sflag:s23], $0x2800  }
0x1b7: {  	[sflag:s23] =	ssyncset.done $0x0  }
0x1b8: {  	s8 =	simm.s32 $0xB;
	[sflag:s23] =	ssyncadd.s32 $0xFFFFD800  }
0x1b9: {  	_ =	swait.ge [sflag:s8], $0x50  }
0x1ba: {  	[sflag:s8] =	ssyncset.done $0x0  }
0x1bb: {  	[sflag:s8] =	ssyncadd.s32 $0xFFFFFFB0  }
0x1bc: {  	_ =	swait.ge [sflag:s8], $0x50  }
0x1bd: {  	[sflag:s8] =	ssyncset.done $0x0  }
0x1be: {  	s9 =	simm.s32 $0x5000;
	s11 =	rddreg [dreg:$0xa];
	[sflag:s8] =	ssyncadd.s32 $0xFFFFFFB0  }
0x1bf: {  	[tilespmem:s9], [sflag:$0x3] =	stream.indirect.gather [hbm4b:s3+s2], $0x80, s17, s2, $0xb8;
	[tilespmem:$0x1E800] =	vst v63  }
0x1c0: {  	s6 =	simm.s32 $0xA200;
	s18 =	rddreg [dreg:$0xb];
	s15 =	sadd.s32 s14, s11  }
0x1c1: {  	[tilespmem:s6], [sflag:$0xD] =	stream.linear.gather [hbm4b:s15+s4], $0x50, $0x38;
	[tilespmem:$0x1E800] =	vst v63  }
0x1c2: {  	s12 =	simm.s32 $0x1;
	s23 =	sadd.s32 s14, s18  }
0x1c3: {  	[tilespmem:s21], [sflag:$0xD] =	stream.linear.gather [hbm4b:s23+s4], $0x50, $0x38;
	[tilespmem:$0x1E800] =	vst v63  }
0x1c4: {  	_ =	swait.ge [sflag:s12], $0x2800  }
0x1c5: {  	[sflag:s12] =	ssyncset.done $0x0  }
0x1c6: {  	[sflag:s12] =	ssyncadd.s32 $0xFFFFD800  }
0x1c7: {  	[spmem:s19] =	stream.indirect.scatter.add.f32 [tilespmem:s4], [sflag:$0x5], $0x80, s24, s2, $0xb8;
	[tilespmem:$0x1E800] =	vst v63  }
0x1c8: {  	_ =	swait.ge [sflag:s5], $0x2800  }
0x1c9: {  	[sflag:s5] =	ssyncset.done $0x0  }
0x1ca: {  	s12 =	simm.s32 $0xC;
	[sflag:s5] =	ssyncadd.s32 $0xFFFFD800  }
0x1cb: {  	_ =	swait.ge [sflag:s12], $0x50  }
0x1cc: {  	[sflag:s12] =	ssyncset.done $0x0  }
0x1cd: {  	[sflag:s12] =	ssyncadd.s32 $0xFFFFFFB0  }
0x1ce: {  	_ =	swait.ge [sflag:s12], $0x50  }
0x1cf: {  	[sflag:s12] =	ssyncset.done $0x0  }
0x1d0: {  	s21 =	simm.s32 $0x7800;
	s25 =	rddreg [dreg:$0x8];
	[sflag:s12] =	ssyncadd.s32 $0xFFFFFFB0  }
0x1d1: {  	[tilespmem:s21], [sflag:$0x4] =	stream.indirect.gather [hbm4b:s3+s2], $0x80, s16, s2, $0xb8;
	[tilespmem:$0x1E800] =	vst v63  }
0x1d2: {  	s5 =	simm.s32 $0xA280;
	s1 =	rddreg [dreg:$0x9];
	s15 =	sadd.s32 s14, s25  }
0x1d3: {  	[tilespmem:s5], [sflag:$0xE] =	stream.linear.gather [hbm4b:s15+s4], $0x50, $0x38;
	[tilespmem:$0x1E800] =	vst v63  }
0x1d4: {  	s8 =	sadd.s32 s14, s1;
	s16 =	simm.s32 $0x2  }
0x1d5: {  	[tilespmem:s13], [sflag:$0xE] =	stream.linear.gather [hbm4b:s8+s4], $0x50, $0x38;
	[tilespmem:$0x1E800] =	vst v63  }
0x1d6: {  	_ =	swait.ge [sflag:s16], $0x2800  }
0x1d7: {  	[sflag:s16] =	ssyncset.done $0x0  }
0x1d8: {  	s7 =	simm.s32 $0x2800;
	s17 =	simm.s32 $0x5;
	[sflag:s16] =	ssyncadd.s32 $0xFFFFD800  }
0x1d9: {  	[spmem:s19] =	stream.indirect.scatter.add.f32 [tilespmem:s7], [sflag:$0x6], $0x80, s31, s2, $0xb8;
	[tilespmem:$0x1E800] =	vst v63  }
0x1da: {  	_ =	swait.ge [sflag:s17], $0x2800  }
0x1db: {  	[sflag:s17] =	ssyncset.done $0x0  }
0x1dc: {  	s11 =	simm.s32 $0xD;
	[sflag:s17] =	ssyncadd.s32 $0xFFFFD800  }
0x1dd: {  	_ =	swait.ge [sflag:s11], $0x50  }
0x1de: {  	[sflag:s11] =	ssyncset.done $0x0  }
0x1df: {  	[sflag:s11] =	ssyncadd.s32 $0xFFFFFFB0  }
0x1e0: {  	_ =	swait.ge [sflag:s11], $0x50  }
0x1e1: {  	[sflag:s11] =	ssyncset.done $0x0  }
0x1e2: {  	s13 =	rddreg [dreg:$0x6];
	[sflag:s11] =	ssyncadd.s32 $0xFFFFFFB0  }
0x1e3: {  	[tilespmem:s4], [sflag:$0x1] =	stream.indirect.gather [hbm4b:s3+s2], $0x80, s6, s2, $0xb8;
	[tilespmem:$0x1E800] =	vst v63  }
0x1e4: {  	s24 =	simm.s32 $0xA300;
	s23 =	rddreg [dreg:$0x7];
	s15 =	sadd.s32 s14, s13  }
0x1e5: {  	[tilespmem:s24], [sflag:$0xF] =	stream.linear.gather [hbm4b:s15+s4], $0x50, $0x38;
	[tilespmem:$0x1E800] =	vst v63  }
0x1e6: {  	s11 =	sadd.s32 s14, s23  }
0x1e7: {  	[tilespmem:s26], [sflag:$0xF] =	stream.linear.gather [hbm4b:s11+s4], $0x50, $0x38;
	[tilespmem:$0x1E800] =	vst v63  }
0x1e8: {  	_ =	swait.ge [sflag:s28], $0x2800  }
0x1e9: {  	[sflag:s28] =	ssyncset.done $0x0  }
0x1ea: {  	[sflag:s28] =	ssyncadd.s32 $0xFFFFD800  }
0x1eb: {  	[spmem:s19] =	stream.indirect.scatter.add.f32 [tilespmem:s9], [sflag:$0x7], $0x80, s20, s2, $0xb8;
	[tilespmem:$0x1E800] =	vst v63  }
0x1ec: {  	_ =	swait.ge [sflag:s10], $0x2800  }
0x1ed: {  	[sflag:s10] =	ssyncset.done $0x0  }
0x1ee: {  	p0 =	sne.s32 s29, $0x410;
	[sflag:s10] =	ssyncadd.s32 $0xFFFFD800  }
0x1ef: {  	s30 =	sadd.s32 $0x280, s30;
	s29 =	sadd.s32 $0x50, s29;
	_ =	swait.ge [sflag:s22], $0x50  }
0x1f0: {  	s18 =	simm.s32 $0xA680;
	s1 =	simm.s32 $0xA300;
	[sflag:s22] =	ssyncset.done $0x0  }
0x1f1: {  	s31 =	simm.s32 $0x1;
	s13 =	simm.s32 $0xA700;
	[sflag:s22] =	ssyncadd.s32 $0xFFFFFFB0  }
0x1f2: {  	s6 =	simm.s32 $0xF;
	s26 =	simm.s32 $0x10;
	_ =	swait.ge [sflag:s22], $0x50  }
.Ltmp1:
0x1f3: {  	[sflag:s22] =	ssyncset.done $0x0;
	s23 =	rddreg [dreg:$0x4];
	(pc) =	sbr.rel @p0 .LBB2_4-.Ltmp1, $4  }
0x1f4: {  	s28 =	simm.s32 $0xA380;
	s24 =	rddreg [dreg:$0x5];
	[sflag:s22] =	ssyncadd.s32 $0xFFFFFFB0  }
0x1f5: {  	[tilespmem:s7], [sflag:$0x2] =	stream.indirect.gather [hbm4b:s3+s2], $0x80, s5, s2, $0xb8;
	[tilespmem:$0x1E800] =	vst v63  }
0x1f6: {  	s15 =	sadd.s32 s14, s23;
	s14 =	sadd.s32 s14, s24;
	s5 =	simm.s32 $0xA380  }
0x1f7: {  	[tilespmem:s28], [sflag:$0x10] =	stream.linear.gather [hbm4b:s15+s4], $0x50, $0x38;
	[tilespmem:$0x1E800] =	vst v63  }
0x1f8: {  	s20 =	simm.s32 $0xA780;
	s11 =	simm.s32 $0x4  }
0x1f9: {  	[tilespmem:s20], [sflag:$0x10] =	stream.linear.gather [hbm4b:s14+s4], $0x50, $0x38;
	[tilespmem:$0x1E800] =	vst v63  }
0x1fa: {  	_ =	swait.ge [sflag:s11], $0x2800  }
0x1fb: {  	[sflag:s11] =	ssyncset.done $0x0  }
0x1fc: {  	s22 =	simm.s32 $0xA580;
	s23 =	simm.s32 $0x7;
	[sflag:s11] =	ssyncadd.s32 $0xFFFFD800  }
0x1fd: {  	[spmem:s19] =	stream.indirect.scatter.add.f32 [tilespmem:s21], [sflag:$0x8], $0x80, s22, s2, $0xb8;
	[tilespmem:$0x1E800] =	vst v63  }
0x1fe: {  	_ =	swait.ge [sflag:s23], $0x2800  }
0x1ff: {  	[sflag:s23] =	ssyncset.done $0x0  }
0x200: {  	[sflag:s23] =	ssyncadd.s32 $0xFFFFD800  }
0x201: {  	_ =	swait.ge [sflag:s6], $0x50  }
0x202: {  	[sflag:s6] =	ssyncset.done $0x0  }
0x203: {  	[sflag:s6] =	ssyncadd.s32 $0xFFFFFFB0  }
0x204: {  	_ =	swait.ge [sflag:s6], $0x50  }
0x205: {  	[sflag:s6] =	ssyncset.done $0x0  }
0x206: {  	s8 =	sld [smem:$0x7F4];
	[sflag:s6] =	ssyncadd.s32 $0xFFFFFFB0  }
0x207: {  	[tilespmem:s9], [sflag:$0x3] =	stream.indirect.gather [hbm4b:s3+s2], $0x80, s1, s2, $0xb8;
	[tilespmem:$0x1E800] =	vst v63  }
0x208: {  	s10 =	simm.s32 $0xA000;
	s24 =	sld [smem:$0x7F5]  }
0x209: {  	[tilespmem:s10], [sflag:$0x9] =	stream.linear.gather [hbm4b:s8+s4], $0x50, $0x38;
	[tilespmem:$0x1E800] =	vst v63  }
0x20a: {  	s1 =	simm.s32 $0xA400  }
0x20b: {  	[tilespmem:s1], [sflag:$0x9] =	stream.linear.gather [hbm4b:s24+s4], $0x50, $0x38;
	[tilespmem:$0x1E800] =	vst v63  }
0x20c: {  	_ =	swait.ge [sflag:s31], $0x2800  }
0x20d: {  	[sflag:s31] =	ssyncset.done $0x0  }
0x20e: {  	s15 =	simm.s32 $0xA600;
	s28 =	simm.s32 $0x8;
	[sflag:s31] =	ssyncadd.s32 $0xFFFFD800  }
0x20f: {  	[spmem:s19] =	stream.indirect.scatter.add.f32 [tilespmem:s4], [sflag:$0x5], $0x80, s15, s2, $0xb8;
	[tilespmem:$0x1E800] =	vst v63  }
0x210: {  	_ =	swait.ge [sflag:s28], $0x2800  }
0x211: {  	[sflag:s28] =	ssyncset.done $0x0  }
0x212: {  	[sflag:s28] =	ssyncadd.s32 $0xFFFFD800  }
0x213: {  	_ =	swait.ge [sflag:s26], $0x50  }
0x214: {  	[sflag:s26] =	ssyncset.done $0x0  }
0x215: {  	[sflag:s26] =	ssyncadd.s32 $0xFFFFFFB0  }
0x216: {  	_ =	swait.ge [sflag:s26], $0x50  }
0x217: {  	[sflag:s26] =	ssyncset.done $0x0  }
0x218: {  	s25 =	sld [smem:$0x7F6];
	[sflag:s26] =	ssyncadd.s32 $0xFFFFFFB0  }
0x219: {  	[tilespmem:s21], [sflag:$0x4] =	stream.indirect.gather [hbm4b:s3+s2], $0x80, s5, s2, $0xb8;
	[tilespmem:$0x1E800] =	vst v63  }
0x21a: {  	s8 =	simm.s32 $0xA080;
	s5 =	sld [smem:$0x7F7]  }
0x21b: {  	[tilespmem:s8], [sflag:$0xA] =	stream.linear.gather [hbm4b:s25+s4], $0x50, $0x38;
	[tilespmem:$0x1E800] =	vst v63  }
0x21c: {  	s25 =	simm.s32 $0xA480  }
0x21d: {  	[tilespmem:s25], [sflag:$0xA] =	stream.linear.gather [hbm4b:s5+s4], $0x50, $0x38;
	[tilespmem:$0x1E800] =	vst v63  }
0x21e: {  	_ =	swait.ge [sflag:s16], $0x2800  }
0x21f: {  	[sflag:s16] =	ssyncset.done $0x0  }
0x220: {  	[sflag:s16] =	ssyncadd.s32 $0xFFFFD800  }
0x221: {  	[spmem:s19] =	stream.indirect.scatter.add.f32 [tilespmem:s7], [sflag:$0x6], $0x80, s18, s2, $0xb8;
	[tilespmem:$0x1E800] =	vst v63  }
0x222: {  	_ =	swait.ge [sflag:s17], $0x2800  }
0x223: {  	[sflag:s17] =	ssyncset.done $0x0  }
0x224: {  	[sflag:s17] =	ssyncadd.s32 $0xFFFFD800  }
0x225: {  	_ =	swait.ge [sflag:s0], $0x50  }
0x226: {  	[sflag:s0] =	ssyncset.done $0x0  }
0x227: {  	[sflag:s0] =	ssyncadd.s32 $0xFFFFFFB0  }
0x228: {  	_ =	swait.ge [sflag:s0], $0x50  }
0x229: {  	[sflag:s0] =	ssyncset.done $0x0  }
0x22a: {  	[sflag:s0] =	ssyncadd.s32 $0xFFFFFFB0  }
0x22b: {  	[tilespmem:s4], [sflag:$0x1] =	stream.indirect.gather [hbm4b:s3+s2], $0x80, s10, s2, $0xb8;
	[tilespmem:$0x1E800] =	vst v63  }
0x22c: {  	s10 =	sld [smem:$0x7F8];
	_ =	sdelay $0x1  }
0x22d: {  	s17 =	simm.s32 $0xA100;
	s18 =	sld [smem:$0x7F9]  }
0x22e: {  	[tilespmem:s17], [sflag:$0xB] =	stream.linear.gather [hbm4b:s10+s4], $0x50, $0x38;
	[tilespmem:$0x1E800] =	vst v63  }
0x22f: {  	s6 =	simm.s32 $0xA500;
	s5 =	simm.s32 $0x3  }
0x230: {  	[tilespmem:s6], [sflag:$0xB] =	stream.linear.gather [hbm4b:s18+s4], $0x50, $0x38;
	[tilespmem:$0x1E800] =	vst v63  }
0x231: {  	_ =	swait.ge [sflag:s5], $0x2800  }
0x232: {  	[sflag:s5] =	ssyncset.done $0x0  }
0x233: {  	s10 =	simm.s32 $0x6;
	[sflag:s5] =	ssyncadd.s32 $0xFFFFD800  }
0x234: {  	[spmem:s19] =	stream.indirect.scatter.add.f32 [tilespmem:s9], [sflag:$0x7], $0x80, s13, s2, $0xb8;
	[tilespmem:$0x1E800] =	vst v63  }
0x235: {  	_ =	swait.ge [sflag:s10], $0x2800  }
0x236: {  	[sflag:s10] =	ssyncset.done $0x0  }
0x237: {  	s24 =	simm.s32 $0xA;
	[sflag:s10] =	ssyncadd.s32 $0xFFFFD800  }
0x238: {  	_ =	swait.ge [sflag:s24], $0x50  }
0x239: {  	[sflag:s24] =	ssyncset.done $0x0  }
0x23a: {  	[sflag:s24] =	ssyncadd.s32 $0xFFFFFFB0  }
0x23b: {  	_ =	swait.ge [sflag:s24], $0x50  }
0x23c: {  	[sflag:s24] =	ssyncset.done $0x0  }
0x23d: {  	s13 =	sld [smem:$0x7FA];
	[sflag:s24] =	ssyncadd.s32 $0xFFFFFFB0  }
0x23e: {  	[tilespmem:s7], [sflag:$0x2] =	stream.indirect.gather [hbm4b:s3+s2], $0x80, s8, s2, $0xb8;
	[tilespmem:$0x1E800] =	vst v63  }
0x23f: {  	s0 =	simm.s32 $0xA180;
	s18 =	sld [smem:$0x7FB]  }
0x240: {  	[tilespmem:s0], [sflag:$0xC] =	stream.linear.gather [hbm4b:s13+s4], $0x50, $0x38;
	[tilespmem:$0x1E800] =	vst v63  }
0x241: {  	_ = 	snop  }
0x242: {  	[tilespmem:s22], [sflag:$0xC] =	stream.linear.gather [hbm4b:s18+s4], $0x50, $0x38;
	[tilespmem:$0x1E800] =	vst v63  }
0x243: {  	_ =	swait.ge [sflag:s11], $0x2800  }
0x244: {  	[sflag:s11] =	ssyncset.done $0x0  }
0x245: {  	[sflag:s11] =	ssyncadd.s32 $0xFFFFD800  }
0x246: {  	[spmem:s19] =	stream.indirect.scatter.add.f32 [tilespmem:s21], [sflag:$0x8], $0x80, s20, s2, $0xb8;
	[tilespmem:$0x1E800] =	vst v63  }
0x247: {  	_ =	swait.ge [sflag:s23], $0x2800  }
0x248: {  	[sflag:s23] =	ssyncset.done $0x0  }
0x249: {  	s20 =	simm.s32 $0xB;
	[sflag:s23] =	ssyncadd.s32 $0xFFFFD800  }
0x24a: {  	_ =	swait.ge [sflag:s20], $0x50  }
0x24b: {  	[sflag:s20] =	ssyncset.done $0x0  }
0x24c: {  	[sflag:s20] =	ssyncadd.s32 $0xFFFFFFB0  }
0x24d: {  	_ =	swait.ge [sflag:s20], $0x50  }
0x24e: {  	[sflag:s20] =	ssyncset.done $0x0  }
0x24f: {  	s24 =	sld [smem:$0x7FC];
	[sflag:s20] =	ssyncadd.s32 $0xFFFFFFB0  }
0x250: {  	[tilespmem:s9], [sflag:$0x3] =	stream.indirect.gather [hbm4b:s3+s2], $0x80, s17, s2, $0xb8;
	[tilespmem:$0x1E800] =	vst v63  }
0x251: {  	s8 =	simm.s32 $0xA200;
	s13 =	sld [smem:$0x7FD]  }
0x252: {  	[tilespmem:s8], [sflag:$0xD] =	stream.linear.gather [hbm4b:s24+s4], $0x50, $0x38;
	[tilespmem:$0x1E800] =	vst v63  }
0x253: {  	_ = 	snop  }
0x254: {  	[tilespmem:s15], [sflag:$0xD] =	stream.linear.gather [hbm4b:s13+s4], $0x50, $0x38;
	[tilespmem:$0x1E800] =	vst v63  }
0x255: {  	_ =	swait.ge [sflag:s31], $0x2800  }
0x256: {  	[sflag:s31] =	ssyncset.done $0x0  }
0x257: {  	[sflag:s31] =	ssyncadd.s32 $0xFFFFD800  }
0x258: {  	[spmem:s19] =	stream.indirect.scatter.add.f32 [tilespmem:s4], [sflag:$0x5], $0x80, s1, s2, $0xb8;
	[tilespmem:$0x1E800] =	vst v63  }
0x259: {  	_ =	swait.ge [sflag:s28], $0x2800  }
0x25a: {  	[sflag:s28] =	ssyncset.done $0x0  }
0x25b: {  	[sflag:s28] =	ssyncadd.s32 $0xFFFFD800  }
0x25c: {  	_ =	swait.ge [sflag:s12], $0x50  }
0x25d: {  	[sflag:s12] =	ssyncset.done $0x0  }
0x25e: {  	[sflag:s12] =	ssyncadd.s32 $0xFFFFFFB0  }
0x25f: {  	_ =	swait.ge [sflag:s12], $0x50  }
0x260: {  	[sflag:s12] =	ssyncset.done $0x0  }
0x261: {  	[sflag:s12] =	ssyncadd.s32 $0xFFFFFFB0  }
0x262: {  	[tilespmem:s21], [sflag:$0x4] =	stream.indirect.gather [hbm4b:s3+s2], $0x80, s0, s2, $0xb8;
	[tilespmem:$0x1E800] =	vst v63  }
0x263: {  	_ =	swait.ge [sflag:s16], $0x2800  }
0x264: {  	[sflag:s16] =	ssyncset.done $0x0  }
0x265: {  	s17 =	simm.s32 $0x5;
	[sflag:s16] =	ssyncadd.s32 $0xFFFFD800  }
0x266: {  	[spmem:s19] =	stream.indirect.scatter.add.f32 [tilespmem:s7], [sflag:$0x6], $0x80, s25, s2, $0xb8;
	[tilespmem:$0x1E800] =	vst v63  }
0x267: {  	_ =	swait.ge [sflag:s17], $0x2800  }
0x268: {  	[sflag:s17] =	ssyncset.done $0x0  }
0x269: {  	s18 =	simm.s32 $0xD;
	[sflag:s17] =	ssyncadd.s32 $0xFFFFD800  }
0x26a: {  	_ =	swait.ge [sflag:s18], $0x50  }
0x26b: {  	[sflag:s18] =	ssyncset.done $0x0  }
0x26c: {  	[sflag:s18] =	ssyncadd.s32 $0xFFFFFFB0  }
0x26d: {  	_ =	swait.ge [sflag:s18], $0x50  }
0x26e: {  	[sflag:s18] =	ssyncset.done $0x0  }
0x26f: {  	[sflag:s18] =	ssyncadd.s32 $0xFFFFFFB0  }
0x270: {  	[tilespmem:s4], [sflag:$0x1] =	stream.indirect.gather [hbm4b:s3+s2], $0x80, s8, s2, $0xb8;
	[tilespmem:$0x1E800] =	vst v63  }
0x271: {  	_ =	swait.ge [sflag:s5], $0x2800  }
0x272: {  	[sflag:s5] =	ssyncset.done $0x0  }
0x273: {  	[sflag:s5] =	ssyncadd.s32 $0xFFFFD800  }
0x274: {  	[spmem:s19] =	stream.indirect.scatter.add.f32 [tilespmem:s9], [sflag:$0x7], $0x80, s6, s2, $0xb8;
	[tilespmem:$0x1E800] =	vst v63  }
0x275: {  	_ =	swait.ge [sflag:s11], $0x2800  }
0x276: {  	[sflag:s11] =	ssyncset.done $0x0  }
0x277: {  	[sflag:s11] =	ssyncadd.s32 $0xFFFFD800  }
0x278: {  	[spmem:s19] =	stream.indirect.scatter.add.f32 [tilespmem:s21], [sflag:$0x8], $0x80, s22, s2, $0xb8;
	[tilespmem:$0x1E800] =	vst v63  }
0x279: {  	_ =	swait.ge [sflag:s31], $0x2800  }
0x27a: {  	[sflag:s31] =	ssyncset.done $0x0  }
0x27b: {  	[sflag:s31] =	ssyncadd.s32 $0xFFFFD800  }
0x27c: {  	[spmem:s19] =	stream.indirect.scatter.add.f32 [tilespmem:s4], [sflag:$0x5], $0x80, s15, s2, $0xb8;
	[tilespmem:$0x1E800] =	vst v63  }
0x27d: {  	_ =	swait.ge [sflag:s10], $0x2800  }
0x27e: {  	[sflag:s10] =	ssyncset.done $0x0  }
0x27f: {  	[sflag:s10] =	ssyncadd.s32 $0xFFFFD800  }
0x280: {  	_ =	swait.ge [sflag:s23], $0x2800  }
0x281: {  	[sflag:s23] =	ssyncset.done $0x0  }
0x282: {  	[sflag:s23] =	ssyncadd.s32 $0xFFFFD800  }
0x283: {  	_ =	swait.ge [sflag:s28], $0x2800  }
0x284: {  	[sflag:s28] =	ssyncset.done $0x0  }
0x285: {  	[sflag:s28] =	ssyncadd.s32 $0xFFFFD800  }
0x286: {  	_ =	swait.ge [sflag:s17], $0x2800  }
0x287: {  	[sflag:s17] =	ssyncset.done $0x0  }
0x288: {  	[sflag:s17] =	ssyncadd.s32 $0xFFFFD800  }
0x289: {  	[bflag:$0x0] =	sbarrier.arrive $0xFFFF  }
0x28a: {  	s21 =	stileid.u32;
	s29 =	sld [smem:$0x7EA]  }
0x28b: {  	s14 =	sshll.u32 s21, $0x6;
	s25 =	rddreg [dreg:$0x14]  }
0x28c: {  	s14 =	sor.u32 $0x1C12, s14;
	s23 =	simm.s32 $0x12;
	s22 =	sshrl.u32 s25, $0x3  }
0x28d: {  	[hbm:s29], [sflag:s14] =	dma.local [spmem:s22], $0x2800  }
0x28e: {  	_ =	swait.ge [sflag:s23], $0x2800  }
0x28f: {  	s29 =	sld [smem:$0x7E4]  }
0x290: {  	s24 =	sld [smem:$0x7EB];
	_ =	sdelay $0x1  }
0x291: {  	s29 =	sadd.s32 $0x1, s29  }
0x292: {  	p0 =	sne.s32 s29, s24  }
.Ltmp2:
0x293: {  	_ = 	snop;
	(pc) =	sbr.rel @p0 .LBB2_1-.Ltmp2, $4  }
0x294: {  	s30 =	simm.s32 $0xA080;
	s20 =	simm.s32 $0xA000;
	s13 =	simm.s32 $0xE  }
0x295: {  	s0 =	simm.s32 $0x9;
	s8 =	simm.s32 $0xA;
	s11 =	simm.s32 $0xB  }
0x296: {  	s21 =	simm.s32 $0xA400;
	s22 =	simm.s32 $0x4;
	[sflag:s23] =	ssyncset.done $0x0  }
0x297: {  	s28 =	rddreg [dreg:$0x13];
	[sflag:s23] =	ssyncadd.s32 $0xFFFFD800;
	s23 =	simm.s32 $0x7  }
0x298: {  	_ =	sfence.sel $0x180000  }
0x299: {  	[bflag:$0x0] =	sbarrier.arrive $0xFFFF  }
0x29a: {  	_ =	strace $0x9000004D  }
0x29b: {  	s0 =	stileid.u32;
	[bflag:$0x2] =	sbarrier.arrive $0xFFFF  }
0x29c: {  	p0 =	sne.s32 s0, $0x0;
	s0 =	rddreg [dreg:$0x3]  }
0x29d: {  	s0 =	sadd.s32 @!p0 $0x100000, s0  }
0x29e: {  	[sflag:s0] =	ssyncadd.tile.s32 @!p0 $0x1;
	_ =	shalt  }
.Lfunc_end2:
_tile_overlayer_lowered:
.L_overlay_start_2:
0x29f: {  	(tag) =	ssettag $0x2  }
0x2a0: {  	s0 =	rddreg [dreg:$0x0];
	s2 =	stileid.u32  }
0x2a1: {  	s1 =	rddreg [dreg:$0x1];
	p0 =	sne.s32 s2, $0x0  }
0x2a2: {  	s3 =	rddreg [dreg:$0x2];
	[bflag:$0x3] =	sbarrier.arrive $0xFFFF;
	s2 =	simm.s32 @!p0 $0x1C12  }
0x2a3: {  	[timem:s3], [sflag:s2] =	dma.local @!p0 [hbm:s0], s1  }
0x2a4: {  	s0 =	simm.s32 @!p0 $0x12  }
0x2a5: {  	_ =	swait.ge @!p0 [sflag:s0], s1  }
0x2a6: {  	s1 =	ssub.s32 @!p0 $0x0, s1;
	[sflag:s0] =	ssyncset.done @!p0 $0x0  }
0x2a7: {  	[sflag:s0] =	ssyncadd.s32 @!p0 s1  }
0x2a8: {  	[bflag:$0x3] =	sbarrier.arrive $0xFFFF  }
0x2a9: {  	_ =	shalt  }

// kernel: kernel.8.cloned.1.call-start
scs
__scs_entry_jumppad:
0x0: {  	(pc) =	sbr.rel $0x88, $3  }
0x1: {  	(tag) =	ssettag $0x0;
	lr =	simm.s32 $0x1  }
0x2: {  	[smem:$0x3F9B] =	sst lr;
	_ =	strace $0xD0000000  }
0x3: {  	_ = 	snop  }
0x4: {  	_ = 	snop  }
0x5: {  	_ = 	snop  }
0x6: {  	_ = 	snop  }
0x7: {  	_ = 	snop  }
__scs_overlays_trampoline_lowered:
0x8: {  	[smem:$0x3FAA] =	sst s0  }
0x9: {  	[smem:$0x3FAB] =	sst s1  }
0xa: {  	[smem:$0x3FAC] =	sst s2  }
0xb: {  	[smem:$0x3FAD] =	sst s3  }
0xc: {  	[smem:$0x3FAE] =	sst s4  }
0xd: {  	[smem:$0x3FAF] =	sst s5  }
0xe: {  	[smem:$0x3FB0] =	sst s6  }
0xf: {  	[smem:$0x3FB1] =	sst s7  }
0x10: {  	[smem:$0x3FB2] =	sst s8  }
0x11: {  	[smem:$0x3FB3] =	sst s9;
	s0 =	simm.s32 @!p0 $0x0  }
0x12: {  	s1 =	sld [smem:$0x3F99];
	s0 =	simm.s32 @p0 $0x1  }
0x13: {  	[smem:$0x3FB4] =	sst s0;
	s0 =	simm.s32 @!p1 $0x0  }
0x14: {  	s2 =	sld [smem:$0x3F98];
	s0 =	simm.s32 @p1 $0x1  }
0x15: {  	[smem:$0x3FB5] =	sst s0;
	s0 =	simm.s32 @!p2 $0x0  }
0x16: {  	s3 =	sld [smem:$0x3FDB];
	s0 =	simm.s32 @p2 $0x1  }
0x17: {  	s4 =	simm.s32 $0x1BF5;
	[smem:$0x3FB7] =	sst s0  }
0x18: {  	s0 =	sld [smem:$0x3F9A];
	_ =	swait.ge [sflag:s4], $0x0  }
0x19: {  	s7 =	sld [smem:$0x3F9B]  }
0x1a: {  	s8 =	sadd.s32 $0xFFFFE003, lr  }
0x1b: {  	s9 =	sadd.s32 $0xFFFFFEF7, lr;
	s5 =	simm.s32 $0xFFFFFFFF;
	p2 =	slt.u32 s8, $0xFFFFF086  }
0x1c: {  	p1 =	slt.u32 s9, $0xF7A;
	s5 =	simm.s32 @!p2 $0x0  }
0x1d: {  	s5 =	simm.s32 @p1 $0x1;
	p0 =	seq.s32 s7, s2  }
0x1e: {  	s7 =	smul.u32 @!p0 $0xF7A, s2;
	p2 =	seq.s32 @!p0 s5, $0x0  }
0x1f: {  	s9 =	smul.u32 $0xF7A, s1;
	s8 =	simm.s32 @!p0 $0x1BF5;
	p2 =	por !p2, p0  }
0x20: {  	[sflag:s8] =	ssyncset.s32 @!p0 $0xFFFFF086;
	s6 =	sadd.s32 @!p0 s3, s7;
	s7 =	simm.s32 @!p0 $0x108  }
0x21: {  	s3 =	sadd.s32 s3, s9;
	s6 =	sadd.s32 @!p0 $0x88, s6;
	s7 =	simm.s32 @p2 $0x1082  }
0x22: {  	[simem:s7], [sflag:s8] =	dma.local @!p0 [hbm:s6], $0xF7A  }
0x23: {  	s9 =	sor.u32 $0xD0000000, s2;
	s6 =	simm.s32 $0x108;
	_ =	swait.ge @!p0 [sflag:s8], $0x0  }
0x24: {  	s3 =	sadd.s32 $0x88, s3;
	s6 =	simm.s32 @!p1 $0x1082;
	[sflag:s4] =	ssyncset.s32 $0xFFFFF086  }
0x25: {  	[simem:s6], [sflag:s4] =	dma.local [hbm:s3], $0xF7A  }
0x26: {  	[smem:$0x3F9B] =	sst s1;
	(tag) =	ssettag s2;
	_ =	strace s9  }
0x27: {  	s1 =	sld [smem:$0x3FAB]  }
0x28: {  	s2 =	sld [smem:$0x3FAC]  }
0x29: {  	s4 =	sld [smem:$0x3FAE]  }
0x2a: {  	p0 =	seq.s32 s5, $0x0;
	s5 =	sld [smem:$0x3FAF]  }
0x2b: {  	s6 =	sld [smem:$0x3FB0]  }
0x2c: {  	s7 =	sld [smem:$0x3FB1]  }
0x2d: {  	s3 =	simm.s32 $0x108;
	s8 =	sld [smem:$0x3FB2]  }
0x2e: {  	s3 =	simm.s32 @!p0 $0x1082;
	s9 =	sld [smem:$0x3FB3]  }
0x2f: {  	lr =	sadd.s32 s0, s3;
	s0 =	sld [smem:$0x3FAA]  }
0x30: {  	s3 =	sld [smem:$0x3FAD]  }
0x31: {  	[smem:$0x3FB6] =	sst s10  }
0x32: {  	s10 =	sld [smem:$0x3FB4];
	_ =	sdelay $0x3  }
0x33: {  	p0 =	seq.s32 s10, $0x1;
	s10 =	sld [smem:$0x3FB6];
	_ =	sdelay $0x3  }
0x34: {  	[smem:$0x3FB6] =	sst s10  }
0x35: {  	s10 =	sld [smem:$0x3FB5];
	_ =	sdelay $0x3  }
0x36: {  	p1 =	seq.s32 s10, $0x1;
	s10 =	sld [smem:$0x3FB6];
	_ =	sdelay $0x3  }
0x37: {  	[smem:$0x3FB6] =	sst s10  }
0x38: {  	s10 =	sld [smem:$0x3FB7]  }
0x39: {  	_ = 	snop;
	(pc) =	sbr.ind lr, $3  }
0x3a: {  	_ = 	snop  }
0x3b: {  	_ = 	snop  }
0x3c: {  	p2 =	seq.s32 s10, $0x1;
	s10 =	sld [smem:$0x3FB6]  }
0x3d: {  	_ =	shalt  }
0x3e: {  	_ =	shalt  }
0x3f: {  	_ =	shalt  }
0x40: {  	_ =	shalt  }
0x41: {  	_ =	shalt  }
0x42: {  	_ =	shalt  }
0x43: {  	_ =	shalt  }
0x44: {  	_ =	shalt  }
0x45: {  	_ =	shalt  }
0x46: {  	_ =	shalt  }
0x47: {  	_ =	shalt  }
0x48: {  	_ =	shalt  }
0x49: {  	_ =	shalt  }
0x4a: {  	_ =	shalt  }
0x4b: {  	_ =	shalt  }
0x4c: {  	_ =	shalt  }
0x4d: {  	_ =	shalt  }
0x4e: {  	_ =	shalt  }
0x4f: {  	_ =	shalt  }
0x50: {  	_ =	shalt  }
0x51: {  	_ =	shalt  }
0x52: {  	_ =	shalt  }
0x53: {  	_ =	shalt  }
0x54: {  	_ =	shalt  }
0x55: {  	_ =	shalt  }
0x56: {  	_ =	shalt  }
0x57: {  	_ =	shalt  }
0x58: {  	_ =	shalt  }
0x59: {  	_ =	shalt  }
0x5a: {  	_ =	shalt  }
0x5b: {  	_ =	shalt  }
0x5c: {  	_ =	shalt  }
0x5d: {  	_ =	shalt  }
0x5e: {  	_ =	shalt  }
0x5f: {  	_ =	shalt  }
0x60: {  	_ =	shalt  }
0x61: {  	_ =	shalt  }
0x62: {  	_ =	shalt  }
0x63: {  	_ =	shalt  }
0x64: {  	_ =	shalt  }
0x65: {  	_ =	shalt  }
0x66: {  	_ =	shalt  }
0x67: {  	_ =	shalt  }
0x68: {  	_ =	shalt  }
0x69: {  	_ =	shalt  }
0x6a: {  	_ =	shalt  }
0x6b: {  	_ =	shalt  }
0x6c: {  	_ =	shalt  }
0x6d: {  	_ =	shalt  }
0x6e: {  	_ =	shalt  }
0x6f: {  	_ =	shalt  }
0x70: {  	_ =	shalt  }
0x71: {  	_ =	shalt  }
0x72: {  	_ =	shalt  }
0x73: {  	_ =	shalt  }
0x74: {  	_ =	shalt  }
0x75: {  	_ =	shalt  }
0x76: {  	_ =	shalt  }
0x77: {  	_ =	shalt  }
0x78: {  	_ =	shalt  }
0x79: {  	_ =	shalt  }
0x7a: {  	_ =	shalt  }
0x7b: {  	_ =	shalt  }
0x7c: {  	_ =	shalt  }
0x7d: {  	_ =	shalt  }
0x7e: {  	_ =	shalt  }
0x7f: {  	_ =	shalt  }
0x80: {  	_ =	shalt  }
0x81: {  	_ =	shalt  }
0x82: {  	_ =	shalt  }
0x83: {  	_ =	shalt  }
0x84: {  	_ =	shalt  }
0x85: {  	_ =	shalt  }
0x86: {  	_ =	shalt  }
0x87: {  	_ =	shalt  }
.Lfunc_end0:
.L_simem_size_0:
called_computation_lowered:
.L_overlay_start_0:
0x88: {  	s2 =	sld [smem:$0x3FD9]  }
0x89: {  	s3 =	sld [smem:$0x3FFE];
	_ =	sdelay $0x1  }
0x8a: {  	s1 =	srdreg.scid  }
0x8b: {  	s0 =	sand.u32 $0x1, s1  }
0x8c: {  	s17 =	sshll.u32 s0, $0xA;
	s2 =	sadd.s32 s3, s2  }
0x8d: {  	s2 =	sadd.s32 s2, s17  }
0x8e: {  	[smem:$0x3FC2] =	sst s2  }
0x8f: {  	_ = 	snop  }
0x90: {  	s2 =	sld [smem:$0x3FD0];
	(tm) =	ssettm $0x1  }
0x91: {  	s18 =	sld [smem:$0x3FFB];
	_ =	sdelay $0x3  }
0x92: {  	_ =	strace s18  }
0x93: {  	s3 =	sld [smem:$0x3FFC];
	_ =	sdelay $0x3  }
0x94: {  	_ =	strace s3  }
0x95: {  	s3 =	sld [smem:$0x3FFD];
	_ =	sdelay $0x3  }
0x96: {  	_ =	strace s3  }
0x97: {  	_ =	strace $0x8FFFFFFF  }
0x98: {  	s19 =	sld [smem:$0x3FDB];
	_ =	sdelay $0x1  }
0x99: {  	s4 =	simm.s32 $_scs_section_size  }
0x9a: {  	s5 =	simm.s32 $_size__tile_overlayer_lowered;
	s6 =	simm.s32 $_tile_overlayer_lowered  }
0x9b: {  	s22 =	simm.s32 $0x1BFF;
	s21 =	sshll.u32 s6, $0x1;
	s3 =	sadd.s32 s4, s19  }
0x9c: {  	s7 =	simm.s32 $0x0;
	s20 =	sshll.u32 s5, $0x1;
	s5 =	sadd.s32 s21, s3  }
0x9d: {  	[timem:s7], [sflag:s22] =	dma.local [hbm:s5], s20  }
0x9e: {  	_ =	swait.ge [sflag:s22], s20  }
0x9f: {  	s4 =	ssub.s32 $0x0, s20;
	[sflag:s22] =	ssyncset.done $0x0  }
0xa0: {  	[sflag:s22] =	ssyncadd.s32 s4;
	_ =	sdelay $0x1  }
0xa1: {  	s23 =	simm.s32 $0x1B8B  }
0xa2: {  	_ =	swait.ge [sflag:s23], $0x1  }
0xa3: {  	[sflag:s23] =	ssyncset.done $0x0  }
0xa4: {  	s25 =	simm.s32 $0x1B8E;
	s24 =	sld [smem:$0x3FFE];
	[sflag:s23] =	ssyncadd.s32 $0xFFFFFFFF  }
0xa5: {  	s26 =	simm.s32 $execute0_lowered;
	[smem:$0x3FD2] =	sst s25  }
0xa6: {  	s5 =	sshll.u32 s26, $0x1;
	_ =	strace $0x80000046;
	[dreg:$0x1] =	wrdreg $0xFFFFFFFF  }
0xa7: {  	s28 =	simm.s32 $_size_execute0_lowered;
	s3 =	sadd.s32 s3, s5;
	[dreg:$0x0] =	wrdreg $0x0  }
0xa8: {  	s5 =	sshll.u32 s28, $0x1;
	[dreg:$0x2] =	wrdreg s3  }
0xa9: {  	[dreg:$0x3] =	wrdreg s5  }
0xaa: {  	[dreg:$0x4] =	wrdreg $0xC0  }
0xab: {  	_ =	task [dreg:s7], $0x5FFFF  }
0xac: {  	[dreg:$0x1] =	wrdreg $0xFFFFFFFF  }
0xad: {  	[dreg:$0x0] =	wrdreg $0x60  }
0xae: {  	[dreg:$0x2] =	wrdreg s2  }
0xaf: {  	[dreg:$0x3] =	wrdreg s24  }
0xb0: {  	[dreg:$0x4] =	wrdreg $0x2B000  }
0xb1: {  	[dreg:$0x5] =	wrdreg $0x9  }
0xb2: {  	_ =	task.clear_ibuf [dreg:s7], $0x6FFFF;
	_ =	strace $0x90000046  }
0xb3: {  	s29 =	simm.s32 $0x9;
	_ =	strace $0x80000048  }
0xb4: {  	_ =	swait.ge [sflag:s29], $0x1  }
0xb5: {  	[sflag:s29] =	ssyncadd.s32 $0xFFFFFFFF  }
0xb6: {  	_ =	strace $0x90000048  }
0xb7: {  	_ =	sfence  }
0xb8: {  	s30 =	sld [smem:$0x0];
	_ =	sdelay $0x2  }
0xb9: {  	s31 =	sshll.u32 s1, $0xD;
	s1 =	sshrl.u32 s1, $0x2  }
0xba: {  	s3 =	sand.u32 $0x4000, s31;
	s1 =	sadd.s32 s1, s30  }
0xbb: {  	s0 =	sor.u32 s3, s0;
	s1 =	sshll.u32 s1, $0x11  }
0xbc: {  	s0 =	sor.u32 s1, s0  }
0xbd: {  	s0 =	sadd.s32 $0x8F2B, s0  }
0xbe: {  	[sflag:s0] =	ssyncadd.remote.s32 $0x1  }
0xbf: {  	_ =	sfence.sel $0xFFFF  }
0xc0: {  	[dreg:$0x0] =	wrdreg $0xFFFFFFFF;
	(pc) =	sbr.abs _section_cstart, $3  }
0xc1: {  	[dreg:$0x1] =	wrdreg $0xFFFFFFFF  }
0xc2: {  	_ =	task.clear_ibuf [dreg:s7], $0x2FFFF;
	_ =	strace $0x9FFFFFFF  }
0xc3: {  	(tm) =	ssettm $0x7FFFFFFF  }
tec
execute0_lowered:
.L_overlay_start_1:
0x0: {  	(tag) =	ssettag $0x1  }
0x1: {  	s6 =	rddreg [dreg:$0x0]  }
0x2: {  	s4 =	rddreg [dreg:$0x1]  }
0x3: {  	s2 =	rddreg [dreg:$0x2]  }
0x4: {  	s0 =	rddreg [dreg:$0x3]  }
0x5: {  	s5 =	srdreg.scid;
	s1 =	stileid.u32  }
0x6: {  	s3 =	simm.s32 $0x0;
	s12 =	simm.s32 $0x80;
	s13 =	simm.s32 $0x2800  }
0x7: {  	s14 =	simm.s32 $0x1;
	s17 =	simm.s32 $0x20;
	s18 =	simm.s32 $0x10  }
0x8: {  	s19 =	simm.s32 $0x0;
	s5 =	sand.u32 $0x1, s5;
	s7 =	smul.u32 $0x500, s1  }
0x9: {  	[smem:$0x7FF] =	sst s3;
	s31 =	smul.u32 $0xA00, s1;
	s15 =	sshll.u32 s1, $0x6  }
0xa: {  	s8 =	sshll.u32 s5, $0x7;
	s9 =	sshll.u32 s5, $0x4;
	_ =	strace $0x80000047  }
0xb: {  	s5 =	ssub.s32 $0x2, s5;
	s15 =	sor.u32 $0x1C02, s15;
	s7 =	sor.u32 s8, s7  }
0xc: {  	s29 =	sor.u32 s1, s9;
	s30 =	sshrl.u32 s5, $0x1;
	s7 =	sshrl.u32 s7, $0x3  }
0xd: {  	s9 =	smul.u32 $0x500, s29;
	s11 =	ssub.s32 s5, s30;
	p0 =	seq.s32 s29, $0x1F  }
0xe: {  	s10 =	sadd.s32 s7, s4;
	s4 =	simm.s32 $0x14;
	s7 =	sshrl.u32 s31, $0x2  }
0xf: {  	s4 =	simm.s32 @!p0 $0x50;
	s5 =	sadd.s32 s6, s9;
	s6 =	sadd.s32 $0x9B00, s6  }
0x10: {  	s7 =	sadd.s32 s7, s2;
	s8 =	sadd.s32 $0x2C00, s10;
	s9 =	smax.u32 s11, $0x1  }
0x11: {  	v0 =	vimm.f32 $1.000000000e+00;
	v1 =	vimm.f32 $0.0e+00;
	s10 =	simm.s32 $0x2880;
	s11 =	simm.s32 $0x2;
	s16 =	sshrl.u32 s7, $0x3  }
.LBB2_1:
0x12: {  	[tilespmem:$0x2800] =	vst v0  }
0x13: {  	[tilespmem:$0x2810] =	vst v0  }
0x14: {  	[tilespmem:$0x2820] =	vst v0  }
0x15: {  	[tilespmem:$0x2830] =	vst v0  }
0x16: {  	[tilespmem:$0x2840] =	vst v0  }
0x17: {  	[tilespmem:$0x2850] =	vst v0  }
0x18: {  	[tilespmem:$0x2860] =	vst v0  }
0x19: {  	[tilespmem:$0x2870] =	vst v0  }
0x1a: {  	[tilespmem:$0x2880] =	vst v1  }
0x1b: {  	[tilespmem:$0x2890] =	vst v1  }
0x1c: {  	[tilespmem:$0x28A0] =	vst v1  }
0x1d: {  	[tilespmem:$0x28B0] =	vst v1  }
0x1e: {  	[tilespmem:$0x28C0] =	vst v1  }
0x1f: {  	[tilespmem:$0x28D0] =	vst v1  }
0x20: {  	[tilespmem:$0x28E0] =	vst v1  }
0x21: {  	[tilespmem:$0x28F0] =	vst v1  }
0x22: {  	[tilespmem:$0x2900] =	vst v1  }
0x23: {  	[tilespmem:$0x2910] =	vst v1  }
0x24: {  	[tilespmem:$0x2920] =	vst v1  }
0x25: {  	[tilespmem:$0x2930] =	vst v1  }
0x26: {  	[tilespmem:$0x2940] =	vst v1  }
0x27: {  	[tilespmem:$0x2950] =	vst v1  }
0x28: {  	[tilespmem:$0x2960] =	vst v1  }
0x29: {  	[tilespmem:$0x2970] =	vst v1  }
0x2a: {  	[tilespmem:$0x2980] =	vst v1  }
0x2b: {  	[tilespmem:$0x2990] =	vst v1  }
0x2c: {  	[tilespmem:$0x29A0] =	vst v1  }
0x2d: {  	[tilespmem:$0x29B0] =	vst v1  }
0x2e: {  	[tilespmem:$0x29C0] =	vst v1  }
0x2f: {  	[tilespmem:$0x29D0] =	vst v1  }
0x30: {  	[tilespmem:$0x29E0] =	vst v1  }
0x31: {  	[tilespmem:$0x29F0] =	vst v1  }
0x32: {  	[tilespmem:$0x2A00] =	vst v1  }
0x33: {  	[tilespmem:$0x2A10] =	vst v1  }
0x34: {  	[tilespmem:$0x2A20] =	vst v1  }
0x35: {  	[tilespmem:$0x2A30] =	vst v1  }
0x36: {  	[tilespmem:$0x2A40] =	vst v1  }
0x37: {  	[tilespmem:$0x2A50] =	vst v1  }
0x38: {  	[tilespmem:$0x2A60] =	vst v1  }
0x39: {  	[tilespmem:$0x2A70] =	vst v1  }
0x3a: {  	[tilespmem:$0x2A80] =	vst v1  }
0x3b: {  	[tilespmem:$0x2A90] =	vst v1  }
0x3c: {  	[tilespmem:$0x2AA0] =	vst v1  }
0x3d: {  	[tilespmem:$0x2AB0] =	vst v1  }
0x3e: {  	[tilespmem:$0x2AC0] =	vst v1  }
0x3f: {  	[tilespmem:$0x2AD0] =	vst v1  }
0x40: {  	[tilespmem:$0x2AE0] =	vst v1  }
0x41: {  	[tilespmem:$0x2AF0] =	vst v1;
	s20 =	simm.s32 @p0 $0x0  }
0x42: {  	[tilespmem:s20], [sflag:$0x2] =	stream.linear.gather @p0 [hbm4b:s6+s20], $0xA00, $0x38;
	[tilespmem:$0x2D80] =	vst v63  }
0x43: {  	s20 =	simm.s32 @p0 $0x2  }
0x44: {  	_ =	swait.ge @p0 [sflag:s20], $0xA00  }
0x45: {  	[sflag:s20] =	ssyncset.done @p0 $0x0  }
0x46: {  	[sflag:s20] =	ssyncadd.s32 @p0 $0xFFFFF600;
	s20 =	simm.s32 @!p0 $0x0  }
0x47: {  	[tilespmem:s20], [sflag:$0x2] =	stream.linear.gather @!p0 [hbm4b:s5+s20], $0x2800, $0x38;
	[tilespmem:$0x2D80] =	vst v63  }
0x48: {  	s20 =	simm.s32 @!p0 $0x2  }
0x49: {  	_ =	swait.ge @!p0 [sflag:s20], $0x2800  }
0x4a: {  	[sflag:s20] =	ssyncset.done @!p0 $0x0  }
0x4b: {  	p1 =	sne.s32 s4, $0x1;
	[sflag:s20] =	ssyncadd.s32 @!p0 $0xFFFFD800  }
0x4c: {  	[spmem:s7] =	stream.linear.scatter [tilespmem:s10], [sflag:$0x2], $0x280, $0x38;
	[tilespmem:$0x2D80] =	vst v63  }
.Ltmp0:
0x4d: {  	_ =	swait.ge [sflag:s11], $0x280;
	(pc) =	sbr.rel @!p1 .LBB2_3-.Ltmp0, $4  }
0x4e: {  	[sflag:s11] =	ssyncset.done $0x0  }
0x4f: {  	[sflag:s11] =	ssyncadd.s32 $0xFFFFFD80  }
0x50: {  	s21 =	simm.s32 $0x0;
	s20 =	sadd.s32 $0xFFFFFFFF, s4;
	[bflag:$0x0] =	sbarrier.arrive $0xFFFF  }
0x51: {  	[spmem:s2] =	stream.indirect.scatter.add.f32 [tilespmem:s13], [sflag:$0x1], $0x1, s3, s12, $0xb8;
	[tilespmem:$0x2D80] =	vst v63  }
.LBB2_2:
0x52: {  	p2 =	sne.s32 s20, $0x1  }
.Ltmp1:
0x53: {  	_ = 	snop;
	(pc) =	sbr.rel @p2 .LBB2_2-.Ltmp1, $3  }
0x54: {  	_ = 	snop  }
0x55: {  	s20 =	sadd.s32 $0xFFFFFFFF, s20;
	s21 =	sadd.s32 $0x80, s21;
	_ =	sdelay $0x1  }
0x56: {  	[spmem:s2] =	stream.indirect.scatter.add.f32 [tilespmem:s13], [sflag:$0x1], $0x1, s21, s12, $0xb8;
	[tilespmem:$0x2D80] =	vst v63  }
.LBB2_3:
.Ltmp2:
0x57: {  	(pc) =	sbr.rel @!p1 .LBB2_5-.Ltmp2, $3  }
0x58: {  	_ =	sdelay $0x1  }
0x59: {  	_ =	swait.ge [sflag:s14], $0x80  }
0x5a: {  	s20 =	sadd.s32 $0xFFFFFFFF, s4;
	[sflag:s14] =	ssyncset.done $0x0  }
.LBB2_4:
0x5b: {  	p1 =	sne.s32 s20, $0x1;
	s20 =	sadd.s32 $0xFFFFFFFF, s20;
	[sflag:s14] =	ssyncadd.s32 $0xFFFFFF80  }
.Ltmp3:
0x5c: {  	(pc) =	sbr.rel @p1 .LBB2_4-.Ltmp3, $3  }
0x5d: {  	_ =	sdelay $0x1  }
0x5e: {  	_ =	swait.ge [sflag:s14], $0x80  }
0x5f: {  	[sflag:s14] =	ssyncset.done $0x0  }
.LBB2_5:
0x60: {  	s19 =	sadd.s32 $0x1, s19  }
0x61: {  	[sflag:s14] =	ssyncadd.s32 $0xFFFFFF80;
	p1 =	sne.s32 s19, s9  }
.Ltmp4:
0x62: {  	[bflag:$0x0] =	sbarrier.arrive $0xFFFF;
	(pc) =	sbr.rel @p1 .LBB2_1-.Ltmp4, $4  }
0x63: {  	[hbm:s8@s17], [sflag:s15] =	dma.strided [spmem:s16@s18], $0x50, s14, $0x10   }
0x64: {  	_ =	swait.ge [sflag:s11], $0x50  }
0x65: {  	[sflag:s11] =	ssyncset.done $0x0  }
0x66: {  	[sflag:s11] =	ssyncadd.s32 $0xFFFFFFB0  }
0x67: {  	_ =	sfence.sel $0x180000  }
0x68: {  	[bflag:$0x0] =	sbarrier.arrive $0xFFFF  }
0x69: {  	p0 =	sne.s32 s1, $0x0;
	_ =	strace $0x90000047  }
0x6a: {  	s0 =	sadd.s32 @!p0 $0x100000, s0;
	[bflag:$0x2] =	sbarrier.arrive $0xFFFF  }
0x6b: {  	[sflag:s0] =	ssyncadd.tile.s32 @!p0 $0x1;
	_ =	shalt  }
.Lfunc_end2:
_tile_overlayer_lowered:
.L_overlay_start_2:
0x6c: {  	(tag) =	ssettag $0x2  }
0x6d: {  	s0 =	rddreg [dreg:$0x0];
	s2 =	stileid.u32  }
0x6e: {  	s1 =	rddreg [dreg:$0x1];
	p0 =	sne.s32 s2, $0x0  }
0x6f: {  	s3 =	rddreg [dreg:$0x2];
	[bflag:$0x3] =	sbarrier.arrive $0xFFFF;
	s2 =	simm.s32 @!p0 $0x1C02  }
0x70: {  	[timem:s3], [sflag:s2] =	dma.local @!p0 [hbm:s0], s1  }
0x71: {  	s0 =	simm.s32 @!p0 $0x2  }
0x72: {  	_ =	swait.ge @!p0 [sflag:s0], s1  }
0x73: {  	s1 =	ssub.s32 @!p0 $0x0, s1;
	[sflag:s0] =	ssyncset.done @!p0 $0x0  }
0x74: {  	[sflag:s0] =	ssyncadd.s32 @!p0 s1  }
0x75: {  	[bflag:$0x3] =	sbarrier.arrive $0xFFFF  }
0x76: {  	_ =	shalt  }

</sc_bundles>
